<compile_context>
chip_gen: v7x
topology: tpu7x:2x2x1
jax: 0.10.2.dev20260603
libtpu: 0.0.44.dev20260713+nightly
codegen_flags: <defaults>
</compile_context>

<pallas_src>
import functools

import jax
import jax.numpy as jnp
from jax import lax
from jax.experimental import pallas as pl
from jax.experimental.pallas import tpu as pltpu
from jax.experimental.pallas import tpu_sc as plsc

N = 10000
NP = 10240
E = 320000
D = 128
CH = 128
NCHUNK = E // CH
NC, NS = 2, 16
NW = NC * NS
JMAX = -(-NCHUNK // NW)
RPT = NP // NS
ZB = 128

_mesh = plsc.VectorSubcoreMesh(core_axis_name="c", subcore_axis_name="s")


def _fill_rows_d(buf, val):
    def body(i, _):
        for j in range(D // 16):
            buf[i, pl.ds(j * 16, 16)] = jnp.full((16,), val, jnp.float32)
        return 0
    lax.fori_loop(0, buf.shape[0], body, 0)


def _zero_rows_d(buf):
    _fill_rows_d(buf, 0.0)


def _spmem_to_hbm(sh, out, core, tile, stage):
    rows = stage.shape[0]
    for r in range(RPT // rows):
        sl = pl.ds(tile * RPT + r * rows, rows)
        pltpu.sync_copy(sh.at[sl], stage)
        pltpu.sync_copy(stage, out.at[core, sl])


def _pipe_accum(wid, acc_sh, fetch_start, fetch_wait, ix, rows, sems):
    def drain(b):
        fetch_wait(b)
        pltpu.sync_copy(rows[b], acc_sh.at[ix[b].at[1]], add=True)

    def guarded(cid, fn):
        @pl.when(cid < NCHUNK)
        def _():
            fn()

    fetch_start(0, wid)
    niter = (JMAX + 1) // 2

    def body(i, _):
        j0 = 2 * i
        cid1 = wid + NW * (j0 + 1)
        cid0 = wid + NW * j0
        cid2 = wid + NW * (j0 + 2)
        guarded(cid1, lambda: fetch_start(1, cid1))
        guarded(cid0, lambda: drain(0))
        guarded(cid2, lambda: fetch_start(0, cid2))
        guarded(cid1, lambda: drain(1))
        return 0

    lax.fori_loop(0, niter, body, 0)


@functools.partial(
    pl.kernel,
    out_type=[jax.ShapeDtypeStruct((NC, NP, D), jnp.float32),
              jax.ShapeDtypeStruct((NC, NP, D), jnp.float32)],
    mesh=_mesh,
    scratch_types=[
        pltpu.VMEM_SHARED((NP, D), jnp.float32),
        pltpu.VMEM((2, CH), jnp.int32),
        pltpu.VMEM((2, CH), jnp.int32),
        pltpu.VMEM((CH, D), jnp.float32),
        pltpu.VMEM((CH, D), jnp.float32),
        pltpu.SemaphoreType.DMA,
        pltpu.SemaphoreType.DMA,
    ],
)
def _sc_edge_accum(ea_hbm, eidx_hbm, sea_out, cnt_out,
                   sea_sh, ix0, ix1, rows0, rows1, sem0, sem1):
    c = lax.axis_index("c")
    s = lax.axis_index("s")
    wid = s * NC + c
    ix = (ix0, ix1)
    rows = (rows0, rows1)
    sems = (sem0, sem1)
    _zero_rows_d(rows0)
    for r in range(RPT // CH):
        pltpu.sync_copy(rows0, sea_sh.at[pl.ds(s * RPT + r * CH, CH)])
    plsc.subcore_barrier()

    def fetch_start(b, cid):
        pltpu.sync_copy(eidx_hbm.at[cid], ix[b])
        pltpu.async_copy(ea_hbm.at[pl.ds(cid * CH, CH)], rows[b], sems[b])

    def fetch_wait(b):
        pltpu.make_async_copy(ea_hbm.at[pl.ds(0, CH)], rows[b], sems[b]).wait()

    _pipe_accum(wid, sea_sh, fetch_start, fetch_wait, ix, rows, sems)
    plsc.subcore_barrier()
    _spmem_to_hbm(sea_sh, sea_out, c, s, rows0)
    plsc.subcore_barrier()

    _zero_rows_d(rows1)
    for r in range(RPT // CH):
        pltpu.sync_copy(rows1, sea_sh.at[pl.ds(s * RPT + r * CH, CH)])
    plsc.subcore_barrier()
    _fill_rows_d(rows0, 1.0)

    def deg_start(b, cid):
        pltpu.async_copy(eidx_hbm.at[cid], ix[b], sems[b])

    def deg_wait(b):
        pltpu.make_async_copy(eidx_hbm.at[0], ix[b], sems[b]).wait()

    _pipe_accum(wid, sea_sh, deg_start, deg_wait, ix, (rows0, rows0), sems)
    plsc.subcore_barrier()
    _spmem_to_hbm(sea_sh, cnt_out, c, s, rows1)


@functools.partial(
    pl.kernel,
    out_type=jax.ShapeDtypeStruct((NC, NP, D), jnp.float32),
    mesh=_mesh,
    scratch_types=[
        pltpu.VMEM_SHARED((NP, D), jnp.float32),
        pltpu.VMEM((2, CH), jnp.int32),
        pltpu.VMEM((2, CH), jnp.int32),
        pltpu.VMEM((CH, D), jnp.float32),
        pltpu.VMEM((CH, D), jnp.float32),
        pltpu.SemaphoreType.DMA,
        pltpu.SemaphoreType.DMA,
    ],
)
def _sc_spmm(h_hbm, eidx_hbm, p_out,
             p_sh, ix0, ix1, rows0, rows1, sem0, sem1):
    c = lax.axis_index("c")
    s = lax.axis_index("s")
    wid = s * NC + c
    ix = (ix0, ix1)
    rows = (rows0, rows1)
    sems = (sem0, sem1)
    _zero_rows_d(rows0)
    for r in range(RPT // CH):
        pltpu.sync_copy(rows0, p_sh.at[pl.ds(s * RPT + r * CH, CH)])
    plsc.subcore_barrier()

    def fetch_start(b, cid):
        pltpu.sync_copy(eidx_hbm.at[cid], ix[b])
        pltpu.async_copy(h_hbm.at[ix[b].at[0]], rows[b], sems[b])

    def fetch_wait(b):
        pltpu.make_async_copy(h_hbm.at[ix[b].at[0]], rows[b], sems[b]).wait()

    _pipe_accum(wid, p_sh, fetch_start, fetch_wait, ix, rows, sems)
    plsc.subcore_barrier()
    _spmem_to_hbm(p_sh, p_out, c, s, rows0)


def _mm_relu_body(x_ref, w_ref, b_ref, o_ref):
    o_ref[...] = jnp.maximum(
        jnp.dot(x_ref[...], w_ref[...], preferred_element_type=jnp.float32)
        + b_ref[...], 0.0)


def _emb(x, w, b, bm):
    m, k = x.shape
    n = w.shape[1]
    return pl.pallas_call(
        _mm_relu_body,
        grid=(m // bm,),
        in_specs=[pl.BlockSpec((bm, k), lambda i: (i, 0)),
                  pl.BlockSpec((k, n), lambda i: (0, 0)),
                  pl.BlockSpec((n,), lambda i: (0,))],
        out_specs=pl.BlockSpec((bm, n), lambda i: (i, 0)),
        out_shape=jax.ShapeDtypeStruct((m, n), jnp.float32),
    )(x, w, b)


def _update_h(k, h_ref, p0_ref, p1_ref, se0_ref, se1_ref, c0_ref, c1_ref,
              wt_ref, wb_ref, cb_ref, ut_ref, ub_ref, ubias_ref):
    P = p0_ref[0] + p1_ref[0]
    S = se0_ref[0] + se1_ref[0]
    cnt = c0_ref[0, :, 0:1] + c1_ref[0, :, 0:1]
    inv = 1.0 / jnp.maximum(cnt, 1.0)
    gate = cnt * inv
    numer = (jnp.dot(P, wt_ref[0], preferred_element_type=jnp.float32)
             + jnp.dot(S, wb_ref[0], preferred_element_type=jnp.float32))
    aggr = numer * inv + gate * cb_ref[k]
    return jnp.maximum(
        jnp.dot(h_ref[...], ut_ref[0], preferred_element_type=jnp.float32)
        + jnp.dot(aggr, ub_ref[0], preferred_element_type=jnp.float32)
        + ubias_ref[k], 0.0)


def _update(h, p_all, sea_all, cnt_all, k, cew, ceb, cuw, cub,
            dec=None, bm=1000):
    row = lambda i: (i, 0)
    full = lambda i: (0, 0)
    part0 = lambda i: (0, i, 0)
    part1 = lambda i: (1, i, 0)
    nk = ceb.shape[0]
    wtop = lambda i: (k, 0, 0)
    wbot = lambda i: (k, 1, 0)
    in_specs = [pl.BlockSpec((bm, D), row),
                pl.BlockSpec((1, bm, D), part0),
                pl.BlockSpec((1, bm, D), part1),
                pl.BlockSpec((1, bm, D), part0),
                pl.BlockSpec((1, bm, D), part1),
                pl.BlockSpec((1, bm, D), part0),
                pl.BlockSpec((1, bm, D), part1),
                pl.BlockSpec((1, D, D), wtop), pl.BlockSpec((1, D, D), wbot),
                pl.BlockSpec((nk, D), full),
                pl.BlockSpec((1, D, D), wtop), pl.BlockSpec((1, D, D), wbot),
                pl.BlockSpec((nk, D), full)]
    args = [h, p_all, p_all, sea_all, sea_all, cnt_all, cnt_all,
            cew, cew, ceb, cuw, cuw, cub]
    if dec is None:
        def body(*refs):
            refs[-1][...] = _update_h(k, *refs[:-1])
        return pl.pallas_call(
            body,
            grid=(N // bm,),
            in_specs=in_specs,
            out_specs=pl.BlockSpec((bm, D), row),
            out_shape=jax.ShapeDtypeStruct((N, D), jnp.float32),
        )(*args)
    dw, db = dec
    n_out = dw.shape[1]

    def body_dec(*refs):
        hv = _update_h(k, *refs[:-3])
        refs[-1][...] = (jnp.dot(hv, refs[-3][...],
                                 preferred_element_type=jnp.float32)
                         + refs[-2][...])
    return pl.pallas_call(
        body_dec,
        grid=(N // bm,),
        in_specs=in_specs + [pl.BlockSpec((D, n_out), full),
                             pl.BlockSpec((n_out,), lambda i: (0,))],
        out_specs=pl.BlockSpec((bm, n_out), row),
        out_shape=jax.ShapeDtypeStruct((N, n_out), jnp.float32),
    )(*args, dw, db)


def kernel(x, edge_attr, edge_index, node_W, node_b, edge_W, edge_b,
           conv_edge_W, conv_edge_b, conv_upd_W, conv_upd_b, dec_W, dec_b):
    eidx = edge_index.reshape(2, NCHUNK, CH).transpose(1, 0, 2)
    h = _emb(x, node_W, node_b, bm=1000)
    ea = _emb(edge_attr, edge_W, edge_b, bm=4000)
    sea_all, cnt_all = _sc_edge_accum(ea, eidx)
    nk = conv_edge_W.shape[0]
    for k in range(nk):
        p_all = _sc_spmm(h, eidx)
        dec = (dec_W, dec_b) if k == nk - 1 else None
        h = _update(h, p_all, sea_all, cnt_all, k,
                    conv_edge_W, conv_edge_b, conv_upd_W, conv_upd_b,
                    dec=dec)
    return h

# --- scband reference (transcript-rebuilt; emitter-appended) ---
"""Pipeline reference for scband-gconv-model-rel-pos-84086869721346 (READ-ONLY COPY).

The authoritative reference and input builder live on the scoring server;
editing this copy changes nothing except your own understanding.
"""

import jax, jax.numpy as jnp
import numpy as np

N = 10000
E = 320000
NODE_DIM = 128
EDGE_DIM = 16
EMB = 128
MSG = 128
OUT = 3
K = 3


def setup_inputs(seed: int = 0) -> dict:
    key = jax.random.key(seed)
    ks = jax.random.split(key, 16)
    scale = 0.05
    x = jax.random.normal(ks[0], (N, NODE_DIM), dtype=jnp.float32)
    edge_attr = jax.random.normal(ks[1], (E, EDGE_DIM), dtype=jnp.float32)
    edge_index = jax.random.randint(ks[2], (2, E), 0, N, dtype=jnp.int32)
    node_W = jax.random.normal(ks[3], (NODE_DIM, EMB), dtype=jnp.float32) * scale
    node_b = jnp.zeros((EMB,), dtype=jnp.float32)
    edge_W = jax.random.normal(ks[4], (EDGE_DIM, EMB), dtype=jnp.float32) * scale
    edge_b = jnp.zeros((EMB,), dtype=jnp.float32)
    # K conv layers: edge_mlp (emb+emb -> msg), update_mlp (emb+msg -> emb)
    conv_edge_W = jax.random.normal(ks[5], (K, EMB + EMB, MSG), dtype=jnp.float32) * scale
    conv_edge_b = jnp.zeros((K, MSG), dtype=jnp.float32)
    conv_upd_W = jax.random.normal(ks[6], (K, EMB + MSG, EMB), dtype=jnp.float32) * scale
    conv_upd_b = jnp.zeros((K, EMB), dtype=jnp.float32)
    dec_W = jax.random.normal(ks[7], (EMB, OUT), dtype=jnp.float32) * scale
    dec_b = jnp.zeros((OUT,), dtype=jnp.float32)
    return {
        "x": x,
        "edge_attr": edge_attr,
        "edge_index": edge_index,
        "node_W": node_W,
        "node_b": node_b,
        "edge_W": edge_W,
        "edge_b": edge_b,
        "conv_edge_W": conv_edge_W,
        "conv_edge_b": conv_edge_b,
        "conv_upd_W": conv_upd_W,
        "conv_upd_b": conv_upd_b,
        "dec_W": dec_W,
        "dec_b": dec_b,
    }


def reference(x, edge_attr, edge_index, node_W, node_b, edge_W, edge_b,
              conv_edge_W, conv_edge_b, conv_upd_W, conv_upd_b, dec_W, dec_b):
    src = edge_index[0]
    dst = edge_index[1]
    n = x.shape[0]
    # node / edge embeddings
    h = jax.nn.relu(x @ node_W + node_b)
    ea = jax.nn.relu(edge_attr @ edge_W + edge_b)
    # degree counts for 'mean' aggregation (clamped to avoid div-by-zero)
    deg = jax.ops.segment_sum(jnp.ones((src.shape[0],), dtype=jnp.float32), dst, num_segments=n)
    deg = jnp.maximum(deg, 1.0)[:, None]
    for k in range(K):
        x_j = jnp.take(h, src, axis=0)            # gather source node features
        msg_in = jnp.concatenate([x_j, ea], axis=1)
        msg = msg_in @ conv_edge_W[k] + conv_edge_b[k]
        aggr = jax.ops.segment_sum(msg, dst, num_segments=n) / deg  # scatter-mean
        upd_in = jnp.concatenate([h, aggr], axis=1)
        h = upd_in @ conv_upd_W[k] + conv_upd_b[k]
        h = jax.nn.relu(h)
    out = h @ dec_W + dec_b
    return out

if __name__ == "__main__":
    import jax
    _d = setup_inputs()
    print(jax.jit(kernel)(*tuple(_d.values())))

</pallas_src>

<mosaic_0001>
#map = affine_map<(d0, d1) -> (0, 0)>
#map1 = affine_map<(d0, d1) -> (0, 0, 0)>
module attributes {stable_mosaic.version = 14 : i64} {
  func.func @_sc_spmm(%arg0: i32, %arg1: i32, %arg2: memref<10000x128xf32, #tpu.memory_space<hbm>>, %arg3: memref<2500x2x128xi32, #tpu.memory_space<hbm>>, %arg4: memref<2x10240x128xf32, #tpu.memory_space<hbm>>, %arg5: memref<10240x128xf32, #tpu.memory_space<vmem_shared>>, %arg6: memref<2x128xi32, #tpu.memory_space<vmem>>, %arg7: memref<2x128xi32, #tpu.memory_space<vmem>>, %arg8: memref<128x128xf32, #tpu.memory_space<vmem>>, %arg9: memref<128x128xf32, #tpu.memory_space<vmem>>, %arg10: memref<!tpu.dma_semaphore, #tpu.memory_space<semaphore_mem>>, %arg11: memref<!tpu.dma_semaphore, #tpu.memory_space<semaphore_mem>>) attributes {dimension_semantics = [#tpu.dimension_semantics<core_parallel>, #tpu.dimension_semantics<subcore_parallel>], iteration_bounds = array<i64: 2, 16>, scalar_prefetch = 0 : i64, scratch_operands = 7 : i64, tpu.core_type = #tpu.core_type<sc_vector_subcore>, window_params = [{transform_indices = #map}, {transform_indices = #map1}, {transform_indices = #map1}]} {
    %mul3A = arith.constant 2 : i32
    %mul3A_0 = arith.muli %arg1, %mul3A : i32
    %add3A = arith.addi %mul3A_0, %arg0 : i32
    %scan3A = arith.constant 0 : i32
    %scan3A_1 = arith.constant 0 : i32
    %scan3A_2 = arith.constant 128 : i32
    %scan3A_3 = arith.addi %scan3A_1, %scan3A_2 : i32
    %scan3A_4 = arith.constant 1 : i32
    %scan3A_5 = scf.for %scan3A_61 = %scan3A_1 to %scan3A_3 step %scan3A_4 iter_args(%scan3A_62 = %scan3A) -> (i32)  : i32 {
      %broadcast_in_dim3A = arith.constant 0.000000e+00 : f32
      %broadcast_in_dim3A_63 = vector.broadcast %broadcast_in_dim3A : f32 to vector<16xf32>
      %swap3A = arith.index_cast %scan3A_61 : i32 to index
      %swap3A_64 = arith.constant 0 : index
      %swap3A_65 = tpu.vector_load %arg8[%swap3A, %swap3A_64] {strides = array<i32>} : memref<128x128xf32, #tpu.memory_space<vmem>>, vector<1x16xf32>,
      %swap3A_66 = vector.shape_cast %swap3A_65 : vector<1x16xf32> to vector<16xf32>
      %swap3A_67 = vector.shape_cast %broadcast_in_dim3A_63 : vector<16xf32> to vector<1x16xf32>
      tpu.vector_store %arg8[%swap3A, %swap3A_64], %swap3A_67 {strides = array<i32>} : memref<128x128xf32, #tpu.memory_space<vmem>>, vector<1x16xf32>,
      %broadcast_in_dim3A_68 = arith.constant 0.000000e+00 : f32
      %broadcast_in_dim3A_69 = vector.broadcast %broadcast_in_dim3A_68 : f32 to vector<16xf32>
      %swap3A_70 = arith.index_cast %scan3A_61 : i32 to index
      %swap3A_71 = arith.constant 16 : index
      %swap3A_72 = tpu.vector_load %arg8[%swap3A_70, %swap3A_71] {strides = array<i32>} : memref<128x128xf32, #tpu.memory_space<vmem>>, vector<1x16xf32>,
      %swap3A_73 = vector.shape_cast %swap3A_72 : vector<1x16xf32> to vector<16xf32>
      %swap3A_74 = vector.shape_cast %broadcast_in_dim3A_69 : vector<16xf32> to vector<1x16xf32>
      tpu.vector_store %arg8[%swap3A_70, %swap3A_71], %swap3A_74 {strides = array<i32>} : memref<128x128xf32, #tpu.memory_space<vmem>>, vector<1x16xf32>,
      %broadcast_in_dim3A_75 = arith.constant 0.000000e+00 : f32
      %broadcast_in_dim3A_76 = vector.broadcast %broadcast_in_dim3A_75 : f32 to vector<16xf32>
      %swap3A_77 = arith.index_cast %scan3A_61 : i32 to index
      %swap3A_78 = arith.constant 32 : index
      %swap3A_79 = tpu.vector_load %arg8[%swap3A_77, %swap3A_78] {strides = array<i32>} : memref<128x128xf32, #tpu.memory_space<vmem>>, vector<1x16xf32>,
      %swap3A_80 = vector.shape_cast %swap3A_79 : vector<1x16xf32> to vector<16xf32>
      %swap3A_81 = vector.shape_cast %broadcast_in_dim3A_76 : vector<16xf32> to vector<1x16xf32>
      tpu.vector_store %arg8[%swap3A_77, %swap3A_78], %swap3A_81 {strides = array<i32>} : memref<128x128xf32, #tpu.memory_space<vmem>>, vector<1x16xf32>,
      %broadcast_in_dim3A_82 = arith.constant 0.000000e+00 : f32
      %broadcast_in_dim3A_83 = vector.broadcast %broadcast_in_dim3A_82 : f32 to vector<16xf32>
      %swap3A_84 = arith.index_cast %scan3A_61 : i32 to index
      %swap3A_85 = arith.constant 48 : index
      %swap3A_86 = tpu.vector_load %arg8[%swap3A_84, %swap3A_85] {strides = array<i32>} : memref<128x128xf32, #tpu.memory_space<vmem>>, vector<1x16xf32>,
      %swap3A_87 = vector.shape_cast %swap3A_86 : vector<1x16xf32> to vector<16xf32>
      %swap3A_88 = vector.shape_cast %broadcast_in_dim3A_83 : vector<16xf32> to vector<1x16xf32>
      tpu.vector_store %arg8[%swap3A_84, %swap3A_85], %swap3A_88 {strides = array<i32>} : memref<128x128xf32, #tpu.memory_space<vmem>>, vector<1x16xf32>,
      %broadcast_in_dim3A_89 = arith.constant 0.000000e+00 : f32
      %broadcast_in_dim3A_90 = vector.broadcast %broadcast_in_dim3A_89 : f32 to vector<16xf32>
      %swap3A_91 = arith.index_cast %scan3A_61 : i32 to index
      %swap3A_92 = arith.constant 64 : index
      %swap3A_93 = tpu.vector_load %arg8[%swap3A_91, %swap3A_92] {strides = array<i32>} : memref<128x128xf32, #tpu.memory_space<vmem>>, vector<1x16xf32>,
      %swap3A_94 = vector.shape_cast %swap3A_93 : vector<1x16xf32> to vector<16xf32>
      %swap3A_95 = vector.shape_cast %broadcast_in_dim3A_90 : vector<16xf32> to vector<1x16xf32>
      tpu.vector_store %arg8[%swap3A_91, %swap3A_92], %swap3A_95 {strides = array<i32>} : memref<128x128xf32, #tpu.memory_space<vmem>>, vector<1x16xf32>,
      %broadcast_in_dim3A_96 = arith.constant 0.000000e+00 : f32
      %broadcast_in_dim3A_97 = vector.broadcast %broadcast_in_dim3A_96 : f32 to vector<16xf32>
      %swap3A_98 = arith.index_cast %scan3A_61 : i32 to index
      %swap3A_99 = arith.constant 80 : index
      %swap3A_100 = tpu.vector_load %arg8[%swap3A_98, %swap3A_99] {strides = array<i32>} : memref<128x128xf32, #tpu.memory_space<vmem>>, vector<1x16xf32>,
      %swap3A_101 = vector.shape_cast %swap3A_100 : vector<1x16xf32> to vector<16xf32>
      %swap3A_102 = vector.shape_cast %broadcast_in_dim3A_97 : vector<16xf32> to vector<1x16xf32>
      tpu.vector_store %arg8[%swap3A_98, %swap3A_99], %swap3A_102 {strides = array<i32>} : memref<128x128xf32, #tpu.memory_space<vmem>>, vector<1x16xf32>,
      %broadcast_in_dim3A_103 = arith.constant 0.000000e+00 : f32
      %broadcast_in_dim3A_104 = vector.broadcast %broadcast_in_dim3A_103 : f32 to vector<16xf32>
      %swap3A_105 = arith.index_cast %scan3A_61 : i32 to index
      %swap3A_106 = arith.constant 96 : index
      %swap3A_107 = tpu.vector_load %arg8[%swap3A_105, %swap3A_106] {strides = array<i32>} : memref<128x128xf32, #tpu.memory_space<vmem>>, vector<1x16xf32>,
      %swap3A_108 = vector.shape_cast %swap3A_107 : vector<1x16xf32> to vector<16xf32>
      %swap3A_109 = vector.shape_cast %broadcast_in_dim3A_104 : vector<16xf32> to vector<1x16xf32>
      tpu.vector_store %arg8[%swap3A_105, %swap3A_106], %swap3A_109 {strides = array<i32>} : memref<128x128xf32, #tpu.memory_space<vmem>>, vector<1x16xf32>,
      %broadcast_in_dim3A_110 = arith.constant 0.000000e+00 : f32
      %broadcast_in_dim3A_111 = vector.broadcast %broadcast_in_dim3A_110 : f32 to vector<16xf32>
      %swap3A_112 = arith.index_cast %scan3A_61 : i32 to index
      %swap3A_113 = arith.constant 112 : index
      %swap3A_114 = tpu.vector_load %arg8[%swap3A_112, %swap3A_113] {strides = array<i32>} : memref<128x128xf32, #tpu.memory_space<vmem>>, vector<1x16xf32>,
      %swap3A_115 = vector.shape_cast %swap3A_114 : vector<1x16xf32> to vector<16xf32>
      %swap3A_116 = vector.shape_cast %broadcast_in_dim3A_111 : vector<16xf32> to vector<1x16xf32>
      tpu.vector_store %arg8[%swap3A_112, %swap3A_113], %swap3A_116 {strides = array<i32>} : memref<128x128xf32, #tpu.memory_space<vmem>>, vector<1x16xf32>,
      %scan3A_117 = arith.constant 0 : i32
      scf.yield %scan3A_117 : i32
    }
    %scan3A_6 = arith.constant 128 : i32
    %mul3A_7 = arith.constant 640 : i32
    %mul3A_8 = arith.muli %arg1, %mul3A_7 : i32
    %add3A_9 = arith.constant 0 : i32
    %add3A_10 = arith.addi %mul3A_8, %add3A_9 : i32
    "tpu.region"() ({
      %run_scoped3A = tpu.sem_alloc : memref<!tpu.dma_semaphore, #tpu.memory_space<semaphore_mem>>
      %dma_start3A_61 = arith.constant 0 : i32
      %dma_start3A_62 = tpu.memref_slice %arg5[%add3A_10, %dma_start3A_61] : memref<10240x128xf32, #tpu.memory_space<vmem_shared>> -> memref<128x128xf32, #tpu.memory_space<vmem_shared>>
      %dma_start3A_63 = arith.constant 0 : i32
      %dma_start3A_64 = tpu.memref_slice %arg5[%add3A_10, %dma_start3A_63] : memref<10240x128xf32, #tpu.memory_space<vmem_shared>> -> memref<128x128xf32, #tpu.memory_space<vmem_shared>>
      tpu.enqueue_dma source(%arg8 : memref<128x128xf32, #tpu.memory_space<vmem>>) target(%dma_start3A_64 : memref<128x128xf32, #tpu.memory_space<vmem_shared>>) target_semaphore(%run_scoped3A : memref<!tpu.dma_semaphore, #tpu.memory_space<semaphore_mem>>)
      %dma_wait3A = arith.constant 0 : i32
      %dma_wait3A_65 = tpu.memref_slice %arg5[%add3A_10, %dma_wait3A] : memref<10240x128xf32, #tpu.memory_space<vmem_shared>> -> memref<128x128xf32, #tpu.memory_space<vmem_shared>>
      %dma_wait3A_66 = arith.constant 0 : i32
      %dma_wait3A_67 = tpu.memref_slice %arg5[%add3A_10, %dma_wait3A_66] : memref<10240x128xf32, #tpu.memory_space<vmem_shared>> -> memref<128x128xf32, #tpu.memory_space<vmem_shared>>
      tpu.wait_dma2 semaphore(%run_scoped3A : memref<!tpu.dma_semaphore, #tpu.memory_space<semaphore_mem>>) src(%arg8 : memref<128x128xf32, #tpu.memory_space<vmem>>) dst(%dma_wait3A_67 : memref<128x128xf32, #tpu.memory_space<vmem_shared>>)
      tpu.yield
    }) : () -> ()
    %mul3A_11 = arith.constant 640 : i32
    %mul3A_12 = arith.muli %arg1, %mul3A_11 : i32
    %add3A_13 = arith.constant 128 : i32
    %add3A_14 = arith.addi %mul3A_12, %add3A_13 : i32
    "tpu.region"() ({
      %run_scoped3A = tpu.sem_alloc : memref<!tpu.dma_semaphore, #tpu.memory_space<semaphore_mem>>
      %dma_start3A_61 = arith.constant 0 : i32
      %dma_start3A_62 = tpu.memref_slice %arg5[%add3A_14, %dma_start3A_61] : memref<10240x128xf32, #tpu.memory_space<vmem_shared>> -> memref<128x128xf32, #tpu.memory_space<vmem_shared>>
      %dma_start3A_63 = arith.constant 0 : i32
      %dma_start3A_64 = tpu.memref_slice %arg5[%add3A_14, %dma_start3A_63] : memref<10240x128xf32, #tpu.memory_space<vmem_shared>> -> memref<128x128xf32, #tpu.memory_space<vmem_shared>>
      tpu.enqueue_dma source(%arg8 : memref<128x128xf32, #tpu.memory_space<vmem>>) target(%dma_start3A_64 : memref<128x128xf32, #tpu.memory_space<vmem_shared>>) target_semaphore(%run_scoped3A : memref<!tpu.dma_semaphore, #tpu.memory_space<semaphore_mem>>)
      %dma_wait3A = arith.constant 0 : i32
      %dma_wait3A_65 = tpu.memref_slice %arg5[%add3A_14, %dma_wait3A] : memref<10240x128xf32, #tpu.memory_space<vmem_shared>> -> memref<128x128xf32, #tpu.memory_space<vmem_shared>>
      %dma_wait3A_66 = arith.constant 0 : i32
      %dma_wait3A_67 = tpu.memref_slice %arg5[%add3A_14, %dma_wait3A_66] : memref<10240x128xf32, #tpu.memory_space<vmem_shared>> -> memref<128x128xf32, #tpu.memory_space<vmem_shared>>
      tpu.wait_dma2 semaphore(%run_scoped3A : memref<!tpu.dma_semaphore, #tpu.memory_space<semaphore_mem>>) src(%arg8 : memref<128x128xf32, #tpu.memory_space<vmem>>) dst(%dma_wait3A_67 : memref<128x128xf32, #tpu.memory_space<vmem_shared>>)
      tpu.yield
    }) : () -> ()
    %mul3A_15 = arith.constant 640 : i32
    %mul3A_16 = arith.muli %arg1, %mul3A_15 : i32
    %add3A_17 = arith.constant 256 : i32
    %add3A_18 = arith.addi %mul3A_16, %add3A_17 : i32
    "tpu.region"() ({
      %run_scoped3A = tpu.sem_alloc : memref<!tpu.dma_semaphore, #tpu.memory_space<semaphore_mem>>
      %dma_start3A_61 = arith.constant 0 : i32
      %dma_start3A_62 = tpu.memref_slice %arg5[%add3A_18, %dma_start3A_61] : memref<10240x128xf32, #tpu.memory_space<vmem_shared>> -> memref<128x128xf32, #tpu.memory_space<vmem_shared>>
      %dma_start3A_63 = arith.constant 0 : i32
      %dma_start3A_64 = tpu.memref_slice %arg5[%add3A_18, %dma_start3A_63] : memref<10240x128xf32, #tpu.memory_space<vmem_shared>> -> memref<128x128xf32, #tpu.memory_space<vmem_shared>>
      tpu.enqueue_dma source(%arg8 : memref<128x128xf32, #tpu.memory_space<vmem>>) target(%dma_start3A_64 : memref<128x128xf32, #tpu.memory_space<vmem_shared>>) target_semaphore(%run_scoped3A : memref<!tpu.dma_semaphore, #tpu.memory_space<semaphore_mem>>)
      %dma_wait3A = arith.constant 0 : i32
      %dma_wait3A_65 = tpu.memref_slice %arg5[%add3A_18, %dma_wait3A] : memref<10240x128xf32, #tpu.memory_space<vmem_shared>> -> memref<128x128xf32, #tpu.memory_space<vmem_shared>>
      %dma_wait3A_66 = arith.constant 0 : i32
      %dma_wait3A_67 = tpu.memref_slice %arg5[%add3A_18, %dma_wait3A_66] : memref<10240x128xf32, #tpu.memory_space<vmem_shared>> -> memref<128x128xf32, #tpu.memory_space<vmem_shared>>
      tpu.wait_dma2 semaphore(%run_scoped3A : memref<!tpu.dma_semaphore, #tpu.memory_space<semaphore_mem>>) src(%arg8 : memref<128x128xf32, #tpu.memory_space<vmem>>) dst(%dma_wait3A_67 : memref<128x128xf32, #tpu.memory_space<vmem_shared>>)
      tpu.yield
    }) : () -> ()
    %mul3A_19 = arith.constant 640 : i32
    %mul3A_20 = arith.muli %arg1, %mul3A_19 : i32
    %add3A_21 = arith.constant 384 : i32
    %add3A_22 = arith.addi %mul3A_20, %add3A_21 : i32
    "tpu.region"() ({
      %run_scoped3A = tpu.sem_alloc : memref<!tpu.dma_semaphore, #tpu.memory_space<semaphore_mem>>
      %dma_start3A_61 = arith.constant 0 : i32
      %dma_start3A_62 = tpu.memref_slice %arg5[%add3A_22, %dma_start3A_61] : memref<10240x128xf32, #tpu.memory_space<vmem_shared>> -> memref<128x128xf32, #tpu.memory_space<vmem_shared>>
      %dma_start3A_63 = arith.constant 0 : i32
      %dma_start3A_64 = tpu.memref_slice %arg5[%add3A_22, %dma_start3A_63] : memref<10240x128xf32, #tpu.memory_space<vmem_shared>> -> memref<128x128xf32, #tpu.memory_space<vmem_shared>>
      tpu.enqueue_dma source(%arg8 : memref<128x128xf32, #tpu.memory_space<vmem>>) target(%dma_start3A_64 : memref<128x128xf32, #tpu.memory_space<vmem_shared>>) target_semaphore(%run_scoped3A : memref<!tpu.dma_semaphore, #tpu.memory_space<semaphore_mem>>)
      %dma_wait3A = arith.constant 0 : i32
      %dma_wait3A_65 = tpu.memref_slice %arg5[%add3A_22, %dma_wait3A] : memref<10240x128xf32, #tpu.memory_space<vmem_shared>> -> memref<128x128xf32, #tpu.memory_space<vmem_shared>>
      %dma_wait3A_66 = arith.constant 0 : i32
      %dma_wait3A_67 = tpu.memref_slice %arg5[%add3A_22, %dma_wait3A_66] : memref<10240x128xf32, #tpu.memory_space<vmem_shared>> -> memref<128x128xf32, #tpu.memory_space<vmem_shared>>
      tpu.wait_dma2 semaphore(%run_scoped3A : memref<!tpu.dma_semaphore, #tpu.memory_space<semaphore_mem>>) src(%arg8 : memref<128x128xf32, #tpu.memory_space<vmem>>) dst(%dma_wait3A_67 : memref<128x128xf32, #tpu.memory_space<vmem_shared>>)
      tpu.yield
    }) : () -> ()
    %mul3A_23 = arith.constant 640 : i32
    %mul3A_24 = arith.muli %arg1, %mul3A_23 : i32
    %add3A_25 = arith.constant 512 : i32
    %add3A_26 = arith.addi %mul3A_24, %add3A_25 : i32
    "tpu.region"() ({
      %run_scoped3A = tpu.sem_alloc : memref<!tpu.dma_semaphore, #tpu.memory_space<semaphore_mem>>
      %dma_start3A_61 = arith.constant 0 : i32
      %dma_start3A_62 = tpu.memref_slice %arg5[%add3A_26, %dma_start3A_61] : memref<10240x128xf32, #tpu.memory_space<vmem_shared>> -> memref<128x128xf32, #tpu.memory_space<vmem_shared>>
      %dma_start3A_63 = arith.constant 0 : i32
      %dma_start3A_64 = tpu.memref_slice %arg5[%add3A_26, %dma_start3A_63] : memref<10240x128xf32, #tpu.memory_space<vmem_shared>> -> memref<128x128xf32, #tpu.memory_space<vmem_shared>>
      tpu.enqueue_dma source(%arg8 : memref<128x128xf32, #tpu.memory_space<vmem>>) target(%dma_start3A_64 : memref<128x128xf32, #tpu.memory_space<vmem_shared>>) target_semaphore(%run_scoped3A : memref<!tpu.dma_semaphore, #tpu.memory_space<semaphore_mem>>)
      %dma_wait3A = arith.constant 0 : i32
      %dma_wait3A_65 = tpu.memref_slice %arg5[%add3A_26, %dma_wait3A] : memref<10240x128xf32, #tpu.memory_space<vmem_shared>> -> memref<128x128xf32, #tpu.memory_space<vmem_shared>>
      %dma_wait3A_66 = arith.constant 0 : i32
      %dma_wait3A_67 = tpu.memref_slice %arg5[%add3A_26, %dma_wait3A_66] : memref<10240x128xf32, #tpu.memory_space<vmem_shared>> -> memref<128x128xf32, #tpu.memory_space<vmem_shared>>
      tpu.wait_dma2 semaphore(%run_scoped3A : memref<!tpu.dma_semaphore, #tpu.memory_space<semaphore_mem>>) src(%arg8 : memref<128x128xf32, #tpu.memory_space<vmem>>) dst(%dma_wait3A_67 : memref<128x128xf32, #tpu.memory_space<vmem_shared>>)
      tpu.yield
    }) : () -> ()
    %barrier3A = arith.constant 0 : index
    tpu.barrier barrier_id(%barrier3A)
    "tpu.region"() ({
      %run_scoped3A = tpu.sem_alloc : memref<!tpu.dma_semaphore, #tpu.memory_space<semaphore_mem>>
      %dma_start3A_61 = arith.constant 0 : i32
      %dma_start3A_62 = arith.constant 0 : i32
      %dma_start3A_63 = tpu.memref_slice %arg3[%add3A, %dma_start3A_61, %dma_start3A_62] : memref<2500x2x128xi32, #tpu.memory_space<hbm>> -> memref<1x2x128xi32, #tpu.memory_space<hbm>>
      %dma_start3A_64 = tpu.memref_squeeze %dma_start3A_63 : memref<1x2x128xi32, #tpu.memory_space<hbm>> -> memref<2x128xi32, #tpu.memory_space<hbm>>
      %dma_start3A_65 = arith.constant 0 : i32
      %dma_start3A_66 = arith.constant 0 : i32
      %dma_start3A_67 = tpu.memref_slice %arg3[%add3A, %dma_start3A_65, %dma_start3A_66] : memref<2500x2x128xi32, #tpu.memory_space<hbm>> -> memref<1x2x128xi32, #tpu.memory_space<hbm>>
      %dma_start3A_68 = tpu.memref_squeeze %dma_start3A_67 : memref<1x2x128xi32, #tpu.memory_space<hbm>> -> memref<2x128xi32, #tpu.memory_space<hbm>>
      tpu.enqueue_dma source(%dma_start3A_68 : memref<2x128xi32, #tpu.memory_space<hbm>>) target(%arg6 : memref<2x128xi32, #tpu.memory_space<vmem>>) target_semaphore(%run_scoped3A : memref<!tpu.dma_semaphore, #tpu.memory_space<semaphore_mem>>)
      %dma_wait3A = arith.constant 0 : i32
      %dma_wait3A_69 = arith.constant 0 : i32
      %dma_wait3A_70 = tpu.memref_slice %arg3[%add3A, %dma_wait3A, %dma_wait3A_69] : memref<2500x2x128xi32, #tpu.memory_space<hbm>> -> memref<1x2x128xi32, #tpu.memory_space<hbm>>
      %dma_wait3A_71 = tpu.memref_squeeze %dma_wait3A_70 : memref<1x2x128xi32, #tpu.memory_space<hbm>> -> memref<2x128xi32, #tpu.memory_space<hbm>>
      %dma_wait3A_72 = arith.constant 0 : i32
      %dma_wait3A_73 = arith.constant 0 : i32
      %dma_wait3A_74 = tpu.memref_slice %arg3[%add3A, %dma_wait3A_72, %dma_wait3A_73] : memref<2500x2x128xi32, #tpu.memory_space<hbm>> -> memref<1x2x128xi32, #tpu.memory_space<hbm>>
      %dma_wait3A_75 = tpu.memref_squeeze %dma_wait3A_74 : memref<1x2x128xi32, #tpu.memory_space<hbm>> -> memref<2x128xi32, #tpu.memory_space<hbm>>
      tpu.wait_dma2 semaphore(%run_scoped3A : memref<!tpu.dma_semaphore, #tpu.memory_space<semaphore_mem>>) src(%dma_wait3A_75 : memref<2x128xi32, #tpu.memory_space<hbm>>) dst(%arg6 : memref<2x128xi32, #tpu.memory_space<vmem>>)
      tpu.yield
    }) : () -> ()
    %dma_start3A = arith.constant 0 : i32
    %dma_start3A_27 = arith.constant 0 : i32
    %dma_start3A_28 = tpu.memref_slice %arg6[%dma_start3A, %dma_start3A_27] : memref<2x128xi32, #tpu.memory_space<vmem>> -> memref<1x128xi32, #tpu.memory_space<vmem>>
    %dma_start3A_29 = tpu.memref_squeeze %dma_start3A_28 : memref<1x128xi32, #tpu.memory_space<vmem>> -> memref<128xi32, #tpu.memory_space<vmem>>
    %dma_start3A_30 = arith.constant 0 : i32
    %dma_start3A_31 = arith.constant 0 : i32
    %dma_start3A_32 = tpu.memref_slice %arg2[%dma_start3A_30, %dma_start3A_31] : memref<10000x128xf32, #tpu.memory_space<hbm>> -> memref<10000x128xf32, #tpu.memory_space<hbm>>
    tpu.enqueue_indirect_dma source(%dma_start3A_32 : memref<10000x128xf32, #tpu.memory_space<hbm>>) target(%arg8 : memref<128x128xf32, #tpu.memory_space<vmem>>) offsets(%dma_start3A_29 : memref<128xi32, #tpu.memory_space<vmem>>) semaphore(%arg10 : memref<!tpu.dma_semaphore, #tpu.memory_space<semaphore_mem>>)
    %scan3A_33 = arith.constant 0 : i32
    %scan3A_34 = arith.constant 0 : i32
    %scan3A_35 = arith.constant 40 : i32
    %scan3A_36 = arith.addi %scan3A_34, %scan3A_35 : i32
    %scan3A_37 = arith.constant 1 : i32
    %scan3A_38 = scf.for %scan3A_61 = %scan3A_34 to %scan3A_36 step %scan3A_37 iter_args(%scan3A_62 = %scan3A_33) -> (i32)  : i32 {
      %mul3A_63 = arith.constant 2 : i32
      %mul3A_64 = arith.muli %mul3A_63, %scan3A_61 : i32
      %add3A_65 = arith.constant 1 : i32
      %add3A_66 = arith.addi %mul3A_64, %add3A_65 : i32
      %mul3A_67 = arith.constant 32 : i32
      %mul3A_68 = arith.muli %mul3A_67, %add3A_66 : i32
      %add3A_69 = arith.addi %add3A, %mul3A_68 : i32
      %mul3A_70 = arith.constant 32 : i32
      %mul3A_71 = arith.muli %mul3A_70, %mul3A_64 : i32
      %add3A_72 = arith.addi %add3A, %mul3A_71 : i32
      %add3A_73 = arith.constant 2 : i32
      %add3A_74 = arith.addi %mul3A_64, %add3A_73 : i32
      %mul3A_75 = arith.constant 32 : i32
      %mul3A_76 = arith.muli %mul3A_75, %add3A_74 : i32
      %add3A_77 = arith.addi %add3A, %mul3A_76 : i32
      %lt3A = arith.constant 2500 : i32
      %lt3A_78 = arith.cmpi slt, %add3A_69, %lt3A : i32
      %convert_element_type3A = arith.extui %lt3A_78 : i1 to i32
      %cond3A = arith.constant 0 : i32
      %cond3A_79 = arith.cmpi ne, %convert_element_type3A, %cond3A : i32
      scf.if %cond3A_79 {
        "tpu.region"() ({
          %run_scoped3A = tpu.sem_alloc : memref<!tpu.dma_semaphore, #tpu.memory_space<semaphore_mem>>
          %dma_start3A_103 = arith.constant 0 : i32
          %dma_start3A_104 = arith.constant 0 : i32
          %dma_start3A_105 = tpu.memref_slice %arg3[%add3A_69, %dma_start3A_103, %dma_start3A_104] : memref<2500x2x128xi32, #tpu.memory_space<hbm>> -> memref<1x2x128xi32, #tpu.memory_space<hbm>>
          %dma_start3A_106 = tpu.memref_squeeze %dma_start3A_105 : memref<1x2x128xi32, #tpu.memory_space<hbm>> -> memref<2x128xi32, #tpu.memory_space<hbm>>
          %dma_start3A_107 = arith.constant 0 : i32
          %dma_start3A_108 = arith.constant 0 : i32
          %dma_start3A_109 = tpu.memref_slice %arg3[%add3A_69, %dma_start3A_107, %dma_start3A_108] : memref<2500x2x128xi32, #tpu.memory_space<hbm>> -> memref<1x2x128xi32, #tpu.memory_space<hbm>>
          %dma_start3A_110 = tpu.memref_squeeze %dma_start3A_109 : memref<1x2x128xi32, #tpu.memory_space<hbm>> -> memref<2x128xi32, #tpu.memory_space<hbm>>
          tpu.enqueue_dma source(%dma_start3A_110 : memref<2x128xi32, #tpu.memory_space<hbm>>) target(%arg7 : memref<2x128xi32, #tpu.memory_space<vmem>>) target_semaphore(%run_scoped3A : memref<!tpu.dma_semaphore, #tpu.memory_space<semaphore_mem>>)
          %dma_wait3A = arith.constant 0 : i32
          %dma_wait3A_111 = arith.constant 0 : i32
          %dma_wait3A_112 = tpu.memref_slice %arg3[%add3A_69, %dma_wait3A, %dma_wait3A_111] : memref<2500x2x128xi32, #tpu.memory_space<hbm>> -> memref<1x2x128xi32, #tpu.memory_space<hbm>>
          %dma_wait3A_113 = tpu.memref_squeeze %dma_wait3A_112 : memref<1x2x128xi32, #tpu.memory_space<hbm>> -> memref<2x128xi32, #tpu.memory_space<hbm>>
          %dma_wait3A_114 = arith.constant 0 : i32
          %dma_wait3A_115 = arith.constant 0 : i32
          %dma_wait3A_116 = tpu.memref_slice %arg3[%add3A_69, %dma_wait3A_114, %dma_wait3A_115] : memref<2500x2x128xi32, #tpu.memory_space<hbm>> -> memref<1x2x128xi32, #tpu.memory_space<hbm>>
          %dma_wait3A_117 = tpu.memref_squeeze %dma_wait3A_116 : memref<1x2x128xi32, #tpu.memory_space<hbm>> -> memref<2x128xi32, #tpu.memory_space<hbm>>
          tpu.wait_dma2 semaphore(%run_scoped3A : memref<!tpu.dma_semaphore, #tpu.memory_space<semaphore_mem>>) src(%dma_wait3A_117 : memref<2x128xi32, #tpu.memory_space<hbm>>) dst(%arg7 : memref<2x128xi32, #tpu.memory_space<vmem>>)
          tpu.yield
        }) : () -> ()
        %dma_start3A_96 = arith.constant 0 : i32
        %dma_start3A_97 = arith.constant 0 : i32
        %dma_start3A_98 = tpu.memref_slice %arg7[%dma_start3A_96, %dma_start3A_97] : memref<2x128xi32, #tpu.memory_space<vmem>> -> memref<1x128xi32, #tpu.memory_space<vmem>>
        %dma_start3A_99 = tpu.memref_squeeze %dma_start3A_98 : memref<1x128xi32, #tpu.memory_space<vmem>> -> memref<128xi32, #tpu.memory_space<vmem>>
        %dma_start3A_100 = arith.constant 0 : i32
        %dma_start3A_101 = arith.constant 0 : i32
        %dma_start3A_102 = tpu.memref_slice %arg2[%dma_start3A_100, %dma_start3A_101] : memref<10000x128xf32, #tpu.memory_space<hbm>> -> memref<10000x128xf32, #tpu.memory_space<hbm>>
        tpu.enqueue_indirect_dma source(%dma_start3A_102 : memref<10000x128xf32, #tpu.memory_space<hbm>>) target(%arg9 : memref<128x128xf32, #tpu.memory_space<vmem>>) offsets(%dma_start3A_99 : memref<128xi32, #tpu.memory_space<vmem>>) semaphore(%arg11 : memref<!tpu.dma_semaphore, #tpu.memory_space<semaphore_mem>>)
      } else {
      }
      %lt3A_80 = arith.constant 2500 : i32
      %lt3A_81 = arith.cmpi slt, %add3A_72, %lt3A_80 : i32
      %convert_element_type3A_82 = arith.extui %lt3A_81 : i1 to i32
      %cond3A_83 = arith.constant 0 : i32
      %cond3A_84 = arith.cmpi ne, %convert_element_type3A_82, %cond3A_83 : i32
      scf.if %cond3A_84 {
        %dma_wait3A = arith.constant 0 : i32
        %dma_wait3A_96 = arith.constant 0 : i32
        %dma_wait3A_97 = tpu.memref_slice %arg6[%dma_wait3A, %dma_wait3A_96] : memref<2x128xi32, #tpu.memory_space<vmem>> -> memref<1x128xi32, #tpu.memory_space<vmem>>
        %dma_wait3A_98 = tpu.memref_squeeze %dma_wait3A_97 : memref<1x128xi32, #tpu.memory_space<vmem>> -> memref<128xi32, #tpu.memory_space<vmem>>
        %dma_wait3A_99 = arith.constant 0 : i32
        %dma_wait3A_100 = arith.constant 0 : i32
        %dma_wait3A_101 = tpu.memref_slice %arg2[%dma_wait3A_99, %dma_wait3A_100] : memref<10000x128xf32, #tpu.memory_space<hbm>> -> memref<10000x128xf32, #tpu.memory_space<hbm>>
        tpu.wait_indirect_dma semaphore(%arg10 : memref<!tpu.dma_semaphore, #tpu.memory_space<semaphore_mem>>) src(%dma_wait3A_101 : memref<10000x128xf32, #tpu.memory_space<hbm>>) dst(%arg8 : memref<128x128xf32, #tpu.memory_space<vmem>>)
        %run_scoped3A = arith.constant 1 : i32
        "tpu.region"() ({
          %run_scoped3A_102 = tpu.sem_alloc : memref<!tpu.dma_semaphore, #tpu.memory_space<semaphore_mem>>
          %dma_start3A_103 = arith.constant 0 : i32
          %dma_start3A_104 = tpu.memref_slice %arg6[%run_scoped3A, %dma_start3A_103] : memref<2x128xi32, #tpu.memory_space<vmem>> -> memref<1x128xi32, #tpu.memory_space<vmem>>
          %dma_start3A_105 = tpu.memref_squeeze %dma_start3A_104 : memref<1x128xi32, #tpu.memory_space<vmem>> -> memref<128xi32, #tpu.memory_space<vmem>>
          %dma_start3A_106 = arith.constant 0 : i32
          %dma_start3A_107 = arith.constant 0 : i32
          %dma_start3A_108 = tpu.memref_slice %arg5[%dma_start3A_106, %dma_start3A_107] : memref<10240x128xf32, #tpu.memory_space<vmem_shared>> -> memref<10240x128xf32, #tpu.memory_space<vmem_shared>>
          tpu.enqueue_indirect_dma source(%arg8 : memref<128x128xf32, #tpu.memory_space<vmem>>) target(%dma_start3A_108 : memref<10240x128xf32, #tpu.memory_space<vmem_shared>>) offsets(%dma_start3A_105 : memref<128xi32, #tpu.memory_space<vmem>>) semaphore(%run_scoped3A_102 : memref<!tpu.dma_semaphore, #tpu.memory_space<semaphore_mem>>) {add = true}
          %dma_wait3A_109 = arith.constant 0 : i32
          %dma_wait3A_110 = tpu.memref_slice %arg6[%run_scoped3A, %dma_wait3A_109] : memref<2x128xi32, #tpu.memory_space<vmem>> -> memref<1x128xi32, #tpu.memory_space<vmem>>
          %dma_wait3A_111 = tpu.memref_squeeze %dma_wait3A_110 : memref<1x128xi32, #tpu.memory_space<vmem>> -> memref<128xi32, #tpu.memory_space<vmem>>
          %dma_wait3A_112 = arith.constant 0 : i32
          %dma_wait3A_113 = arith.constant 0 : i32
          %dma_wait3A_114 = tpu.memref_slice %arg5[%dma_wait3A_112, %dma_wait3A_113] : memref<10240x128xf32, #tpu.memory_space<vmem_shared>> -> memref<10240x128xf32, #tpu.memory_space<vmem_shared>>
          tpu.wait_indirect_dma semaphore(%run_scoped3A_102 : memref<!tpu.dma_semaphore, #tpu.memory_space<semaphore_mem>>) src(%arg8 : memref<128x128xf32, #tpu.memory_space<vmem>>) dst(%dma_wait3A_114 : memref<10240x128xf32, #tpu.memory_space<vmem_shared>>)
          tpu.yield
        }) : () -> ()
      } else {
      }
      %lt3A_85 = arith.constant 2500 : i32
      %lt3A_86 = arith.cmpi slt, %add3A_77, %lt3A_85 : i32
      %convert_element_type3A_87 = arith.extui %lt3A_86 : i1 to i32
      %cond3A_88 = arith.constant 0 : i32
      %cond3A_89 = arith.cmpi ne, %convert_element_type3A_87, %cond3A_88 : i32
      scf.if %cond3A_89 {
        "tpu.region"() ({
          %run_scoped3A = tpu.sem_alloc : memref<!tpu.dma_semaphore, #tpu.memory_space<semaphore_mem>>
          %dma_start3A_103 = arith.constant 0 : i32
          %dma_start3A_104 = arith.constant 0 : i32
          %dma_start3A_105 = tpu.memref_slice %arg3[%add3A_77, %dma_start3A_103, %dma_start3A_104] : memref<2500x2x128xi32, #tpu.memory_space<hbm>> -> memref<1x2x128xi32, #tpu.memory_space<hbm>>
          %dma_start3A_106 = tpu.memref_squeeze %dma_start3A_105 : memref<1x2x128xi32, #tpu.memory_space<hbm>> -> memref<2x128xi32, #tpu.memory_space<hbm>>
          %dma_start3A_107 = arith.constant 0 : i32
          %dma_start3A_108 = arith.constant 0 : i32
          %dma_start3A_109 = tpu.memref_slice %arg3[%add3A_77, %dma_start3A_107, %dma_start3A_108] : memref<2500x2x128xi32, #tpu.memory_space<hbm>> -> memref<1x2x128xi32, #tpu.memory_space<hbm>>
          %dma_start3A_110 = tpu.memref_squeeze %dma_start3A_109 : memref<1x2x128xi32, #tpu.memory_space<hbm>> -> memref<2x128xi32, #tpu.memory_space<hbm>>
          tpu.enqueue_dma source(%dma_start3A_110 : memref<2x128xi32, #tpu.memory_space<hbm>>) target(%arg6 : memref<2x128xi32, #tpu.memory_space<vmem>>) target_semaphore(%run_scoped3A : memref<!tpu.dma_semaphore, #tpu.memory_space<semaphore_mem>>)
          %dma_wait3A = arith.constant 0 : i32
          %dma_wait3A_111 = arith.constant 0 : i32
          %dma_wait3A_112 = tpu.memref_slice %arg3[%add3A_77, %dma_wait3A, %dma_wait3A_111] : memref<2500x2x128xi32, #tpu.memory_space<hbm>> -> memref<1x2x128xi32, #tpu.memory_space<hbm>>
          %dma_wait3A_113 = tpu.memref_squeeze %dma_wait3A_112 : memref<1x2x128xi32, #tpu.memory_space<hbm>> -> memref<2x128xi32, #tpu.memory_space<hbm>>
          %dma_wait3A_114 = arith.constant 0 : i32
          %dma_wait3A_115 = arith.constant 0 : i32
          %dma_wait3A_116 = tpu.memref_slice %arg3[%add3A_77, %dma_wait3A_114, %dma_wait3A_115] : memref<2500x2x128xi32, #tpu.memory_space<hbm>> -> memref<1x2x128xi32, #tpu.memory_space<hbm>>
          %dma_wait3A_117 = tpu.memref_squeeze %dma_wait3A_116 : memref<1x2x128xi32, #tpu.memory_space<hbm>> -> memref<2x128xi32, #tpu.memory_space<hbm>>
          tpu.wait_dma2 semaphore(%run_scoped3A : memref<!tpu.dma_semaphore, #tpu.memory_space<semaphore_mem>>) src(%dma_wait3A_117 : memref<2x128xi32, #tpu.memory_space<hbm>>) dst(%arg6 : memref<2x128xi32, #tpu.memory_space<vmem>>)
          tpu.yield
        }) : () -> ()
        %dma_start3A_96 = arith.constant 0 : i32
        %dma_start3A_97 = arith.constant 0 : i32
        %dma_start3A_98 = tpu.memref_slice %arg6[%dma_start3A_96, %dma_start3A_97] : memref<2x128xi32, #tpu.memory_space<vmem>> -> memref<1x128xi32, #tpu.memory_space<vmem>>
        %dma_start3A_99 = tpu.memref_squeeze %dma_start3A_98 : memref<1x128xi32, #tpu.memory_space<vmem>> -> memref<128xi32, #tpu.memory_space<vmem>>
        %dma_start3A_100 = arith.constant 0 : i32
        %dma_start3A_101 = arith.constant 0 : i32
        %dma_start3A_102 = tpu.memref_slice %arg2[%dma_start3A_100, %dma_start3A_101] : memref<10000x128xf32, #tpu.memory_space<hbm>> -> memref<10000x128xf32, #tpu.memory_space<hbm>>
        tpu.enqueue_indirect_dma source(%dma_start3A_102 : memref<10000x128xf32, #tpu.memory_space<hbm>>) target(%arg8 : memref<128x128xf32, #tpu.memory_space<vmem>>) offsets(%dma_start3A_99 : memref<128xi32, #tpu.memory_space<vmem>>) semaphore(%arg10 : memref<!tpu.dma_semaphore, #tpu.memory_space<semaphore_mem>>)
      } else {
      }
      %lt3A_90 = arith.constant 2500 : i32
      %lt3A_91 = arith.cmpi slt, %add3A_69, %lt3A_90 : i32
      %convert_element_type3A_92 = arith.extui %lt3A_91 : i1 to i32
      %cond3A_93 = arith.constant 0 : i32
      %cond3A_94 = arith.cmpi ne, %convert_element_type3A_92, %cond3A_93 : i32
      scf.if %cond3A_94 {
        %dma_wait3A = arith.constant 0 : i32
        %dma_wait3A_96 = arith.constant 0 : i32
        %dma_wait3A_97 = tpu.memref_slice %arg7[%dma_wait3A, %dma_wait3A_96] : memref<2x128xi32, #tpu.memory_space<vmem>> -> memref<1x128xi32, #tpu.memory_space<vmem>>
        %dma_wait3A_98 = tpu.memref_squeeze %dma_wait3A_97 : memref<1x128xi32, #tpu.memory_space<vmem>> -> memref<128xi32, #tpu.memory_space<vmem>>
        %dma_wait3A_99 = arith.constant 0 : i32
        %dma_wait3A_100 = arith.constant 0 : i32
        %dma_wait3A_101 = tpu.memref_slice %arg2[%dma_wait3A_99, %dma_wait3A_100] : memref<10000x128xf32, #tpu.memory_space<hbm>> -> memref<10000x128xf32, #tpu.memory_space<hbm>>
        tpu.wait_indirect_dma semaphore(%arg11 : memref<!tpu.dma_semaphore, #tpu.memory_space<semaphore_mem>>) src(%dma_wait3A_101 : memref<10000x128xf32, #tpu.memory_space<hbm>>) dst(%arg9 : memref<128x128xf32, #tpu.memory_space<vmem>>)
        %run_scoped3A = arith.constant 1 : i32
        "tpu.region"() ({
          %run_scoped3A_102 = tpu.sem_alloc : memref<!tpu.dma_semaphore, #tpu.memory_space<semaphore_mem>>
          %dma_start3A_103 = arith.constant 0 : i32
          %dma_start3A_104 = tpu.memref_slice %arg7[%run_scoped3A, %dma_start3A_103] : memref<2x128xi32, #tpu.memory_space<vmem>> -> memref<1x128xi32, #tpu.memory_space<vmem>>
          %dma_start3A_105 = tpu.memref_squeeze %dma_start3A_104 : memref<1x128xi32, #tpu.memory_space<vmem>> -> memref<128xi32, #tpu.memory_space<vmem>>
          %dma_start3A_106 = arith.constant 0 : i32
          %dma_start3A_107 = arith.constant 0 : i32
          %dma_start3A_108 = tpu.memref_slice %arg5[%dma_start3A_106, %dma_start3A_107] : memref<10240x128xf32, #tpu.memory_space<vmem_shared>> -> memref<10240x128xf32, #tpu.memory_space<vmem_shared>>
          tpu.enqueue_indirect_dma source(%arg9 : memref<128x128xf32, #tpu.memory_space<vmem>>) target(%dma_start3A_108 : memref<10240x128xf32, #tpu.memory_space<vmem_shared>>) offsets(%dma_start3A_105 : memref<128xi32, #tpu.memory_space<vmem>>) semaphore(%run_scoped3A_102 : memref<!tpu.dma_semaphore, #tpu.memory_space<semaphore_mem>>) {add = true}
          %dma_wait3A_109 = arith.constant 0 : i32
          %dma_wait3A_110 = tpu.memref_slice %arg7[%run_scoped3A, %dma_wait3A_109] : memref<2x128xi32, #tpu.memory_space<vmem>> -> memref<1x128xi32, #tpu.memory_space<vmem>>
          %dma_wait3A_111 = tpu.memref_squeeze %dma_wait3A_110 : memref<1x128xi32, #tpu.memory_space<vmem>> -> memref<128xi32, #tpu.memory_space<vmem>>
          %dma_wait3A_112 = arith.constant 0 : i32
          %dma_wait3A_113 = arith.constant 0 : i32
          %dma_wait3A_114 = tpu.memref_slice %arg5[%dma_wait3A_112, %dma_wait3A_113] : memref<10240x128xf32, #tpu.memory_space<vmem_shared>> -> memref<10240x128xf32, #tpu.memory_space<vmem_shared>>
          tpu.wait_indirect_dma semaphore(%run_scoped3A_102 : memref<!tpu.dma_semaphore, #tpu.memory_space<semaphore_mem>>) src(%arg9 : memref<128x128xf32, #tpu.memory_space<vmem>>) dst(%dma_wait3A_114 : memref<10240x128xf32, #tpu.memory_space<vmem_shared>>)
          tpu.yield
        }) : () -> ()
      } else {
      }
      %scan3A_95 = arith.constant 0 : i32
      scf.yield %scan3A_95 : i32
    }
    %scan3A_39 = arith.constant 40 : i32
    %barrier3A_40 = arith.constant 0 : index
    tpu.barrier barrier_id(%barrier3A_40)
    %mul3A_41 = arith.constant 640 : i32
    %mul3A_42 = arith.muli %arg1, %mul3A_41 : i32
    %add3A_43 = arith.constant 0 : i32
    %add3A_44 = arith.addi %mul3A_42, %add3A_43 : i32
    "tpu.region"() ({
      %run_scoped3A = tpu.sem_alloc : memref<!tpu.dma_semaphore, #tpu.memory_space<semaphore_mem>>
      %dma_start3A_61 = arith.constant 0 : i32
      %dma_start3A_62 = tpu.memref_slice %arg5[%add3A_44, %dma_start3A_61] : memref<10240x128xf32, #tpu.memory_space<vmem_shared>> -> memref<128x128xf32, #tpu.memory_space<vmem_shared>>
      %dma_start3A_63 = arith.constant 0 : i32
      %dma_start3A_64 = tpu.memref_slice %arg5[%add3A_44, %dma_start3A_63] : memref<10240x128xf32, #tpu.memory_space<vmem_shared>> -> memref<128x128xf32, #tpu.memory_space<vmem_shared>>
      tpu.enqueue_dma source(%dma_start3A_64 : memref<128x128xf32, #tpu.memory_space<vmem_shared>>) target(%arg8 : memref<128x128xf32, #tpu.memory_space<vmem>>) target_semaphore(%run_scoped3A : memref<!tpu.dma_semaphore, #tpu.memory_space<semaphore_mem>>)
      %dma_wait3A = arith.constant 0 : i32
      %dma_wait3A_65 = tpu.memref_slice %arg5[%add3A_44, %dma_wait3A] : memref<10240x128xf32, #tpu.memory_space<vmem_shared>> -> memref<128x128xf32, #tpu.memory_space<vmem_shared>>
      %dma_wait3A_66 = arith.constant 0 : i32
      %dma_wait3A_67 = tpu.memref_slice %arg5[%add3A_44, %dma_wait3A_66] : memref<10240x128xf32, #tpu.memory_space<vmem_shared>> -> memref<128x128xf32, #tpu.memory_space<vmem_shared>>
      tpu.wait_dma2 semaphore(%run_scoped3A : memref<!tpu.dma_semaphore, #tpu.memory_space<semaphore_mem>>) src(%dma_wait3A_67 : memref<128x128xf32, #tpu.memory_space<vmem_shared>>) dst(%arg8 : memref<128x128xf32, #tpu.memory_space<vmem>>)
      tpu.yield
    }) : () -> ()
    "tpu.region"() ({
      %run_scoped3A = tpu.sem_alloc : memref<!tpu.dma_semaphore, #tpu.memory_space<semaphore_mem>>
      %dma_start3A_61 = arith.constant 0 : i32
      %dma_start3A_62 = tpu.memref_slice %arg4[%arg0, %add3A_44, %dma_start3A_61] : memref<2x10240x128xf32, #tpu.memory_space<hbm>> -> memref<1x128x128xf32, #tpu.memory_space<hbm>>
      %dma_start3A_63 = tpu.memref_squeeze %dma_start3A_62 : memref<1x128x128xf32, #tpu.memory_space<hbm>> -> memref<128x128xf32, #tpu.memory_space<hbm>>
      %dma_start3A_64 = arith.constant 0 : i32
      %dma_start3A_65 = tpu.memref_slice %arg4[%arg0, %add3A_44, %dma_start3A_64] : memref<2x10240x128xf32, #tpu.memory_space<hbm>> -> memref<1x128x128xf32, #tpu.memory_space<hbm>>
      %dma_start3A_66 = tpu.memref_squeeze %dma_start3A_65 : memref<1x128x128xf32, #tpu.memory_space<hbm>> -> memref<128x128xf32, #tpu.memory_space<hbm>>
      tpu.enqueue_dma source(%arg8 : memref<128x128xf32, #tpu.memory_space<vmem>>) target(%dma_start3A_66 : memref<128x128xf32, #tpu.memory_space<hbm>>) target_semaphore(%run_scoped3A : memref<!tpu.dma_semaphore, #tpu.memory_space<semaphore_mem>>)
      %dma_wait3A = arith.constant 0 : i32
      %dma_wait3A_67 = tpu.memref_slice %arg4[%arg0, %add3A_44, %dma_wait3A] : memref<2x10240x128xf32, #tpu.memory_space<hbm>> -> memref<1x128x128xf32, #tpu.memory_space<hbm>>
      %dma_wait3A_68 = tpu.memref_squeeze %dma_wait3A_67 : memref<1x128x128xf32, #tpu.memory_space<hbm>> -> memref<128x128xf32, #tpu.memory_space<hbm>>
      %dma_wait3A_69 = arith.constant 0 : i32
      %dma_wait3A_70 = tpu.memref_slice %arg4[%arg0, %add3A_44, %dma_wait3A_69] : memref<2x10240x128xf32, #tpu.memory_space<hbm>> -> memref<1x128x128xf32, #tpu.memory_space<hbm>>
      %dma_wait3A_71 = tpu.memref_squeeze %dma_wait3A_70 : memref<1x128x128xf32, #tpu.memory_space<hbm>> -> memref<128x128xf32, #tpu.memory_space<hbm>>
      tpu.wait_dma2 semaphore(%run_scoped3A : memref<!tpu.dma_semaphore, #tpu.memory_space<semaphore_mem>>) src(%arg8 : memref<128x128xf32, #tpu.memory_space<vmem>>) dst(%dma_wait3A_71 : memref<128x128xf32, #tpu.memory_space<hbm>>)
      tpu.yield
    }) : () -> ()
    %mul3A_45 = arith.constant 640 : i32
    %mul3A_46 = arith.muli %arg1, %mul3A_45 : i32
    %add3A_47 = arith.constant 128 : i32
    %add3A_48 = arith.addi %mul3A_46, %add3A_47 : i32
    "tpu.region"() ({
      %run_scoped3A = tpu.sem_alloc : memref<!tpu.dma_semaphore, #tpu.memory_space<semaphore_mem>>
      %dma_start3A_61 = arith.constant 0 : i32
      %dma_start3A_62 = tpu.memref_slice %arg5[%add3A_48, %dma_start3A_61] : memref<10240x128xf32, #tpu.memory_space<vmem_shared>> -> memref<128x128xf32, #tpu.memory_space<vmem_shared>>
      %dma_start3A_63 = arith.constant 0 : i32
      %dma_start3A_64 = tpu.memref_slice %arg5[%add3A_48, %dma_start3A_63] : memref<10240x128xf32, #tpu.memory_space<vmem_shared>> -> memref<128x128xf32, #tpu.memory_space<vmem_shared>>
      tpu.enqueue_dma source(%dma_start3A_64 : memref<128x128xf32, #tpu.memory_space<vmem_shared>>) target(%arg8 : memref<128x128xf32, #tpu.memory_space<vmem>>) target_semaphore(%run_scoped3A : memref<!tpu.dma_semaphore, #tpu.memory_space<semaphore_mem>>)
      %dma_wait3A = arith.constant 0 : i32
      %dma_wait3A_65 = tpu.memref_slice %arg5[%add3A_48, %dma_wait3A] : memref<10240x128xf32, #tpu.memory_space<vmem_shared>> -> memref<128x128xf32, #tpu.memory_space<vmem_shared>>
      %dma_wait3A_66 = arith.constant 0 : i32
      %dma_wait3A_67 = tpu.memref_slice %arg5[%add3A_48, %dma_wait3A_66] : memref<10240x128xf32, #tpu.memory_space<vmem_shared>> -> memref<128x128xf32, #tpu.memory_space<vmem_shared>>
      tpu.wait_dma2 semaphore(%run_scoped3A : memref<!tpu.dma_semaphore, #tpu.memory_space<semaphore_mem>>) src(%dma_wait3A_67 : memref<128x128xf32, #tpu.memory_space<vmem_shared>>) dst(%arg8 : memref<128x128xf32, #tpu.memory_space<vmem>>)
      tpu.yield
    }) : () -> ()
    "tpu.region"() ({
      %run_scoped3A = tpu.sem_alloc : memref<!tpu.dma_semaphore, #tpu.memory_space<semaphore_mem>>
      %dma_start3A_61 = arith.constant 0 : i32
      %dma_start3A_62 = tpu.memref_slice %arg4[%arg0, %add3A_48, %dma_start3A_61] : memref<2x10240x128xf32, #tpu.memory_space<hbm>> -> memref<1x128x128xf32, #tpu.memory_space<hbm>>
      %dma_start3A_63 = tpu.memref_squeeze %dma_start3A_62 : memref<1x128x128xf32, #tpu.memory_space<hbm>> -> memref<128x128xf32, #tpu.memory_space<hbm>>
      %dma_start3A_64 = arith.constant 0 : i32
      %dma_start3A_65 = tpu.memref_slice %arg4[%arg0, %add3A_48, %dma_start3A_64] : memref<2x10240x128xf32, #tpu.memory_space<hbm>> -> memref<1x128x128xf32, #tpu.memory_space<hbm>>
      %dma_start3A_66 = tpu.memref_squeeze %dma_start3A_65 : memref<1x128x128xf32, #tpu.memory_space<hbm>> -> memref<128x128xf32, #tpu.memory_space<hbm>>
      tpu.enqueue_dma source(%arg8 : memref<128x128xf32, #tpu.memory_space<vmem>>) target(%dma_start3A_66 : memref<128x128xf32, #tpu.memory_space<hbm>>) target_semaphore(%run_scoped3A : memref<!tpu.dma_semaphore, #tpu.memory_space<semaphore_mem>>)
      %dma_wait3A = arith.constant 0 : i32
      %dma_wait3A_67 = tpu.memref_slice %arg4[%arg0, %add3A_48, %dma_wait3A] : memref<2x10240x128xf32, #tpu.memory_space<hbm>> -> memref<1x128x128xf32, #tpu.memory_space<hbm>>
      %dma_wait3A_68 = tpu.memref_squeeze %dma_wait3A_67 : memref<1x128x128xf32, #tpu.memory_space<hbm>> -> memref<128x128xf32, #tpu.memory_space<hbm>>
      %dma_wait3A_69 = arith.constant 0 : i32
      %dma_wait3A_70 = tpu.memref_slice %arg4[%arg0, %add3A_48, %dma_wait3A_69] : memref<2x10240x128xf32, #tpu.memory_space<hbm>> -> memref<1x128x128xf32, #tpu.memory_space<hbm>>
      %dma_wait3A_71 = tpu.memref_squeeze %dma_wait3A_70 : memref<1x128x128xf32, #tpu.memory_space<hbm>> -> memref<128x128xf32, #tpu.memory_space<hbm>>
      tpu.wait_dma2 semaphore(%run_scoped3A : memref<!tpu.dma_semaphore, #tpu.memory_space<semaphore_mem>>) src(%arg8 : memref<128x128xf32, #tpu.memory_space<vmem>>) dst(%dma_wait3A_71 : memref<128x128xf32, #tpu.memory_space<hbm>>)
      tpu.yield
    }) : () -> ()
    %mul3A_49 = arith.constant 640 : i32
    %mul3A_50 = arith.muli %arg1, %mul3A_49 : i32
    %add3A_51 = arith.constant 256 : i32
    %add3A_52 = arith.addi %mul3A_50, %add3A_51 : i32
    "tpu.region"() ({
      %run_scoped3A = tpu.sem_alloc : memref<!tpu.dma_semaphore, #tpu.memory_space<semaphore_mem>>
      %dma_start3A_61 = arith.constant 0 : i32
      %dma_start3A_62 = tpu.memref_slice %arg5[%add3A_52, %dma_start3A_61] : memref<10240x128xf32, #tpu.memory_space<vmem_shared>> -> memref<128x128xf32, #tpu.memory_space<vmem_shared>>
      %dma_start3A_63 = arith.constant 0 : i32
      %dma_start3A_64 = tpu.memref_slice %arg5[%add3A_52, %dma_start3A_63] : memref<10240x128xf32, #tpu.memory_space<vmem_shared>> -> memref<128x128xf32, #tpu.memory_space<vmem_shared>>
      tpu.enqueue_dma source(%dma_start3A_64 : memref<128x128xf32, #tpu.memory_space<vmem_shared>>) target(%arg8 : memref<128x128xf32, #tpu.memory_space<vmem>>) target_semaphore(%run_scoped3A : memref<!tpu.dma_semaphore, #tpu.memory_space<semaphore_mem>>)
      %dma_wait3A = arith.constant 0 : i32
      %dma_wait3A_65 = tpu.memref_slice %arg5[%add3A_52, %dma_wait3A] : memref<10240x128xf32, #tpu.memory_space<vmem_shared>> -> memref<128x128xf32, #tpu.memory_space<vmem_shared>>
      %dma_wait3A_66 = arith.constant 0 : i32
      %dma_wait3A_67 = tpu.memref_slice %arg5[%add3A_52, %dma_wait3A_66] : memref<10240x128xf32, #tpu.memory_space<vmem_shared>> -> memref<128x128xf32, #tpu.memory_space<vmem_shared>>
      tpu.wait_dma2 semaphore(%run_scoped3A : memref<!tpu.dma_semaphore, #tpu.memory_space<semaphore_mem>>) src(%dma_wait3A_67 : memref<128x128xf32, #tpu.memory_space<vmem_shared>>) dst(%arg8 : memref<128x128xf32, #tpu.memory_space<vmem>>)
      tpu.yield
    }) : () -> ()
    "tpu.region"() ({
      %run_scoped3A = tpu.sem_alloc : memref<!tpu.dma_semaphore, #tpu.memory_space<semaphore_mem>>
      %dma_start3A_61 = arith.constant 0 : i32
      %dma_start3A_62 = tpu.memref_slice %arg4[%arg0, %add3A_52, %dma_start3A_61] : memref<2x10240x128xf32, #tpu.memory_space<hbm>> -> memref<1x128x128xf32, #tpu.memory_space<hbm>>
      %dma_start3A_63 = tpu.memref_squeeze %dma_start3A_62 : memref<1x128x128xf32, #tpu.memory_space<hbm>> -> memref<128x128xf32, #tpu.memory_space<hbm>>
      %dma_start3A_64 = arith.constant 0 : i32
      %dma_start3A_65 = tpu.memref_slice %arg4[%arg0, %add3A_52, %dma_start3A_64] : memref<2x10240x128xf32, #tpu.memory_space<hbm>> -> memref<1x128x128xf32, #tpu.memory_space<hbm>>
      %dma_start3A_66 = tpu.memref_squeeze %dma_start3A_65 : memref<1x128x128xf32, #tpu.memory_space<hbm>> -> memref<128x128xf32, #tpu.memory_space<hbm>>
      tpu.enqueue_dma source(%arg8 : memref<128x128xf32, #tpu.memory_space<vmem>>) target(%dma_start3A_66 : memref<128x128xf32, #tpu.memory_space<hbm>>) target_semaphore(%run_scoped3A : memref<!tpu.dma_semaphore, #tpu.memory_space<semaphore_mem>>)
      %dma_wait3A = arith.constant 0 : i32
      %dma_wait3A_67 = tpu.memref_slice %arg4[%arg0, %add3A_52, %dma_wait3A] : memref<2x10240x128xf32, #tpu.memory_space<hbm>> -> memref<1x128x128xf32, #tpu.memory_space<hbm>>
      %dma_wait3A_68 = tpu.memref_squeeze %dma_wait3A_67 : memref<1x128x128xf32, #tpu.memory_space<hbm>> -> memref<128x128xf32, #tpu.memory_space<hbm>>
      %dma_wait3A_69 = arith.constant 0 : i32
      %dma_wait3A_70 = tpu.memref_slice %arg4[%arg0, %add3A_52, %dma_wait3A_69] : memref<2x10240x128xf32, #tpu.memory_space<hbm>> -> memref<1x128x128xf32, #tpu.memory_space<hbm>>
      %dma_wait3A_71 = tpu.memref_squeeze %dma_wait3A_70 : memref<1x128x128xf32, #tpu.memory_space<hbm>> -> memref<128x128xf32, #tpu.memory_space<hbm>>
      tpu.wait_dma2 semaphore(%run_scoped3A : memref<!tpu.dma_semaphore, #tpu.memory_space<semaphore_mem>>) src(%arg8 : memref<128x128xf32, #tpu.memory_space<vmem>>) dst(%dma_wait3A_71 : memref<128x128xf32, #tpu.memory_space<hbm>>)
      tpu.yield
    }) : () -> ()
    %mul3A_53 = arith.constant 640 : i32
    %mul3A_54 = arith.muli %arg1, %mul3A_53 : i32
    %add3A_55 = arith.constant 384 : i32
    %add3A_56 = arith.addi %mul3A_54, %add3A_55 : i32
    "tpu.region"() ({
      %run_scoped3A = tpu.sem_alloc : memref<!tpu.dma_semaphore, #tpu.memory_space<semaphore_mem>>
      %dma_start3A_61 = arith.constant 0 : i32
      %dma_start3A_62 = tpu.memref_slice %arg5[%add3A_56, %dma_start3A_61] : memref<10240x128xf32, #tpu.memory_space<vmem_shared>> -> memref<128x128xf32, #tpu.memory_space<vmem_shared>>
      %dma_start3A_63 = arith.constant 0 : i32
      %dma_start3A_64 = tpu.memref_slice %arg5[%add3A_56, %dma_start3A_63] : memref<10240x128xf32, #tpu.memory_space<vmem_shared>> -> memref<128x128xf32, #tpu.memory_space<vmem_shared>>
      tpu.enqueue_dma source(%dma_start3A_64 : memref<128x128xf32, #tpu.memory_space<vmem_shared>>) target(%arg8 : memref<128x128xf32, #tpu.memory_space<vmem>>) target_semaphore(%run_scoped3A : memref<!tpu.dma_semaphore, #tpu.memory_space<semaphore_mem>>)
      %dma_wait3A = arith.constant 0 : i32
      %dma_wait3A_65 = tpu.memref_slice %arg5[%add3A_56, %dma_wait3A] : memref<10240x128xf32, #tpu.memory_space<vmem_shared>> -> memref<128x128xf32, #tpu.memory_space<vmem_shared>>
      %dma_wait3A_66 = arith.constant 0 : i32
      %dma_wait3A_67 = tpu.memref_slice %arg5[%add3A_56, %dma_wait3A_66] : memref<10240x128xf32, #tpu.memory_space<vmem_shared>> -> memref<128x128xf32, #tpu.memory_space<vmem_shared>>
      tpu.wait_dma2 semaphore(%run_scoped3A : memref<!tpu.dma_semaphore, #tpu.memory_space<semaphore_mem>>) src(%dma_wait3A_67 : memref<128x128xf32, #tpu.memory_space<vmem_shared>>) dst(%arg8 : memref<128x128xf32, #tpu.memory_space<vmem>>)
      tpu.yield
    }) : () -> ()
    "tpu.region"() ({
      %run_scoped3A = tpu.sem_alloc : memref<!tpu.dma_semaphore, #tpu.memory_space<semaphore_mem>>
      %dma_start3A_61 = arith.constant 0 : i32
      %dma_start3A_62 = tpu.memref_slice %arg4[%arg0, %add3A_56, %dma_start3A_61] : memref<2x10240x128xf32, #tpu.memory_space<hbm>> -> memref<1x128x128xf32, #tpu.memory_space<hbm>>
      %dma_start3A_63 = tpu.memref_squeeze %dma_start3A_62 : memref<1x128x128xf32, #tpu.memory_space<hbm>> -> memref<128x128xf32, #tpu.memory_space<hbm>>
      %dma_start3A_64 = arith.constant 0 : i32
      %dma_start3A_65 = tpu.memref_slice %arg4[%arg0, %add3A_56, %dma_start3A_64] : memref<2x10240x128xf32, #tpu.memory_space<hbm>> -> memref<1x128x128xf32, #tpu.memory_space<hbm>>
      %dma_start3A_66 = tpu.memref_squeeze %dma_start3A_65 : memref<1x128x128xf32, #tpu.memory_space<hbm>> -> memref<128x128xf32, #tpu.memory_space<hbm>>
      tpu.enqueue_dma source(%arg8 : memref<128x128xf32, #tpu.memory_space<vmem>>) target(%dma_start3A_66 : memref<128x128xf32, #tpu.memory_space<hbm>>) target_semaphore(%run_scoped3A : memref<!tpu.dma_semaphore, #tpu.memory_space<semaphore_mem>>)
      %dma_wait3A = arith.constant 0 : i32
      %dma_wait3A_67 = tpu.memref_slice %arg4[%arg0, %add3A_56, %dma_wait3A] : memref<2x10240x128xf32, #tpu.memory_space<hbm>> -> memref<1x128x128xf32, #tpu.memory_space<hbm>>
      %dma_wait3A_68 = tpu.memref_squeeze %dma_wait3A_67 : memref<1x128x128xf32, #tpu.memory_space<hbm>> -> memref<128x128xf32, #tpu.memory_space<hbm>>
      %dma_wait3A_69 = arith.constant 0 : i32
      %dma_wait3A_70 = tpu.memref_slice %arg4[%arg0, %add3A_56, %dma_wait3A_69] : memref<2x10240x128xf32, #tpu.memory_space<hbm>> -> memref<1x128x128xf32, #tpu.memory_space<hbm>>
      %dma_wait3A_71 = tpu.memref_squeeze %dma_wait3A_70 : memref<1x128x128xf32, #tpu.memory_space<hbm>> -> memref<128x128xf32, #tpu.memory_space<hbm>>
      tpu.wait_dma2 semaphore(%run_scoped3A : memref<!tpu.dma_semaphore, #tpu.memory_space<semaphore_mem>>) src(%arg8 : memref<128x128xf32, #tpu.memory_space<vmem>>) dst(%dma_wait3A_71 : memref<128x128xf32, #tpu.memory_space<hbm>>)
      tpu.yield
    }) : () -> ()
    %mul3A_57 = arith.constant 640 : i32
    %mul3A_58 = arith.muli %arg1, %mul3A_57 : i32
    %add3A_59 = arith.constant 512 : i32
    %add3A_60 = arith.addi %mul3A_58, %add3A_59 : i32
    "tpu.region"() ({
      %run_scoped3A = tpu.sem_alloc : memref<!tpu.dma_semaphore, #tpu.memory_space<semaphore_mem>>
      %dma_start3A_61 = arith.constant 0 : i32
      %dma_start3A_62 = tpu.memref_slice %arg5[%add3A_60, %dma_start3A_61] : memref<10240x128xf32, #tpu.memory_space<vmem_shared>> -> memref<128x128xf32, #tpu.memory_space<vmem_shared>>
      %dma_start3A_63 = arith.constant 0 : i32
      %dma_start3A_64 = tpu.memref_slice %arg5[%add3A_60, %dma_start3A_63] : memref<10240x128xf32, #tpu.memory_space<vmem_shared>> -> memref<128x128xf32, #tpu.memory_space<vmem_shared>>
      tpu.enqueue_dma source(%dma_start3A_64 : memref<128x128xf32, #tpu.memory_space<vmem_shared>>) target(%arg8 : memref<128x128xf32, #tpu.memory_space<vmem>>) target_semaphore(%run_scoped3A : memref<!tpu.dma_semaphore, #tpu.memory_space<semaphore_mem>>)
      %dma_wait3A = arith.constant 0 : i32
      %dma_wait3A_65 = tpu.memref_slice %arg5[%add3A_60, %dma_wait3A] : memref<10240x128xf32, #tpu.memory_space<vmem_shared>> -> memref<128x128xf32, #tpu.memory_space<vmem_shared>>
      %dma_wait3A_66 = arith.constant 0 : i32
      %dma_wait3A_67 = tpu.memref_slice %arg5[%add3A_60, %dma_wait3A_66] : memref<10240x128xf32, #tpu.memory_space<vmem_shared>> -> memref<128x128xf32, #tpu.memory_space<vmem_shared>>
      tpu.wait_dma2 semaphore(%run_scoped3A : memref<!tpu.dma_semaphore, #tpu.memory_space<semaphore_mem>>) src(%dma_wait3A_67 : memref<128x128xf32, #tpu.memory_space<vmem_shared>>) dst(%arg8 : memref<128x128xf32, #tpu.memory_space<vmem>>)
      tpu.yield
    }) : () -> ()
    "tpu.region"() ({
      %run_scoped3A = tpu.sem_alloc : memref<!tpu.dma_semaphore, #tpu.memory_space<semaphore_mem>>
      %dma_start3A_61 = arith.constant 0 : i32
      %dma_start3A_62 = tpu.memref_slice %arg4[%arg0, %add3A_60, %dma_start3A_61] : memref<2x10240x128xf32, #tpu.memory_space<hbm>> -> memref<1x128x128xf32, #tpu.memory_space<hbm>>
      %dma_start3A_63 = tpu.memref_squeeze %dma_start3A_62 : memref<1x128x128xf32, #tpu.memory_space<hbm>> -> memref<128x128xf32, #tpu.memory_space<hbm>>
      %dma_start3A_64 = arith.constant 0 : i32
      %dma_start3A_65 = tpu.memref_slice %arg4[%arg0, %add3A_60, %dma_start3A_64] : memref<2x10240x128xf32, #tpu.memory_space<hbm>> -> memref<1x128x128xf32, #tpu.memory_space<hbm>>
      %dma_start3A_66 = tpu.memref_squeeze %dma_start3A_65 : memref<1x128x128xf32, #tpu.memory_space<hbm>> -> memref<128x128xf32, #tpu.memory_space<hbm>>
      tpu.enqueue_dma source(%arg8 : memref<128x128xf32, #tpu.memory_space<vmem>>) target(%dma_start3A_66 : memref<128x128xf32, #tpu.memory_space<hbm>>) target_semaphore(%run_scoped3A : memref<!tpu.dma_semaphore, #tpu.memory_space<semaphore_mem>>)
      %dma_wait3A = arith.constant 0 : i32
      %dma_wait3A_67 = tpu.memref_slice %arg4[%arg0, %add3A_60, %dma_wait3A] : memref<2x10240x128xf32, #tpu.memory_space<hbm>> -> memref<1x128x128xf32, #tpu.memory_space<hbm>>
      %dma_wait3A_68 = tpu.memref_squeeze %dma_wait3A_67 : memref<1x128x128xf32, #tpu.memory_space<hbm>> -> memref<128x128xf32, #tpu.memory_space<hbm>>
      %dma_wait3A_69 = arith.constant 0 : i32
      %dma_wait3A_70 = tpu.memref_slice %arg4[%arg0, %add3A_60, %dma_wait3A_69] : memref<2x10240x128xf32, #tpu.memory_space<hbm>> -> memref<1x128x128xf32, #tpu.memory_space<hbm>>
      %dma_wait3A_71 = tpu.memref_squeeze %dma_wait3A_70 : memref<1x128x128xf32, #tpu.memory_space<hbm>> -> memref<128x128xf32, #tpu.memory_space<hbm>>
      tpu.wait_dma2 semaphore(%run_scoped3A : memref<!tpu.dma_semaphore, #tpu.memory_space<semaphore_mem>>) src(%arg8 : memref<128x128xf32, #tpu.memory_space<vmem>>) dst(%dma_wait3A_71 : memref<128x128xf32, #tpu.memory_space<hbm>>)
      tpu.yield
    }) : () -> ()
    return
  }
}

#map = affine_map<(d0, d1) -> (0, 0)>
#map1 = affine_map<(d0, d1) -> (0, 0, 0)>
module attributes {stable_mosaic.version = 14 : i64} {
  func.func @_sc_spmm(%arg0: i32, %arg1: i32, %arg2: memref<10000x128xf32, #tpu.memory_space<hbm>>, %arg3: memref<2500x2x128xi32, #tpu.memory_space<hbm>>, %arg4: memref<2x10240x128xf32, #tpu.memory_space<hbm>>, %arg5: memref<10240x128xf32, #tpu.memory_space<vmem_shared>>, %arg6: memref<2x128xi32, #tpu.memory_space<vmem>>, %arg7: memref<2x128xi32, #tpu.memory_space<vmem>>, %arg8: memref<128x128xf32, #tpu.memory_space<vmem>>, %arg9: memref<128x128xf32, #tpu.memory_space<vmem>>, %arg10: memref<!tpu.dma_semaphore, #tpu.memory_space<semaphore_mem>>, %arg11: memref<!tpu.dma_semaphore, #tpu.memory_space<semaphore_mem>>) attributes {dimension_semantics = [#tpu.dimension_semantics<core_parallel>, #tpu.dimension_semantics<subcore_parallel>], iteration_bounds = array<i64: 2, 16>, scalar_prefetch = 0 : i64, scratch_operands = 7 : i64, tpu.core_type = #tpu.core_type<sc_vector_subcore>, window_params = [{transform_indices = #map}, {transform_indices = #map1}, {transform_indices = #map1}]} {
    %mul3A = arith.constant 2 : i32
    %mul3A_0 = arith.muli %arg1, %mul3A : i32
    %add3A = arith.addi %mul3A_0, %arg0 : i32
    %scan3A = arith.constant 0 : i32
    %scan3A_1 = arith.constant 0 : i32
    %scan3A_2 = arith.constant 128 : i32
    %scan3A_3 = arith.addi %scan3A_1, %scan3A_2 : i32
    %scan3A_4 = arith.constant 1 : i32
    %scan3A_5 = scf.for %scan3A_61 = %scan3A_1 to %scan3A_3 step %scan3A_4 iter_args(%scan3A_62 = %scan3A) -> (i32)  : i32 {
      %broadcast_in_dim3A = arith.constant 0.000000e+00 : f32
      %broadcast_in_dim3A_63 = vector.broadcast %broadcast_in_dim3A : f32 to vector<16xf32>
      %swap3A = arith.index_cast %scan3A_61 : i32 to index
      %swap3A_64 = arith.constant 0 : index
      %swap3A_65 = tpu.vector_load %arg8[%swap3A, %swap3A_64] {strides = array<i32>} : memref<128x128xf32, #tpu.memory_space<vmem>>, vector<1x16xf32>,
      %swap3A_66 = vector.shape_cast %swap3A_65 : vector<1x16xf32> to vector<16xf32>
      %swap3A_67 = vector.shape_cast %broadcast_in_dim3A_63 : vector<16xf32> to vector<1x16xf32>
      tpu.vector_store %arg8[%swap3A, %swap3A_64], %swap3A_67 {strides = array<i32>} : memref<128x128xf32, #tpu.memory_space<vmem>>, vector<1x16xf32>,
      %broadcast_in_dim3A_68 = arith.constant 0.000000e+00 : f32
      %broadcast_in_dim3A_69 = vector.broadcast %broadcast_in_dim3A_68 : f32 to vector<16xf32>
      %swap3A_70 = arith.index_cast %scan3A_61 : i32 to index
      %swap3A_71 = arith.constant 16 : index
      %swap3A_72 = tpu.vector_load %arg8[%swap3A_70, %swap3A_71] {strides = array<i32>} : memref<128x128xf32, #tpu.memory_space<vmem>>, vector<1x16xf32>,
      %swap3A_73 = vector.shape_cast %swap3A_72 : vector<1x16xf32> to vector<16xf32>
      %swap3A_74 = vector.shape_cast %broadcast_in_dim3A_69 : vector<16xf32> to vector<1x16xf32>
      tpu.vector_store %arg8[%swap3A_70, %swap3A_71], %swap3A_74 {strides = array<i32>} : memref<128x128xf32, #tpu.memory_space<vmem>>, vector<1x16xf32>,
      %broadcast_in_dim3A_75 = arith.constant 0.000000e+00 : f32
      %broadcast_in_dim3A_76 = vector.broadcast %broadcast_in_dim3A_75 : f32 to vector<16xf32>
      %swap3A_77 = arith.index_cast %scan3A_61 : i32 to index
      %swap3A_78 = arith.constant 32 : index
      %swap3A_79 = tpu.vector_load %arg8[%swap3A_77, %swap3A_78] {strides = array<i32>} : memref<128x128xf32, #tpu.memory_space<vmem>>, vector<1x16xf32>,
      %swap3A_80 = vector.shape_cast %swap3A_79 : vector<1x16xf32> to vector<16xf32>
      %swap3A_81 = vector.shape_cast %broadcast_in_dim3A_76 : vector<16xf32> to vector<1x16xf32>
      tpu.vector_store %arg8[%swap3A_77, %swap3A_78], %swap3A_81 {strides = array<i32>} : memref<128x128xf32, #tpu.memory_space<vmem>>, vector<1x16xf32>,
      %broadcast_in_dim3A_82 = arith.constant 0.000000e+00 : f32
      %broadcast_in_dim3A_83 = vector.broadcast %broadcast_in_dim3A_82 : f32 to vector<16xf32>
      %swap3A_84 = arith.index_cast %scan3A_61 : i32 to index
      %swap3A_85 = arith.constant 48 : index
      %swap3A_86 = tpu.vector_load %arg8[%swap3A_84, %swap3A_85] {strides = array<i32>} : memref<128x128xf32, #tpu.memory_space<vmem>>, vector<1x16xf32>,
      %swap3A_87 = vector.shape_cast %swap3A_86 : vector<1x16xf32> to vector<16xf32>
      %swap3A_88 = vector.shape_cast %broadcast_in_dim3A_83 : vector<16xf32> to vector<1x16xf32>
      tpu.vector_store %arg8[%swap3A_84, %swap3A_85], %swap3A_88 {strides = array<i32>} : memref<128x128xf32, #tpu.memory_space<vmem>>, vector<1x16xf32>,
      %broadcast_in_dim3A_89 = arith.constant 0.000000e+00 : f32
      %broadcast_in_dim3A_90 = vector.broadcast %broadcast_in_dim3A_89 : f32 to vector<16xf32>
      %swap3A_91 = arith.index_cast %scan3A_61 : i32 to index
      %swap3A_92 = arith.constant 64 : index
      %swap3A_93 = tpu.vector_load %arg8[%swap3A_91, %swap3A_92] {strides = array<i32>} : memref<128x128xf32, #tpu.memory_space<vmem>>, vector<1x16xf32>,
      %swap3A_94 = vector.shape_cast %swap3A_93 : vector<1x16xf32> to vector<16xf32>
      %swap3A_95 = vector.shape_cast %broadcast_in_dim3A_90 : vector<16xf32> to vector<1x16xf32>
      tpu.vector_store %arg8[%swap3A_91, %swap3A_92], %swap3A_95 {strides = array<i32>} : memref<128x128xf32, #tpu.memory_space<vmem>>, vector<1x16xf32>,
      %broadcast_in_dim3A_96 = arith.constant 0.000000e+00 : f32
      %broadcast_in_dim3A_97 = vector.broadcast %broadcast_in_dim3A_96 : f32 to vector<16xf32>
      %swap3A_98 = arith.index_cast %scan3A_61 : i32 to index
      %swap3A_99 = arith.constant 80 : index
      %swap3A_100 = tpu.vector_load %arg8[%swap3A_98, %swap3A_99] {strides = array<i32>} : memref<128x128xf32, #tpu.memory_space<vmem>>, vector<1x16xf32>,
      %swap3A_101 = vector.shape_cast %swap3A_100 : vector<1x16xf32> to vector<16xf32>
      %swap3A_102 = vector.shape_cast %broadcast_in_dim3A_97 : vector<16xf32> to vector<1x16xf32>
      tpu.vector_store %arg8[%swap3A_98, %swap3A_99], %swap3A_102 {strides = array<i32>} : memref<128x128xf32, #tpu.memory_space<vmem>>, vector<1x16xf32>,
      %broadcast_in_dim3A_103 = arith.constant 0.000000e+00 : f32
      %broadcast_in_dim3A_104 = vector.broadcast %broadcast_in_dim3A_103 : f32 to vector<16xf32>
      %swap3A_105 = arith.index_cast %scan3A_61 : i32 to index
      %swap3A_106 = arith.constant 96 : index
      %swap3A_107 = tpu.vector_load %arg8[%swap3A_105, %swap3A_106] {strides = array<i32>} : memref<128x128xf32, #tpu.memory_space<vmem>>, vector<1x16xf32>,
      %swap3A_108 = vector.shape_cast %swap3A_107 : vector<1x16xf32> to vector<16xf32>
      %swap3A_109 = vector.shape_cast %broadcast_in_dim3A_104 : vector<16xf32> to vector<1x16xf32>
      tpu.vector_store %arg8[%swap3A_105, %swap3A_106], %swap3A_109 {strides = array<i32>} : memref<128x128xf32, #tpu.memory_space<vmem>>, vector<1x16xf32>,
      %broadcast_in_dim3A_110 = arith.constant 0.000000e+00 : f32
      %broadcast_in_dim3A_111 = vector.broadcast %broadcast_in_dim3A_110 : f32 to vector<16xf32>
      %swap3A_112 = arith.index_cast %scan3A_61 : i32 to index
      %swap3A_113 = arith.constant 112 : index
      %swap3A_114 = tpu.vector_load %arg8[%swap3A_112, %swap3A_113] {strides = array<i32>} : memref<128x128xf32, #tpu.memory_space<vmem>>, vector<1x16xf32>,
      %swap3A_115 = vector.shape_cast %swap3A_114 : vector<1x16xf32> to vector<16xf32>
      %swap3A_116 = vector.shape_cast %broadcast_in_dim3A_111 : vector<16xf32> to vector<1x16xf32>
      tpu.vector_store %arg8[%swap3A_112, %swap3A_113], %swap3A_116 {strides = array<i32>} : memref<128x128xf32, #tpu.memory_space<vmem>>, vector<1x16xf32>,
      %scan3A_117 = arith.constant 0 : i32
      scf.yield %scan3A_117 : i32
    }
    %scan3A_6 = arith.constant 128 : i32
    %mul3A_7 = arith.constant 640 : i32
    %mul3A_8 = arith.muli %arg1, %mul3A_7 : i32
    %add3A_9 = arith.constant 0 : i32
    %add3A_10 = arith.addi %mul3A_8, %add3A_9 : i32
    "tpu.region"() ({
      %run_scoped3A = tpu.sem_alloc : memref<!tpu.dma_semaphore, #tpu.memory_space<semaphore_mem>>
      %dma_start3A_61 = arith.constant 0 : i32
      %dma_start3A_62 = tpu.memref_slice %arg5[%add3A_10, %dma_start3A_61] : memref<10240x128xf32, #tpu.memory_space<vmem_shared>> -> memref<128x128xf32, #tpu.memory_space<vmem_shared>>
      %dma_start3A_63 = arith.constant 0 : i32
      %dma_start3A_64 = tpu.memref_slice %arg5[%add3A_10, %dma_start3A_63] : memref<10240x128xf32, #tpu.memory_space<vmem_shared>> -> memref<128x128xf32, #tpu.memory_space<vmem_shared>>
      tpu.enqueue_dma source(%arg8 : memref<128x128xf32, #tpu.memory_space<vmem>>) target(%dma_start3A_64 : memref<128x128xf32, #tpu.memory_space<vmem_shared>>) target_semaphore(%run_scoped3A : memref<!tpu.dma_semaphore, #tpu.memory_space<semaphore_mem>>)
      %dma_wait3A = arith.constant 0 : i32
      %dma_wait3A_65 = tpu.memref_slice %arg5[%add3A_10, %dma_wait3A] : memref<10240x128xf32, #tpu.memory_space<vmem_shared>> -> memref<128x128xf32, #tpu.memory_space<vmem_shared>>
      %dma_wait3A_66 = arith.constant 0 : i32
      %dma_wait3A_67 = tpu.memref_slice %arg5[%add3A_10, %dma_wait3A_66] : memref<10240x128xf32, #tpu.memory_space<vmem_shared>> -> memref<128x128xf32, #tpu.memory_space<vmem_shared>>
      tpu.wait_dma2 semaphore(%run_scoped3A : memref<!tpu.dma_semaphore, #tpu.memory_space<semaphore_mem>>) src(%arg8 : memref<128x128xf32, #tpu.memory_space<vmem>>) dst(%dma_wait3A_67 : memref<128x128xf32, #tpu.memory_space<vmem_shared>>)
      tpu.yield
    }) : () -> ()
    %mul3A_11 = arith.constant 640 : i32
    %mul3A_12 = arith.muli %arg1, %mul3A_11 : i32
    %add3A_13 = arith.constant 128 : i32
    %add3A_14 = arith.addi %mul3A_12, %add3A_13 : i32
    "tpu.region"() ({
      %run_scoped3A = tpu.sem_alloc : memref<!tpu.dma_semaphore, #tpu.memory_space<semaphore_mem>>
      %dma_start3A_61 = arith.constant 0 : i32
      %dma_start3A_62 = tpu.memref_slice %arg5[%add3A_14, %dma_start3A_61] : memref<10240x128xf32, #tpu.memory_space<vmem_shared>> -> memref<128x128xf32, #tpu.memory_space<vmem_shared>>
      %dma_start3A_63 = arith.constant 0 : i32
      %dma_start3A_64 = tpu.memref_slice %arg5[%add3A_14, %dma_start3A_63] : memref<10240x128xf32, #tpu.memory_space<vmem_shared>> -> memref<128x128xf32, #tpu.memory_space<vmem_shared>>
      tpu.enqueue_dma source(%arg8 : memref<128x128xf32, #tpu.memory_space<vmem>>) target(%dma_start3A_64 : memref<128x128xf32, #tpu.memory_space<vmem_shared>>) target_semaphore(%run_scoped3A : memref<!tpu.dma_semaphore, #tpu.memory_space<semaphore_mem>>)
      %dma_wait3A = arith.constant 0 : i32
      %dma_wait3A_65 = tpu.memref_slice %arg5[%add3A_14, %dma_wait3A] : memref<10240x128xf32, #tpu.memory_space<vmem_shared>> -> memref<128x128xf32, #tpu.memory_space<vmem_shared>>
      %dma_wait3A_66 = arith.constant 0 : i32
      %dma_wait3A_67 = tpu.memref_slice %arg5[%add3A_14, %dma_wait3A_66] : memref<10240x128xf32, #tpu.memory_space<vmem_shared>> -> memref<128x128xf32, #tpu.memory_space<vmem_shared>>
      tpu.wait_dma2 semaphore(%run_scoped3A : memref<!tpu.dma_semaphore, #tpu.memory_space<semaphore_mem>>) src(%arg8 : memref<128x128xf32, #tpu.memory_space<vmem>>) dst(%dma_wait3A_67 : memref<128x128xf32, #tpu.memory_space<vmem_shared>>)
      tpu.yield
    }) : () -> ()
    %mul3A_15 = arith.constant 640 : i32
    %mul3A_16 = arith.muli %arg1, %mul3A_15 : i32
    %add3A_17 = arith.constant 256 : i32
    %add3A_18 = arith.addi %mul3A_16, %add3A_17 : i32
    "tpu.region"() ({
      %run_scoped3A = tpu.sem_alloc : memref<!tpu.dma_semaphore, #tpu.memory_space<semaphore_mem>>
      %dma_start3A_61 = arith.constant 0 : i32
      %dma_start3A_62 = tpu.memref_slice %arg5[%add3A_18, %dma_start3A_61] : memref<10240x128xf32, #tpu.memory_space<vmem_shared>> -> memref<128x128xf32, #tpu.memory_space<vmem_shared>>
      %dma_start3A_63 = arith.constant 0 : i32
      %dma_start3A_64 = tpu.memref_slice %arg5[%add3A_18, %dma_start3A_63] : memref<10240x128xf32, #tpu.memory_space<vmem_shared>> -> memref<128x128xf32, #tpu.memory_space<vmem_shared>>
      tpu.enqueue_dma source(%arg8 : memref<128x128xf32, #tpu.memory_space<vmem>>) target(%dma_start3A_64 : memref<128x128xf32, #tpu.memory_space<vmem_shared>>) target_semaphore(%run_scoped3A : memref<!tpu.dma_semaphore, #tpu.memory_space<semaphore_mem>>)
      %dma_wait3A = arith.constant 0 : i32
      %dma_wait3A_65 = tpu.memref_slice %arg5[%add3A_18, %dma_wait3A] : memref<10240x128xf32, #tpu.memory_space<vmem_shared>> -> memref<128x128xf32, #tpu.memory_space<vmem_shared>>
      %dma_wait3A_66 = arith.constant 0 : i32
      %dma_wait3A_67 = tpu.memref_slice %arg5[%add3A_18, %dma_wait3A_66] : memref<10240x128xf32, #tpu.memory_space<vmem_shared>> -> memref<128x128xf32, #tpu.memory_space<vmem_shared>>
      tpu.wait_dma2 semaphore(%run_scoped3A : memref<!tpu.dma_semaphore, #tpu.memory_space<semaphore_mem>>) src(%arg8 : memref<128x128xf32, #tpu.memory_space<vmem>>) dst(%dma_wait3A_67 : memref<128x128xf32, #tpu.memory_space<vmem_shared>>)
      tpu.yield
    }) : () -> ()
    %mul3A_19 = arith.constant 640 : i32
    %mul3A_20 = arith.muli %arg1, %mul3A_19 : i32
    %add3A_21 = arith.constant 384 : i32
    %add3A_22 = arith.addi %mul3A_20, %add3A_21 : i32
    "tpu.region"() ({
      %run_scoped3A = tpu.sem_alloc : memref<!tpu.dma_semaphore, #tpu.memory_space<semaphore_mem>>
      %dma_start3A_61 = arith.constant 0 : i32
      %dma_start3A_62 = tpu.memref_slice %arg5[%add3A_22, %dma_start3A_61] : memref<10240x128xf32, #tpu.memory_space<vmem_shared>> -> memref<128x128xf32, #tpu.memory_space<vmem_shared>>
      %dma_start3A_63 = arith.constant 0 : i32
      %dma_start3A_64 = tpu.memref_slice %arg5[%add3A_22, %dma_start3A_63] : memref<10240x128xf32, #tpu.memory_space<vmem_shared>> -> memref<128x128xf32, #tpu.memory_space<vmem_shared>>
      tpu.enqueue_dma source(%arg8 : memref<128x128xf32, #tpu.memory_space<vmem>>) target(%dma_start3A_64 : memref<128x128xf32, #tpu.memory_space<vmem_shared>>) target_semaphore(%run_scoped3A : memref<!tpu.dma_semaphore, #tpu.memory_space<semaphore_mem>>)
      %dma_wait3A = arith.constant 0 : i32
      %dma_wait3A_65 = tpu.memref_slice %arg5[%add3A_22, %dma_wait3A] : memref<10240x128xf32, #tpu.memory_space<vmem_shared>> -> memref<128x128xf32, #tpu.memory_space<vmem_shared>>
      %dma_wait3A_66 = arith.constant 0 : i32
      %dma_wait3A_67 = tpu.memref_slice %arg5[%add3A_22, %dma_wait3A_66] : memref<10240x128xf32, #tpu.memory_space<vmem_shared>> -> memref<128x128xf32, #tpu.memory_space<vmem_shared>>
      tpu.wait_dma2 semaphore(%run_scoped3A : memref<!tpu.dma_semaphore, #tpu.memory_space<semaphore_mem>>) src(%arg8 : memref<128x128xf32, #tpu.memory_space<vmem>>) dst(%dma_wait3A_67 : memref<128x128xf32, #tpu.memory_space<vmem_shared>>)
      tpu.yield
    }) : () -> ()
    %mul3A_23 = arith.constant 640 : i32
    %mul3A_24 = arith.muli %arg1, %mul3A_23 : i32
    %add3A_25 = arith.constant 512 : i32
    %add3A_26 = arith.addi %mul3A_24, %add3A_25 : i32
    "tpu.region"() ({
      %run_scoped3A = tpu.sem_alloc : memref<!tpu.dma_semaphore, #tpu.memory_space<semaphore_mem>>
      %dma_start3A_61 = arith.constant 0 : i32
      %dma_start3A_62 = tpu.memref_slice %arg5[%add3A_26, %dma_start3A_61] : memref<10240x128xf32, #tpu.memory_space<vmem_shared>> -> memref<128x128xf32, #tpu.memory_space<vmem_shared>>
      %dma_start3A_63 = arith.constant 0 : i32
      %dma_start3A_64 = tpu.memref_slice %arg5[%add3A_26, %dma_start3A_63] : memref<10240x128xf32, #tpu.memory_space<vmem_shared>> -> memref<128x128xf32, #tpu.memory_space<vmem_shared>>
      tpu.enqueue_dma source(%arg8 : memref<128x128xf32, #tpu.memory_space<vmem>>) target(%dma_start3A_64 : memref<128x128xf32, #tpu.memory_space<vmem_shared>>) target_semaphore(%run_scoped3A : memref<!tpu.dma_semaphore, #tpu.memory_space<semaphore_mem>>)
      %dma_wait3A = arith.constant 0 : i32
      %dma_wait3A_65 = tpu.memref_slice %arg5[%add3A_26, %dma_wait3A] : memref<10240x128xf32, #tpu.memory_space<vmem_shared>> -> memref<128x128xf32, #tpu.memory_space<vmem_shared>>
      %dma_wait3A_66 = arith.constant 0 : i32
      %dma_wait3A_67 = tpu.memref_slice %arg5[%add3A_26, %dma_wait3A_66] : memref<10240x128xf32, #tpu.memory_space<vmem_shared>> -> memref<128x128xf32, #tpu.memory_space<vmem_shared>>
      tpu.wait_dma2 semaphore(%run_scoped3A : memref<!tpu.dma_semaphore, #tpu.memory_space<semaphore_mem>>) src(%arg8 : memref<128x128xf32, #tpu.memory_space<vmem>>) dst(%dma_wait3A_67 : memref<128x128xf32, #tpu.memory_space<vmem_shared>>)
      tpu.yield
    }) : () -> ()
    %barrier3A = arith.constant 0 : index
    tpu.barrier barrier_id(%barrier3A)
    "tpu.region"() ({
      %run_scoped3A = tpu.sem_alloc : memref<!tpu.dma_semaphore, #tpu.memory_space<semaphore_mem>>
      %dma_start3A_61 = arith.constant 0 : i32
      %dma_start3A_62 = arith.constant 0 : i32
      %dma_start3A_63 = tpu.memref_slice %arg3[%add3A, %dma_start3A_61, %dma_start3A_62] : memref<2500x2x128xi32, #tpu.memory_space<hbm>> -> memref<1x2x128xi32, #tpu.memory_space<hbm>>
      %dma_start3A_64 = tpu.memref_squeeze %dma_start3A_63 : memref<1x2x128xi32, #tpu.memory_space<hbm>> -> memref<2x128xi32, #tpu.memory_space<hbm>>
      %dma_start3A_65 = arith.constant 0 : i32
      %dma_start3A_66 = arith.constant 0 : i32
      %dma_start3A_67 = tpu.memref_slice %arg3[%add3A, %dma_start3A_65, %dma_start3A_66] : memref<2500x2x128xi32, #tpu.memory_space<hbm>> -> memref<1x2x128xi32, #tpu.memory_space<hbm>>
      %dma_start3A_68 = tpu.memref_squeeze %dma_start3A_67 : memref<1x2x128xi32, #tpu.memory_space<hbm>> -> memref<2x128xi32, #tpu.memory_space<hbm>>
      tpu.enqueue_dma source(%dma_start3A_68 : memref<2x128xi32, #tpu.memory_space<hbm>>) target(%arg6 : memref<2x128xi32, #tpu.memory_space<vmem>>) target_semaphore(%run_scoped3A : memref<!tpu.dma_semaphore, #tpu.memory_space<semaphore_mem>>)
      %dma_wait3A = arith.constant 0 : i32
      %dma_wait3A_69 = arith.constant 0 : i32
      %dma_wait3A_70 = tpu.memref_slice %arg3[%add3A, %dma_wait3A, %dma_wait3A_69] : memref<2500x2x128xi32, #tpu.memory_space<hbm>> -> memref<1x2x128xi32, #tpu.memory_space<hbm>>
      %dma_wait3A_71 = tpu.memref_squeeze %dma_wait3A_70 : memref<1x2x128xi32, #tpu.memory_space<hbm>> -> memref<2x128xi32, #tpu.memory_space<hbm>>
      %dma_wait3A_72 = arith.constant 0 : i32
      %dma_wait3A_73 = arith.constant 0 : i32
      %dma_wait3A_74 = tpu.memref_slice %arg3[%add3A, %dma_wait3A_72, %dma_wait3A_73] : memref<2500x2x128xi32, #tpu.memory_space<hbm>> -> memref<1x2x128xi32, #tpu.memory_space<hbm>>
      %dma_wait3A_75 = tpu.memref_squeeze %dma_wait3A_74 : memref<1x2x128xi32, #tpu.memory_space<hbm>> -> memref<2x128xi32, #tpu.memory_space<hbm>>
      tpu.wait_dma2 semaphore(%run_scoped3A : memref<!tpu.dma_semaphore, #tpu.memory_space<semaphore_mem>>) src(%dma_wait3A_75 : memref<2x128xi32, #tpu.memory_space<hbm>>) dst(%arg6 : memref<2x128xi32, #tpu.memory_space<vmem>>)
      tpu.yield
    }) : () -> ()
    %dma_start3A = arith.constant 0 : i32
    %dma_start3A_27 = arith.constant 0 : i32
    %dma_start3A_28 = tpu.memref_slice %arg6[%dma_start3A, %dma_start3A_27] : memref<2x128xi32, #tpu.memory_space<vmem>> -> memref<1x128xi32, #tpu.memory_space<vmem>>
    %dma_start3A_29 = tpu.memref_squeeze %dma_start3A_28 : memref<1x128xi32, #tpu.memory_space<vmem>> -> memref<128xi32, #tpu.memory_space<vmem>>
    %dma_start3A_30 = arith.constant 0 : i32
    %dma_start3A_31 = arith.constant 0 : i32
    %dma_start3A_32 = tpu.memref_slice %arg2[%dma_start3A_30, %dma_start3A_31] : memref<10000x128xf32, #tpu.memory_space<hbm>> -> memref<10000x128xf32, #tpu.memory_space<hbm>>
    tpu.enqueue_indirect_dma source(%dma_start3A_32 : memref<10000x128xf32, #tpu.memory_space<hbm>>) target(%arg8 : memref<128x128xf32, #tpu.memory_space<vmem>>) offsets(%dma_start3A_29 : memref<128xi32, #tpu.memory_space<vmem>>) semaphore(%arg10 : memref<!tpu.dma_semaphore, #tpu.memory_space<semaphore_mem>>)
    %scan3A_33 = arith.constant 0 : i32
    %scan3A_34 = arith.constant 0 : i32
    %scan3A_35 = arith.constant 40 : i32
    %scan3A_36 = arith.addi %scan3A_34, %scan3A_35 : i32
    %scan3A_37 = arith.constant 1 : i32
    %scan3A_38 = scf.for %scan3A_61 = %scan3A_34 to %scan3A_36 step %scan3A_37 iter_args(%scan3A_62 = %scan3A_33) -> (i32)  : i32 {
      %mul3A_63 = arith.constant 2 : i32
      %mul3A_64 = arith.muli %mul3A_63, %scan3A_61 : i32
      %add3A_65 = arith.constant 1 : i32
      %add3A_66 = arith.addi %mul3A_64, %add3A_65 : i32
      %mul3A_67 = arith.constant 32 : i32
      %mul3A_68 = arith.muli %mul3A_67, %add3A_66 : i32
      %add3A_69 = arith.addi %add3A, %mul3A_68 : i32
      %mul3A_70 = arith.constant 32 : i32
      %mul3A_71 = arith.muli %mul3A_70, %mul3A_64 : i32
      %add3A_72 = arith.addi %add3A, %mul3A_71 : i32
      %add3A_73 = arith.constant 2 : i32
      %add3A_74 = arith.addi %mul3A_64, %add3A_73 : i32
      %mul3A_75 = arith.constant 32 : i32
      %mul3A_76 = arith.muli %mul3A_75, %add3A_74 : i32
      %add3A_77 = arith.addi %add3A, %mul3A_76 : i32
      %lt3A = arith.constant 2500 : i32
      %lt3A_78 = arith.cmpi slt, %add3A_69, %lt3A : i32
      %convert_element_type3A = arith.extui %lt3A_78 : i1 to i32
      %cond3A = arith.constant 0 : i32
      %cond3A_79 = arith.cmpi ne, %convert_element_type3A, %cond3A : i32
      scf.if %cond3A_79 {
        "tpu.region"() ({
          %run_scoped3A = tpu.sem_alloc : memref<!tpu.dma_semaphore, #tpu.memory_space<semaphore_mem>>
          %dma_start3A_103 = arith.constant 0 : i32
          %dma_start3A_104 = arith.constant 0 : i32
          %dma_start3A_105 = tpu.memref_slice %arg3[%add3A_69, %dma_start3A_103, %dma_start3A_104] : memref<2500x2x128xi32, #tpu.memory_space<hbm>> -> memref<1x2x128xi32, #tpu.memory_space<hbm>>
          %dma_start3A_106 = tpu.memref_squeeze %dma_start3A_105 : memref<1x2x128xi32, #tpu.memory_space<hbm>> -> memref<2x128xi32, #tpu.memory_space<hbm>>
          %dma_start3A_107 = arith.constant 0 : i32
          %dma_start3A_108 = arith.constant 0 : i32
          %dma_start3A_109 = tpu.memref_slice %arg3[%add3A_69, %dma_start3A_107, %dma_start3A_108] : memref<2500x2x128xi32, #tpu.memory_space<hbm>> -> memref<1x2x128xi32, #tpu.memory_space<hbm>>
          %dma_start3A_110 = tpu.memref_squeeze %dma_start3A_109 : memref<1x2x128xi32, #tpu.memory_space<hbm>> -> memref<2x128xi32, #tpu.memory_space<hbm>>
          tpu.enqueue_dma source(%dma_start3A_110 : memref<2x128xi32, #tpu.memory_space<hbm>>) target(%arg7 : memref<2x128xi32, #tpu.memory_space<vmem>>) target_semaphore(%run_scoped3A : memref<!tpu.dma_semaphore, #tpu.memory_space<semaphore_mem>>)
          %dma_wait3A = arith.constant 0 : i32
          %dma_wait3A_111 = arith.constant 0 : i32
          %dma_wait3A_112 = tpu.memref_slice %arg3[%add3A_69, %dma_wait3A, %dma_wait3A_111] : memref<2500x2x128xi32, #tpu.memory_space<hbm>> -> memref<1x2x128xi32, #tpu.memory_space<hbm>>
          %dma_wait3A_113 = tpu.memref_squeeze %dma_wait3A_112 : memref<1x2x128xi32, #tpu.memory_space<hbm>> -> memref<2x128xi32, #tpu.memory_space<hbm>>
          %dma_wait3A_114 = arith.constant 0 : i32
          %dma_wait3A_115 = arith.constant 0 : i32
          %dma_wait3A_116 = tpu.memref_slice %arg3[%add3A_69, %dma_wait3A_114, %dma_wait3A_115] : memref<2500x2x128xi32, #tpu.memory_space<hbm>> -> memref<1x2x128xi32, #tpu.memory_space<hbm>>
          %dma_wait3A_117 = tpu.memref_squeeze %dma_wait3A_116 : memref<1x2x128xi32, #tpu.memory_space<hbm>> -> memref<2x128xi32, #tpu.memory_space<hbm>>
          tpu.wait_dma2 semaphore(%run_scoped3A : memref<!tpu.dma_semaphore, #tpu.memory_space<semaphore_mem>>) src(%dma_wait3A_117 : memref<2x128xi32, #tpu.memory_space<hbm>>) dst(%arg7 : memref<2x128xi32, #tpu.memory_space<vmem>>)
          tpu.yield
        }) : () -> ()
        %dma_start3A_96 = arith.constant 0 : i32
        %dma_start3A_97 = arith.constant 0 : i32
        %dma_start3A_98 = tpu.memref_slice %arg7[%dma_start3A_96, %dma_start3A_97] : memref<2x128xi32, #tpu.memory_space<vmem>> -> memref<1x128xi32, #tpu.memory_space<vmem>>
        %dma_start3A_99 = tpu.memref_squeeze %dma_start3A_98 : memref<1x128xi32, #tpu.memory_space<vmem>> -> memref<128xi32, #tpu.memory_space<vmem>>
        %dma_start3A_100 = arith.constant 0 : i32
        %dma_start3A_101 = arith.constant 0 : i32
        %dma_start3A_102 = tpu.memref_slice %arg2[%dma_start3A_100, %dma_start3A_101] : memref<10000x128xf32, #tpu.memory_space<hbm>> -> memref<10000x128xf32, #tpu.memory_space<hbm>>
        tpu.enqueue_indirect_dma source(%dma_start3A_102 : memref<10000x128xf32, #tpu.memory_space<hbm>>) target(%arg9 : memref<128x128xf32, #tpu.memory_space<vmem>>) offsets(%dma_start3A_99 : memref<128xi32, #tpu.memory_space<vmem>>) semaphore(%arg11 : memref<!tpu.dma_semaphore, #tpu.memory_space<semaphore_mem>>)
      } else {
      }
      %lt3A_80 = arith.constant 2500 : i32
      %lt3A_81 = arith.cmpi slt, %add3A_72, %lt3A_80 : i32
      %convert_element_type3A_82 = arith.extui %lt3A_81 : i1 to i32
      %cond3A_83 = arith.constant 0 : i32
      %cond3A_84 = arith.cmpi ne, %convert_element_type3A_82, %cond3A_83 : i32
      scf.if %cond3A_84 {
        %dma_wait3A = arith.constant 0 : i32
        %dma_wait3A_96 = arith.constant 0 : i32
        %dma_wait3A_97 = tpu.memref_slice %arg6[%dma_wait3A, %dma_wait3A_96] : memref<2x128xi32, #tpu.memory_space<vmem>> -> memref<1x128xi32, #tpu.memory_space<vmem>>
        %dma_wait3A_98 = tpu.memref_squeeze %dma_wait3A_97 : memref<1x128xi32, #tpu.memory_space<vmem>> -> memref<128xi32, #tpu.memory_space<vmem>>
        %dma_wait3A_99 = arith.constant 0 : i32
        %dma_wait3A_100 = arith.constant 0 : i32
        %dma_wait3A_101 = tpu.memref_slice %arg2[%dma_wait3A_99, %dma_wait3A_100] : memref<10000x128xf32, #tpu.memory_space<hbm>> -> memref<10000x128xf32, #tpu.memory_space<hbm>>
        tpu.wait_indirect_dma semaphore(%arg10 : memref<!tpu.dma_semaphore, #tpu.memory_space<semaphore_mem>>) src(%dma_wait3A_101 : memref<10000x128xf32, #tpu.memory_space<hbm>>) dst(%arg8 : memref<128x128xf32, #tpu.memory_space<vmem>>)
        %run_scoped3A = arith.constant 1 : i32
        "tpu.region"() ({
          %run_scoped3A_102 = tpu.sem_alloc : memref<!tpu.dma_semaphore, #tpu.memory_space<semaphore_mem>>
          %dma_start3A_103 = arith.constant 0 : i32
          %dma_start3A_104 = tpu.memref_slice %arg6[%run_scoped3A, %dma_start3A_103] : memref<2x128xi32, #tpu.memory_space<vmem>> -> memref<1x128xi32, #tpu.memory_space<vmem>>
          %dma_start3A_105 = tpu.memref_squeeze %dma_start3A_104 : memref<1x128xi32, #tpu.memory_space<vmem>> -> memref<128xi32, #tpu.memory_space<vmem>>
          %dma_start3A_106 = arith.constant 0 : i32
          %dma_start3A_107 = arith.constant 0 : i32
          %dma_start3A_108 = tpu.memref_slice %arg5[%dma_start3A_106, %dma_start3A_107] : memref<10240x128xf32, #tpu.memory_space<vmem_shared>> -> memref<10240x128xf32, #tpu.memory_space<vmem_shared>>
          tpu.enqueue_indirect_dma source(%arg8 : memref<128x128xf32, #tpu.memory_space<vmem>>) target(%dma_start3A_108 : memref<10240x128xf32, #tpu.memory_space<vmem_shared>>) offsets(%dma_start3A_105 : memref<128xi32, #tpu.memory_space<vmem>>) semaphore(%run_scoped3A_102 : memref<!tpu.dma_semaphore, #tpu.memory_space<semaphore_mem>>) {add = true}
          %dma_wait3A_109 = arith.constant 0 : i32
          %dma_wait3A_110 = tpu.memref_slice %arg6[%run_scoped3A, %dma_wait3A_109] : memref<2x128xi32, #tpu.memory_space<vmem>> -> memref<1x128xi32, #tpu.memory_space<vmem>>
          %dma_wait3A_111 = tpu.memref_squeeze %dma_wait3A_110 : memref<1x128xi32, #tpu.memory_space<vmem>> -> memref<128xi32, #tpu.memory_space<vmem>>
          %dma_wait3A_112 = arith.constant 0 : i32
          %dma_wait3A_113 = arith.constant 0 : i32
          %dma_wait3A_114 = tpu.memref_slice %arg5[%dma_wait3A_112, %dma_wait3A_113] : memref<10240x128xf32, #tpu.memory_space<vmem_shared>> -> memref<10240x128xf32, #tpu.memory_space<vmem_shared>>
          tpu.wait_indirect_dma semaphore(%run_scoped3A_102 : memref<!tpu.dma_semaphore, #tpu.memory_space<semaphore_mem>>) src(%arg8 : memref<128x128xf32, #tpu.memory_space<vmem>>) dst(%dma_wait3A_114 : memref<10240x128xf32, #tpu.memory_space<vmem_shared>>)
          tpu.yield
        }) : () -> ()
      } else {
      }
      %lt3A_85 = arith.constant 2500 : i32
      %lt3A_86 = arith.cmpi slt, %add3A_77, %lt3A_85 : i32
      %convert_element_type3A_87 = arith.extui %lt3A_86 : i1 to i32
      %cond3A_88 = arith.constant 0 : i32
      %cond3A_89 = arith.cmpi ne, %convert_element_type3A_87, %cond3A_88 : i32
      scf.if %cond3A_89 {
        "tpu.region"() ({
          %run_scoped3A = tpu.sem_alloc : memref<!tpu.dma_semaphore, #tpu.memory_space<semaphore_mem>>
          %dma_start3A_103 = arith.constant 0 : i32
          %dma_start3A_104 = arith.constant 0 : i32
          %dma_start3A_105 = tpu.memref_slice %arg3[%add3A_77, %dma_start3A_103, %dma_start3A_104] : memref<2500x2x128xi32, #tpu.memory_space<hbm>> -> memref<1x2x128xi32, #tpu.memory_space<hbm>>
          %dma_start3A_106 = tpu.memref_squeeze %dma_start3A_105 : memref<1x2x128xi32, #tpu.memory_space<hbm>> -> memref<2x128xi32, #tpu.memory_space<hbm>>
          %dma_start3A_107 = arith.constant 0 : i32
          %dma_start3A_108 = arith.constant 0 : i32
          %dma_start3A_109 = tpu.memref_slice %arg3[%add3A_77, %dma_start3A_107, %dma_start3A_108] : memref<2500x2x128xi32, #tpu.memory_space<hbm>> -> memref<1x2x128xi32, #tpu.memory_space<hbm>>
          %dma_start3A_110 = tpu.memref_squeeze %dma_start3A_109 : memref<1x2x128xi32, #tpu.memory_space<hbm>> -> memref<2x128xi32, #tpu.memory_space<hbm>>
          tpu.enqueue_dma source(%dma_start3A_110 : memref<2x128xi32, #tpu.memory_space<hbm>>) target(%arg6 : memref<2x128xi32, #tpu.memory_space<vmem>>) target_semaphore(%run_scoped3A : memref<!tpu.dma_semaphore, #tpu.memory_space<semaphore_mem>>)
          %dma_wait3A = arith.constant 0 : i32
          %dma_wait3A_111 = arith.constant 0 : i32
          %dma_wait3A_112 = tpu.memref_slice %arg3[%add3A_77, %dma_wait3A, %dma_wait3A_111] : memref<2500x2x128xi32, #tpu.memory_space<hbm>> -> memref<1x2x128xi32, #tpu.memory_space<hbm>>
          %dma_wait3A_113 = tpu.memref_squeeze %dma_wait3A_112 : memref<1x2x128xi32, #tpu.memory_space<hbm>> -> memref<2x128xi32, #tpu.memory_space<hbm>>
          %dma_wait3A_114 = arith.constant 0 : i32
          %dma_wait3A_115 = arith.constant 0 : i32
          %dma_wait3A_116 = tpu.memref_slice %arg3[%add3A_77, %dma_wait3A_114, %dma_wait3A_115] : memref<2500x2x128xi32, #tpu.memory_space<hbm>> -> memref<1x2x128xi32, #tpu.memory_space<hbm>>
          %dma_wait3A_117 = tpu.memref_squeeze %dma_wait3A_116 : memref<1x2x128xi32, #tpu.memory_space<hbm>> -> memref<2x128xi32, #tpu.memory_space<hbm>>
          tpu.wait_dma2 semaphore(%run_scoped3A : memref<!tpu.dma_semaphore, #tpu.memory_space<semaphore_mem>>) src(%dma_wait3A_117 : memref<2x128xi32, #tpu.memory_space<hbm>>) dst(%arg6 : memref<2x128xi32, #tpu.memory_space<vmem>>)
          tpu.yield
        }) : () -> ()
        %dma_start3A_96 = arith.constant 0 : i32
        %dma_start3A_97 = arith.constant 0 : i32
        %dma_start3A_98 = tpu.memref_slice %arg6[%dma_start3A_96, %dma_start3A_97] : memref<2x128xi32, #tpu.memory_space<vmem>> -> memref<1x128xi32, #tpu.memory_space<vmem>>
        %dma_start3A_99 = tpu.memref_squeeze %dma_start3A_98 : memref<1x128xi32, #tpu.memory_space<vmem>> -> memref<128xi32, #tpu.memory_space<vmem>>
        %dma_start3A_100 = arith.constant 0 : i32
        %dma_start3A_101 = arith.constant 0 : i32
        %dma_start3A_102 = tpu.memref_slice %arg2[%dma_start3A_100, %dma_start3A_101] : memref<10000x128xf32, #tpu.memory_space<hbm>> -> memref<10000x128xf32, #tpu.memory_space<hbm>>
        tpu.enqueue_indirect_dma source(%dma_start3A_102 : memref<10000x128xf32, #tpu.memory_space<hbm>>) target(%arg8 : memref<128x128xf32, #tpu.memory_space<vmem>>) offsets(%dma_start3A_99 : memref<128xi32, #tpu.memory_space<vmem>>) semaphore(%arg10 : memref<!tpu.dma_semaphore, #tpu.memory_space<semaphore_mem>>)
      } else {
      }
      %lt3A_90 = arith.constant 2500 : i32
      %lt3A_91 = arith.cmpi slt, %add3A_69, %lt3A_90 : i32
      %convert_element_type3A_92 = arith.extui %lt3A_91 : i1 to i32
      %cond3A_93 = arith.constant 0 : i32
      %cond3A_94 = arith.cmpi ne, %convert_element_type3A_92, %cond3A_93 : i32
      scf.if %cond3A_94 {
        %dma_wait3A = arith.constant 0 : i32
        %dma_wait3A_96 = arith.constant 0 : i32
        %dma_wait3A_97 = tpu.memref_slice %arg7[%dma_wait3A, %dma_wait3A_96] : memref<2x128xi32, #tpu.memory_space<vmem>> -> memref<1x128xi32, #tpu.memory_space<vmem>>
        %dma_wait3A_98 = tpu.memref_squeeze %dma_wait3A_97 : memref<1x128xi32, #tpu.memory_space<vmem>> -> memref<128xi32, #tpu.memory_space<vmem>>
        %dma_wait3A_99 = arith.constant 0 : i32
        %dma_wait3A_100 = arith.constant 0 : i32
        %dma_wait3A_101 = tpu.memref_slice %arg2[%dma_wait3A_99, %dma_wait3A_100] : memref<10000x128xf32, #tpu.memory_space<hbm>> -> memref<10000x128xf32, #tpu.memory_space<hbm>>
        tpu.wait_indirect_dma semaphore(%arg11 : memref<!tpu.dma_semaphore, #tpu.memory_space<semaphore_mem>>) src(%dma_wait3A_101 : memref<10000x128xf32, #tpu.memory_space<hbm>>) dst(%arg9 : memref<128x128xf32, #tpu.memory_space<vmem>>)
        %run_scoped3A = arith.constant 1 : i32
        "tpu.region"() ({
          %run_scoped3A_102 = tpu.sem_alloc : memref<!tpu.dma_semaphore, #tpu.memory_space<semaphore_mem>>
          %dma_start3A_103 = arith.constant 0 : i32
          %dma_start3A_104 = tpu.memref_slice %arg7[%run_scoped3A, %dma_start3A_103] : memref<2x128xi32, #tpu.memory_space<vmem>> -> memref<1x128xi32, #tpu.memory_space<vmem>>
          %dma_start3A_105 = tpu.memref_squeeze %dma_start3A_104 : memref<1x128xi32, #tpu.memory_space<vmem>> -> memref<128xi32, #tpu.memory_space<vmem>>
          %dma_start3A_106 = arith.constant 0 : i32
          %dma_start3A_107 = arith.constant 0 : i32
          %dma_start3A_108 = tpu.memref_slice %arg5[%dma_start3A_106, %dma_start3A_107] : memref<10240x128xf32, #tpu.memory_space<vmem_shared>> -> memref<10240x128xf32, #tpu.memory_space<vmem_shared>>
          tpu.enqueue_indirect_dma source(%arg9 : memref<128x128xf32, #tpu.memory_space<vmem>>) target(%dma_start3A_108 : memref<10240x128xf32, #tpu.memory_space<vmem_shared>>) offsets(%dma_start3A_105 : memref<128xi32, #tpu.memory_space<vmem>>) semaphore(%run_scoped3A_102 : memref<!tpu.dma_semaphore, #tpu.memory_space<semaphore_mem>>) {add = true}
          %dma_wait3A_109 = arith.constant 0 : i32
          %dma_wait3A_110 = tpu.memref_slice %arg7[%run_scoped3A, %dma_wait3A_109] : memref<2x128xi32, #tpu.memory_space<vmem>> -> memref<1x128xi32, #tpu.memory_space<vmem>>
          %dma_wait3A_111 = tpu.memref_squeeze %dma_wait3A_110 : memref<1x128xi32, #tpu.memory_space<vmem>> -> memref<128xi32, #tpu.memory_space<vmem>>
          %dma_wait3A_112 = arith.constant 0 : i32
          %dma_wait3A_113 = arith.constant 0 : i32
          %dma_wait3A_114 = tpu.memref_slice %arg5[%dma_wait3A_112, %dma_wait3A_113] : memref<10240x128xf32, #tpu.memory_space<vmem_shared>> -> memref<10240x128xf32, #tpu.memory_space<vmem_shared>>
          tpu.wait_indirect_dma semaphore(%run_scoped3A_102 : memref<!tpu.dma_semaphore, #tpu.memory_space<semaphore_mem>>) src(%arg9 : memref<128x128xf32, #tpu.memory_space<vmem>>) dst(%dma_wait3A_114 : memref<10240x128xf32, #tpu.memory_space<vmem_shared>>)
          tpu.yield
        }) : () -> ()
      } else {
      }
      %scan3A_95 = arith.constant 0 : i32
      scf.yield %scan3A_95 : i32
    }
    %scan3A_39 = arith.constant 40 : i32
    %barrier3A_40 = arith.constant 0 : index
    tpu.barrier barrier_id(%barrier3A_40)
    %mul3A_41 = arith.constant 640 : i32
    %mul3A_42 = arith.muli %arg1, %mul3A_41 : i32
    %add3A_43 = arith.constant 0 : i32
    %add3A_44 = arith.addi %mul3A_42, %add3A_43 : i32
    "tpu.region"() ({
      %run_scoped3A = tpu.sem_alloc : memref<!tpu.dma_semaphore, #tpu.memory_space<semaphore_mem>>
      %dma_start3A_61 = arith.constant 0 : i32
      %dma_start3A_62 = tpu.memref_slice %arg5[%add3A_44, %dma_start3A_61] : memref<10240x128xf32, #tpu.memory_space<vmem_shared>> -> memref<128x128xf32, #tpu.memory_space<vmem_shared>>
      %dma_start3A_63 = arith.constant 0 : i32
      %dma_start3A_64 = tpu.memref_slice %arg5[%add3A_44, %dma_start3A_63] : memref<10240x128xf32, #tpu.memory_space<vmem_shared>> -> memref<128x128xf32, #tpu.memory_space<vmem_shared>>
      tpu.enqueue_dma source(%dma_start3A_64 : memref<128x128xf32, #tpu.memory_space<vmem_shared>>) target(%arg8 : memref<128x128xf32, #tpu.memory_space<vmem>>) target_semaphore(%run_scoped3A : memref<!tpu.dma_semaphore, #tpu.memory_space<semaphore_mem>>)
      %dma_wait3A = arith.constant 0 : i32
      %dma_wait3A_65 = tpu.memref_slice %arg5[%add3A_44, %dma_wait3A] : memref<10240x128xf32, #tpu.memory_space<vmem_shared>> -> memref<128x128xf32, #tpu.memory_space<vmem_shared>>
      %dma_wait3A_66 = arith.constant 0 : i32
      %dma_wait3A_67 = tpu.memref_slice %arg5[%add3A_44, %dma_wait3A_66] : memref<10240x128xf32, #tpu.memory_space<vmem_shared>> -> memref<128x128xf32, #tpu.memory_space<vmem_shared>>
      tpu.wait_dma2 semaphore(%run_scoped3A : memref<!tpu.dma_semaphore, #tpu.memory_space<semaphore_mem>>) src(%dma_wait3A_67 : memref<128x128xf32, #tpu.memory_space<vmem_shared>>) dst(%arg8 : memref<128x128xf32, #tpu.memory_space<vmem>>)
      tpu.yield
    }) : () -> ()
    "tpu.region"() ({
      %run_scoped3A = tpu.sem_alloc : memref<!tpu.dma_semaphore, #tpu.memory_space<semaphore_mem>>
      %dma_start3A_61 = arith.constant 0 : i32
      %dma_start3A_62 = tpu.memref_slice %arg4[%arg0, %add3A_44, %dma_start3A_61] : memref<2x10240x128xf32, #tpu.memory_space<hbm>> -> memref<1x128x128xf32, #tpu.memory_space<hbm>>
      %dma_start3A_63 = tpu.memref_squeeze %dma_start3A_62 : memref<1x128x128xf32, #tpu.memory_space<hbm>> -> memref<128x128xf32, #tpu.memory_space<hbm>>
      %dma_start3A_64 = arith.constant 0 : i32
      %dma_start3A_65 = tpu.memref_slice %arg4[%arg0, %add3A_44, %dma_start3A_64] : memref<2x10240x128xf32, #tpu.memory_space<hbm>> -> memref<1x128x128xf32, #tpu.memory_space<hbm>>
      %dma_start3A_66 = tpu.memref_squeeze %dma_start3A_65 : memref<1x128x128xf32, #tpu.memory_space<hbm>> -> memref<128x128xf32, #tpu.memory_space<hbm>>
      tpu.enqueue_dma source(%arg8 : memref<128x128xf32, #tpu.memory_space<vmem>>) target(%dma_start3A_66 : memref<128x128xf32, #tpu.memory_space<hbm>>) target_semaphore(%run_scoped3A : memref<!tpu.dma_semaphore, #tpu.memory_space<semaphore_mem>>)
      %dma_wait3A = arith.constant 0 : i32
      %dma_wait3A_67 = tpu.memref_slice %arg4[%arg0, %add3A_44, %dma_wait3A] : memref<2x10240x128xf32, #tpu.memory_space<hbm>> -> memref<1x128x128xf32, #tpu.memory_space<hbm>>
      %dma_wait3A_68 = tpu.memref_squeeze %dma_wait3A_67 : memref<1x128x128xf32, #tpu.memory_space<hbm>> -> memref<128x128xf32, #tpu.memory_space<hbm>>
      %dma_wait3A_69 = arith.constant 0 : i32
      %dma_wait3A_70 = tpu.memref_slice %arg4[%arg0, %add3A_44, %dma_wait3A_69] : memref<2x10240x128xf32, #tpu.memory_space<hbm>> -> memref<1x128x128xf32, #tpu.memory_space<hbm>>
      %dma_wait3A_71 = tpu.memref_squeeze %dma_wait3A_70 : memref<1x128x128xf32, #tpu.memory_space<hbm>> -> memref<128x128xf32, #tpu.memory_space<hbm>>
      tpu.wait_dma2 semaphore(%run_scoped3A : memref<!tpu.dma_semaphore, #tpu.memory_space<semaphore_mem>>) src(%arg8 : memref<128x128xf32, #tpu.memory_space<vmem>>) dst(%dma_wait3A_71 : memref<128x128xf32, #tpu.memory_space<hbm>>)
      tpu.yield
    }) : () -> ()
    %mul3A_45 = arith.constant 640 : i32
    %mul3A_46 = arith.muli %arg1, %mul3A_45 : i32
    %add3A_47 = arith.constant 128 : i32
    %add3A_48 = arith.addi %mul3A_46, %add3A_47 : i32
    "tpu.region"() ({
      %run_scoped3A = tpu.sem_alloc : memref<!tpu.dma_semaphore, #tpu.memory_space<semaphore_mem>>
      %dma_start3A_61 = arith.constant 0 : i32
      %dma_start3A_62 = tpu.memref_slice %arg5[%add3A_48, %dma_start3A_61] : memref<10240x128xf32, #tpu.memory_space<vmem_shared>> -> memref<128x128xf32, #tpu.memory_space<vmem_shared>>
      %dma_start3A_63 = arith.constant 0 : i32
      %dma_start3A_64 = tpu.memref_slice %arg5[%add3A_48, %dma_start3A_63] : memref<10240x128xf32, #tpu.memory_space<vmem_shared>> -> memref<128x128xf32, #tpu.memory_space<vmem_shared>>
      tpu.enqueue_dma source(%dma_start3A_64 : memref<128x128xf32, #tpu.memory_space<vmem_shared>>) target(%arg8 : memref<128x128xf32, #tpu.memory_space<vmem>>) target_semaphore(%run_scoped3A : memref<!tpu.dma_semaphore, #tpu.memory_space<semaphore_mem>>)
      %dma_wait3A = arith.constant 0 : i32
      %dma_wait3A_65 = tpu.memref_slice %arg5[%add3A_48, %dma_wait3A] : memref<10240x128xf32, #tpu.memory_space<vmem_shared>> -> memref<128x128xf32, #tpu.memory_space<vmem_shared>>
      %dma_wait3A_66 = arith.constant 0 : i32
      %dma_wait3A_67 = tpu.memref_slice %arg5[%add3A_48, %dma_wait3A_66] : memref<10240x128xf32, #tpu.memory_space<vmem_shared>> -> memref<128x128xf32, #tpu.memory_space<vmem_shared>>
      tpu.wait_dma2 semaphore(%run_scoped3A : memref<!tpu.dma_semaphore, #tpu.memory_space<semaphore_mem>>) src(%dma_wait3A_67 : memref<128x128xf32, #tpu.memory_space<vmem_shared>>) dst(%arg8 : memref<128x128xf32, #tpu.memory_space<vmem>>)
      tpu.yield
    }) : () -> ()
    "tpu.region"() ({
      %run_scoped3A = tpu.sem_alloc : memref<!tpu.dma_semaphore, #tpu.memory_space<semaphore_mem>>
      %dma_start3A_61 = arith.constant 0 : i32
      %dma_start3A_62 = tpu.memref_slice %arg4[%arg0, %add3A_48, %dma_start3A_61] : memref<2x10240x128xf32, #tpu.memory_space<hbm>> -> memref<1x128x128xf32, #tpu.memory_space<hbm>>
      %dma_start3A_63 = tpu.memref_squeeze %dma_start3A_62 : memref<1x128x128xf32, #tpu.memory_space<hbm>> -> memref<128x128xf32, #tpu.memory_space<hbm>>
      %dma_start3A_64 = arith.constant 0 : i32
      %dma_start3A_65 = tpu.memref_slice %arg4[%arg0, %add3A_48, %dma_start3A_64] : memref<2x10240x128xf32, #tpu.memory_space<hbm>> -> memref<1x128x128xf32, #tpu.memory_space<hbm>>
      %dma_start3A_66 = tpu.memref_squeeze %dma_start3A_65 : memref<1x128x128xf32, #tpu.memory_space<hbm>> -> memref<128x128xf32, #tpu.memory_space<hbm>>
      tpu.enqueue_dma source(%arg8 : memref<128x128xf32, #tpu.memory_space<vmem>>) target(%dma_start3A_66 : memref<128x128xf32, #tpu.memory_space<hbm>>) target_semaphore(%run_scoped3A : memref<!tpu.dma_semaphore, #tpu.memory_space<semaphore_mem>>)
      %dma_wait3A = arith.constant 0 : i32
      %dma_wait3A_67 = tpu.memref_slice %arg4[%arg0, %add3A_48, %dma_wait3A] : memref<2x10240x128xf32, #tpu.memory_space<hbm>> -> memref<1x128x128xf32, #tpu.memory_space<hbm>>
      %dma_wait3A_68 = tpu.memref_squeeze %dma_wait3A_67 : memref<1x128x128xf32, #tpu.memory_space<hbm>> -> memref<128x128xf32, #tpu.memory_space<hbm>>
      %dma_wait3A_69 = arith.constant 0 : i32
      %dma_wait3A_70 = tpu.memref_slice %arg4[%arg0, %add3A_48, %dma_wait3A_69] : memref<2x10240x128xf32, #tpu.memory_space<hbm>> -> memref<1x128x128xf32, #tpu.memory_space<hbm>>
      %dma_wait3A_71 = tpu.memref_squeeze %dma_wait3A_70 : memref<1x128x128xf32, #tpu.memory_space<hbm>> -> memref<128x128xf32, #tpu.memory_space<hbm>>
      tpu.wait_dma2 semaphore(%run_scoped3A : memref<!tpu.dma_semaphore, #tpu.memory_space<semaphore_mem>>) src(%arg8 : memref<128x128xf32, #tpu.memory_space<vmem>>) dst(%dma_wait3A_71 : memref<128x128xf32, #tpu.memory_space<hbm>>)
      tpu.yield
    }) : () -> ()
    %mul3A_49 = arith.constant 640 : i32
    %mul3A_50 = arith.muli %arg1, %mul3A_49 : i32
    %add3A_51 = arith.constant 256 : i32
    %add3A_52 = arith.addi %mul3A_50, %add3A_51 : i32
    "tpu.region"() ({
      %run_scoped3A = tpu.sem_alloc : memref<!tpu.dma_semaphore, #tpu.memory_space<semaphore_mem>>
      %dma_start3A_61 = arith.constant 0 : i32
      %dma_start3A_62 = tpu.memref_slice %arg5[%add3A_52, %dma_start3A_61] : memref<10240x128xf32, #tpu.memory_space<vmem_shared>> -> memref<128x128xf32, #tpu.memory_space<vmem_shared>>
      %dma_start3A_63 = arith.constant 0 : i32
      %dma_start3A_64 = tpu.memref_slice %arg5[%add3A_52, %dma_start3A_63] : memref<10240x128xf32, #tpu.memory_space<vmem_shared>> -> memref<128x128xf32, #tpu.memory_space<vmem_shared>>
      tpu.enqueue_dma source(%dma_start3A_64 : memref<128x128xf32, #tpu.memory_space<vmem_shared>>) target(%arg8 : memref<128x128xf32, #tpu.memory_space<vmem>>) target_semaphore(%run_scoped3A : memref<!tpu.dma_semaphore, #tpu.memory_space<semaphore_mem>>)
      %dma_wait3A = arith.constant 0 : i32
      %dma_wait3A_65 = tpu.memref_slice %arg5[%add3A_52, %dma_wait3A] : memref<10240x128xf32, #tpu.memory_space<vmem_shared>> -> memref<128x128xf32, #tpu.memory_space<vmem_shared>>
      %dma_wait3A_66 = arith.constant 0 : i32
      %dma_wait3A_67 = tpu.memref_slice %arg5[%add3A_52, %dma_wait3A_66] : memref<10240x128xf32, #tpu.memory_space<vmem_shared>> -> memref<128x128xf32, #tpu.memory_space<vmem_shared>>
      tpu.wait_dma2 semaphore(%run_scoped3A : memref<!tpu.dma_semaphore, #tpu.memory_space<semaphore_mem>>) src(%dma_wait3A_67 : memref<128x128xf32, #tpu.memory_space<vmem_shared>>) dst(%arg8 : memref<128x128xf32, #tpu.memory_space<vmem>>)
      tpu.yield
    }) : () -> ()
    "tpu.region"() ({
      %run_scoped3A = tpu.sem_alloc : memref<!tpu.dma_semaphore, #tpu.memory_space<semaphore_mem>>
      %dma_start3A_61 = arith.constant 0 : i32
      %dma_start3A_62 = tpu.memref_slice %arg4[%arg0, %add3A_52, %dma_start3A_61] : memref<2x10240x128xf32, #tpu.memory_space<hbm>> -> memref<1x128x128xf32, #tpu.memory_space<hbm>>
      %dma_start3A_63 = tpu.memref_squeeze %dma_start3A_62 : memref<1x128x128xf32, #tpu.memory_space<hbm>> -> memref<128x128xf32, #tpu.memory_space<hbm>>
      %dma_start3A_64 = arith.constant 0 : i32
      %dma_start3A_65 = tpu.memref_slice %arg4[%arg0, %add3A_52, %dma_start3A_64] : memref<2x10240x128xf32, #tpu.memory_space<hbm>> -> memref<1x128x128xf32, #tpu.memory_space<hbm>>
      %dma_start3A_66 = tpu.memref_squeeze %dma_start3A_65 : memref<1x128x128xf32, #tpu.memory_space<hbm>> -> memref<128x128xf32, #tpu.memory_space<hbm>>
      tpu.enqueue_dma source(%arg8 : memref<128x128xf32, #tpu.memory_space<vmem>>) target(%dma_start3A_66 : memref<128x128xf32, #tpu.memory_space<hbm>>) target_semaphore(%run_scoped3A : memref<!tpu.dma_semaphore, #tpu.memory_space<semaphore_mem>>)
      %dma_wait3A = arith.constant 0 : i32
      %dma_wait3A_67 = tpu.memref_slice %arg4[%arg0, %add3A_52, %dma_wait3A] : memref<2x10240x128xf32, #tpu.memory_space<hbm>> -> memref<1x128x128xf32, #tpu.memory_space<hbm>>
      %dma_wait3A_68 = tpu.memref_squeeze %dma_wait3A_67 : memref<1x128x128xf32, #tpu.memory_space<hbm>> -> memref<128x128xf32, #tpu.memory_space<hbm>>
      %dma_wait3A_69 = arith.constant 0 : i32
      %dma_wait3A_70 = tpu.memref_slice %arg4[%arg0, %add3A_52, %dma_wait3A_69] : memref<2x10240x128xf32, #tpu.memory_space<hbm>> -> memref<1x128x128xf32, #tpu.memory_space<hbm>>
      %dma_wait3A_71 = tpu.memref_squeeze %dma_wait3A_70 : memref<1x128x128xf32, #tpu.memory_space<hbm>> -> memref<128x128xf32, #tpu.memory_space<hbm>>
      tpu.wait_dma2 semaphore(%run_scoped3A : memref<!tpu.dma_semaphore, #tpu.memory_space<semaphore_mem>>) src(%arg8 : memref<128x128xf32, #tpu.memory_space<vmem>>) dst(%dma_wait3A_71 : memref<128x128xf32, #tpu.memory_space<hbm>>)
      tpu.yield
    }) : () -> ()
    %mul3A_53 = arith.constant 640 : i32
    %mul3A_54 = arith.muli %arg1, %mul3A_53 : i32
    %add3A_55 = arith.constant 384 : i32
    %add3A_56 = arith.addi %mul3A_54, %add3A_55 : i32
    "tpu.region"() ({
      %run_scoped3A = tpu.sem_alloc : memref<!tpu.dma_semaphore, #tpu.memory_space<semaphore_mem>>
      %dma_start3A_61 = arith.constant 0 : i32
      %dma_start3A_62 = tpu.memref_slice %arg5[%add3A_56, %dma_start3A_61] : memref<10240x128xf32, #tpu.memory_space<vmem_shared>> -> memref<128x128xf32, #tpu.memory_space<vmem_shared>>
      %dma_start3A_63 = arith.constant 0 : i32
      %dma_start3A_64 = tpu.memref_slice %arg5[%add3A_56, %dma_start3A_63] : memref<10240x128xf32, #tpu.memory_space<vmem_shared>> -> memref<128x128xf32, #tpu.memory_space<vmem_shared>>
      tpu.enqueue_dma source(%dma_start3A_64 : memref<128x128xf32, #tpu.memory_space<vmem_shared>>) target(%arg8 : memref<128x128xf32, #tpu.memory_space<vmem>>) target_semaphore(%run_scoped3A : memref<!tpu.dma_semaphore, #tpu.memory_space<semaphore_mem>>)
      %dma_wait3A = arith.constant 0 : i32
      %dma_wait3A_65 = tpu.memref_slice %arg5[%add3A_56, %dma_wait3A] : memref<10240x128xf32, #tpu.memory_space<vmem_shared>> -> memref<128x128xf32, #tpu.memory_space<vmem_shared>>
      %dma_wait3A_66 = arith.constant 0 : i32
      %dma_wait3A_67 = tpu.memref_slice %arg5[%add3A_56, %dma_wait3A_66] : memref<10240x128xf32, #tpu.memory_space<vmem_shared>> -> memref<128x128xf32, #tpu.memory_space<vmem_shared>>
      tpu.wait_dma2 semaphore(%run_scoped3A : memref<!tpu.dma_semaphore, #tpu.memory_space<semaphore_mem>>) src(%dma_wait3A_67 : memref<128x128xf32, #tpu.memory_space<vmem_shared>>) dst(%arg8 : memref<128x128xf32, #tpu.memory_space<vmem>>)
      tpu.yield
    }) : () -> ()
    "tpu.region"() ({
      %run_scoped3A = tpu.sem_alloc : memref<!tpu.dma_semaphore, #tpu.memory_space<semaphore_mem>>
      %dma_start3A_61 = arith.constant 0 : i32
      %dma_start3A_62 = tpu.memref_slice %arg4[%arg0, %add3A_56, %dma_start3A_61] : memref<2x10240x128xf32, #tpu.memory_space<hbm>> -> memref<1x128x128xf32, #tpu.memory_space<hbm>>
      %dma_start3A_63 = tpu.memref_squeeze %dma_start3A_62 : memref<1x128x128xf32, #tpu.memory_space<hbm>> -> memref<128x128xf32, #tpu.memory_space<hbm>>
      %dma_start3A_64 = arith.constant 0 : i32
      %dma_start3A_65 = tpu.memref_slice %arg4[%arg0, %add3A_56, %dma_start3A_64] : memref<2x10240x128xf32, #tpu.memory_space<hbm>> -> memref<1x128x128xf32, #tpu.memory_space<hbm>>
      %dma_start3A_66 = tpu.memref_squeeze %dma_start3A_65 : memref<1x128x128xf32, #tpu.memory_space<hbm>> -> memref<128x128xf32, #tpu.memory_space<hbm>>
      tpu.enqueue_dma source(%arg8 : memref<128x128xf32, #tpu.memory_space<vmem>>) target(%dma_start3A_66 : memref<128x128xf32, #tpu.memory_space<hbm>>) target_semaphore(%run_scoped3A : memref<!tpu.dma_semaphore, #tpu.memory_space<semaphore_mem>>)
      %dma_wait3A = arith.constant 0 : i32
      %dma_wait3A_67 = tpu.memref_slice %arg4[%arg0, %add3A_56, %dma_wait3A] : memref<2x10240x128xf32, #tpu.memory_space<hbm>> -> memref<1x128x128xf32, #tpu.memory_space<hbm>>
      %dma_wait3A_68 = tpu.memref_squeeze %dma_wait3A_67 : memref<1x128x128xf32, #tpu.memory_space<hbm>> -> memref<128x128xf32, #tpu.memory_space<hbm>>
      %dma_wait3A_69 = arith.constant 0 : i32
      %dma_wait3A_70 = tpu.memref_slice %arg4[%arg0, %add3A_56, %dma_wait3A_69] : memref<2x10240x128xf32, #tpu.memory_space<hbm>> -> memref<1x128x128xf32, #tpu.memory_space<hbm>>
      %dma_wait3A_71 = tpu.memref_squeeze %dma_wait3A_70 : memref<1x128x128xf32, #tpu.memory_space<hbm>> -> memref<128x128xf32, #tpu.memory_space<hbm>>
      tpu.wait_dma2 semaphore(%run_scoped3A : memref<!tpu.dma_semaphore, #tpu.memory_space<semaphore_mem>>) src(%arg8 : memref<128x128xf32, #tpu.memory_space<vmem>>) dst(%dma_wait3A_71 : memref<128x128xf32, #tpu.memory_space<hbm>>)
      tpu.yield
    }) : () -> ()
    %mul3A_57 = arith.constant 640 : i32
    %mul3A_58 = arith.muli %arg1, %mul3A_57 : i32
    %add3A_59 = arith.constant 512 : i32
    %add3A_60 = arith.addi %mul3A_58, %add3A_59 : i32
    "tpu.region"() ({
      %run_scoped3A = tpu.sem_alloc : memref<!tpu.dma_semaphore, #tpu.memory_space<semaphore_mem>>
      %dma_start3A_61 = arith.constant 0 : i32
      %dma_start3A_62 = tpu.memref_slice %arg5[%add3A_60, %dma_start3A_61] : memref<10240x128xf32, #tpu.memory_space<vmem_shared>> -> memref<128x128xf32, #tpu.memory_space<vmem_shared>>
      %dma_start3A_63 = arith.constant 0 : i32
      %dma_start3A_64 = tpu.memref_slice %arg5[%add3A_60, %dma_start3A_63] : memref<10240x128xf32, #tpu.memory_space<vmem_shared>> -> memref<128x128xf32, #tpu.memory_space<vmem_shared>>
      tpu.enqueue_dma source(%dma_start3A_64 : memref<128x128xf32, #tpu.memory_space<vmem_shared>>) target(%arg8 : memref<128x128xf32, #tpu.memory_space<vmem>>) target_semaphore(%run_scoped3A : memref<!tpu.dma_semaphore, #tpu.memory_space<semaphore_mem>>)
      %dma_wait3A = arith.constant 0 : i32
      %dma_wait3A_65 = tpu.memref_slice %arg5[%add3A_60, %dma_wait3A] : memref<10240x128xf32, #tpu.memory_space<vmem_shared>> -> memref<128x128xf32, #tpu.memory_space<vmem_shared>>
      %dma_wait3A_66 = arith.constant 0 : i32
      %dma_wait3A_67 = tpu.memref_slice %arg5[%add3A_60, %dma_wait3A_66] : memref<10240x128xf32, #tpu.memory_space<vmem_shared>> -> memref<128x128xf32, #tpu.memory_space<vmem_shared>>
      tpu.wait_dma2 semaphore(%run_scoped3A : memref<!tpu.dma_semaphore, #tpu.memory_space<semaphore_mem>>) src(%dma_wait3A_67 : memref<128x128xf32, #tpu.memory_space<vmem_shared>>) dst(%arg8 : memref<128x128xf32, #tpu.memory_space<vmem>>)
      tpu.yield
    }) : () -> ()
    "tpu.region"() ({
      %run_scoped3A = tpu.sem_alloc : memref<!tpu.dma_semaphore, #tpu.memory_space<semaphore_mem>>
      %dma_start3A_61 = arith.constant 0 : i32
      %dma_start3A_62 = tpu.memref_slice %arg4[%arg0, %add3A_60, %dma_start3A_61] : memref<2x10240x128xf32, #tpu.memory_space<hbm>> -> memref<1x128x128xf32, #tpu.memory_space<hbm>>
      %dma_start3A_63 = tpu.memref_squeeze %dma_start3A_62 : memref<1x128x128xf32, #tpu.memory_space<hbm>> -> memref<128x128xf32, #tpu.memory_space<hbm>>
      %dma_start3A_64 = arith.constant 0 : i32
      %dma_start3A_65 = tpu.memref_slice %arg4[%arg0, %add3A_60, %dma_start3A_64] : memref<2x10240x128xf32, #tpu.memory_space<hbm>> -> memref<1x128x128xf32, #tpu.memory_space<hbm>>
      %dma_start3A_66 = tpu.memref_squeeze %dma_start3A_65 : memref<1x128x128xf32, #tpu.memory_space<hbm>> -> memref<128x128xf32, #tpu.memory_space<hbm>>
      tpu.enqueue_dma source(%arg8 : memref<128x128xf32, #tpu.memory_space<vmem>>) target(%dma_start3A_66 : memref<128x128xf32, #tpu.memory_space<hbm>>) target_semaphore(%run_scoped3A : memref<!tpu.dma_semaphore, #tpu.memory_space<semaphore_mem>>)
      %dma_wait3A = arith.constant 0 : i32
      %dma_wait3A_67 = tpu.memref_slice %arg4[%arg0, %add3A_60, %dma_wait3A] : memref<2x10240x128xf32, #tpu.memory_space<hbm>> -> memref<1x128x128xf32, #tpu.memory_space<hbm>>
      %dma_wait3A_68 = tpu.memref_squeeze %dma_wait3A_67 : memref<1x128x128xf32, #tpu.memory_space<hbm>> -> memref<128x128xf32, #tpu.memory_space<hbm>>
      %dma_wait3A_69 = arith.constant 0 : i32
      %dma_wait3A_70 = tpu.memref_slice %arg4[%arg0, %add3A_60, %dma_wait3A_69] : memref<2x10240x128xf32, #tpu.memory_space<hbm>> -> memref<1x128x128xf32, #tpu.memory_space<hbm>>
      %dma_wait3A_71 = tpu.memref_squeeze %dma_wait3A_70 : memref<1x128x128xf32, #tpu.memory_space<hbm>> -> memref<128x128xf32, #tpu.memory_space<hbm>>
      tpu.wait_dma2 semaphore(%run_scoped3A : memref<!tpu.dma_semaphore, #tpu.memory_space<semaphore_mem>>) src(%arg8 : memref<128x128xf32, #tpu.memory_space<vmem>>) dst(%dma_wait3A_71 : memref<128x128xf32, #tpu.memory_space<hbm>>)
      tpu.yield
    }) : () -> ()
    return
  }
}

#map = affine_map<(d0, d1) -> (0, 0)>
#map1 = affine_map<(d0, d1) -> (0, 0, 0)>
module attributes {stable_mosaic.version = 14 : i64} {
  func.func @_sc_edge_accum(%arg0: i32, %arg1: i32, %arg2: memref<320000x128xf32, #tpu.memory_space<hbm>>, %arg3: memref<2500x2x128xi32, #tpu.memory_space<hbm>>, %arg4: memref<2x10240x128xf32, #tpu.memory_space<hbm>>, %arg5: memref<2x10240x128xf32, #tpu.memory_space<hbm>>, %arg6: memref<10240x128xf32, #tpu.memory_space<vmem_shared>>, %arg7: memref<2x128xi32, #tpu.memory_space<vmem>>, %arg8: memref<2x128xi32, #tpu.memory_space<vmem>>, %arg9: memref<128x128xf32, #tpu.memory_space<vmem>>, %arg10: memref<128x128xf32, #tpu.memory_space<vmem>>, %arg11: memref<!tpu.dma_semaphore, #tpu.memory_space<semaphore_mem>>, %arg12: memref<!tpu.dma_semaphore, #tpu.memory_space<semaphore_mem>>) attributes {dimension_semantics = [#tpu.dimension_semantics<core_parallel>, #tpu.dimension_semantics<subcore_parallel>], iteration_bounds = array<i64: 2, 16>, scalar_prefetch = 0 : i64, scratch_operands = 7 : i64, tpu.core_type = #tpu.core_type<sc_vector_subcore>, window_params = [{transform_indices = #map}, {transform_indices = #map1}, {transform_indices = #map1}, {transform_indices = #map1}]} {
    %mul3A = arith.constant 2 : i32
    %mul3A_0 = arith.muli %arg1, %mul3A : i32
    %add3A = arith.addi %mul3A_0, %arg0 : i32
    %scan3A = arith.constant 0 : i32
    %scan3A_1 = arith.constant 0 : i32
    %scan3A_2 = arith.constant 128 : i32
    %scan3A_3 = arith.addi %scan3A_1, %scan3A_2 : i32
    %scan3A_4 = arith.constant 1 : i32
    %scan3A_5 = scf.for %scan3A_132 = %scan3A_1 to %scan3A_3 step %scan3A_4 iter_args(%scan3A_133 = %scan3A) -> (i32)  : i32 {
      %broadcast_in_dim3A = arith.constant 0.000000e+00 : f32
      %broadcast_in_dim3A_134 = vector.broadcast %broadcast_in_dim3A : f32 to vector<16xf32>
      %swap3A = arith.index_cast %scan3A_132 : i32 to index
      %swap3A_135 = arith.constant 0 : index
      %swap3A_136 = tpu.vector_load %arg9[%swap3A, %swap3A_135] {strides = array<i32>} : memref<128x128xf32, #tpu.memory_space<vmem>>, vector<1x16xf32>,
      %swap3A_137 = vector.shape_cast %swap3A_136 : vector<1x16xf32> to vector<16xf32>
      %swap3A_138 = vector.shape_cast %broadcast_in_dim3A_134 : vector<16xf32> to vector<1x16xf32>
      tpu.vector_store %arg9[%swap3A, %swap3A_135], %swap3A_138 {strides = array<i32>} : memref<128x128xf32, #tpu.memory_space<vmem>>, vector<1x16xf32>,
      %broadcast_in_dim3A_139 = arith.constant 0.000000e+00 : f32
      %broadcast_in_dim3A_140 = vector.broadcast %broadcast_in_dim3A_139 : f32 to vector<16xf32>
      %swap3A_141 = arith.index_cast %scan3A_132 : i32 to index
      %swap3A_142 = arith.constant 16 : index
      %swap3A_143 = tpu.vector_load %arg9[%swap3A_141, %swap3A_142] {strides = array<i32>} : memref<128x128xf32, #tpu.memory_space<vmem>>, vector<1x16xf32>,
      %swap3A_144 = vector.shape_cast %swap3A_143 : vector<1x16xf32> to vector<16xf32>
      %swap3A_145 = vector.shape_cast %broadcast_in_dim3A_140 : vector<16xf32> to vector<1x16xf32>
      tpu.vector_store %arg9[%swap3A_141, %swap3A_142], %swap3A_145 {strides = array<i32>} : memref<128x128xf32, #tpu.memory_space<vmem>>, vector<1x16xf32>,
      %broadcast_in_dim3A_146 = arith.constant 0.000000e+00 : f32
      %broadcast_in_dim3A_147 = vector.broadcast %broadcast_in_dim3A_146 : f32 to vector<16xf32>
      %swap3A_148 = arith.index_cast %scan3A_132 : i32 to index
      %swap3A_149 = arith.constant 32 : index
      %swap3A_150 = tpu.vector_load %arg9[%swap3A_148, %swap3A_149] {strides = array<i32>} : memref<128x128xf32, #tpu.memory_space<vmem>>, vector<1x16xf32>,
      %swap3A_151 = vector.shape_cast %swap3A_150 : vector<1x16xf32> to vector<16xf32>
      %swap3A_152 = vector.shape_cast %broadcast_in_dim3A_147 : vector<16xf32> to vector<1x16xf32>
      tpu.vector_store %arg9[%swap3A_148, %swap3A_149], %swap3A_152 {strides = array<i32>} : memref<128x128xf32, #tpu.memory_space<vmem>>, vector<1x16xf32>,
      %broadcast_in_dim3A_153 = arith.constant 0.000000e+00 : f32
      %broadcast_in_dim3A_154 = vector.broadcast %broadcast_in_dim3A_153 : f32 to vector<16xf32>
      %swap3A_155 = arith.index_cast %scan3A_132 : i32 to index
      %swap3A_156 = arith.constant 48 : index
      %swap3A_157 = tpu.vector_load %arg9[%swap3A_155, %swap3A_156] {strides = array<i32>} : memref<128x128xf32, #tpu.memory_space<vmem>>, vector<1x16xf32>,
      %swap3A_158 = vector.shape_cast %swap3A_157 : vector<1x16xf32> to vector<16xf32>
      %swap3A_159 = vector.shape_cast %broadcast_in_dim3A_154 : vector<16xf32> to vector<1x16xf32>
      tpu.vector_store %arg9[%swap3A_155, %swap3A_156], %swap3A_159 {strides = array<i32>} : memref<128x128xf32, #tpu.memory_space<vmem>>, vector<1x16xf32>,
      %broadcast_in_dim3A_160 = arith.constant 0.000000e+00 : f32
      %broadcast_in_dim3A_161 = vector.broadcast %broadcast_in_dim3A_160 : f32 to vector<16xf32>
      %swap3A_162 = arith.index_cast %scan3A_132 : i32 to index
      %swap3A_163 = arith.constant 64 : index
      %swap3A_164 = tpu.vector_load %arg9[%swap3A_162, %swap3A_163] {strides = array<i32>} : memref<128x128xf32, #tpu.memory_space<vmem>>, vector<1x16xf32>,
      %swap3A_165 = vector.shape_cast %swap3A_164 : vector<1x16xf32> to vector<16xf32>
      %swap3A_166 = vector.shape_cast %broadcast_in_dim3A_161 : vector<16xf32> to vector<1x16xf32>
      tpu.vector_store %arg9[%swap3A_162, %swap3A_163], %swap3A_166 {strides = array<i32>} : memref<128x128xf32, #tpu.memory_space<vmem>>, vector<1x16xf32>,
      %broadcast_in_dim3A_167 = arith.constant 0.000000e+00 : f32
      %broadcast_in_dim3A_168 = vector.broadcast %broadcast_in_dim3A_167 : f32 to vector<16xf32>
      %swap3A_169 = arith.index_cast %scan3A_132 : i32 to index
      %swap3A_170 = arith.constant 80 : index
      %swap3A_171 = tpu.vector_load %arg9[%swap3A_169, %swap3A_170] {strides = array<i32>} : memref<128x128xf32, #tpu.memory_space<vmem>>, vector<1x16xf32>,
      %swap3A_172 = vector.shape_cast %swap3A_171 : vector<1x16xf32> to vector<16xf32>
      %swap3A_173 = vector.shape_cast %broadcast_in_dim3A_168 : vector<16xf32> to vector<1x16xf32>
      tpu.vector_store %arg9[%swap3A_169, %swap3A_170], %swap3A_173 {strides = array<i32>} : memref<128x128xf32, #tpu.memory_space<vmem>>, vector<1x16xf32>,
      %broadcast_in_dim3A_174 = arith.constant 0.000000e+00 : f32
      %broadcast_in_dim3A_175 = vector.broadcast %broadcast_in_dim3A_174 : f32 to vector<16xf32>
      %swap3A_176 = arith.index_cast %scan3A_132 : i32 to index
      %swap3A_177 = arith.constant 96 : index
      %swap3A_178 = tpu.vector_load %arg9[%swap3A_176, %swap3A_177] {strides = array<i32>} : memref<128x128xf32, #tpu.memory_space<vmem>>, vector<1x16xf32>,
      %swap3A_179 = vector.shape_cast %swap3A_178 : vector<1x16xf32> to vector<16xf32>
      %swap3A_180 = vector.shape_cast %broadcast_in_dim3A_175 : vector<16xf32> to vector<1x16xf32>
      tpu.vector_store %arg9[%swap3A_176, %swap3A_177], %swap3A_180 {strides = array<i32>} : memref<128x128xf32, #tpu.memory_space<vmem>>, vector<1x16xf32>,
      %broadcast_in_dim3A_181 = arith.constant 0.000000e+00 : f32
      %broadcast_in_dim3A_182 = vector.broadcast %broadcast_in_dim3A_181 : f32 to vector<16xf32>
      %swap3A_183 = arith.index_cast %scan3A_132 : i32 to index
      %swap3A_184 = arith.constant 112 : index
      %swap3A_185 = tpu.vector_load %arg9[%swap3A_183, %swap3A_184] {strides = array<i32>} : memref<128x128xf32, #tpu.memory_space<vmem>>, vector<1x16xf32>,
      %swap3A_186 = vector.shape_cast %swap3A_185 : vector<1x16xf32> to vector<16xf32>
      %swap3A_187 = vector.shape_cast %broadcast_in_dim3A_182 : vector<16xf32> to vector<1x16xf32>
      tpu.vector_store %arg9[%swap3A_183, %swap3A_184], %swap3A_187 {strides = array<i32>} : memref<128x128xf32, #tpu.memory_space<vmem>>, vector<1x16xf32>,
      %scan3A_188 = arith.constant 0 : i32
      scf.yield %scan3A_188 : i32
    }
    %scan3A_6 = arith.constant 128 : i32
    %mul3A_7 = arith.constant 640 : i32
    %mul3A_8 = arith.muli %arg1, %mul3A_7 : i32
    %add3A_9 = arith.constant 0 : i32
    %add3A_10 = arith.addi %mul3A_8, %add3A_9 : i32
    "tpu.region"() ({
      %run_scoped3A = tpu.sem_alloc : memref<!tpu.dma_semaphore, #tpu.memory_space<semaphore_mem>>
      %dma_start3A_132 = arith.constant 0 : i32
      %dma_start3A_133 = tpu.memref_slice %arg6[%add3A_10, %dma_start3A_132] : memref<10240x128xf32, #tpu.memory_space<vmem_shared>> -> memref<128x128xf32, #tpu.memory_space<vmem_shared>>
      %dma_start3A_134 = arith.constant 0 : i32
      %dma_start3A_135 = tpu.memref_slice %arg6[%add3A_10, %dma_start3A_134] : memref<10240x128xf32, #tpu.memory_space<vmem_shared>> -> memref<128x128xf32, #tpu.memory_space<vmem_shared>>
      tpu.enqueue_dma source(%arg9 : memref<128x128xf32, #tpu.memory_space<vmem>>) target(%dma_start3A_135 : memref<128x128xf32, #tpu.memory_space<vmem_shared>>) target_semaphore(%run_scoped3A : memref<!tpu.dma_semaphore, #tpu.memory_space<semaphore_mem>>)
      %dma_wait3A = arith.constant 0 : i32
      %dma_wait3A_136 = tpu.memref_slice %arg6[%add3A_10, %dma_wait3A] : memref<10240x128xf32, #tpu.memory_space<vmem_shared>> -> memref<128x128xf32, #tpu.memory_space<vmem_shared>>
      %dma_wait3A_137 = arith.constant 0 : i32
      %dma_wait3A_138 = tpu.memref_slice %arg6[%add3A_10, %dma_wait3A_137] : memref<10240x128xf32, #tpu.memory_space<vmem_shared>> -> memref<128x128xf32, #tpu.memory_space<vmem_shared>>
      tpu.wait_dma2 semaphore(%run_scoped3A : memref<!tpu.dma_semaphore, #tpu.memory_space<semaphore_mem>>) src(%arg9 : memref<128x128xf32, #tpu.memory_space<vmem>>) dst(%dma_wait3A_138 : memref<128x128xf32, #tpu.memory_space<vmem_shared>>)
      tpu.yield
    }) : () -> ()
    %mul3A_11 = arith.constant 640 : i32
    %mul3A_12 = arith.muli %arg1, %mul3A_11 : i32
    %add3A_13 = arith.constant 128 : i32
    %add3A_14 = arith.addi %mul3A_12, %add3A_13 : i32
    "tpu.region"() ({
      %run_scoped3A = tpu.sem_alloc : memref<!tpu.dma_semaphore, #tpu.memory_space<semaphore_mem>>
      %dma_start3A_132 = arith.constant 0 : i32
      %dma_start3A_133 = tpu.memref_slice %arg6[%add3A_14, %dma_start3A_132] : memref<10240x128xf32, #tpu.memory_space<vmem_shared>> -> memref<128x128xf32, #tpu.memory_space<vmem_shared>>
      %dma_start3A_134 = arith.constant 0 : i32
      %dma_start3A_135 = tpu.memref_slice %arg6[%add3A_14, %dma_start3A_134] : memref<10240x128xf32, #tpu.memory_space<vmem_shared>> -> memref<128x128xf32, #tpu.memory_space<vmem_shared>>
      tpu.enqueue_dma source(%arg9 : memref<128x128xf32, #tpu.memory_space<vmem>>) target(%dma_start3A_135 : memref<128x128xf32, #tpu.memory_space<vmem_shared>>) target_semaphore(%run_scoped3A : memref<!tpu.dma_semaphore, #tpu.memory_space<semaphore_mem>>)
      %dma_wait3A = arith.constant 0 : i32
      %dma_wait3A_136 = tpu.memref_slice %arg6[%add3A_14, %dma_wait3A] : memref<10240x128xf32, #tpu.memory_space<vmem_shared>> -> memref<128x128xf32, #tpu.memory_space<vmem_shared>>
      %dma_wait3A_137 = arith.constant 0 : i32
      %dma_wait3A_138 = tpu.memref_slice %arg6[%add3A_14, %dma_wait3A_137] : memref<10240x128xf32, #tpu.memory_space<vmem_shared>> -> memref<128x128xf32, #tpu.memory_space<vmem_shared>>
      tpu.wait_dma2 semaphore(%run_scoped3A : memref<!tpu.dma_semaphore, #tpu.memory_space<semaphore_mem>>) src(%arg9 : memref<128x128xf32, #tpu.memory_space<vmem>>) dst(%dma_wait3A_138 : memref<128x128xf32, #tpu.memory_space<vmem_shared>>)
      tpu.yield
    }) : () -> ()
    %mul3A_15 = arith.constant 640 : i32
    %mul3A_16 = arith.muli %arg1, %mul3A_15 : i32
    %add3A_17 = arith.constant 256 : i32
    %add3A_18 = arith.addi %mul3A_16, %add3A_17 : i32
    "tpu.region"() ({
      %run_scoped3A = tpu.sem_alloc : memref<!tpu.dma_semaphore, #tpu.memory_space<semaphore_mem>>
      %dma_start3A_132 = arith.constant 0 : i32
      %dma_start3A_133 = tpu.memref_slice %arg6[%add3A_18, %dma_start3A_132] : memref<10240x128xf32, #tpu.memory_space<vmem_shared>> -> memref<128x128xf32, #tpu.memory_space<vmem_shared>>
      %dma_start3A_134 = arith.constant 0 : i32
      %dma_start3A_135 = tpu.memref_slice %arg6[%add3A_18, %dma_start3A_134] : memref<10240x128xf32, #tpu.memory_space<vmem_shared>> -> memref<128x128xf32, #tpu.memory_space<vmem_shared>>
      tpu.enqueue_dma source(%arg9 : memref<128x128xf32, #tpu.memory_space<vmem>>) target(%dma_start3A_135 : memref<128x128xf32, #tpu.memory_space<vmem_shared>>) target_semaphore(%run_scoped3A : memref<!tpu.dma_semaphore, #tpu.memory_space<semaphore_mem>>)
      %dma_wait3A = arith.constant 0 : i32
      %dma_wait3A_136 = tpu.memref_slice %arg6[%add3A_18, %dma_wait3A] : memref<10240x128xf32, #tpu.memory_space<vmem_shared>> -> memref<128x128xf32, #tpu.memory_space<vmem_shared>>
      %dma_wait3A_137 = arith.constant 0 : i32
      %dma_wait3A_138 = tpu.memref_slice %arg6[%add3A_18, %dma_wait3A_137] : memref<10240x128xf32, #tpu.memory_space<vmem_shared>> -> memref<128x128xf32, #tpu.memory_space<vmem_shared>>
      tpu.wait_dma2 semaphore(%run_scoped3A : memref<!tpu.dma_semaphore, #tpu.memory_space<semaphore_mem>>) src(%arg9 : memref<128x128xf32, #tpu.memory_space<vmem>>) dst(%dma_wait3A_138 : memref<128x128xf32, #tpu.memory_space<vmem_shared>>)
      tpu.yield
    }) : () -> ()
    %mul3A_19 = arith.constant 640 : i32
    %mul3A_20 = arith.muli %arg1, %mul3A_19 : i32
    %add3A_21 = arith.constant 384 : i32
    %add3A_22 = arith.addi %mul3A_20, %add3A_21 : i32
    "tpu.region"() ({
      %run_scoped3A = tpu.sem_alloc : memref<!tpu.dma_semaphore, #tpu.memory_space<semaphore_mem>>
      %dma_start3A_132 = arith.constant 0 : i32
      %dma_start3A_133 = tpu.memref_slice %arg6[%add3A_22, %dma_start3A_132] : memref<10240x128xf32, #tpu.memory_space<vmem_shared>> -> memref<128x128xf32, #tpu.memory_space<vmem_shared>>
      %dma_start3A_134 = arith.constant 0 : i32
      %dma_start3A_135 = tpu.memref_slice %arg6[%add3A_22, %dma_start3A_134] : memref<10240x128xf32, #tpu.memory_space<vmem_shared>> -> memref<128x128xf32, #tpu.memory_space<vmem_shared>>
      tpu.enqueue_dma source(%arg9 : memref<128x128xf32, #tpu.memory_space<vmem>>) target(%dma_start3A_135 : memref<128x128xf32, #tpu.memory_space<vmem_shared>>) target_semaphore(%run_scoped3A : memref<!tpu.dma_semaphore, #tpu.memory_space<semaphore_mem>>)
      %dma_wait3A = arith.constant 0 : i32
      %dma_wait3A_136 = tpu.memref_slice %arg6[%add3A_22, %dma_wait3A] : memref<10240x128xf32, #tpu.memory_space<vmem_shared>> -> memref<128x128xf32, #tpu.memory_space<vmem_shared>>
      %dma_wait3A_137 = arith.constant 0 : i32
      %dma_wait3A_138 = tpu.memref_slice %arg6[%add3A_22, %dma_wait3A_137] : memref<10240x128xf32, #tpu.memory_space<vmem_shared>> -> memref<128x128xf32, #tpu.memory_space<vmem_shared>>
      tpu.wait_dma2 semaphore(%run_scoped3A : memref<!tpu.dma_semaphore, #tpu.memory_space<semaphore_mem>>) src(%arg9 : memref<128x128xf32, #tpu.memory_space<vmem>>) dst(%dma_wait3A_138 : memref<128x128xf32, #tpu.memory_space<vmem_shared>>)
      tpu.yield
    }) : () -> ()
    %mul3A_23 = arith.constant 640 : i32
    %mul3A_24 = arith.muli %arg1, %mul3A_23 : i32
    %add3A_25 = arith.constant 512 : i32
    %add3A_26 = arith.addi %mul3A_24, %add3A_25 : i32
    "tpu.region"() ({
      %run_scoped3A = tpu.sem_alloc : memref<!tpu.dma_semaphore, #tpu.memory_space<semaphore_mem>>
      %dma_start3A_132 = arith.constant 0 : i32
      %dma_start3A_133 = tpu.memref_slice %arg6[%add3A_26, %dma_start3A_132] : memref<10240x128xf32, #tpu.memory_space<vmem_shared>> -> memref<128x128xf32, #tpu.memory_space<vmem_shared>>
      %dma_start3A_134 = arith.constant 0 : i32
      %dma_start3A_135 = tpu.memref_slice %arg6[%add3A_26, %dma_start3A_134] : memref<10240x128xf32, #tpu.memory_space<vmem_shared>> -> memref<128x128xf32, #tpu.memory_space<vmem_shared>>
      tpu.enqueue_dma source(%arg9 : memref<128x128xf32, #tpu.memory_space<vmem>>) target(%dma_start3A_135 : memref<128x128xf32, #tpu.memory_space<vmem_shared>>) target_semaphore(%run_scoped3A : memref<!tpu.dma_semaphore, #tpu.memory_space<semaphore_mem>>)
      %dma_wait3A = arith.constant 0 : i32
      %dma_wait3A_136 = tpu.memref_slice %arg6[%add3A_26, %dma_wait3A] : memref<10240x128xf32, #tpu.memory_space<vmem_shared>> -> memref<128x128xf32, #tpu.memory_space<vmem_shared>>
      %dma_wait3A_137 = arith.constant 0 : i32
      %dma_wait3A_138 = tpu.memref_slice %arg6[%add3A_26, %dma_wait3A_137] : memref<10240x128xf32, #tpu.memory_space<vmem_shared>> -> memref<128x128xf32, #tpu.memory_space<vmem_shared>>
      tpu.wait_dma2 semaphore(%run_scoped3A : memref<!tpu.dma_semaphore, #tpu.memory_space<semaphore_mem>>) src(%arg9 : memref<128x128xf32, #tpu.memory_space<vmem>>) dst(%dma_wait3A_138 : memref<128x128xf32, #tpu.memory_space<vmem_shared>>)
      tpu.yield
    }) : () -> ()
    %barrier3A = arith.constant 0 : index
    tpu.barrier barrier_id(%barrier3A)
    "tpu.region"() ({
      %run_scoped3A = tpu.sem_alloc : memref<!tpu.dma_semaphore, #tpu.memory_space<semaphore_mem>>
      %dma_start3A_132 = arith.constant 0 : i32
      %dma_start3A_133 = arith.constant 0 : i32
      %dma_start3A_134 = tpu.memref_slice %arg3[%add3A, %dma_start3A_132, %dma_start3A_133] : memref<2500x2x128xi32, #tpu.memory_space<hbm>> -> memref<1x2x128xi32, #tpu.memory_space<hbm>>
      %dma_start3A_135 = tpu.memref_squeeze %dma_start3A_134 : memref<1x2x128xi32, #tpu.memory_space<hbm>> -> memref<2x128xi32, #tpu.memory_space<hbm>>
      %dma_start3A_136 = arith.constant 0 : i32
      %dma_start3A_137 = arith.constant 0 : i32
      %dma_start3A_138 = tpu.memref_slice %arg3[%add3A, %dma_start3A_136, %dma_start3A_137] : memref<2500x2x128xi32, #tpu.memory_space<hbm>> -> memref<1x2x128xi32, #tpu.memory_space<hbm>>
      %dma_start3A_139 = tpu.memref_squeeze %dma_start3A_138 : memref<1x2x128xi32, #tpu.memory_space<hbm>> -> memref<2x128xi32, #tpu.memory_space<hbm>>
      tpu.enqueue_dma source(%dma_start3A_139 : memref<2x128xi32, #tpu.memory_space<hbm>>) target(%arg7 : memref<2x128xi32, #tpu.memory_space<vmem>>) target_semaphore(%run_scoped3A : memref<!tpu.dma_semaphore, #tpu.memory_space<semaphore_mem>>)
      %dma_wait3A = arith.constant 0 : i32
      %dma_wait3A_140 = arith.constant 0 : i32
      %dma_wait3A_141 = tpu.memref_slice %arg3[%add3A, %dma_wait3A, %dma_wait3A_140] : memref<2500x2x128xi32, #tpu.memory_space<hbm>> -> memref<1x2x128xi32, #tpu.memory_space<hbm>>
      %dma_wait3A_142 = tpu.memref_squeeze %dma_wait3A_141 : memref<1x2x128xi32, #tpu.memory_space<hbm>> -> memref<2x128xi32, #tpu.memory_space<hbm>>
      %dma_wait3A_143 = arith.constant 0 : i32
      %dma_wait3A_144 = arith.constant 0 : i32
      %dma_wait3A_145 = tpu.memref_slice %arg3[%add3A, %dma_wait3A_143, %dma_wait3A_144] : memref<2500x2x128xi32, #tpu.memory_space<hbm>> -> memref<1x2x128xi32, #tpu.memory_space<hbm>>
      %dma_wait3A_146 = tpu.memref_squeeze %dma_wait3A_145 : memref<1x2x128xi32, #tpu.memory_space<hbm>> -> memref<2x128xi32, #tpu.memory_space<hbm>>
      tpu.wait_dma2 semaphore(%run_scoped3A : memref<!tpu.dma_semaphore, #tpu.memory_space<semaphore_mem>>) src(%dma_wait3A_146 : memref<2x128xi32, #tpu.memory_space<hbm>>) dst(%arg7 : memref<2x128xi32, #tpu.memory_space<vmem>>)
      tpu.yield
    }) : () -> ()
    %mul3A_27 = arith.constant 128 : i32
    %mul3A_28 = arith.muli %add3A, %mul3A_27 : i32
    %dma_start3A = arith.constant 0 : i32
    %dma_start3A_29 = tpu.memref_slice %arg2[%mul3A_28, %dma_start3A] : memref<320000x128xf32, #tpu.memory_space<hbm>> -> memref<128x128xf32, #tpu.memory_space<hbm>>
    %dma_start3A_30 = arith.constant 0 : i32
    %dma_start3A_31 = tpu.memref_slice %arg2[%mul3A_28, %dma_start3A_30] : memref<320000x128xf32, #tpu.memory_space<hbm>> -> memref<128x128xf32, #tpu.memory_space<hbm>>
    tpu.enqueue_dma source(%dma_start3A_31 : memref<128x128xf32, #tpu.memory_space<hbm>>) target(%arg9 : memref<128x128xf32, #tpu.memory_space<vmem>>) target_semaphore(%arg11 : memref<!tpu.dma_semaphore, #tpu.memory_space<semaphore_mem>>)
    %scan3A_32 = arith.constant 0 : i32
    %scan3A_33 = arith.constant 0 : i32
    %scan3A_34 = arith.constant 40 : i32
    %scan3A_35 = arith.addi %scan3A_33, %scan3A_34 : i32
    %scan3A_36 = arith.constant 1 : i32
    %scan3A_37 = scf.for %scan3A_132 = %scan3A_33 to %scan3A_35 step %scan3A_36 iter_args(%scan3A_133 = %scan3A_32) -> (i32)  : i32 {
      %mul3A_134 = arith.constant 2 : i32
      %mul3A_135 = arith.muli %mul3A_134, %scan3A_132 : i32
      %add3A_136 = arith.constant 1 : i32
      %add3A_137 = arith.addi %mul3A_135, %add3A_136 : i32
      %mul3A_138 = arith.constant 32 : i32
      %mul3A_139 = arith.muli %mul3A_138, %add3A_137 : i32
      %add3A_140 = arith.addi %add3A, %mul3A_139 : i32
      %mul3A_141 = arith.constant 32 : i32
      %mul3A_142 = arith.muli %mul3A_141, %mul3A_135 : i32
      %add3A_143 = arith.addi %add3A, %mul3A_142 : i32
      %add3A_144 = arith.constant 2 : i32
      %add3A_145 = arith.addi %mul3A_135, %add3A_144 : i32
      %mul3A_146 = arith.constant 32 : i32
      %mul3A_147 = arith.muli %mul3A_146, %add3A_145 : i32
      %add3A_148 = arith.addi %add3A, %mul3A_147 : i32
      %lt3A = arith.constant 2500 : i32
      %lt3A_149 = arith.cmpi slt, %add3A_140, %lt3A : i32
      %convert_element_type3A = arith.extui %lt3A_149 : i1 to i32
      %cond3A = arith.constant 0 : i32
      %cond3A_150 = arith.cmpi ne, %convert_element_type3A, %cond3A : i32
      scf.if %cond3A_150 {
        "tpu.region"() ({
          %run_scoped3A = tpu.sem_alloc : memref<!tpu.dma_semaphore, #tpu.memory_space<semaphore_mem>>
          %dma_start3A_173 = arith.constant 0 : i32
          %dma_start3A_174 = arith.constant 0 : i32
          %dma_start3A_175 = tpu.memref_slice %arg3[%add3A_140, %dma_start3A_173, %dma_start3A_174] : memref<2500x2x128xi32, #tpu.memory_space<hbm>> -> memref<1x2x128xi32, #tpu.memory_space<hbm>>
          %dma_start3A_176 = tpu.memref_squeeze %dma_start3A_175 : memref<1x2x128xi32, #tpu.memory_space<hbm>> -> memref<2x128xi32, #tpu.memory_space<hbm>>
          %dma_start3A_177 = arith.constant 0 : i32
          %dma_start3A_178 = arith.constant 0 : i32
          %dma_start3A_179 = tpu.memref_slice %arg3[%add3A_140, %dma_start3A_177, %dma_start3A_178] : memref<2500x2x128xi32, #tpu.memory_space<hbm>> -> memref<1x2x128xi32, #tpu.memory_space<hbm>>
          %dma_start3A_180 = tpu.memref_squeeze %dma_start3A_179 : memref<1x2x128xi32, #tpu.memory_space<hbm>> -> memref<2x128xi32, #tpu.memory_space<hbm>>
          tpu.enqueue_dma source(%dma_start3A_180 : memref<2x128xi32, #tpu.memory_space<hbm>>) target(%arg8 : memref<2x128xi32, #tpu.memory_space<vmem>>) target_semaphore(%run_scoped3A : memref<!tpu.dma_semaphore, #tpu.memory_space<semaphore_mem>>)
          %dma_wait3A = arith.constant 0 : i32
          %dma_wait3A_181 = arith.constant 0 : i32
          %dma_wait3A_182 = tpu.memref_slice %arg3[%add3A_140, %dma_wait3A, %dma_wait3A_181] : memref<2500x2x128xi32, #tpu.memory_space<hbm>> -> memref<1x2x128xi32, #tpu.memory_space<hbm>>
          %dma_wait3A_183 = tpu.memref_squeeze %dma_wait3A_182 : memref<1x2x128xi32, #tpu.memory_space<hbm>> -> memref<2x128xi32, #tpu.memory_space<hbm>>
          %dma_wait3A_184 = arith.constant 0 : i32
          %dma_wait3A_185 = arith.constant 0 : i32
          %dma_wait3A_186 = tpu.memref_slice %arg3[%add3A_140, %dma_wait3A_184, %dma_wait3A_185] : memref<2500x2x128xi32, #tpu.memory_space<hbm>> -> memref<1x2x128xi32, #tpu.memory_space<hbm>>
          %dma_wait3A_187 = tpu.memref_squeeze %dma_wait3A_186 : memref<1x2x128xi32, #tpu.memory_space<hbm>> -> memref<2x128xi32, #tpu.memory_space<hbm>>
          tpu.wait_dma2 semaphore(%run_scoped3A : memref<!tpu.dma_semaphore, #tpu.memory_space<semaphore_mem>>) src(%dma_wait3A_187 : memref<2x128xi32, #tpu.memory_space<hbm>>) dst(%arg8 : memref<2x128xi32, #tpu.memory_space<vmem>>)
          tpu.yield
        }) : () -> ()
        %mul3A_167 = arith.constant 128 : i32
        %mul3A_168 = arith.muli %add3A_140, %mul3A_167 : i32
        %dma_start3A_169 = arith.constant 0 : i32
        %dma_start3A_170 = tpu.memref_slice %arg2[%mul3A_168, %dma_start3A_169] : memref<320000x128xf32, #tpu.memory_space<hbm>> -> memref<128x128xf32, #tpu.memory_space<hbm>>
        %dma_start3A_171 = arith.constant 0 : i32
        %dma_start3A_172 = tpu.memref_slice %arg2[%mul3A_168, %dma_start3A_171] : memref<320000x128xf32, #tpu.memory_space<hbm>> -> memref<128x128xf32, #tpu.memory_space<hbm>>
        tpu.enqueue_dma source(%dma_start3A_172 : memref<128x128xf32, #tpu.memory_space<hbm>>) target(%arg10 : memref<128x128xf32, #tpu.memory_space<vmem>>) target_semaphore(%arg12 : memref<!tpu.dma_semaphore, #tpu.memory_space<semaphore_mem>>)
      } else {
      }
      %lt3A_151 = arith.constant 2500 : i32
      %lt3A_152 = arith.cmpi slt, %add3A_143, %lt3A_151 : i32
      %convert_element_type3A_153 = arith.extui %lt3A_152 : i1 to i32
      %cond3A_154 = arith.constant 0 : i32
      %cond3A_155 = arith.cmpi ne, %convert_element_type3A_153, %cond3A_154 : i32
      scf.if %cond3A_155 {
        %dma_wait3A = arith.constant 0 : i32
        %dma_wait3A_167 = arith.constant 0 : i32
        %dma_wait3A_168 = tpu.memref_slice %arg2[%dma_wait3A, %dma_wait3A_167] : memref<320000x128xf32, #tpu.memory_space<hbm>> -> memref<128x128xf32, #tpu.memory_space<hbm>>
        %dma_wait3A_169 = arith.constant 0 : i32
        %dma_wait3A_170 = arith.constant 0 : i32
        %dma_wait3A_171 = tpu.memref_slice %arg2[%dma_wait3A_169, %dma_wait3A_170] : memref<320000x128xf32, #tpu.memory_space<hbm>> -> memref<128x128xf32, #tpu.memory_space<hbm>>
        tpu.wait_dma2 semaphore(%arg11 : memref<!tpu.dma_semaphore, #tpu.memory_space<semaphore_mem>>) src(%dma_wait3A_171 : memref<128x128xf32, #tpu.memory_space<hbm>>) dst(%arg9 : memref<128x128xf32, #tpu.memory_space<vmem>>)
        %run_scoped3A = arith.constant 1 : i32
        "tpu.region"() ({
          %run_scoped3A_172 = tpu.sem_alloc : memref<!tpu.dma_semaphore, #tpu.memory_space<semaphore_mem>>
          %dma_start3A_173 = arith.constant 0 : i32
          %dma_start3A_174 = tpu.memref_slice %arg7[%run_scoped3A, %dma_start3A_173] : memref<2x128xi32, #tpu.memory_space<vmem>> -> memref<1x128xi32, #tpu.memory_space<vmem>>
          %dma_start3A_175 = tpu.memref_squeeze %dma_start3A_174 : memref<1x128xi32, #tpu.memory_space<vmem>> -> memref<128xi32, #tpu.memory_space<vmem>>
          %dma_start3A_176 = arith.constant 0 : i32
          %dma_start3A_177 = arith.constant 0 : i32
          %dma_start3A_178 = tpu.memref_slice %arg6[%dma_start3A_176, %dma_start3A_177] : memref<10240x128xf32, #tpu.memory_space<vmem_shared>> -> memref<10240x128xf32, #tpu.memory_space<vmem_shared>>
          tpu.enqueue_indirect_dma source(%arg9 : memref<128x128xf32, #tpu.memory_space<vmem>>) target(%dma_start3A_178 : memref<10240x128xf32, #tpu.memory_space<vmem_shared>>) offsets(%dma_start3A_175 : memref<128xi32, #tpu.memory_space<vmem>>) semaphore(%run_scoped3A_172 : memref<!tpu.dma_semaphore, #tpu.memory_space<semaphore_mem>>) {add = true}
          %dma_wait3A_179 = arith.constant 0 : i32
          %dma_wait3A_180 = tpu.memref_slice %arg7[%run_scoped3A, %dma_wait3A_179] : memref<2x128xi32, #tpu.memory_space<vmem>> -> memref<1x128xi32, #tpu.memory_space<vmem>>
          %dma_wait3A_181 = tpu.memref_squeeze %dma_wait3A_180 : memref<1x128xi32, #tpu.memory_space<vmem>> -> memref<128xi32, #tpu.memory_space<vmem>>
          %dma_wait3A_182 = arith.constant 0 : i32
          %dma_wait3A_183 = arith.constant 0 : i32
          %dma_wait3A_184 = tpu.memref_slice %arg6[%dma_wait3A_182, %dma_wait3A_183] : memref<10240x128xf32, #tpu.memory_space<vmem_shared>> -> memref<10240x128xf32, #tpu.memory_space<vmem_shared>>
          tpu.wait_indirect_dma semaphore(%run_scoped3A_172 : memref<!tpu.dma_semaphore, #tpu.memory_space<semaphore_mem>>) src(%arg9 : memref<128x128xf32, #tpu.memory_space<vmem>>) dst(%dma_wait3A_184 : memref<10240x128xf32, #tpu.memory_space<vmem_shared>>)
          tpu.yield
        }) : () -> ()
      } else {
      }
      %lt3A_156 = arith.constant 2500 : i32
      %lt3A_157 = arith.cmpi slt, %add3A_148, %lt3A_156 : i32
      %convert_element_type3A_158 = arith.extui %lt3A_157 : i1 to i32
      %cond3A_159 = arith.constant 0 : i32
      %cond3A_160 = arith.cmpi ne, %convert_element_type3A_158, %cond3A_159 : i32
      scf.if %cond3A_160 {
        "tpu.region"() ({
          %run_scoped3A = tpu.sem_alloc : memref<!tpu.dma_semaphore, #tpu.memory_space<semaphore_mem>>
          %dma_start3A_173 = arith.constant 0 : i32
          %dma_start3A_174 = arith.constant 0 : i32
          %dma_start3A_175 = tpu.memref_slice %arg3[%add3A_148, %dma_start3A_173, %dma_start3A_174] : memref<2500x2x128xi32, #tpu.memory_space<hbm>> -> memref<1x2x128xi32, #tpu.memory_space<hbm>>
          %dma_start3A_176 = tpu.memref_squeeze %dma_start3A_175 : memref<1x2x128xi32, #tpu.memory_space<hbm>> -> memref<2x128xi32, #tpu.memory_space<hbm>>
          %dma_start3A_177 = arith.constant 0 : i32
          %dma_start3A_178 = arith.constant 0 : i32
          %dma_start3A_179 = tpu.memref_slice %arg3[%add3A_148, %dma_start3A_177, %dma_start3A_178] : memref<2500x2x128xi32, #tpu.memory_space<hbm>> -> memref<1x2x128xi32, #tpu.memory_space<hbm>>
          %dma_start3A_180 = tpu.memref_squeeze %dma_start3A_179 : memref<1x2x128xi32, #tpu.memory_space<hbm>> -> memref<2x128xi32, #tpu.memory_space<hbm>>
          tpu.enqueue_dma source(%dma_start3A_180 : memref<2x128xi32, #tpu.memory_space<hbm>>) target(%arg7 : memref<2x128xi32, #tpu.memory_space<vmem>>) target_semaphore(%run_scoped3A : memref<!tpu.dma_semaphore, #tpu.memory_space<semaphore_mem>>)
          %dma_wait3A = arith.constant 0 : i32
          %dma_wait3A_181 = arith.constant 0 : i32
          %dma_wait3A_182 = tpu.memref_slice %arg3[%add3A_148, %dma_wait3A, %dma_wait3A_181] : memref<2500x2x128xi32, #tpu.memory_space<hbm>> -> memref<1x2x128xi32, #tpu.memory_space<hbm>>
          %dma_wait3A_183 = tpu.memref_squeeze %dma_wait3A_182 : memref<1x2x128xi32, #tpu.memory_space<hbm>> -> memref<2x128xi32, #tpu.memory_space<hbm>>
          %dma_wait3A_184 = arith.constant 0 : i32
          %dma_wait3A_185 = arith.constant 0 : i32
          %dma_wait3A_186 = tpu.memref_slice %arg3[%add3A_148, %dma_wait3A_184, %dma_wait3A_185] : memref<2500x2x128xi32, #tpu.memory_space<hbm>> -> memref<1x2x128xi32, #tpu.memory_space<hbm>>
          %dma_wait3A_187 = tpu.memref_squeeze %dma_wait3A_186 : memref<1x2x128xi32, #tpu.memory_space<hbm>> -> memref<2x128xi32, #tpu.memory_space<hbm>>
          tpu.wait_dma2 semaphore(%run_scoped3A : memref<!tpu.dma_semaphore, #tpu.memory_space<semaphore_mem>>) src(%dma_wait3A_187 : memref<2x128xi32, #tpu.memory_space<hbm>>) dst(%arg7 : memref<2x128xi32, #tpu.memory_space<vmem>>)
          tpu.yield
        }) : () -> ()
        %mul3A_167 = arith.constant 128 : i32
        %mul3A_168 = arith.muli %add3A_148, %mul3A_167 : i32
        %dma_start3A_169 = arith.constant 0 : i32
        %dma_start3A_170 = tpu.memref_slice %arg2[%mul3A_168, %dma_start3A_169] : memref<320000x128xf32, #tpu.memory_space<hbm>> -> memref<128x128xf32, #tpu.memory_space<hbm>>
        %dma_start3A_171 = arith.constant 0 : i32
        %dma_start3A_172 = tpu.memref_slice %arg2[%mul3A_168, %dma_start3A_171] : memref<320000x128xf32, #tpu.memory_space<hbm>> -> memref<128x128xf32, #tpu.memory_space<hbm>>
        tpu.enqueue_dma source(%dma_start3A_172 : memref<128x128xf32, #tpu.memory_space<hbm>>) target(%arg9 : memref<128x128xf32, #tpu.memory_space<vmem>>) target_semaphore(%arg11 : memref<!tpu.dma_semaphore, #tpu.memory_space<semaphore_mem>>)
      } else {
      }
      %lt3A_161 = arith.constant 2500 : i32
      %lt3A_162 = arith.cmpi slt, %add3A_140, %lt3A_161 : i32
      %convert_element_type3A_163 = arith.extui %lt3A_162 : i1 to i32
      %cond3A_164 = arith.constant 0 : i32
      %cond3A_165 = arith.cmpi ne, %convert_element_type3A_163, %cond3A_164 : i32
      scf.if %cond3A_165 {
        %dma_wait3A = arith.constant 0 : i32
        %dma_wait3A_167 = arith.constant 0 : i32
        %dma_wait3A_168 = tpu.memref_slice %arg2[%dma_wait3A, %dma_wait3A_167] : memref<320000x128xf32, #tpu.memory_space<hbm>> -> memref<128x128xf32, #tpu.memory_space<hbm>>
        %dma_wait3A_169 = arith.constant 0 : i32
        %dma_wait3A_170 = arith.constant 0 : i32
        %dma_wait3A_171 = tpu.memref_slice %arg2[%dma_wait3A_169, %dma_wait3A_170] : memref<320000x128xf32, #tpu.memory_space<hbm>> -> memref<128x128xf32, #tpu.memory_space<hbm>>
        tpu.wait_dma2 semaphore(%arg12 : memref<!tpu.dma_semaphore, #tpu.memory_space<semaphore_mem>>) src(%dma_wait3A_171 : memref<128x128xf32, #tpu.memory_space<hbm>>) dst(%arg10 : memref<128x128xf32, #tpu.memory_space<vmem>>)
        %run_scoped3A = arith.constant 1 : i32
        "tpu.region"() ({
          %run_scoped3A_172 = tpu.sem_alloc : memref<!tpu.dma_semaphore, #tpu.memory_space<semaphore_mem>>
          %dma_start3A_173 = arith.constant 0 : i32
          %dma_start3A_174 = tpu.memref_slice %arg8[%run_scoped3A, %dma_start3A_173] : memref<2x128xi32, #tpu.memory_space<vmem>> -> memref<1x128xi32, #tpu.memory_space<vmem>>
          %dma_start3A_175 = tpu.memref_squeeze %dma_start3A_174 : memref<1x128xi32, #tpu.memory_space<vmem>> -> memref<128xi32, #tpu.memory_space<vmem>>
          %dma_start3A_176 = arith.constant 0 : i32
          %dma_start3A_177 = arith.constant 0 : i32
          %dma_start3A_178 = tpu.memref_slice %arg6[%dma_start3A_176, %dma_start3A_177] : memref<10240x128xf32, #tpu.memory_space<vmem_shared>> -> memref<10240x128xf32, #tpu.memory_space<vmem_shared>>
          tpu.enqueue_indirect_dma source(%arg10 : memref<128x128xf32, #tpu.memory_space<vmem>>) target(%dma_start3A_178 : memref<10240x128xf32, #tpu.memory_space<vmem_shared>>) offsets(%dma_start3A_175 : memref<128xi32, #tpu.memory_space<vmem>>) semaphore(%run_scoped3A_172 : memref<!tpu.dma_semaphore, #tpu.memory_space<semaphore_mem>>) {add = true}
          %dma_wait3A_179 = arith.constant 0 : i32
          %dma_wait3A_180 = tpu.memref_slice %arg8[%run_scoped3A, %dma_wait3A_179] : memref<2x128xi32, #tpu.memory_space<vmem>> -> memref<1x128xi32, #tpu.memory_space<vmem>>
          %dma_wait3A_181 = tpu.memref_squeeze %dma_wait3A_180 : memref<1x128xi32, #tpu.memory_space<vmem>> -> memref<128xi32, #tpu.memory_space<vmem>>
          %dma_wait3A_182 = arith.constant 0 : i32
          %dma_wait3A_183 = arith.constant 0 : i32
          %dma_wait3A_184 = tpu.memref_slice %arg6[%dma_wait3A_182, %dma_wait3A_183] : memref<10240x128xf32, #tpu.memory_space<vmem_shared>> -> memref<10240x128xf32, #tpu.memory_space<vmem_shared>>
          tpu.wait_indirect_dma semaphore(%run_scoped3A_172 : memref<!tpu.dma_semaphore, #tpu.memory_space<semaphore_mem>>) src(%arg10 : memref<128x128xf32, #tpu.memory_space<vmem>>) dst(%dma_wait3A_184 : memref<10240x128xf32, #tpu.memory_space<vmem_shared>>)
          tpu.yield
        }) : () -> ()
      } else {
      }
      %scan3A_166 = arith.constant 0 : i32
      scf.yield %scan3A_166 : i32
    }
    %scan3A_38 = arith.constant 40 : i32
    %barrier3A_39 = arith.constant 0 : index
    tpu.barrier barrier_id(%barrier3A_39)
    %mul3A_40 = arith.constant 640 : i32
    %mul3A_41 = arith.muli %arg1, %mul3A_40 : i32
    %add3A_42 = arith.constant 0 : i32
    %add3A_43 = arith.addi %mul3A_41, %add3A_42 : i32
    "tpu.region"() ({
      %run_scoped3A = tpu.sem_alloc : memref<!tpu.dma_semaphore, #tpu.memory_space<semaphore_mem>>
      %dma_start3A_132 = arith.constant 0 : i32
      %dma_start3A_133 = tpu.memref_slice %arg6[%add3A_43, %dma_start3A_132] : memref<10240x128xf32, #tpu.memory_space<vmem_shared>> -> memref<128x128xf32, #tpu.memory_space<vmem_shared>>
      %dma_start3A_134 = arith.constant 0 : i32
      %dma_start3A_135 = tpu.memref_slice %arg6[%add3A_43, %dma_start3A_134] : memref<10240x128xf32, #tpu.memory_space<vmem_shared>> -> memref<128x128xf32, #tpu.memory_space<vmem_shared>>
      tpu.enqueue_dma source(%dma_start3A_135 : memref<128x128xf32, #tpu.memory_space<vmem_shared>>) target(%arg9 : memref<128x128xf32, #tpu.memory_space<vmem>>) target_semaphore(%run_scoped3A : memref<!tpu.dma_semaphore, #tpu.memory_space<semaphore_mem>>)
      %dma_wait3A = arith.constant 0 : i32
      %dma_wait3A_136 = tpu.memref_slice %arg6[%add3A_43, %dma_wait3A] : memref<10240x128xf32, #tpu.memory_space<vmem_shared>> -> memref<128x128xf32, #tpu.memory_space<vmem_shared>>
      %dma_wait3A_137 = arith.constant 0 : i32
      %dma_wait3A_138 = tpu.memref_slice %arg6[%add3A_43, %dma_wait3A_137] : memref<10240x128xf32, #tpu.memory_space<vmem_shared>> -> memref<128x128xf32, #tpu.memory_space<vmem_shared>>
      tpu.wait_dma2 semaphore(%run_scoped3A : memref<!tpu.dma_semaphore, #tpu.memory_space<semaphore_mem>>) src(%dma_wait3A_138 : memref<128x128xf32, #tpu.memory_space<vmem_shared>>) dst(%arg9 : memref<128x128xf32, #tpu.memory_space<vmem>>)
      tpu.yield
    }) : () -> ()
    "tpu.region"() ({
      %run_scoped3A = tpu.sem_alloc : memref<!tpu.dma_semaphore, #tpu.memory_space<semaphore_mem>>
      %dma_start3A_132 = arith.constant 0 : i32
      %dma_start3A_133 = tpu.memref_slice %arg4[%arg0, %add3A_43, %dma_start3A_132] : memref<2x10240x128xf32, #tpu.memory_space<hbm>> -> memref<1x128x128xf32, #tpu.memory_space<hbm>>
      %dma_start3A_134 = tpu.memref_squeeze %dma_start3A_133 : memref<1x128x128xf32, #tpu.memory_space<hbm>> -> memref<128x128xf32, #tpu.memory_space<hbm>>
      %dma_start3A_135 = arith.constant 0 : i32
      %dma_start3A_136 = tpu.memref_slice %arg4[%arg0, %add3A_43, %dma_start3A_135] : memref<2x10240x128xf32, #tpu.memory_space<hbm>> -> memref<1x128x128xf32, #tpu.memory_space<hbm>>
      %dma_start3A_137 = tpu.memref_squeeze %dma_start3A_136 : memref<1x128x128xf32, #tpu.memory_space<hbm>> -> memref<128x128xf32, #tpu.memory_space<hbm>>
      tpu.enqueue_dma source(%arg9 : memref<128x128xf32, #tpu.memory_space<vmem>>) target(%dma_start3A_137 : memref<128x128xf32, #tpu.memory_space<hbm>>) target_semaphore(%run_scoped3A : memref<!tpu.dma_semaphore, #tpu.memory_space<semaphore_mem>>)
      %dma_wait3A = arith.constant 0 : i32
      %dma_wait3A_138 = tpu.memref_slice %arg4[%arg0, %add3A_43, %dma_wait3A] : memref<2x10240x128xf32, #tpu.memory_space<hbm>> -> memref<1x128x128xf32, #tpu.memory_space<hbm>>
      %dma_wait3A_139 = tpu.memref_squeeze %dma_wait3A_138 : memref<1x128x128xf32, #tpu.memory_space<hbm>> -> memref<128x128xf32, #tpu.memory_space<hbm>>
      %dma_wait3A_140 = arith.constant 0 : i32
      %dma_wait3A_141 = tpu.memref_slice %arg4[%arg0, %add3A_43, %dma_wait3A_140] : memref<2x10240x128xf32, #tpu.memory_space<hbm>> -> memref<1x128x128xf32, #tpu.memory_space<hbm>>
      %dma_wait3A_142 = tpu.memref_squeeze %dma_wait3A_141 : memref<1x128x128xf32, #tpu.memory_space<hbm>> -> memref<128x128xf32, #tpu.memory_space<hbm>>
      tpu.wait_dma2 semaphore(%run_scoped3A : memref<!tpu.dma_semaphore, #tpu.memory_space<semaphore_mem>>) src(%arg9 : memref<128x128xf32, #tpu.memory_space<vmem>>) dst(%dma_wait3A_142 : memref<128x128xf32, #tpu.memory_space<hbm>>)
      tpu.yield
    }) : () -> ()
    %mul3A_44 = arith.constant 640 : i32
    %mul3A_45 = arith.muli %arg1, %mul3A_44 : i32
    %add3A_46 = arith.constant 128 : i32
    %add3A_47 = arith.addi %mul3A_45, %add3A_46 : i32
    "tpu.region"() ({
      %run_scoped3A = tpu.sem_alloc : memref<!tpu.dma_semaphore, #tpu.memory_space<semaphore_mem>>
      %dma_start3A_132 = arith.constant 0 : i32
      %dma_start3A_133 = tpu.memref_slice %arg6[%add3A_47, %dma_start3A_132] : memref<10240x128xf32, #tpu.memory_space<vmem_shared>> -> memref<128x128xf32, #tpu.memory_space<vmem_shared>>
      %dma_start3A_134 = arith.constant 0 : i32
      %dma_start3A_135 = tpu.memref_slice %arg6[%add3A_47, %dma_start3A_134] : memref<10240x128xf32, #tpu.memory_space<vmem_shared>> -> memref<128x128xf32, #tpu.memory_space<vmem_shared>>
      tpu.enqueue_dma source(%dma_start3A_135 : memref<128x128xf32, #tpu.memory_space<vmem_shared>>) target(%arg9 : memref<128x128xf32, #tpu.memory_space<vmem>>) target_semaphore(%run_scoped3A : memref<!tpu.dma_semaphore, #tpu.memory_space<semaphore_mem>>)
      %dma_wait3A = arith.constant 0 : i32
      %dma_wait3A_136 = tpu.memref_slice %arg6[%add3A_47, %dma_wait3A] : memref<10240x128xf32, #tpu.memory_space<vmem_shared>> -> memref<128x128xf32, #tpu.memory_space<vmem_shared>>
      %dma_wait3A_137 = arith.constant 0 : i32
      %dma_wait3A_138 = tpu.memref_slice %arg6[%add3A_47, %dma_wait3A_137] : memref<10240x128xf32, #tpu.memory_space<vmem_shared>> -> memref<128x128xf32, #tpu.memory_space<vmem_shared>>
      tpu.wait_dma2 semaphore(%run_scoped3A : memref<!tpu.dma_semaphore, #tpu.memory_space<semaphore_mem>>) src(%dma_wait3A_138 : memref<128x128xf32, #tpu.memory_space<vmem_shared>>) dst(%arg9 : memref<128x128xf32, #tpu.memory_space<vmem>>)
      tpu.yield
    }) : () -> ()
    "tpu.region"() ({
      %run_scoped3A = tpu.sem_alloc : memref<!tpu.dma_semaphore, #tpu.memory_space<semaphore_mem>>
      %dma_start3A_132 = arith.constant 0 : i32
      %dma_start3A_133 = tpu.memref_slice %arg4[%arg0, %add3A_47, %dma_start3A_132] : memref<2x10240x128xf32, #tpu.memory_space<hbm>> -> memref<1x128x128xf32, #tpu.memory_space<hbm>>
      %dma_start3A_134 = tpu.memref_squeeze %dma_start3A_133 : memref<1x128x128xf32, #tpu.memory_space<hbm>> -> memref<128x128xf32, #tpu.memory_space<hbm>>
      %dma_start3A_135 = arith.constant 0 : i32
      %dma_start3A_136 = tpu.memref_slice %arg4[%arg0, %add3A_47, %dma_start3A_135] : memref<2x10240x128xf32, #tpu.memory_space<hbm>> -> memref<1x128x128xf32, #tpu.memory_space<hbm>>
      %dma_start3A_137 = tpu.memref_squeeze %dma_start3A_136 : memref<1x128x128xf32, #tpu.memory_space<hbm>> -> memref<128x128xf32, #tpu.memory_space<hbm>>
      tpu.enqueue_dma source(%arg9 : memref<128x128xf32, #tpu.memory_space<vmem>>) target(%dma_start3A_137 : memref<128x128xf32, #tpu.memory_space<hbm>>) target_semaphore(%run_scoped3A : memref<!tpu.dma_semaphore, #tpu.memory_space<semaphore_mem>>)
      %dma_wait3A = arith.constant 0 : i32
      %dma_wait3A_138 = tpu.memref_slice %arg4[%arg0, %add3A_47, %dma_wait3A] : memref<2x10240x128xf32, #tpu.memory_space<hbm>> -> memref<1x128x128xf32, #tpu.memory_space<hbm>>
      %dma_wait3A_139 = tpu.memref_squeeze %dma_wait3A_138 : memref<1x128x128xf32, #tpu.memory_space<hbm>> -> memref<128x128xf32, #tpu.memory_space<hbm>>
      %dma_wait3A_140 = arith.constant 0 : i32
      %dma_wait3A_141 = tpu.memref_slice %arg4[%arg0, %add3A_47, %dma_wait3A_140] : memref<2x10240x128xf32, #tpu.memory_space<hbm>> -> memref<1x128x128xf32, #tpu.memory_space<hbm>>
      %dma_wait3A_142 = tpu.memref_squeeze %dma_wait3A_141 : memref<1x128x128xf32, #tpu.memory_space<hbm>> -> memref<128x128xf32, #tpu.memory_space<hbm>>
      tpu.wait_dma2 semaphore(%run_scoped3A : memref<!tpu.dma_semaphore, #tpu.memory_space<semaphore_mem>>) src(%arg9 : memref<128x128xf32, #tpu.memory_space<vmem>>) dst(%dma_wait3A_142 : memref<128x128xf32, #tpu.memory_space<hbm>>)
      tpu.yield
    }) : () -> ()
    %mul3A_48 = arith.constant 640 : i32
    %mul3A_49 = arith.muli %arg1, %mul3A_48 : i32
    %add3A_50 = arith.constant 256 : i32
    %add3A_51 = arith.addi %mul3A_49, %add3A_50 : i32
    "tpu.region"() ({
      %run_scoped3A = tpu.sem_alloc : memref<!tpu.dma_semaphore, #tpu.memory_space<semaphore_mem>>
      %dma_start3A_132 = arith.constant 0 : i32
      %dma_start3A_133 = tpu.memref_slice %arg6[%add3A_51, %dma_start3A_132] : memref<10240x128xf32, #tpu.memory_space<vmem_shared>> -> memref<128x128xf32, #tpu.memory_space<vmem_shared>>
      %dma_start3A_134 = arith.constant 0 : i32
      %dma_start3A_135 = tpu.memref_slice %arg6[%add3A_51, %dma_start3A_134] : memref<10240x128xf32, #tpu.memory_space<vmem_shared>> -> memref<128x128xf32, #tpu.memory_space<vmem_shared>>
      tpu.enqueue_dma source(%dma_start3A_135 : memref<128x128xf32, #tpu.memory_space<vmem_shared>>) target(%arg9 : memref<128x128xf32, #tpu.memory_space<vmem>>) target_semaphore(%run_scoped3A : memref<!tpu.dma_semaphore, #tpu.memory_space<semaphore_mem>>)
      %dma_wait3A = arith.constant 0 : i32
      %dma_wait3A_136 = tpu.memref_slice %arg6[%add3A_51, %dma_wait3A] : memref<10240x128xf32, #tpu.memory_space<vmem_shared>> -> memref<128x128xf32, #tpu.memory_space<vmem_shared>>
      %dma_wait3A_137 = arith.constant 0 : i32
      %dma_wait3A_138 = tpu.memref_slice %arg6[%add3A_51, %dma_wait3A_137] : memref<10240x128xf32, #tpu.memory_space<vmem_shared>> -> memref<128x128xf32, #tpu.memory_space<vmem_shared>>
      tpu.wait_dma2 semaphore(%run_scoped3A : memref<!tpu.dma_semaphore, #tpu.memory_space<semaphore_mem>>) src(%dma_wait3A_138 : memref<128x128xf32, #tpu.memory_space<vmem_shared>>) dst(%arg9 : memref<128x128xf32, #tpu.memory_space<vmem>>)
      tpu.yield
    }) : () -> ()
    "tpu.region"() ({
      %run_scoped3A = tpu.sem_alloc : memref<!tpu.dma_semaphore, #tpu.memory_space<semaphore_mem>>
      %dma_start3A_132 = arith.constant 0 : i32
      %dma_start3A_133 = tpu.memref_slice %arg4[%arg0, %add3A_51, %dma_start3A_132] : memref<2x10240x128xf32, #tpu.memory_space<hbm>> -> memref<1x128x128xf32, #tpu.memory_space<hbm>>
      %dma_start3A_134 = tpu.memref_squeeze %dma_start3A_133 : memref<1x128x128xf32, #tpu.memory_space<hbm>> -> memref<128x128xf32, #tpu.memory_space<hbm>>
      %dma_start3A_135 = arith.constant 0 : i32
      %dma_start3A_136 = tpu.memref_slice %arg4[%arg0, %add3A_51, %dma_start3A_135] : memref<2x10240x128xf32, #tpu.memory_space<hbm>> -> memref<1x128x128xf32, #tpu.memory_space<hbm>>
      %dma_start3A_137 = tpu.memref_squeeze %dma_start3A_136 : memref<1x128x128xf32, #tpu.memory_space<hbm>> -> memref<128x128xf32, #tpu.memory_space<hbm>>
      tpu.enqueue_dma source(%arg9 : memref<128x128xf32, #tpu.memory_space<vmem>>) target(%dma_start3A_137 : memref<128x128xf32, #tpu.memory_space<hbm>>) target_semaphore(%run_scoped3A : memref<!tpu.dma_semaphore, #tpu.memory_space<semaphore_mem>>)
      %dma_wait3A = arith.constant 0 : i32
      %dma_wait3A_138 = tpu.memref_slice %arg4[%arg0, %add3A_51, %dma_wait3A] : memref<2x10240x128xf32, #tpu.memory_space<hbm>> -> memref<1x128x128xf32, #tpu.memory_space<hbm>>
      %dma_wait3A_139 = tpu.memref_squeeze %dma_wait3A_138 : memref<1x128x128xf32, #tpu.memory_space<hbm>> -> memref<128x128xf32, #tpu.memory_space<hbm>>
      %dma_wait3A_140 = arith.constant 0 : i32
      %dma_wait3A_141 = tpu.memref_slice %arg4[%arg0, %add3A_51, %dma_wait3A_140] : memref<2x10240x128xf32, #tpu.memory_space<hbm>> -> memref<1x128x128xf32, #tpu.memory_space<hbm>>
      %dma_wait3A_142 = tpu.memref_squeeze %dma_wait3A_141 : memref<1x128x128xf32, #tpu.memory_space<hbm>> -> memref<128x128xf32, #tpu.memory_space<hbm>>
      tpu.wait_dma2 semaphore(%run_scoped3A : memref<!tpu.dma_semaphore, #tpu.memory_space<semaphore_mem>>) src(%arg9 : memref<128x128xf32, #tpu.memory_space<vmem>>) dst(%dma_wait3A_142 : memref<128x128xf32, #tpu.memory_space<hbm>>)
      tpu.yield
    }) : () -> ()
    %mul3A_52 = arith.constant 640 : i32
    %mul3A_53 = arith.muli %arg1, %mul3A_52 : i32
    %add3A_54 = arith.constant 384 : i32
    %add3A_55 = arith.addi %mul3A_53, %add3A_54 : i32
    "tpu.region"() ({
      %run_scoped3A = tpu.sem_alloc : memref<!tpu.dma_semaphore, #tpu.memory_space<semaphore_mem>>
      %dma_start3A_132 = arith.constant 0 : i32
      %dma_start3A_133 = tpu.memref_slice %arg6[%add3A_55, %dma_start3A_132] : memref<10240x128xf32, #tpu.memory_space<vmem_shared>> -> memref<128x128xf32, #tpu.memory_space<vmem_shared>>
      %dma_start3A_134 = arith.constant 0 : i32
      %dma_start3A_135 = tpu.memref_slice %arg6[%add3A_55, %dma_start3A_134] : memref<10240x128xf32, #tpu.memory_space<vmem_shared>> -> memref<128x128xf32, #tpu.memory_space<vmem_shared>>
      tpu.enqueue_dma source(%dma_start3A_135 : memref<128x128xf32, #tpu.memory_space<vmem_shared>>) target(%arg9 : memref<128x128xf32, #tpu.memory_space<vmem>>) target_semaphore(%run_scoped3A : memref<!tpu.dma_semaphore, #tpu.memory_space<semaphore_mem>>)
      %dma_wait3A = arith.constant 0 : i32
      %dma_wait3A_136 = tpu.memref_slice %arg6[%add3A_55, %dma_wait3A] : memref<10240x128xf32, #tpu.memory_space<vmem_shared>> -> memref<128x128xf32, #tpu.memory_space<vmem_shared>>
      %dma_wait3A_137 = arith.constant 0 : i32
      %dma_wait3A_138 = tpu.memref_slice %arg6[%add3A_55, %dma_wait3A_137] : memref<10240x128xf32, #tpu.memory_space<vmem_shared>> -> memref<128x128xf32, #tpu.memory_space<vmem_shared>>
      tpu.wait_dma2 semaphore(%run_scoped3A : memref<!tpu.dma_semaphore, #tpu.memory_space<semaphore_mem>>) src(%dma_wait3A_138 : memref<128x128xf32, #tpu.memory_space<vmem_shared>>) dst(%arg9 : memref<128x128xf32, #tpu.memory_space<vmem>>)
      tpu.yield
    }) : () -> ()
    "tpu.region"() ({
      %run_scoped3A = tpu.sem_alloc : memref<!tpu.dma_semaphore, #tpu.memory_space<semaphore_mem>>
      %dma_start3A_132 = arith.constant 0 : i32
      %dma_start3A_133 = tpu.memref_slice %arg4[%arg0, %add3A_55, %dma_start3A_132] : memref<2x10240x128xf32, #tpu.memory_space<hbm>> -> memref<1x128x128xf32, #tpu.memory_space<hbm>>
      %dma_start3A_134 = tpu.memref_squeeze %dma_start3A_133 : memref<1x128x128xf32, #tpu.memory_space<hbm>> -> memref<128x128xf32, #tpu.memory_space<hbm>>
      %dma_start3A_135 = arith.constant 0 : i32
      %dma_start3A_136 = tpu.memref_slice %arg4[%arg0, %add3A_55, %dma_start3A_135] : memref<2x10240x128xf32, #tpu.memory_space<hbm>> -> memref<1x128x128xf32, #tpu.memory_space<hbm>>
      %dma_start3A_137 = tpu.memref_squeeze %dma_start3A_136 : memref<1x128x128xf32, #tpu.memory_space<hbm>> -> memref<128x128xf32, #tpu.memory_space<hbm>>
      tpu.enqueue_dma source(%arg9 : memref<128x128xf32, #tpu.memory_space<vmem>>) target(%dma_start3A_137 : memref<128x128xf32, #tpu.memory_space<hbm>>) target_semaphore(%run_scoped3A : memref<!tpu.dma_semaphore, #tpu.memory_space<semaphore_mem>>)
      %dma_wait3A = arith.constant 0 : i32
      %dma_wait3A_138 = tpu.memref_slice %arg4[%arg0, %add3A_55, %dma_wait3A] : memref<2x10240x128xf32, #tpu.memory_space<hbm>> -> memref<1x128x128xf32, #tpu.memory_space<hbm>>
      %dma_wait3A_139 = tpu.memref_squeeze %dma_wait3A_138 : memref<1x128x128xf32, #tpu.memory_space<hbm>> -> memref<128x128xf32, #tpu.memory_space<hbm>>
      %dma_wait3A_140 = arith.constant 0 : i32
      %dma_wait3A_141 = tpu.memref_slice %arg4[%arg0, %add3A_55, %dma_wait3A_140] : memref<2x10240x128xf32, #tpu.memory_space<hbm>> -> memref<1x128x128xf32, #tpu.memory_space<hbm>>
      %dma_wait3A_142 = tpu.memref_squeeze %dma_wait3A_141 : memref<1x128x128xf32, #tpu.memory_space<hbm>> -> memref<128x128xf32, #tpu.memory_space<hbm>>
      tpu.wait_dma2 semaphore(%run_scoped3A : memref<!tpu.dma_semaphore, #tpu.memory_space<semaphore_mem>>) src(%arg9 : memref<128x128xf32, #tpu.memory_space<vmem>>) dst(%dma_wait3A_142 : memref<128x128xf32, #tpu.memory_space<hbm>>)
      tpu.yield
    }) : () -> ()
    %mul3A_56 = arith.constant 640 : i32
    %mul3A_57 = arith.muli %arg1, %mul3A_56 : i32
    %add3A_58 = arith.constant 512 : i32
    %add3A_59 = arith.addi %mul3A_57, %add3A_58 : i32
    "tpu.region"() ({
      %run_scoped3A = tpu.sem_alloc : memref<!tpu.dma_semaphore, #tpu.memory_space<semaphore_mem>>
      %dma_start3A_132 = arith.constant 0 : i32
      %dma_start3A_133 = tpu.memref_slice %arg6[%add3A_59, %dma_start3A_132] : memref<10240x128xf32, #tpu.memory_space<vmem_shared>> -> memref<128x128xf32, #tpu.memory_space<vmem_shared>>
      %dma_start3A_134 = arith.constant 0 : i32
      %dma_start3A_135 = tpu.memref_slice %arg6[%add3A_59, %dma_start3A_134] : memref<10240x128xf32, #tpu.memory_space<vmem_shared>> -> memref<128x128xf32, #tpu.memory_space<vmem_shared>>
      tpu.enqueue_dma source(%dma_start3A_135 : memref<128x128xf32, #tpu.memory_space<vmem_shared>>) target(%arg9 : memref<128x128xf32, #tpu.memory_space<vmem>>) target_semaphore(%run_scoped3A : memref<!tpu.dma_semaphore, #tpu.memory_space<semaphore_mem>>)
      %dma_wait3A = arith.constant 0 : i32
      %dma_wait3A_136 = tpu.memref_slice %arg6[%add3A_59, %dma_wait3A] : memref<10240x128xf32, #tpu.memory_space<vmem_shared>> -> memref<128x128xf32, #tpu.memory_space<vmem_shared>>
      %dma_wait3A_137 = arith.constant 0 : i32
      %dma_wait3A_138 = tpu.memref_slice %arg6[%add3A_59, %dma_wait3A_137] : memref<10240x128xf32, #tpu.memory_space<vmem_shared>> -> memref<128x128xf32, #tpu.memory_space<vmem_shared>>
      tpu.wait_dma2 semaphore(%run_scoped3A : memref<!tpu.dma_semaphore, #tpu.memory_space<semaphore_mem>>) src(%dma_wait3A_138 : memref<128x128xf32, #tpu.memory_space<vmem_shared>>) dst(%arg9 : memref<128x128xf32, #tpu.memory_space<vmem>>)
      tpu.yield
    }) : () -> ()
    "tpu.region"() ({
      %run_scoped3A = tpu.sem_alloc : memref<!tpu.dma_semaphore, #tpu.memory_space<semaphore_mem>>
      %dma_start3A_132 = arith.constant 0 : i32
      %dma_start3A_133 = tpu.memref_slice %arg4[%arg0, %add3A_59, %dma_start3A_132] : memref<2x10240x128xf32, #tpu.memory_space<hbm>> -> memref<1x128x128xf32, #tpu.memory_space<hbm>>
      %dma_start3A_134 = tpu.memref_squeeze %dma_start3A_133 : memref<1x128x128xf32, #tpu.memory_space<hbm>> -> memref<128x128xf32, #tpu.memory_space<hbm>>
      %dma_start3A_135 = arith.constant 0 : i32
      %dma_start3A_136 = tpu.memref_slice %arg4[%arg0, %add3A_59, %dma_start3A_135] : memref<2x10240x128xf32, #tpu.memory_space<hbm>> -> memref<1x128x128xf32, #tpu.memory_space<hbm>>
      %dma_start3A_137 = tpu.memref_squeeze %dma_start3A_136 : memref<1x128x128xf32, #tpu.memory_space<hbm>> -> memref<128x128xf32, #tpu.memory_space<hbm>>
      tpu.enqueue_dma source(%arg9 : memref<128x128xf32, #tpu.memory_space<vmem>>) target(%dma_start3A_137 : memref<128x128xf32, #tpu.memory_space<hbm>>) target_semaphore(%run_scoped3A : memref<!tpu.dma_semaphore, #tpu.memory_space<semaphore_mem>>)
      %dma_wait3A = arith.constant 0 : i32
      %dma_wait3A_138 = tpu.memref_slice %arg4[%arg0, %add3A_59, %dma_wait3A] : memref<2x10240x128xf32, #tpu.memory_space<hbm>> -> memref<1x128x128xf32, #tpu.memory_space<hbm>>
      %dma_wait3A_139 = tpu.memref_squeeze %dma_wait3A_138 : memref<1x128x128xf32, #tpu.memory_space<hbm>> -> memref<128x128xf32, #tpu.memory_space<hbm>>
      %dma_wait3A_140 = arith.constant 0 : i32
      %dma_wait3A_141 = tpu.memref_slice %arg4[%arg0, %add3A_59, %dma_wait3A_140] : memref<2x10240x128xf32, #tpu.memory_space<hbm>> -> memref<1x128x128xf32, #tpu.memory_space<hbm>>
      %dma_wait3A_142 = tpu.memref_squeeze %dma_wait3A_141 : memref<1x128x128xf32, #tpu.memory_space<hbm>> -> memref<128x128xf32, #tpu.memory_space<hbm>>
      tpu.wait_dma2 semaphore(%run_scoped3A : memref<!tpu.dma_semaphore, #tpu.memory_space<semaphore_mem>>) src(%arg9 : memref<128x128xf32, #tpu.memory_space<vmem>>) dst(%dma_wait3A_142 : memref<128x128xf32, #tpu.memory_space<hbm>>)
      tpu.yield
    }) : () -> ()
    %barrier3A_60 = arith.constant 0 : index
    tpu.barrier barrier_id(%barrier3A_60)
    %scan3A_61 = arith.constant 0 : i32
    %scan3A_62 = arith.constant 0 : i32
    %scan3A_63 = arith.constant 128 : i32
    %scan3A_64 = arith.addi %scan3A_62, %scan3A_63 : i32
    %scan3A_65 = arith.constant 1 : i32
    %scan3A_66 = scf.for %scan3A_132 = %scan3A_62 to %scan3A_64 step %scan3A_65 iter_args(%scan3A_133 = %scan3A_61) -> (i32)  : i32 {
      %broadcast_in_dim3A = arith.constant 0.000000e+00 : f32
      %broadcast_in_dim3A_134 = vector.broadcast %broadcast_in_dim3A : f32 to vector<16xf32>
      %swap3A = arith.index_cast %scan3A_132 : i32 to index
      %swap3A_135 = arith.constant 0 : index
      %swap3A_136 = tpu.vector_load %arg10[%swap3A, %swap3A_135] {strides = array<i32>} : memref<128x128xf32, #tpu.memory_space<vmem>>, vector<1x16xf32>,
      %swap3A_137 = vector.shape_cast %swap3A_136 : vector<1x16xf32> to vector<16xf32>
      %swap3A_138 = vector.shape_cast %broadcast_in_dim3A_134 : vector<16xf32> to vector<1x16xf32>
      tpu.vector_store %arg10[%swap3A, %swap3A_135], %swap3A_138 {strides = array<i32>} : memref<128x128xf32, #tpu.memory_space<vmem>>, vector<1x16xf32>,
      %broadcast_in_dim3A_139 = arith.constant 0.000000e+00 : f32
      %broadcast_in_dim3A_140 = vector.broadcast %broadcast_in_dim3A_139 : f32 to vector<16xf32>
      %swap3A_141 = arith.index_cast %scan3A_132 : i32 to index
      %swap3A_142 = arith.constant 16 : index
      %swap3A_143 = tpu.vector_load %arg10[%swap3A_141, %swap3A_142] {strides = array<i32>} : memref<128x128xf32, #tpu.memory_space<vmem>>, vector<1x16xf32>,
      %swap3A_144 = vector.shape_cast %swap3A_143 : vector<1x16xf32> to vector<16xf32>
      %swap3A_145 = vector.shape_cast %broadcast_in_dim3A_140 : vector<16xf32> to vector<1x16xf32>
      tpu.vector_store %arg10[%swap3A_141, %swap3A_142], %swap3A_145 {strides = array<i32>} : memref<128x128xf32, #tpu.memory_space<vmem>>, vector<1x16xf32>,
      %broadcast_in_dim3A_146 = arith.constant 0.000000e+00 : f32
      %broadcast_in_dim3A_147 = vector.broadcast %broadcast_in_dim3A_146 : f32 to vector<16xf32>
      %swap3A_148 = arith.index_cast %scan3A_132 : i32 to index
      %swap3A_149 = arith.constant 32 : index
      %swap3A_150 = tpu.vector_load %arg10[%swap3A_148, %swap3A_149] {strides = array<i32>} : memref<128x128xf32, #tpu.memory_space<vmem>>, vector<1x16xf32>,
      %swap3A_151 = vector.shape_cast %swap3A_150 : vector<1x16xf32> to vector<16xf32>
      %swap3A_152 = vector.shape_cast %broadcast_in_dim3A_147 : vector<16xf32> to vector<1x16xf32>
      tpu.vector_store %arg10[%swap3A_148, %swap3A_149], %swap3A_152 {strides = array<i32>} : memref<128x128xf32, #tpu.memory_space<vmem>>, vector<1x16xf32>,
      %broadcast_in_dim3A_153 = arith.constant 0.000000e+00 : f32
      %broadcast_in_dim3A_154 = vector.broadcast %broadcast_in_dim3A_153 : f32 to vector<16xf32>
      %swap3A_155 = arith.index_cast %scan3A_132 : i32 to index
      %swap3A_156 = arith.constant 48 : index
      %swap3A_157 = tpu.vector_load %arg10[%swap3A_155, %swap3A_156] {strides = array<i32>} : memref<128x128xf32, #tpu.memory_space<vmem>>, vector<1x16xf32>,
      %swap3A_158 = vector.shape_cast %swap3A_157 : vector<1x16xf32> to vector<16xf32>
      %swap3A_159 = vector.shape_cast %broadcast_in_dim3A_154 : vector<16xf32> to vector<1x16xf32>
      tpu.vector_store %arg10[%swap3A_155, %swap3A_156], %swap3A_159 {strides = array<i32>} : memref<128x128xf32, #tpu.memory_space<vmem>>, vector<1x16xf32>,
      %broadcast_in_dim3A_160 = arith.constant 0.000000e+00 : f32
      %broadcast_in_dim3A_161 = vector.broadcast %broadcast_in_dim3A_160 : f32 to vector<16xf32>
      %swap3A_162 = arith.index_cast %scan3A_132 : i32 to index
      %swap3A_163 = arith.constant 64 : index
      %swap3A_164 = tpu.vector_load %arg10[%swap3A_162, %swap3A_163] {strides = array<i32>} : memref<128x128xf32, #tpu.memory_space<vmem>>, vector<1x16xf32>,
      %swap3A_165 = vector.shape_cast %swap3A_164 : vector<1x16xf32> to vector<16xf32>
      %swap3A_166 = vector.shape_cast %broadcast_in_dim3A_161 : vector<16xf32> to vector<1x16xf32>
      tpu.vector_store %arg10[%swap3A_162, %swap3A_163], %swap3A_166 {strides = array<i32>} : memref<128x128xf32, #tpu.memory_space<vmem>>, vector<1x16xf32>,
      %broadcast_in_dim3A_167 = arith.constant 0.000000e+00 : f32
      %broadcast_in_dim3A_168 = vector.broadcast %broadcast_in_dim3A_167 : f32 to vector<16xf32>
      %swap3A_169 = arith.index_cast %scan3A_132 : i32 to index
      %swap3A_170 = arith.constant 80 : index
      %swap3A_171 = tpu.vector_load %arg10[%swap3A_169, %swap3A_170] {strides = array<i32>} : memref<128x128xf32, #tpu.memory_space<vmem>>, vector<1x16xf32>,
      %swap3A_172 = vector.shape_cast %swap3A_171 : vector<1x16xf32> to vector<16xf32>
      %swap3A_173 = vector.shape_cast %broadcast_in_dim3A_168 : vector<16xf32> to vector<1x16xf32>
      tpu.vector_store %arg10[%swap3A_169, %swap3A_170], %swap3A_173 {strides = array<i32>} : memref<128x128xf32, #tpu.memory_space<vmem>>, vector<1x16xf32>,
      %broadcast_in_dim3A_174 = arith.constant 0.000000e+00 : f32
      %broadcast_in_dim3A_175 = vector.broadcast %broadcast_in_dim3A_174 : f32 to vector<16xf32>
      %swap3A_176 = arith.index_cast %scan3A_132 : i32 to index
      %swap3A_177 = arith.constant 96 : index
      %swap3A_178 = tpu.vector_load %arg10[%swap3A_176, %swap3A_177] {strides = array<i32>} : memref<128x128xf32, #tpu.memory_space<vmem>>, vector<1x16xf32>,
      %swap3A_179 = vector.shape_cast %swap3A_178 : vector<1x16xf32> to vector<16xf32>
      %swap3A_180 = vector.shape_cast %broadcast_in_dim3A_175 : vector<16xf32> to vector<1x16xf32>
      tpu.vector_store %arg10[%swap3A_176, %swap3A_177], %swap3A_180 {strides = array<i32>} : memref<128x128xf32, #tpu.memory_space<vmem>>, vector<1x16xf32>,
      %broadcast_in_dim3A_181 = arith.constant 0.000000e+00 : f32
      %broadcast_in_dim3A_182 = vector.broadcast %broadcast_in_dim3A_181 : f32 to vector<16xf32>
      %swap3A_183 = arith.index_cast %scan3A_132 : i32 to index
      %swap3A_184 = arith.constant 112 : index
      %swap3A_185 = tpu.vector_load %arg10[%swap3A_183, %swap3A_184] {strides = array<i32>} : memref<128x128xf32, #tpu.memory_space<vmem>>, vector<1x16xf32>,
      %swap3A_186 = vector.shape_cast %swap3A_185 : vector<1x16xf32> to vector<16xf32>
      %swap3A_187 = vector.shape_cast %broadcast_in_dim3A_182 : vector<16xf32> to vector<1x16xf32>
      tpu.vector_store %arg10[%swap3A_183, %swap3A_184], %swap3A_187 {strides = array<i32>} : memref<128x128xf32, #tpu.memory_space<vmem>>, vector<1x16xf32>,
      %scan3A_188 = arith.constant 0 : i32
      scf.yield %scan3A_188 : i32
    }
    %scan3A_67 = arith.constant 128 : i32
    %mul3A_68 = arith.constant 640 : i32
    %mul3A_69 = arith.muli %arg1, %mul3A_68 : i32
    %add3A_70 = arith.constant 0 : i32
    %add3A_71 = arith.addi %mul3A_69, %add3A_70 : i32
    "tpu.region"() ({
      %run_scoped3A = tpu.sem_alloc : memref<!tpu.dma_semaphore, #tpu.memory_space<semaphore_mem>>
      %dma_start3A_132 = arith.constant 0 : i32
      %dma_start3A_133 = tpu.memref_slice %arg6[%add3A_71, %dma_start3A_132] : memref<10240x128xf32, #tpu.memory_space<vmem_shared>> -> memref<128x128xf32, #tpu.memory_space<vmem_shared>>
      %dma_start3A_134 = arith.constant 0 : i32
      %dma_start3A_135 = tpu.memref_slice %arg6[%add3A_71, %dma_start3A_134] : memref<10240x128xf32, #tpu.memory_space<vmem_shared>> -> memref<128x128xf32, #tpu.memory_space<vmem_shared>>
      tpu.enqueue_dma source(%arg10 : memref<128x128xf32, #tpu.memory_space<vmem>>) target(%dma_start3A_135 : memref<128x128xf32, #tpu.memory_space<vmem_shared>>) target_semaphore(%run_scoped3A : memref<!tpu.dma_semaphore, #tpu.memory_space<semaphore_mem>>)
      %dma_wait3A = arith.constant 0 : i32
      %dma_wait3A_136 = tpu.memref_slice %arg6[%add3A_71, %dma_wait3A] : memref<10240x128xf32, #tpu.memory_space<vmem_shared>> -> memref<128x128xf32, #tpu.memory_space<vmem_shared>>
      %dma_wait3A_137 = arith.constant 0 : i32
      %dma_wait3A_138 = tpu.memref_slice %arg6[%add3A_71, %dma_wait3A_137] : memref<10240x128xf32, #tpu.memory_space<vmem_shared>> -> memref<128x128xf32, #tpu.memory_space<vmem_shared>>
      tpu.wait_dma2 semaphore(%run_scoped3A : memref<!tpu.dma_semaphore, #tpu.memory_space<semaphore_mem>>) src(%arg10 : memref<128x128xf32, #tpu.memory_space<vmem>>) dst(%dma_wait3A_138 : memref<128x128xf32, #tpu.memory_space<vmem_shared>>)
      tpu.yield
    }) : () -> ()
    %mul3A_72 = arith.constant 640 : i32
    %mul3A_73 = arith.muli %arg1, %mul3A_72 : i32
    %add3A_74 = arith.constant 128 : i32
    %add3A_75 = arith.addi %mul3A_73, %add3A_74 : i32
    "tpu.region"() ({
      %run_scoped3A = tpu.sem_alloc : memref<!tpu.dma_semaphore, #tpu.memory_space<semaphore_mem>>
      %dma_start3A_132 = arith.constant 0 : i32
      %dma_start3A_133 = tpu.memref_slice %arg6[%add3A_75, %dma_start3A_132] : memref<10240x128xf32, #tpu.memory_space<vmem_shared>> -> memref<128x128xf32, #tpu.memory_space<vmem_shared>>
      %dma_start3A_134 = arith.constant 0 : i32
      %dma_start3A_135 = tpu.memref_slice %arg6[%add3A_75, %dma_start3A_134] : memref<10240x128xf32, #tpu.memory_space<vmem_shared>> -> memref<128x128xf32, #tpu.memory_space<vmem_shared>>
      tpu.enqueue_dma source(%arg10 : memref<128x128xf32, #tpu.memory_space<vmem>>) target(%dma_start3A_135 : memref<128x128xf32, #tpu.memory_space<vmem_shared>>) target_semaphore(%run_scoped3A : memref<!tpu.dma_semaphore, #tpu.memory_space<semaphore_mem>>)
      %dma_wait3A = arith.constant 0 : i32
      %dma_wait3A_136 = tpu.memref_slice %arg6[%add3A_75, %dma_wait3A] : memref<10240x128xf32, #tpu.memory_space<vmem_shared>> -> memref<128x128xf32, #tpu.memory_space<vmem_shared>>
      %dma_wait3A_137 = arith.constant 0 : i32
      %dma_wait3A_138 = tpu.memref_slice %arg6[%add3A_75, %dma_wait3A_137] : memref<10240x128xf32, #tpu.memory_space<vmem_shared>> -> memref<128x128xf32, #tpu.memory_space<vmem_shared>>
      tpu.wait_dma2 semaphore(%run_scoped3A : memref<!tpu.dma_semaphore, #tpu.memory_space<semaphore_mem>>) src(%arg10 : memref<128x128xf32, #tpu.memory_space<vmem>>) dst(%dma_wait3A_138 : memref<128x128xf32, #tpu.memory_space<vmem_shared>>)
      tpu.yield
    }) : () -> ()
    %mul3A_76 = arith.constant 640 : i32
    %mul3A_77 = arith.muli %arg1, %mul3A_76 : i32
    %add3A_78 = arith.constant 256 : i32
    %add3A_79 = arith.addi %mul3A_77, %add3A_78 : i32
    "tpu.region"() ({
      %run_scoped3A = tpu.sem_alloc : memref<!tpu.dma_semaphore, #tpu.memory_space<semaphore_mem>>
      %dma_start3A_132 = arith.constant 0 : i32
      %dma_start3A_133 = tpu.memref_slice %arg6[%add3A_79, %dma_start3A_132] : memref<10240x128xf32, #tpu.memory_space<vmem_shared>> -> memref<128x128xf32, #tpu.memory_space<vmem_shared>>
      %dma_start3A_134 = arith.constant 0 : i32
      %dma_start3A_135 = tpu.memref_slice %arg6[%add3A_79, %dma_start3A_134] : memref<10240x128xf32, #tpu.memory_space<vmem_shared>> -> memref<128x128xf32, #tpu.memory_space<vmem_shared>>
      tpu.enqueue_dma source(%arg10 : memref<128x128xf32, #tpu.memory_space<vmem>>) target(%dma_start3A_135 : memref<128x128xf32, #tpu.memory_space<vmem_shared>>) target_semaphore(%run_scoped3A : memref<!tpu.dma_semaphore, #tpu.memory_space<semaphore_mem>>)
      %dma_wait3A = arith.constant 0 : i32
      %dma_wait3A_136 = tpu.memref_slice %arg6[%add3A_79, %dma_wait3A] : memref<10240x128xf32, #tpu.memory_space<vmem_shared>> -> memref<128x128xf32, #tpu.memory_space<vmem_shared>>
      %dma_wait3A_137 = arith.constant 0 : i32
      %dma_wait3A_138 = tpu.memref_slice %arg6[%add3A_79, %dma_wait3A_137] : memref<10240x128xf32, #tpu.memory_space<vmem_shared>> -> memref<128x128xf32, #tpu.memory_space<vmem_shared>>
      tpu.wait_dma2 semaphore(%run_scoped3A : memref<!tpu.dma_semaphore, #tpu.memory_space<semaphore_mem>>) src(%arg10 : memref<128x128xf32, #tpu.memory_space<vmem>>) dst(%dma_wait3A_138 : memref<128x128xf32, #tpu.memory_space<vmem_shared>>)
      tpu.yield
    }) : () -> ()
    %mul3A_80 = arith.constant 640 : i32
    %mul3A_81 = arith.muli %arg1, %mul3A_80 : i32
    %add3A_82 = arith.constant 384 : i32
    %add3A_83 = arith.addi %mul3A_81, %add3A_82 : i32
    "tpu.region"() ({
      %run_scoped3A = tpu.sem_alloc : memref<!tpu.dma_semaphore, #tpu.memory_space<semaphore_mem>>
      %dma_start3A_132 = arith.constant 0 : i32
      %dma_start3A_133 = tpu.memref_slice %arg6[%add3A_83, %dma_start3A_132] : memref<10240x128xf32, #tpu.memory_space<vmem_shared>> -> memref<128x128xf32, #tpu.memory_space<vmem_shared>>
      %dma_start3A_134 = arith.constant 0 : i32
      %dma_start3A_135 = tpu.memref_slice %arg6[%add3A_83, %dma_start3A_134] : memref<10240x128xf32, #tpu.memory_space<vmem_shared>> -> memref<128x128xf32, #tpu.memory_space<vmem_shared>>
      tpu.enqueue_dma source(%arg10 : memref<128x128xf32, #tpu.memory_space<vmem>>) target(%dma_start3A_135 : memref<128x128xf32, #tpu.memory_space<vmem_shared>>) target_semaphore(%run_scoped3A : memref<!tpu.dma_semaphore, #tpu.memory_space<semaphore_mem>>)
      %dma_wait3A = arith.constant 0 : i32
      %dma_wait3A_136 = tpu.memref_slice %arg6[%add3A_83, %dma_wait3A] : memref<10240x128xf32, #tpu.memory_space<vmem_shared>> -> memref<128x128xf32, #tpu.memory_space<vmem_shared>>
      %dma_wait3A_137 = arith.constant 0 : i32
      %dma_wait3A_138 = tpu.memref_slice %arg6[%add3A_83, %dma_wait3A_137] : memref<10240x128xf32, #tpu.memory_space<vmem_shared>> -> memref<128x128xf32, #tpu.memory_space<vmem_shared>>
      tpu.wait_dma2 semaphore(%run_scoped3A : memref<!tpu.dma_semaphore, #tpu.memory_space<semaphore_mem>>) src(%arg10 : memref<128x128xf32, #tpu.memory_space<vmem>>) dst(%dma_wait3A_138 : memref<128x128xf32, #tpu.memory_space<vmem_shared>>)
      tpu.yield
    }) : () -> ()
    %mul3A_84 = arith.constant 640 : i32
    %mul3A_85 = arith.muli %arg1, %mul3A_84 : i32
    %add3A_86 = arith.constant 512 : i32
    %add3A_87 = arith.addi %mul3A_85, %add3A_86 : i32
    "tpu.region"() ({
      %run_scoped3A = tpu.sem_alloc : memref<!tpu.dma_semaphore, #tpu.memory_space<semaphore_mem>>
      %dma_start3A_132 = arith.constant 0 : i32
      %dma_start3A_133 = tpu.memref_slice %arg6[%add3A_87, %dma_start3A_132] : memref<10240x128xf32, #tpu.memory_space<vmem_shared>> -> memref<128x128xf32, #tpu.memory_space<vmem_shared>>
      %dma_start3A_134 = arith.constant 0 : i32
      %dma_start3A_135 = tpu.memref_slice %arg6[%add3A_87, %dma_start3A_134] : memref<10240x128xf32, #tpu.memory_space<vmem_shared>> -> memref<128x128xf32, #tpu.memory_space<vmem_shared>>
      tpu.enqueue_dma source(%arg10 : memref<128x128xf32, #tpu.memory_space<vmem>>) target(%dma_start3A_135 : memref<128x128xf32, #tpu.memory_space<vmem_shared>>) target_semaphore(%run_scoped3A : memref<!tpu.dma_semaphore, #tpu.memory_space<semaphore_mem>>)
      %dma_wait3A = arith.constant 0 : i32
      %dma_wait3A_136 = tpu.memref_slice %arg6[%add3A_87, %dma_wait3A] : memref<10240x128xf32, #tpu.memory_space<vmem_shared>> -> memref<128x128xf32, #tpu.memory_space<vmem_shared>>
      %dma_wait3A_137 = arith.constant 0 : i32
      %dma_wait3A_138 = tpu.memref_slice %arg6[%add3A_87, %dma_wait3A_137] : memref<10240x128xf32, #tpu.memory_space<vmem_shared>> -> memref<128x128xf32, #tpu.memory_space<vmem_shared>>
      tpu.wait_dma2 semaphore(%run_scoped3A : memref<!tpu.dma_semaphore, #tpu.memory_space<semaphore_mem>>) src(%arg10 : memref<128x128xf32, #tpu.memory_space<vmem>>) dst(%dma_wait3A_138 : memref<128x128xf32, #tpu.memory_space<vmem_shared>>)
      tpu.yield
    }) : () -> ()
    %barrier3A_88 = arith.constant 0 : index
    tpu.barrier barrier_id(%barrier3A_88)
    %scan3A_89 = arith.constant 0 : i32
    %scan3A_90 = arith.constant 0 : i32
    %scan3A_91 = arith.constant 128 : i32
    %scan3A_92 = arith.addi %scan3A_90, %scan3A_91 : i32
    %scan3A_93 = arith.constant 1 : i32
    %scan3A_94 = scf.for %scan3A_132 = %scan3A_90 to %scan3A_92 step %scan3A_93 iter_args(%scan3A_133 = %scan3A_89) -> (i32)  : i32 {
      %broadcast_in_dim3A = arith.constant 1.000000e+00 : f32
      %broadcast_in_dim3A_134 = vector.broadcast %broadcast_in_dim3A : f32 to vector<16xf32>
      %swap3A = arith.index_cast %scan3A_132 : i32 to index
      %swap3A_135 = arith.constant 0 : index
      %swap3A_136 = tpu.vector_load %arg9[%swap3A, %swap3A_135] {strides = array<i32>} : memref<128x128xf32, #tpu.memory_space<vmem>>, vector<1x16xf32>,
      %swap3A_137 = vector.shape_cast %swap3A_136 : vector<1x16xf32> to vector<16xf32>
      %swap3A_138 = vector.shape_cast %broadcast_in_dim3A_134 : vector<16xf32> to vector<1x16xf32>
      tpu.vector_store %arg9[%swap3A, %swap3A_135], %swap3A_138 {strides = array<i32>} : memref<128x128xf32, #tpu.memory_space<vmem>>, vector<1x16xf32>,
      %broadcast_in_dim3A_139 = arith.constant 1.000000e+00 : f32
      %broadcast_in_dim3A_140 = vector.broadcast %broadcast_in_dim3A_139 : f32 to vector<16xf32>
      %swap3A_141 = arith.index_cast %scan3A_132 : i32 to index
      %swap3A_142 = arith.constant 16 : index
      %swap3A_143 = tpu.vector_load %arg9[%swap3A_141, %swap3A_142] {strides = array<i32>} : memref<128x128xf32, #tpu.memory_space<vmem>>, vector<1x16xf32>,
      %swap3A_144 = vector.shape_cast %swap3A_143 : vector<1x16xf32> to vector<16xf32>
      %swap3A_145 = vector.shape_cast %broadcast_in_dim3A_140 : vector<16xf32> to vector<1x16xf32>
      tpu.vector_store %arg9[%swap3A_141, %swap3A_142], %swap3A_145 {strides = array<i32>} : memref<128x128xf32, #tpu.memory_space<vmem>>, vector<1x16xf32>,
      %broadcast_in_dim3A_146 = arith.constant 1.000000e+00 : f32
      %broadcast_in_dim3A_147 = vector.broadcast %broadcast_in_dim3A_146 : f32 to vector<16xf32>
      %swap3A_148 = arith.index_cast %scan3A_132 : i32 to index
      %swap3A_149 = arith.constant 32 : index
      %swap3A_150 = tpu.vector_load %arg9[%swap3A_148, %swap3A_149] {strides = array<i32>} : memref<128x128xf32, #tpu.memory_space<vmem>>, vector<1x16xf32>,
      %swap3A_151 = vector.shape_cast %swap3A_150 : vector<1x16xf32> to vector<16xf32>
      %swap3A_152 = vector.shape_cast %broadcast_in_dim3A_147 : vector<16xf32> to vector<1x16xf32>
      tpu.vector_store %arg9[%swap3A_148, %swap3A_149], %swap3A_152 {strides = array<i32>} : memref<128x128xf32, #tpu.memory_space<vmem>>, vector<1x16xf32>,
      %broadcast_in_dim3A_153 = arith.constant 1.000000e+00 : f32
      %broadcast_in_dim3A_154 = vector.broadcast %broadcast_in_dim3A_153 : f32 to vector<16xf32>
      %swap3A_155 = arith.index_cast %scan3A_132 : i32 to index
      %swap3A_156 = arith.constant 48 : index
      %swap3A_157 = tpu.vector_load %arg9[%swap3A_155, %swap3A_156] {strides = array<i32>} : memref<128x128xf32, #tpu.memory_space<vmem>>, vector<1x16xf32>,
      %swap3A_158 = vector.shape_cast %swap3A_157 : vector<1x16xf32> to vector<16xf32>
      %swap3A_159 = vector.shape_cast %broadcast_in_dim3A_154 : vector<16xf32> to vector<1x16xf32>
      tpu.vector_store %arg9[%swap3A_155, %swap3A_156], %swap3A_159 {strides = array<i32>} : memref<128x128xf32, #tpu.memory_space<vmem>>, vector<1x16xf32>,
      %broadcast_in_dim3A_160 = arith.constant 1.000000e+00 : f32
      %broadcast_in_dim3A_161 = vector.broadcast %broadcast_in_dim3A_160 : f32 to vector<16xf32>
      %swap3A_162 = arith.index_cast %scan3A_132 : i32 to index
      %swap3A_163 = arith.constant 64 : index
      %swap3A_164 = tpu.vector_load %arg9[%swap3A_162, %swap3A_163] {strides = array<i32>} : memref<128x128xf32, #tpu.memory_space<vmem>>, vector<1x16xf32>,
      %swap3A_165 = vector.shape_cast %swap3A_164 : vector<1x16xf32> to vector<16xf32>
      %swap3A_166 = vector.shape_cast %broadcast_in_dim3A_161 : vector<16xf32> to vector<1x16xf32>
      tpu.vector_store %arg9[%swap3A_162, %swap3A_163], %swap3A_166 {strides = array<i32>} : memref<128x128xf32, #tpu.memory_space<vmem>>, vector<1x16xf32>,
      %broadcast_in_dim3A_167 = arith.constant 1.000000e+00 : f32
      %broadcast_in_dim3A_168 = vector.broadcast %broadcast_in_dim3A_167 : f32 to vector<16xf32>
      %swap3A_169 = arith.index_cast %scan3A_132 : i32 to index
      %swap3A_170 = arith.constant 80 : index
      %swap3A_171 = tpu.vector_load %arg9[%swap3A_169, %swap3A_170] {strides = array<i32>} : memref<128x128xf32, #tpu.memory_space<vmem>>, vector<1x16xf32>,
      %swap3A_172 = vector.shape_cast %swap3A_171 : vector<1x16xf32> to vector<16xf32>
      %swap3A_173 = vector.shape_cast %broadcast_in_dim3A_168 : vector<16xf32> to vector<1x16xf32>
      tpu.vector_store %arg9[%swap3A_169, %swap3A_170], %swap3A_173 {strides = array<i32>} : memref<128x128xf32, #tpu.memory_space<vmem>>, vector<1x16xf32>,
      %broadcast_in_dim3A_174 = arith.constant 1.000000e+00 : f32
      %broadcast_in_dim3A_175 = vector.broadcast %broadcast_in_dim3A_174 : f32 to vector<16xf32>
      %swap3A_176 = arith.index_cast %scan3A_132 : i32 to index
      %swap3A_177 = arith.constant 96 : index
      %swap3A_178 = tpu.vector_load %arg9[%swap3A_176, %swap3A_177] {strides = array<i32>} : memref<128x128xf32, #tpu.memory_space<vmem>>, vector<1x16xf32>,
      %swap3A_179 = vector.shape_cast %swap3A_178 : vector<1x16xf32> to vector<16xf32>
      %swap3A_180 = vector.shape_cast %broadcast_in_dim3A_175 : vector<16xf32> to vector<1x16xf32>
      tpu.vector_store %arg9[%swap3A_176, %swap3A_177], %swap3A_180 {strides = array<i32>} : memref<128x128xf32, #tpu.memory_space<vmem>>, vector<1x16xf32>,
      %broadcast_in_dim3A_181 = arith.constant 1.000000e+00 : f32
      %broadcast_in_dim3A_182 = vector.broadcast %broadcast_in_dim3A_181 : f32 to vector<16xf32>
      %swap3A_183 = arith.index_cast %scan3A_132 : i32 to index
      %swap3A_184 = arith.constant 112 : index
      %swap3A_185 = tpu.vector_load %arg9[%swap3A_183, %swap3A_184] {strides = array<i32>} : memref<128x128xf32, #tpu.memory_space<vmem>>, vector<1x16xf32>,
      %swap3A_186 = vector.shape_cast %swap3A_185 : vector<1x16xf32> to vector<16xf32>
      %swap3A_187 = vector.shape_cast %broadcast_in_dim3A_182 : vector<16xf32> to vector<1x16xf32>
      tpu.vector_store %arg9[%swap3A_183, %swap3A_184], %swap3A_187 {strides = array<i32>} : memref<128x128xf32, #tpu.memory_space<vmem>>, vector<1x16xf32>,
      %scan3A_188 = arith.constant 0 : i32
      scf.yield %scan3A_188 : i32
    }
    %scan3A_95 = arith.constant 128 : i32
    %dma_start3A_96 = arith.constant 0 : i32
    %dma_start3A_97 = arith.constant 0 : i32
    %dma_start3A_98 = tpu.memref_slice %arg3[%add3A, %dma_start3A_96, %dma_start3A_97] : memref<2500x2x128xi32, #tpu.memory_space<hbm>> -> memref<1x2x128xi32, #tpu.memory_space<hbm>>
    %dma_start3A_99 = tpu.memref_squeeze %dma_start3A_98 : memref<1x2x128xi32, #tpu.memory_space<hbm>> -> memref<2x128xi32, #tpu.memory_space<hbm>>
    %dma_start3A_100 = arith.constant 0 : i32
    %dma_start3A_101 = arith.constant 0 : i32
    %dma_start3A_102 = tpu.memref_slice %arg3[%add3A, %dma_start3A_100, %dma_start3A_101] : memref<2500x2x128xi32, #tpu.memory_space<hbm>> -> memref<1x2x128xi32, #tpu.memory_space<hbm>>
    %dma_start3A_103 = tpu.memref_squeeze %dma_start3A_102 : memref<1x2x128xi32, #tpu.memory_space<hbm>> -> memref<2x128xi32, #tpu.memory_space<hbm>>
    tpu.enqueue_dma source(%dma_start3A_103 : memref<2x128xi32, #tpu.memory_space<hbm>>) target(%arg7 : memref<2x128xi32, #tpu.memory_space<vmem>>) target_semaphore(%arg11 : memref<!tpu.dma_semaphore, #tpu.memory_space<semaphore_mem>>)
    %scan3A_104 = arith.constant 0 : i32
    %scan3A_105 = arith.constant 0 : i32
    %scan3A_106 = arith.constant 40 : i32
    %scan3A_107 = arith.addi %scan3A_105, %scan3A_106 : i32
    %scan3A_108 = arith.constant 1 : i32
    %scan3A_109 = scf.for %scan3A_132 = %scan3A_105 to %scan3A_107 step %scan3A_108 iter_args(%scan3A_133 = %scan3A_104) -> (i32)  : i32 {
      %mul3A_134 = arith.constant 2 : i32
      %mul3A_135 = arith.muli %mul3A_134, %scan3A_132 : i32
      %add3A_136 = arith.constant 1 : i32
      %add3A_137 = arith.addi %mul3A_135, %add3A_136 : i32
      %mul3A_138 = arith.constant 32 : i32
      %mul3A_139 = arith.muli %mul3A_138, %add3A_137 : i32
      %add3A_140 = arith.addi %add3A, %mul3A_139 : i32
      %mul3A_141 = arith.constant 32 : i32
      %mul3A_142 = arith.muli %mul3A_141, %mul3A_135 : i32
      %add3A_143 = arith.addi %add3A, %mul3A_142 : i32
      %add3A_144 = arith.constant 2 : i32
      %add3A_145 = arith.addi %mul3A_135, %add3A_144 : i32
      %mul3A_146 = arith.constant 32 : i32
      %mul3A_147 = arith.muli %mul3A_146, %add3A_145 : i32
      %add3A_148 = arith.addi %add3A, %mul3A_147 : i32
      %lt3A = arith.constant 2500 : i32
      %lt3A_149 = arith.cmpi slt, %add3A_140, %lt3A : i32
      %convert_element_type3A = arith.extui %lt3A_149 : i1 to i32
      %cond3A = arith.constant 0 : i32
      %cond3A_150 = arith.cmpi ne, %convert_element_type3A, %cond3A : i32
      scf.if %cond3A_150 {
        %dma_start3A_167 = arith.constant 0 : i32
        %dma_start3A_168 = arith.constant 0 : i32
        %dma_start3A_169 = tpu.memref_slice %arg3[%add3A_140, %dma_start3A_167, %dma_start3A_168] : memref<2500x2x128xi32, #tpu.memory_space<hbm>> -> memref<1x2x128xi32, #tpu.memory_space<hbm>>
        %dma_start3A_170 = tpu.memref_squeeze %dma_start3A_169 : memref<1x2x128xi32, #tpu.memory_space<hbm>> -> memref<2x128xi32, #tpu.memory_space<hbm>>
        %dma_start3A_171 = arith.constant 0 : i32
        %dma_start3A_172 = arith.constant 0 : i32
        %dma_start3A_173 = tpu.memref_slice %arg3[%add3A_140, %dma_start3A_171, %dma_start3A_172] : memref<2500x2x128xi32, #tpu.memory_space<hbm>> -> memref<1x2x128xi32, #tpu.memory_space<hbm>>
        %dma_start3A_174 = tpu.memref_squeeze %dma_start3A_173 : memref<1x2x128xi32, #tpu.memory_space<hbm>> -> memref<2x128xi32, #tpu.memory_space<hbm>>
        tpu.enqueue_dma source(%dma_start3A_174 : memref<2x128xi32, #tpu.memory_space<hbm>>) target(%arg8 : memref<2x128xi32, #tpu.memory_space<vmem>>) target_semaphore(%arg12 : memref<!tpu.dma_semaphore, #tpu.memory_space<semaphore_mem>>)
      } else {
      }
      %lt3A_151 = arith.constant 2500 : i32
      %lt3A_152 = arith.cmpi slt, %add3A_143, %lt3A_151 : i32
      %convert_element_type3A_153 = arith.extui %lt3A_152 : i1 to i32
      %cond3A_154 = arith.constant 0 : i32
      %cond3A_155 = arith.cmpi ne, %convert_element_type3A_153, %cond3A_154 : i32
      scf.if %cond3A_155 {
        %dma_wait3A = arith.constant 0 : i32
        %dma_wait3A_167 = arith.constant 0 : i32
        %dma_wait3A_168 = arith.constant 0 : i32
        %dma_wait3A_169 = tpu.memref_slice %arg3[%dma_wait3A, %dma_wait3A_167, %dma_wait3A_168] : memref<2500x2x128xi32, #tpu.memory_space<hbm>> -> memref<1x2x128xi32, #tpu.memory_space<hbm>>
        %dma_wait3A_170 = tpu.memref_squeeze %dma_wait3A_169 : memref<1x2x128xi32, #tpu.memory_space<hbm>> -> memref<2x128xi32, #tpu.memory_space<hbm>>
        %dma_wait3A_171 = arith.constant 0 : i32
        %dma_wait3A_172 = arith.constant 0 : i32
        %dma_wait3A_173 = tpu.memref_slice %arg3[%dma_wait3A, %dma_wait3A_171, %dma_wait3A_172] : memref<2500x2x128xi32, #tpu.memory_space<hbm>> -> memref<1x2x128xi32, #tpu.memory_space<hbm>>
        %dma_wait3A_174 = tpu.memref_squeeze %dma_wait3A_173 : memref<1x2x128xi32, #tpu.memory_space<hbm>> -> memref<2x128xi32, #tpu.memory_space<hbm>>
        tpu.wait_dma2 semaphore(%arg11 : memref<!tpu.dma_semaphore, #tpu.memory_space<semaphore_mem>>) src(%dma_wait3A_174 : memref<2x128xi32, #tpu.memory_space<hbm>>) dst(%arg7 : memref<2x128xi32, #tpu.memory_space<vmem>>)
        %run_scoped3A = arith.constant 1 : i32
        "tpu.region"() ({
          %run_scoped3A_175 = tpu.sem_alloc : memref<!tpu.dma_semaphore, #tpu.memory_space<semaphore_mem>>
          %dma_start3A_176 = arith.constant 0 : i32
          %dma_start3A_177 = tpu.memref_slice %arg7[%run_scoped3A, %dma_start3A_176] : memref<2x128xi32, #tpu.memory_space<vmem>> -> memref<1x128xi32, #tpu.memory_space<vmem>>
          %dma_start3A_178 = tpu.memref_squeeze %dma_start3A_177 : memref<1x128xi32, #tpu.memory_space<vmem>> -> memref<128xi32, #tpu.memory_space<vmem>>
          %dma_start3A_179 = arith.constant 0 : i32
          %dma_start3A_180 = arith.constant 0 : i32
          %dma_start3A_181 = tpu.memref_slice %arg6[%dma_start3A_179, %dma_start3A_180] : memref<10240x128xf32, #tpu.memory_space<vmem_shared>> -> memref<10240x128xf32, #tpu.memory_space<vmem_shared>>
          tpu.enqueue_indirect_dma source(%arg9 : memref<128x128xf32, #tpu.memory_space<vmem>>) target(%dma_start3A_181 : memref<10240x128xf32, #tpu.memory_space<vmem_shared>>) offsets(%dma_start3A_178 : memref<128xi32, #tpu.memory_space<vmem>>) semaphore(%run_scoped3A_175 : memref<!tpu.dma_semaphore, #tpu.memory_space<semaphore_mem>>) {add = true}
          %dma_wait3A_182 = arith.constant 0 : i32
          %dma_wait3A_183 = tpu.memref_slice %arg7[%run_scoped3A, %dma_wait3A_182] : memref<2x128xi32, #tpu.memory_space<vmem>> -> memref<1x128xi32, #tpu.memory_space<vmem>>
          %dma_wait3A_184 = tpu.memref_squeeze %dma_wait3A_183 : memref<1x128xi32, #tpu.memory_space<vmem>> -> memref<128xi32, #tpu.memory_space<vmem>>
          %dma_wait3A_185 = arith.constant 0 : i32
          %dma_wait3A_186 = arith.constant 0 : i32
          %dma_wait3A_187 = tpu.memref_slice %arg6[%dma_wait3A_185, %dma_wait3A_186] : memref<10240x128xf32, #tpu.memory_space<vmem_shared>> -> memref<10240x128xf32, #tpu.memory_space<vmem_shared>>
          tpu.wait_indirect_dma semaphore(%run_scoped3A_175 : memref<!tpu.dma_semaphore, #tpu.memory_space<semaphore_mem>>) src(%arg9 : memref<128x128xf32, #tpu.memory_space<vmem>>) dst(%dma_wait3A_187 : memref<10240x128xf32, #tpu.memory_space<vmem_shared>>)
          tpu.yield
        }) : () -> ()
      } else {
      }
      %lt3A_156 = arith.constant 2500 : i32
      %lt3A_157 = arith.cmpi slt, %add3A_148, %lt3A_156 : i32
      %convert_element_type3A_158 = arith.extui %lt3A_157 : i1 to i32
      %cond3A_159 = arith.constant 0 : i32
      %cond3A_160 = arith.cmpi ne, %convert_element_type3A_158, %cond3A_159 : i32
      scf.if %cond3A_160 {
        %dma_start3A_167 = arith.constant 0 : i32
        %dma_start3A_168 = arith.constant 0 : i32
        %dma_start3A_169 = tpu.memref_slice %arg3[%add3A_148, %dma_start3A_167, %dma_start3A_168] : memref<2500x2x128xi32, #tpu.memory_space<hbm>> -> memref<1x2x128xi32, #tpu.memory_space<hbm>>
        %dma_start3A_170 = tpu.memref_squeeze %dma_start3A_169 : memref<1x2x128xi32, #tpu.memory_space<hbm>> -> memref<2x128xi32, #tpu.memory_space<hbm>>
        %dma_start3A_171 = arith.constant 0 : i32
        %dma_start3A_172 = arith.constant 0 : i32
        %dma_start3A_173 = tpu.memref_slice %arg3[%add3A_148, %dma_start3A_171, %dma_start3A_172] : memref<2500x2x128xi32, #tpu.memory_space<hbm>> -> memref<1x2x128xi32, #tpu.memory_space<hbm>>
        %dma_start3A_174 = tpu.memref_squeeze %dma_start3A_173 : memref<1x2x128xi32, #tpu.memory_space<hbm>> -> memref<2x128xi32, #tpu.memory_space<hbm>>
        tpu.enqueue_dma source(%dma_start3A_174 : memref<2x128xi32, #tpu.memory_space<hbm>>) target(%arg7 : memref<2x128xi32, #tpu.memory_space<vmem>>) target_semaphore(%arg11 : memref<!tpu.dma_semaphore, #tpu.memory_space<semaphore_mem>>)
      } else {
      }
      %lt3A_161 = arith.constant 2500 : i32
      %lt3A_162 = arith.cmpi slt, %add3A_140, %lt3A_161 : i32
      %convert_element_type3A_163 = arith.extui %lt3A_162 : i1 to i32
      %cond3A_164 = arith.constant 0 : i32
      %cond3A_165 = arith.cmpi ne, %convert_element_type3A_163, %cond3A_164 : i32
      scf.if %cond3A_165 {
        %dma_wait3A = arith.constant 0 : i32
        %dma_wait3A_167 = arith.constant 0 : i32
        %dma_wait3A_168 = arith.constant 0 : i32
        %dma_wait3A_169 = tpu.memref_slice %arg3[%dma_wait3A, %dma_wait3A_167, %dma_wait3A_168] : memref<2500x2x128xi32, #tpu.memory_space<hbm>> -> memref<1x2x128xi32, #tpu.memory_space<hbm>>
        %dma_wait3A_170 = tpu.memref_squeeze %dma_wait3A_169 : memref<1x2x128xi32, #tpu.memory_space<hbm>> -> memref<2x128xi32, #tpu.memory_space<hbm>>
        %dma_wait3A_171 = arith.constant 0 : i32
        %dma_wait3A_172 = arith.constant 0 : i32
        %dma_wait3A_173 = tpu.memref_slice %arg3[%dma_wait3A, %dma_wait3A_171, %dma_wait3A_172] : memref<2500x2x128xi32, #tpu.memory_space<hbm>> -> memref<1x2x128xi32, #tpu.memory_space<hbm>>
        %dma_wait3A_174 = tpu.memref_squeeze %dma_wait3A_173 : memref<1x2x128xi32, #tpu.memory_space<hbm>> -> memref<2x128xi32, #tpu.memory_space<hbm>>
        tpu.wait_dma2 semaphore(%arg12 : memref<!tpu.dma_semaphore, #tpu.memory_space<semaphore_mem>>) src(%dma_wait3A_174 : memref<2x128xi32, #tpu.memory_space<hbm>>) dst(%arg8 : memref<2x128xi32, #tpu.memory_space<vmem>>)
        %run_scoped3A = arith.constant 1 : i32
        "tpu.region"() ({
          %run_scoped3A_175 = tpu.sem_alloc : memref<!tpu.dma_semaphore, #tpu.memory_space<semaphore_mem>>
          %dma_start3A_176 = arith.constant 0 : i32
          %dma_start3A_177 = tpu.memref_slice %arg8[%run_scoped3A, %dma_start3A_176] : memref<2x128xi32, #tpu.memory_space<vmem>> -> memref<1x128xi32, #tpu.memory_space<vmem>>
          %dma_start3A_178 = tpu.memref_squeeze %dma_start3A_177 : memref<1x128xi32, #tpu.memory_space<vmem>> -> memref<128xi32, #tpu.memory_space<vmem>>
          %dma_start3A_179 = arith.constant 0 : i32
          %dma_start3A_180 = arith.constant 0 : i32
          %dma_start3A_181 = tpu.memref_slice %arg6[%dma_start3A_179, %dma_start3A_180] : memref<10240x128xf32, #tpu.memory_space<vmem_shared>> -> memref<10240x128xf32, #tpu.memory_space<vmem_shared>>
          tpu.enqueue_indirect_dma source(%arg9 : memref<128x128xf32, #tpu.memory_space<vmem>>) target(%dma_start3A_181 : memref<10240x128xf32, #tpu.memory_space<vmem_shared>>) offsets(%dma_start3A_178 : memref<128xi32, #tpu.memory_space<vmem>>) semaphore(%run_scoped3A_175 : memref<!tpu.dma_semaphore, #tpu.memory_space<semaphore_mem>>) {add = true}
          %dma_wait3A_182 = arith.constant 0 : i32
          %dma_wait3A_183 = tpu.memref_slice %arg8[%run_scoped3A, %dma_wait3A_182] : memref<2x128xi32, #tpu.memory_space<vmem>> -> memref<1x128xi32, #tpu.memory_space<vmem>>
          %dma_wait3A_184 = tpu.memref_squeeze %dma_wait3A_183 : memref<1x128xi32, #tpu.memory_space<vmem>> -> memref<128xi32, #tpu.memory_space<vmem>>
          %dma_wait3A_185 = arith.constant 0 : i32
          %dma_wait3A_186 = arith.constant 0 : i32
          %dma_wait3A_187 = tpu.memref_slice %arg6[%dma_wait3A_185, %dma_wait3A_186] : memref<10240x128xf32, #tpu.memory_space<vmem_shared>> -> memref<10240x128xf32, #tpu.memory_space<vmem_shared>>
          tpu.wait_indirect_dma semaphore(%run_scoped3A_175 : memref<!tpu.dma_semaphore, #tpu.memory_space<semaphore_mem>>) src(%arg9 : memref<128x128xf32, #tpu.memory_space<vmem>>) dst(%dma_wait3A_187 : memref<10240x128xf32, #tpu.memory_space<vmem_shared>>)
          tpu.yield
        }) : () -> ()
      } else {
      }
      %scan3A_166 = arith.constant 0 : i32
      scf.yield %scan3A_166 : i32
    }
    %scan3A_110 = arith.constant 40 : i32
    %barrier3A_111 = arith.constant 0 : index
    tpu.barrier barrier_id(%barrier3A_111)
    %mul3A_112 = arith.constant 640 : i32
    %mul3A_113 = arith.muli %arg1, %mul3A_112 : i32
    %add3A_114 = arith.constant 0 : i32
    %add3A_115 = arith.addi %mul3A_113, %add3A_114 : i32
    "tpu.region"() ({
      %run_scoped3A = tpu.sem_alloc : memref<!tpu.dma_semaphore, #tpu.memory_space<semaphore_mem>>
      %dma_start3A_132 = arith.constant 0 : i32
      %dma_start3A_133 = tpu.memref_slice %arg6[%add3A_115, %dma_start3A_132] : memref<10240x128xf32, #tpu.memory_space<vmem_shared>> -> memref<128x128xf32, #tpu.memory_space<vmem_shared>>
      %dma_start3A_134 = arith.constant 0 : i32
      %dma_start3A_135 = tpu.memref_slice %arg6[%add3A_115, %dma_start3A_134] : memref<10240x128xf32, #tpu.memory_space<vmem_shared>> -> memref<128x128xf32, #tpu.memory_space<vmem_shared>>
      tpu.enqueue_dma source(%dma_start3A_135 : memref<128x128xf32, #tpu.memory_space<vmem_shared>>) target(%arg10 : memref<128x128xf32, #tpu.memory_space<vmem>>) target_semaphore(%run_scoped3A : memref<!tpu.dma_semaphore, #tpu.memory_space<semaphore_mem>>)
      %dma_wait3A = arith.constant 0 : i32
      %dma_wait3A_136 = tpu.memref_slice %arg6[%add3A_115, %dma_wait3A] : memref<10240x128xf32, #tpu.memory_space<vmem_shared>> -> memref<128x128xf32, #tpu.memory_space<vmem_shared>>
      %dma_wait3A_137 = arith.constant 0 : i32
      %dma_wait3A_138 = tpu.memref_slice %arg6[%add3A_115, %dma_wait3A_137] : memref<10240x128xf32, #tpu.memory_space<vmem_shared>> -> memref<128x128xf32, #tpu.memory_space<vmem_shared>>
      tpu.wait_dma2 semaphore(%run_scoped3A : memref<!tpu.dma_semaphore, #tpu.memory_space<semaphore_mem>>) src(%dma_wait3A_138 : memref<128x128xf32, #tpu.memory_space<vmem_shared>>) dst(%arg10 : memref<128x128xf32, #tpu.memory_space<vmem>>)
      tpu.yield
    }) : () -> ()
    "tpu.region"() ({
      %run_scoped3A = tpu.sem_alloc : memref<!tpu.dma_semaphore, #tpu.memory_space<semaphore_mem>>
      %dma_start3A_132 = arith.constant 0 : i32
      %dma_start3A_133 = tpu.memref_slice %arg5[%arg0, %add3A_115, %dma_start3A_132] : memref<2x10240x128xf32, #tpu.memory_space<hbm>> -> memref<1x128x128xf32, #tpu.memory_space<hbm>>
      %dma_start3A_134 = tpu.memref_squeeze %dma_start3A_133 : memref<1x128x128xf32, #tpu.memory_space<hbm>> -> memref<128x128xf32, #tpu.memory_space<hbm>>
      %dma_start3A_135 = arith.constant 0 : i32
      %dma_start3A_136 = tpu.memref_slice %arg5[%arg0, %add3A_115, %dma_start3A_135] : memref<2x10240x128xf32, #tpu.memory_space<hbm>> -> memref<1x128x128xf32, #tpu.memory_space<hbm>>
      %dma_start3A_137 = tpu.memref_squeeze %dma_start3A_136 : memref<1x128x128xf32, #tpu.memory_space<hbm>> -> memref<128x128xf32, #tpu.memory_space<hbm>>
      tpu.enqueue_dma source(%arg10 : memref<128x128xf32, #tpu.memory_space<vmem>>) target(%dma_start3A_137 : memref<128x128xf32, #tpu.memory_space<hbm>>) target_semaphore(%run_scoped3A : memref<!tpu.dma_semaphore, #tpu.memory_space<semaphore_mem>>)
      %dma_wait3A = arith.constant 0 : i32
      %dma_wait3A_138 = tpu.memref_slice %arg5[%arg0, %add3A_115, %dma_wait3A] : memref<2x10240x128xf32, #tpu.memory_space<hbm>> -> memref<1x128x128xf32, #tpu.memory_space<hbm>>
      %dma_wait3A_139 = tpu.memref_squeeze %dma_wait3A_138 : memref<1x128x128xf32, #tpu.memory_space<hbm>> -> memref<128x128xf32, #tpu.memory_space<hbm>>
      %dma_wait3A_140 = arith.constant 0 : i32
      %dma_wait3A_141 = tpu.memref_slice %arg5[%arg0, %add3A_115, %dma_wait3A_140] : memref<2x10240x128xf32, #tpu.memory_space<hbm>> -> memref<1x128x128xf32, #tpu.memory_space<hbm>>
      %dma_wait3A_142 = tpu.memref_squeeze %dma_wait3A_141 : memref<1x128x128xf32, #tpu.memory_space<hbm>> -> memref<128x128xf32, #tpu.memory_space<hbm>>
      tpu.wait_dma2 semaphore(%run_scoped3A : memref<!tpu.dma_semaphore, #tpu.memory_space<semaphore_mem>>) src(%arg10 : memref<128x128xf32, #tpu.memory_space<vmem>>) dst(%dma_wait3A_142 : memref<128x128xf32, #tpu.memory_space<hbm>>)
      tpu.yield
    }) : () -> ()
    %mul3A_116 = arith.constant 640 : i32
    %mul3A_117 = arith.muli %arg1, %mul3A_116 : i32
    %add3A_118 = arith.constant 128 : i32
    %add3A_119 = arith.addi %mul3A_117, %add3A_118 : i32
    "tpu.region"() ({
      %run_scoped3A = tpu.sem_alloc : memref<!tpu.dma_semaphore, #tpu.memory_space<semaphore_mem>>
      %dma_start3A_132 = arith.constant 0 : i32
      %dma_start3A_133 = tpu.memref_slice %arg6[%add3A_119, %dma_start3A_132] : memref<10240x128xf32, #tpu.memory_space<vmem_shared>> -> memref<128x128xf32, #tpu.memory_space<vmem_shared>>
      %dma_start3A_134 = arith.constant 0 : i32
      %dma_start3A_135 = tpu.memref_slice %arg6[%add3A_119, %dma_start3A_134] : memref<10240x128xf32, #tpu.memory_space<vmem_shared>> -> memref<128x128xf32, #tpu.memory_space<vmem_shared>>
      tpu.enqueue_dma source(%dma_start3A_135 : memref<128x128xf32, #tpu.memory_space<vmem_shared>>) target(%arg10 : memref<128x128xf32, #tpu.memory_space<vmem>>) target_semaphore(%run_scoped3A : memref<!tpu.dma_semaphore, #tpu.memory_space<semaphore_mem>>)
      %dma_wait3A = arith.constant 0 : i32
      %dma_wait3A_136 = tpu.memref_slice %arg6[%add3A_119, %dma_wait3A] : memref<10240x128xf32, #tpu.memory_space<vmem_shared>> -> memref<128x128xf32, #tpu.memory_space<vmem_shared>>
      %dma_wait3A_137 = arith.constant 0 : i32
      %dma_wait3A_138 = tpu.memref_slice %arg6[%add3A_119, %dma_wait3A_137] : memref<10240x128xf32, #tpu.memory_space<vmem_shared>> -> memref<128x128xf32, #tpu.memory_space<vmem_shared>>
      tpu.wait_dma2 semaphore(%run_scoped3A : memref<!tpu.dma_semaphore, #tpu.memory_space<semaphore_mem>>) src(%dma_wait3A_138 : memref<128x128xf32, #tpu.memory_space<vmem_shared>>) dst(%arg10 : memref<128x128xf32, #tpu.memory_space<vmem>>)
      tpu.yield
    }) : () -> ()
    "tpu.region"() ({
      %run_scoped3A = tpu.sem_alloc : memref<!tpu.dma_semaphore, #tpu.memory_space<semaphore_mem>>
      %dma_start3A_132 = arith.constant 0 : i32
      %dma_start3A_133 = tpu.memref_slice %arg5[%arg0, %add3A_119, %dma_start3A_132] : memref<2x10240x128xf32, #tpu.memory_space<hbm>> -> memref<1x128x128xf32, #tpu.memory_space<hbm>>
      %dma_start3A_134 = tpu.memref_squeeze %dma_start3A_133 : memref<1x128x128xf32, #tpu.memory_space<hbm>> -> memref<128x128xf32, #tpu.memory_space<hbm>>
      %dma_start3A_135 = arith.constant 0 : i32
      %dma_start3A_136 = tpu.memref_slice %arg5[%arg0, %add3A_119, %dma_start3A_135] : memref<2x10240x128xf32, #tpu.memory_space<hbm>> -> memref<1x128x128xf32, #tpu.memory_space<hbm>>
      %dma_start3A_137 = tpu.memref_squeeze %dma_start3A_136 : memref<1x128x128xf32, #tpu.memory_space<hbm>> -> memref<128x128xf32, #tpu.memory_space<hbm>>
      tpu.enqueue_dma source(%arg10 : memref<128x128xf32, #tpu.memory_space<vmem>>) target(%dma_start3A_137 : memref<128x128xf32, #tpu.memory_space<hbm>>) target_semaphore(%run_scoped3A : memref<!tpu.dma_semaphore, #tpu.memory_space<semaphore_mem>>)
      %dma_wait3A = arith.constant 0 : i32
      %dma_wait3A_138 = tpu.memref_slice %arg5[%arg0, %add3A_119, %dma_wait3A] : memref<2x10240x128xf32, #tpu.memory_space<hbm>> -> memref<1x128x128xf32, #tpu.memory_space<hbm>>
      %dma_wait3A_139 = tpu.memref_squeeze %dma_wait3A_138 : memref<1x128x128xf32, #tpu.memory_space<hbm>> -> memref<128x128xf32, #tpu.memory_space<hbm>>
      %dma_wait3A_140 = arith.constant 0 : i32
      %dma_wait3A_141 = tpu.memref_slice %arg5[%arg0, %add3A_119, %dma_wait3A_140] : memref<2x10240x128xf32, #tpu.memory_space<hbm>> -> memref<1x128x128xf32, #tpu.memory_space<hbm>>
      %dma_wait3A_142 = tpu.memref_squeeze %dma_wait3A_141 : memref<1x128x128xf32, #tpu.memory_space<hbm>> -> memref<128x128xf32, #tpu.memory_space<hbm>>
      tpu.wait_dma2 semaphore(%run_scoped3A : memref<!tpu.dma_semaphore, #tpu.memory_space<semaphore_mem>>) src(%arg10 : memref<128x128xf32, #tpu.memory_space<vmem>>) dst(%dma_wait3A_142 : memref<128x128xf32, #tpu.memory_space<hbm>>)
      tpu.yield
    }) : () -> ()
    %mul3A_120 = arith.constant 640 : i32
    %mul3A_121 = arith.muli %arg1, %mul3A_120 : i32
    %add3A_122 = arith.constant 256 : i32
    %add3A_123 = arith.addi %mul3A_121, %add3A_122 : i32
    "tpu.region"() ({
      %run_scoped3A = tpu.sem_alloc : memref<!tpu.dma_semaphore, #tpu.memory_space<semaphore_mem>>
      %dma_start3A_132 = arith.constant 0 : i32
      %dma_start3A_133 = tpu.memref_slice %arg6[%add3A_123, %dma_start3A_132] : memref<10240x128xf32, #tpu.memory_space<vmem_shared>> -> memref<128x128xf32, #tpu.memory_space<vmem_shared>>
      %dma_start3A_134 = arith.constant 0 : i32
      %dma_start3A_135 = tpu.memref_slice %arg6[%add3A_123, %dma_start3A_134] : memref<10240x128xf32, #tpu.memory_space<vmem_shared>> -> memref<128x128xf32, #tpu.memory_space<vmem_shared>>
      tpu.enqueue_dma source(%dma_start3A_135 : memref<128x128xf32, #tpu.memory_space<vmem_shared>>) target(%arg10 : memref<128x128xf32, #tpu.memory_space<vmem>>) target_semaphore(%run_scoped3A : memref<!tpu.dma_semaphore, #tpu.memory_space<semaphore_mem>>)
      %dma_wait3A = arith.constant 0 : i32
      %dma_wait3A_136 = tpu.memref_slice %arg6[%add3A_123, %dma_wait3A] : memref<10240x128xf32, #tpu.memory_space<vmem_shared>> -> memref<128x128xf32, #tpu.memory_space<vmem_shared>>
      %dma_wait3A_137 = arith.constant 0 : i32
      %dma_wait3A_138 = tpu.memref_slice %arg6[%add3A_123, %dma_wait3A_137] : memref<10240x128xf32, #tpu.memory_space<vmem_shared>> -> memref<128x128xf32, #tpu.memory_space<vmem_shared>>
      tpu.wait_dma2 semaphore(%run_scoped3A : memref<!tpu.dma_semaphore, #tpu.memory_space<semaphore_mem>>) src(%dma_wait3A_138 : memref<128x128xf32, #tpu.memory_space<vmem_shared>>) dst(%arg10 : memref<128x128xf32, #tpu.memory_space<vmem>>)
      tpu.yield
    }) : () -> ()
    "tpu.region"() ({
      %run_scoped3A = tpu.sem_alloc : memref<!tpu.dma_semaphore, #tpu.memory_space<semaphore_mem>>
      %dma_start3A_132 = arith.constant 0 : i32
      %dma_start3A_133 = tpu.memref_slice %arg5[%arg0, %add3A_123, %dma_start3A_132] : memref<2x10240x128xf32, #tpu.memory_space<hbm>> -> memref<1x128x128xf32, #tpu.memory_space<hbm>>
      %dma_start3A_134 = tpu.memref_squeeze %dma_start3A_133 : memref<1x128x128xf32, #tpu.memory_space<hbm>> -> memref<128x128xf32, #tpu.memory_space<hbm>>
      %dma_start3A_135 = arith.constant 0 : i32
      %dma_start3A_136 = tpu.memref_slice %arg5[%arg0, %add3A_123, %dma_start3A_135] : memref<2x10240x128xf32, #tpu.memory_space<hbm>> -> memref<1x128x128xf32, #tpu.memory_space<hbm>>
      %dma_start3A_137 = tpu.memref_squeeze %dma_start3A_136 : memref<1x128x128xf32, #tpu.memory_space<hbm>> -> memref<128x128xf32, #tpu.memory_space<hbm>>
      tpu.enqueue_dma source(%arg10 : memref<128x128xf32, #tpu.memory_space<vmem>>) target(%dma_start3A_137 : memref<128x128xf32, #tpu.memory_space<hbm>>) target_semaphore(%run_scoped3A : memref<!tpu.dma_semaphore, #tpu.memory_space<semaphore_mem>>)
      %dma_wait3A = arith.constant 0 : i32
      %dma_wait3A_138 = tpu.memref_slice %arg5[%arg0, %add3A_123, %dma_wait3A] : memref<2x10240x128xf32, #tpu.memory_space<hbm>> -> memref<1x128x128xf32, #tpu.memory_space<hbm>>
      %dma_wait3A_139 = tpu.memref_squeeze %dma_wait3A_138 : memref<1x128x128xf32, #tpu.memory_space<hbm>> -> memref<128x128xf32, #tpu.memory_space<hbm>>
      %dma_wait3A_140 = arith.constant 0 : i32
      %dma_wait3A_141 = tpu.memref_slice %arg5[%arg0, %add3A_123, %dma_wait3A_140] : memref<2x10240x128xf32, #tpu.memory_space<hbm>> -> memref<1x128x128xf32, #tpu.memory_space<hbm>>
      %dma_wait3A_142 = tpu.memref_squeeze %dma_wait3A_141 : memref<1x128x128xf32, #tpu.memory_space<hbm>> -> memref<128x128xf32, #tpu.memory_space<hbm>>
      tpu.wait_dma2 semaphore(%run_scoped3A : memref<!tpu.dma_semaphore, #tpu.memory_space<semaphore_mem>>) src(%arg10 : memref<128x128xf32, #tpu.memory_space<vmem>>) dst(%dma_wait3A_142 : memref<128x128xf32, #tpu.memory_space<hbm>>)
      tpu.yield
    }) : () -> ()
    %mul3A_124 = arith.constant 640 : i32
    %mul3A_125 = arith.muli %arg1, %mul3A_124 : i32
    %add3A_126 = arith.constant 384 : i32
    %add3A_127 = arith.addi %mul3A_125, %add3A_126 : i32
    "tpu.region"() ({
      %run_scoped3A = tpu.sem_alloc : memref<!tpu.dma_semaphore, #tpu.memory_space<semaphore_mem>>
      %dma_start3A_132 = arith.constant 0 : i32
      %dma_start3A_133 = tpu.memref_slice %arg6[%add3A_127, %dma_start3A_132] : memref<10240x128xf32, #tpu.memory_space<vmem_shared>> -> memref<128x128xf32, #tpu.memory_space<vmem_shared>>
      %dma_start3A_134 = arith.constant 0 : i32
      %dma_start3A_135 = tpu.memref_slice %arg6[%add3A_127, %dma_start3A_134] : memref<10240x128xf32, #tpu.memory_space<vmem_shared>> -> memref<128x128xf32, #tpu.memory_space<vmem_shared>>
      tpu.enqueue_dma source(%dma_start3A_135 : memref<128x128xf32, #tpu.memory_space<vmem_shared>>) target(%arg10 : memref<128x128xf32, #tpu.memory_space<vmem>>) target_semaphore(%run_scoped3A : memref<!tpu.dma_semaphore, #tpu.memory_space<semaphore_mem>>)
      %dma_wait3A = arith.constant 0 : i32
      %dma_wait3A_136 = tpu.memref_slice %arg6[%add3A_127, %dma_wait3A] : memref<10240x128xf32, #tpu.memory_space<vmem_shared>> -> memref<128x128xf32, #tpu.memory_space<vmem_shared>>
      %dma_wait3A_137 = arith.constant 0 : i32
      %dma_wait3A_138 = tpu.memref_slice %arg6[%add3A_127, %dma_wait3A_137] : memref<10240x128xf32, #tpu.memory_space<vmem_shared>> -> memref<128x128xf32, #tpu.memory_space<vmem_shared>>
      tpu.wait_dma2 semaphore(%run_scoped3A : memref<!tpu.dma_semaphore, #tpu.memory_space<semaphore_mem>>) src(%dma_wait3A_138 : memref<128x128xf32, #tpu.memory_space<vmem_shared>>) dst(%arg10 : memref<128x128xf32, #tpu.memory_space<vmem>>)
      tpu.yield
    }) : () -> ()
    "tpu.region"() ({
      %run_scoped3A = tpu.sem_alloc : memref<!tpu.dma_semaphore, #tpu.memory_space<semaphore_mem>>
      %dma_start3A_132 = arith.constant 0 : i32
      %dma_start3A_133 = tpu.memref_slice %arg5[%arg0, %add3A_127, %dma_start3A_132] : memref<2x10240x128xf32, #tpu.memory_space<hbm>> -> memref<1x128x128xf32, #tpu.memory_space<hbm>>
      %dma_start3A_134 = tpu.memref_squeeze %dma_start3A_133 : memref<1x128x128xf32, #tpu.memory_space<hbm>> -> memref<128x128xf32, #tpu.memory_space<hbm>>
      %dma_start3A_135 = arith.constant 0 : i32
      %dma_start3A_136 = tpu.memref_slice %arg5[%arg0, %add3A_127, %dma_start3A_135] : memref<2x10240x128xf32, #tpu.memory_space<hbm>> -> memref<1x128x128xf32, #tpu.memory_space<hbm>>
      %dma_start3A_137 = tpu.memref_squeeze %dma_start3A_136 : memref<1x128x128xf32, #tpu.memory_space<hbm>> -> memref<128x128xf32, #tpu.memory_space<hbm>>
      tpu.enqueue_dma source(%arg10 : memref<128x128xf32, #tpu.memory_space<vmem>>) target(%dma_start3A_137 : memref<128x128xf32, #tpu.memory_space<hbm>>) target_semaphore(%run_scoped3A : memref<!tpu.dma_semaphore, #tpu.memory_space<semaphore_mem>>)
      %dma_wait3A = arith.constant 0 : i32
      %dma_wait3A_138 = tpu.memref_slice %arg5[%arg0, %add3A_127, %dma_wait3A] : memref<2x10240x128xf32, #tpu.memory_space<hbm>> -> memref<1x128x128xf32, #tpu.memory_space<hbm>>
      %dma_wait3A_139 = tpu.memref_squeeze %dma_wait3A_138 : memref<1x128x128xf32, #tpu.memory_space<hbm>> -> memref<128x128xf32, #tpu.memory_space<hbm>>
      %dma_wait3A_140 = arith.constant 0 : i32
      %dma_wait3A_141 = tpu.memref_slice %arg5[%arg0, %add3A_127, %dma_wait3A_140] : memref<2x10240x128xf32, #tpu.memory_space<hbm>> -> memref<1x128x128xf32, #tpu.memory_space<hbm>>
      %dma_wait3A_142 = tpu.memref_squeeze %dma_wait3A_141 : memref<1x128x128xf32, #tpu.memory_space<hbm>> -> memref<128x128xf32, #tpu.memory_space<hbm>>
      tpu.wait_dma2 semaphore(%run_scoped3A : memref<!tpu.dma_semaphore, #tpu.memory_space<semaphore_mem>>) src(%arg10 : memref<128x128xf32, #tpu.memory_space<vmem>>) dst(%dma_wait3A_142 : memref<128x128xf32, #tpu.memory_space<hbm>>)
      tpu.yield
    }) : () -> ()
    %mul3A_128 = arith.constant 640 : i32
    %mul3A_129 = arith.muli %arg1, %mul3A_128 : i32
    %add3A_130 = arith.constant 512 : i32
    %add3A_131 = arith.addi %mul3A_129, %add3A_130 : i32
    "tpu.region"() ({
      %run_scoped3A = tpu.sem_alloc : memref<!tpu.dma_semaphore, #tpu.memory_space<semaphore_mem>>
      %dma_start3A_132 = arith.constant 0 : i32
      %dma_start3A_133 = tpu.memref_slice %arg6[%add3A_131, %dma_start3A_132] : memref<10240x128xf32, #tpu.memory_space<vmem_shared>> -> memref<128x128xf32, #tpu.memory_space<vmem_shared>>
      %dma_start3A_134 = arith.constant 0 : i32
      %dma_start3A_135 = tpu.memref_slice %arg6[%add3A_131, %dma_start3A_134] : memref<10240x128xf32, #tpu.memory_space<vmem_shared>> -> memref<128x128xf32, #tpu.memory_space<vmem_shared>>
      tpu.enqueue_dma source(%dma_start3A_135 : memref<128x128xf32, #tpu.memory_space<vmem_shared>>) target(%arg10 : memref<128x128xf32, #tpu.memory_space<vmem>>) target_semaphore(%run_scoped3A : memref<!tpu.dma_semaphore, #tpu.memory_space<semaphore_mem>>)
      %dma_wait3A = arith.constant 0 : i32
      %dma_wait3A_136 = tpu.memref_slice %arg6[%add3A_131, %dma_wait3A] : memref<10240x128xf32, #tpu.memory_space<vmem_shared>> -> memref<128x128xf32, #tpu.memory_space<vmem_shared>>
      %dma_wait3A_137 = arith.constant 0 : i32
      %dma_wait3A_138 = tpu.memref_slice %arg6[%add3A_131, %dma_wait3A_137] : memref<10240x128xf32, #tpu.memory_space<vmem_shared>> -> memref<128x128xf32, #tpu.memory_space<vmem_shared>>
      tpu.wait_dma2 semaphore(%run_scoped3A : memref<!tpu.dma_semaphore, #tpu.memory_space<semaphore_mem>>) src(%dma_wait3A_138 : memref<128x128xf32, #tpu.memory_space<vmem_shared>>) dst(%arg10 : memref<128x128xf32, #tpu.memory_space<vmem>>)
      tpu.yield
    }) : () -> ()
    "tpu.region"() ({
      %run_scoped3A = tpu.sem_alloc : memref<!tpu.dma_semaphore, #tpu.memory_space<semaphore_mem>>
      %dma_start3A_132 = arith.constant 0 : i32
      %dma_start3A_133 = tpu.memref_slice %arg5[%arg0, %add3A_131, %dma_start3A_132] : memref<2x10240x128xf32, #tpu.memory_space<hbm>> -> memref<1x128x128xf32, #tpu.memory_space<hbm>>
      %dma_start3A_134 = tpu.memref_squeeze %dma_start3A_133 : memref<1x128x128xf32, #tpu.memory_space<hbm>> -> memref<128x128xf32, #tpu.memory_space<hbm>>
      %dma_start3A_135 = arith.constant 0 : i32
      %dma_start3A_136 = tpu.memref_slice %arg5[%arg0, %add3A_131, %dma_start3A_135] : memref<2x10240x128xf32, #tpu.memory_space<hbm>> -> memref<1x128x128xf32, #tpu.memory_space<hbm>>
      %dma_start3A_137 = tpu.memref_squeeze %dma_start3A_136 : memref<1x128x128xf32, #tpu.memory_space<hbm>> -> memref<128x128xf32, #tpu.memory_space<hbm>>
      tpu.enqueue_dma source(%arg10 : memref<128x128xf32, #tpu.memory_space<vmem>>) target(%dma_start3A_137 : memref<128x128xf32, #tpu.memory_space<hbm>>) target_semaphore(%run_scoped3A : memref<!tpu.dma_semaphore, #tpu.memory_space<semaphore_mem>>)
      %dma_wait3A = arith.constant 0 : i32
      %dma_wait3A_138 = tpu.memref_slice %arg5[%arg0, %add3A_131, %dma_wait3A] : memref<2x10240x128xf32, #tpu.memory_space<hbm>> -> memref<1x128x128xf32, #tpu.memory_space<hbm>>
      %dma_wait3A_139 = tpu.memref_squeeze %dma_wait3A_138 : memref<1x128x128xf32, #tpu.memory_space<hbm>> -> memref<128x128xf32, #tpu.memory_space<hbm>>
      %dma_wait3A_140 = arith.constant 0 : i32
      %dma_wait3A_141 = tpu.memref_slice %arg5[%arg0, %add3A_131, %dma_wait3A_140] : memref<2x10240x128xf32, #tpu.memory_space<hbm>> -> memref<1x128x128xf32, #tpu.memory_space<hbm>>
      %dma_wait3A_142 = tpu.memref_squeeze %dma_wait3A_141 : memref<1x128x128xf32, #tpu.memory_space<hbm>> -> memref<128x128xf32, #tpu.memory_space<hbm>>
      tpu.wait_dma2 semaphore(%run_scoped3A : memref<!tpu.dma_semaphore, #tpu.memory_space<semaphore_mem>>) src(%arg10 : memref<128x128xf32, #tpu.memory_space<vmem>>) dst(%dma_wait3A_142 : memref<128x128xf32, #tpu.memory_space<hbm>>)
      tpu.yield
    }) : () -> ()
    return
  }
}

#map = affine_map<(d0, d1) -> (0, 0)>
#map1 = affine_map<(d0, d1) -> (0, 0, 0)>
module attributes {stable_mosaic.version = 14 : i64} {
  func.func @_sc_spmm(%arg0: i32, %arg1: i32, %arg2: memref<10000x128xf32, #tpu.memory_space<hbm>>, %arg3: memref<2500x2x128xi32, #tpu.memory_space<hbm>>, %arg4: memref<2x10240x128xf32, #tpu.memory_space<hbm>>, %arg5: memref<10240x128xf32, #tpu.memory_space<vmem_shared>>, %arg6: memref<2x128xi32, #tpu.memory_space<vmem>>, %arg7: memref<2x128xi32, #tpu.memory_space<vmem>>, %arg8: memref<128x128xf32, #tpu.memory_space<vmem>>, %arg9: memref<128x128xf32, #tpu.memory_space<vmem>>, %arg10: memref<!tpu.dma_semaphore, #tpu.memory_space<semaphore_mem>>, %arg11: memref<!tpu.dma_semaphore, #tpu.memory_space<semaphore_mem>>) attributes {dimension_semantics = [#tpu.dimension_semantics<core_parallel>, #tpu.dimension_semantics<subcore_parallel>], iteration_bounds = array<i64: 2, 16>, scalar_prefetch = 0 : i64, scratch_operands = 7 : i64, tpu.core_type = #tpu.core_type<sc_vector_subcore>, window_params = [{transform_indices = #map}, {transform_indices = #map1}, {transform_indices = #map1}]} {
    %mul3A = arith.constant 2 : i32
    %mul3A_0 = arith.muli %arg1, %mul3A : i32
    %add3A = arith.addi %mul3A_0, %arg0 : i32
    %scan3A = arith.constant 0 : i32
    %scan3A_1 = arith.constant 0 : i32
    %scan3A_2 = arith.constant 128 : i32
    %scan3A_3 = arith.addi %scan3A_1, %scan3A_2 : i32
    %scan3A_4 = arith.constant 1 : i32
    %scan3A_5 = scf.for %scan3A_61 = %scan3A_1 to %scan3A_3 step %scan3A_4 iter_args(%scan3A_62 = %scan3A) -> (i32)  : i32 {
      %broadcast_in_dim3A = arith.constant 0.000000e+00 : f32
      %broadcast_in_dim3A_63 = vector.broadcast %broadcast_in_dim3A : f32 to vector<16xf32>
      %swap3A = arith.index_cast %scan3A_61 : i32 to index
      %swap3A_64 = arith.constant 0 : index
      %swap3A_65 = tpu.vector_load %arg8[%swap3A, %swap3A_64] {strides = array<i32>} : memref<128x128xf32, #tpu.memory_space<vmem>>, vector<1x16xf32>,
      %swap3A_66 = vector.shape_cast %swap3A_65 : vector<1x16xf32> to vector<16xf32>
      %swap3A_67 = vector.shape_cast %broadcast_in_dim3A_63 : vector<16xf32> to vector<1x16xf32>
      tpu.vector_store %arg8[%swap3A, %swap3A_64], %swap3A_67 {strides = array<i32>} : memref<128x128xf32, #tpu.memory_space<vmem>>, vector<1x16xf32>,
      %broadcast_in_dim3A_68 = arith.constant 0.000000e+00 : f32
      %broadcast_in_dim3A_69 = vector.broadcast %broadcast_in_dim3A_68 : f32 to vector<16xf32>
      %swap3A_70 = arith.index_cast %scan3A_61 : i32 to index
      %swap3A_71 = arith.constant 16 : index
      %swap3A_72 = tpu.vector_load %arg8[%swap3A_70, %swap3A_71] {strides = array<i32>} : memref<128x128xf32, #tpu.memory_space<vmem>>, vector<1x16xf32>,
      %swap3A_73 = vector.shape_cast %swap3A_72 : vector<1x16xf32> to vector<16xf32>
      %swap3A_74 = vector.shape_cast %broadcast_in_dim3A_69 : vector<16xf32> to vector<1x16xf32>
      tpu.vector_store %arg8[%swap3A_70, %swap3A_71], %swap3A_74 {strides = array<i32>} : memref<128x128xf32, #tpu.memory_space<vmem>>, vector<1x16xf32>,
      %broadcast_in_dim3A_75 = arith.constant 0.000000e+00 : f32
      %broadcast_in_dim3A_76 = vector.broadcast %broadcast_in_dim3A_75 : f32 to vector<16xf32>
      %swap3A_77 = arith.index_cast %scan3A_61 : i32 to index
      %swap3A_78 = arith.constant 32 : index
      %swap3A_79 = tpu.vector_load %arg8[%swap3A_77, %swap3A_78] {strides = array<i32>} : memref<128x128xf32, #tpu.memory_space<vmem>>, vector<1x16xf32>,
      %swap3A_80 = vector.shape_cast %swap3A_79 : vector<1x16xf32> to vector<16xf32>
      %swap3A_81 = vector.shape_cast %broadcast_in_dim3A_76 : vector<16xf32> to vector<1x16xf32>
      tpu.vector_store %arg8[%swap3A_77, %swap3A_78], %swap3A_81 {strides = array<i32>} : memref<128x128xf32, #tpu.memory_space<vmem>>, vector<1x16xf32>,
      %broadcast_in_dim3A_82 = arith.constant 0.000000e+00 : f32
      %broadcast_in_dim3A_83 = vector.broadcast %broadcast_in_dim3A_82 : f32 to vector<16xf32>
      %swap3A_84 = arith.index_cast %scan3A_61 : i32 to index
      %swap3A_85 = arith.constant 48 : index
      %swap3A_86 = tpu.vector_load %arg8[%swap3A_84, %swap3A_85] {strides = array<i32>} : memref<128x128xf32, #tpu.memory_space<vmem>>, vector<1x16xf32>,
      %swap3A_87 = vector.shape_cast %swap3A_86 : vector<1x16xf32> to vector<16xf32>
      %swap3A_88 = vector.shape_cast %broadcast_in_dim3A_83 : vector<16xf32> to vector<1x16xf32>
      tpu.vector_store %arg8[%swap3A_84, %swap3A_85], %swap3A_88 {strides = array<i32>} : memref<128x128xf32, #tpu.memory_space<vmem>>, vector<1x16xf32>,
      %broadcast_in_dim3A_89 = arith.constant 0.000000e+00 : f32
      %broadcast_in_dim3A_90 = vector.broadcast %broadcast_in_dim3A_89 : f32 to vector<16xf32>
      %swap3A_91 = arith.index_cast %scan3A_61 : i32 to index
      %swap3A_92 = arith.constant 64 : index
      %swap3A_93 = tpu.vector_load %arg8[%swap3A_91, %swap3A_92] {strides = array<i32>} : memref<128x128xf32, #tpu.memory_space<vmem>>, vector<1x16xf32>,
      %swap3A_94 = vector.shape_cast %swap3A_93 : vector<1x16xf32> to vector<16xf32>
      %swap3A_95 = vector.shape_cast %broadcast_in_dim3A_90 : vector<16xf32> to vector<1x16xf32>
      tpu.vector_store %arg8[%swap3A_91, %swap3A_92], %swap3A_95 {strides = array<i32>} : memref<128x128xf32, #tpu.memory_space<vmem>>, vector<1x16xf32>,
      %broadcast_in_dim3A_96 = arith.constant 0.000000e+00 : f32
      %broadcast_in_dim3A_97 = vector.broadcast %broadcast_in_dim3A_96 : f32 to vector<16xf32>
      %swap3A_98 = arith.index_cast %scan3A_61 : i32 to index
      %swap3A_99 = arith.constant 80 : index
      %swap3A_100 = tpu.vector_load %arg8[%swap3A_98, %swap3A_99] {strides = array<i32>} : memref<128x128xf32, #tpu.memory_space<vmem>>, vector<1x16xf32>,
      %swap3A_101 = vector.shape_cast %swap3A_100 : vector<1x16xf32> to vector<16xf32>
      %swap3A_102 = vector.shape_cast %broadcast_in_dim3A_97 : vector<16xf32> to vector<1x16xf32>
      tpu.vector_store %arg8[%swap3A_98, %swap3A_99], %swap3A_102 {strides = array<i32>} : memref<128x128xf32, #tpu.memory_space<vmem>>, vector<1x16xf32>,
      %broadcast_in_dim3A_103 = arith.constant 0.000000e+00 : f32
      %broadcast_in_dim3A_104 = vector.broadcast %broadcast_in_dim3A_103 : f32 to vector<16xf32>
      %swap3A_105 = arith.index_cast %scan3A_61 : i32 to index
      %swap3A_106 = arith.constant 96 : index
      %swap3A_107 = tpu.vector_load %arg8[%swap3A_105, %swap3A_106] {strides = array<i32>} : memref<128x128xf32, #tpu.memory_space<vmem>>, vector<1x16xf32>,
      %swap3A_108 = vector.shape_cast %swap3A_107 : vector<1x16xf32> to vector<16xf32>
      %swap3A_109 = vector.shape_cast %broadcast_in_dim3A_104 : vector<16xf32> to vector<1x16xf32>
      tpu.vector_store %arg8[%swap3A_105, %swap3A_106], %swap3A_109 {strides = array<i32>} : memref<128x128xf32, #tpu.memory_space<vmem>>, vector<1x16xf32>,
      %broadcast_in_dim3A_110 = arith.constant 0.000000e+00 : f32
      %broadcast_in_dim3A_111 = vector.broadcast %broadcast_in_dim3A_110 : f32 to vector<16xf32>
      %swap3A_112 = arith.index_cast %scan3A_61 : i32 to index
      %swap3A_113 = arith.constant 112 : index
      %swap3A_114 = tpu.vector_load %arg8[%swap3A_112, %swap3A_113] {strides = array<i32>} : memref<128x128xf32, #tpu.memory_space<vmem>>, vector<1x16xf32>,
      %swap3A_115 = vector.shape_cast %swap3A_114 : vector<1x16xf32> to vector<16xf32>
      %swap3A_116 = vector.shape_cast %broadcast_in_dim3A_111 : vector<16xf32> to vector<1x16xf32>
      tpu.vector_store %arg8[%swap3A_112, %swap3A_113], %swap3A_116 {strides = array<i32>} : memref<128x128xf32, #tpu.memory_space<vmem>>, vector<1x16xf32>,
      %scan3A_117 = arith.constant 0 : i32
      scf.yield %scan3A_117 : i32
    }
    %scan3A_6 = arith.constant 128 : i32
    %mul3A_7 = arith.constant 640 : i32
    %mul3A_8 = arith.muli %arg1, %mul3A_7 : i32
    %add3A_9 = arith.constant 0 : i32
    %add3A_10 = arith.addi %mul3A_8, %add3A_9 : i32
    "tpu.region"() ({
      %run_scoped3A = tpu.sem_alloc : memref<!tpu.dma_semaphore, #tpu.memory_space<semaphore_mem>>
      %dma_start3A_61 = arith.constant 0 : i32
      %dma_start3A_62 = tpu.memref_slice %arg5[%add3A_10, %dma_start3A_61] : memref<10240x128xf32, #tpu.memory_space<vmem_shared>> -> memref<128x128xf32, #tpu.memory_space<vmem_shared>>
      %dma_start3A_63 = arith.constant 0 : i32
      %dma_start3A_64 = tpu.memref_slice %arg5[%add3A_10, %dma_start3A_63] : memref<10240x128xf32, #tpu.memory_space<vmem_shared>> -> memref<128x128xf32, #tpu.memory_space<vmem_shared>>
      tpu.enqueue_dma source(%arg8 : memref<128x128xf32, #tpu.memory_space<vmem>>) target(%dma_start3A_64 : memref<128x128xf32, #tpu.memory_space<vmem_shared>>) target_semaphore(%run_scoped3A : memref<!tpu.dma_semaphore, #tpu.memory_space<semaphore_mem>>)
      %dma_wait3A = arith.constant 0 : i32
      %dma_wait3A_65 = tpu.memref_slice %arg5[%add3A_10, %dma_wait3A] : memref<10240x128xf32, #tpu.memory_space<vmem_shared>> -> memref<128x128xf32, #tpu.memory_space<vmem_shared>>
      %dma_wait3A_66 = arith.constant 0 : i32
      %dma_wait3A_67 = tpu.memref_slice %arg5[%add3A_10, %dma_wait3A_66] : memref<10240x128xf32, #tpu.memory_space<vmem_shared>> -> memref<128x128xf32, #tpu.memory_space<vmem_shared>>
      tpu.wait_dma2 semaphore(%run_scoped3A : memref<!tpu.dma_semaphore, #tpu.memory_space<semaphore_mem>>) src(%arg8 : memref<128x128xf32, #tpu.memory_space<vmem>>) dst(%dma_wait3A_67 : memref<128x128xf32, #tpu.memory_space<vmem_shared>>)
      tpu.yield
    }) : () -> ()
    %mul3A_11 = arith.constant 640 : i32
    %mul3A_12 = arith.muli %arg1, %mul3A_11 : i32
    %add3A_13 = arith.constant 128 : i32
    %add3A_14 = arith.addi %mul3A_12, %add3A_13 : i32
    "tpu.region"() ({
      %run_scoped3A = tpu.sem_alloc : memref<!tpu.dma_semaphore, #tpu.memory_space<semaphore_mem>>
      %dma_start3A_61 = arith.constant 0 : i32
      %dma_start3A_62 = tpu.memref_slice %arg5[%add3A_14, %dma_start3A_61] : memref<10240x128xf32, #tpu.memory_space<vmem_shared>> -> memref<128x128xf32, #tpu.memory_space<vmem_shared>>
      %dma_start3A_63 = arith.constant 0 : i32
      %dma_start3A_64 = tpu.memref_slice %arg5[%add3A_14, %dma_start3A_63] : memref<10240x128xf32, #tpu.memory_space<vmem_shared>> -> memref<128x128xf32, #tpu.memory_space<vmem_shared>>
      tpu.enqueue_dma source(%arg8 : memref<128x128xf32, #tpu.memory_space<vmem>>) target(%dma_start3A_64 : memref<128x128xf32, #tpu.memory_space<vmem_shared>>) target_semaphore(%run_scoped3A : memref<!tpu.dma_semaphore, #tpu.memory_space<semaphore_mem>>)
      %dma_wait3A = arith.constant 0 : i32
      %dma_wait3A_65 = tpu.memref_slice %arg5[%add3A_14, %dma_wait3A] : memref<10240x128xf32, #tpu.memory_space<vmem_shared>> -> memref<128x128xf32, #tpu.memory_space<vmem_shared>>
      %dma_wait3A_66 = arith.constant 0 : i32
      %dma_wait3A_67 = tpu.memref_slice %arg5[%add3A_14, %dma_wait3A_66] : memref<10240x128xf32, #tpu.memory_space<vmem_shared>> -> memref<128x128xf32, #tpu.memory_space<vmem_shared>>
      tpu.wait_dma2 semaphore(%run_scoped3A : memref<!tpu.dma_semaphore, #tpu.memory_space<semaphore_mem>>) src(%arg8 : memref<128x128xf32, #tpu.memory_space<vmem>>) dst(%dma_wait3A_67 : memref<128x128xf32, #tpu.memory_space<vmem_shared>>)
      tpu.yield
    }) : () -> ()
    %mul3A_15 = arith.constant 640 : i32
    %mul3A_16 = arith.muli %arg1, %mul3A_15 : i32
    %add3A_17 = arith.constant 256 : i32
    %add3A_18 = arith.addi %mul3A_16, %add3A_17 : i32
    "tpu.region"() ({
      %run_scoped3A = tpu.sem_alloc : memref<!tpu.dma_semaphore, #tpu.memory_space<semaphore_mem>>
      %dma_start3A_61 = arith.constant 0 : i32
      %dma_start3A_62 = tpu.memref_slice %arg5[%add3A_18, %dma_start3A_61] : memref<10240x128xf32, #tpu.memory_space<vmem_shared>> -> memref<128x128xf32, #tpu.memory_space<vmem_shared>>
      %dma_start3A_63 = arith.constant 0 : i32
      %dma_start3A_64 = tpu.memref_slice %arg5[%add3A_18, %dma_start3A_63] : memref<10240x128xf32, #tpu.memory_space<vmem_shared>> -> memref<128x128xf32, #tpu.memory_space<vmem_shared>>
      tpu.enqueue_dma source(%arg8 : memref<128x128xf32, #tpu.memory_space<vmem>>) target(%dma_start3A_64 : memref<128x128xf32, #tpu.memory_space<vmem_shared>>) target_semaphore(%run_scoped3A : memref<!tpu.dma_semaphore, #tpu.memory_space<semaphore_mem>>)
      %dma_wait3A = arith.constant 0 : i32
      %dma_wait3A_65 = tpu.memref_slice %arg5[%add3A_18, %dma_wait3A] : memref<10240x128xf32, #tpu.memory_space<vmem_shared>> -> memref<128x128xf32, #tpu.memory_space<vmem_shared>>
      %dma_wait3A_66 = arith.constant 0 : i32
      %dma_wait3A_67 = tpu.memref_slice %arg5[%add3A_18, %dma_wait3A_66] : memref<10240x128xf32, #tpu.memory_space<vmem_shared>> -> memref<128x128xf32, #tpu.memory_space<vmem_shared>>
      tpu.wait_dma2 semaphore(%run_scoped3A : memref<!tpu.dma_semaphore, #tpu.memory_space<semaphore_mem>>) src(%arg8 : memref<128x128xf32, #tpu.memory_space<vmem>>) dst(%dma_wait3A_67 : memref<128x128xf32, #tpu.memory_space<vmem_shared>>)
      tpu.yield
    }) : () -> ()
    %mul3A_19 = arith.constant 640 : i32
    %mul3A_20 = arith.muli %arg1, %mul3A_19 : i32
    %add3A_21 = arith.constant 384 : i32
    %add3A_22 = arith.addi %mul3A_20, %add3A_21 : i32
    "tpu.region"() ({
      %run_scoped3A = tpu.sem_alloc : memref<!tpu.dma_semaphore, #tpu.memory_space<semaphore_mem>>
      %dma_start3A_61 = arith.constant 0 : i32
      %dma_start3A_62 = tpu.memref_slice %arg5[%add3A_22, %dma_start3A_61] : memref<10240x128xf32, #tpu.memory_space<vmem_shared>> -> memref<128x128xf32, #tpu.memory_space<vmem_shared>>
      %dma_start3A_63 = arith.constant 0 : i32
      %dma_start3A_64 = tpu.memref_slice %arg5[%add3A_22, %dma_start3A_63] : memref<10240x128xf32, #tpu.memory_space<vmem_shared>> -> memref<128x128xf32, #tpu.memory_space<vmem_shared>>
      tpu.enqueue_dma source(%arg8 : memref<128x128xf32, #tpu.memory_space<vmem>>) target(%dma_start3A_64 : memref<128x128xf32, #tpu.memory_space<vmem_shared>>) target_semaphore(%run_scoped3A : memref<!tpu.dma_semaphore, #tpu.memory_space<semaphore_mem>>)
      %dma_wait3A = arith.constant 0 : i32
      %dma_wait3A_65 = tpu.memref_slice %arg5[%add3A_22, %dma_wait3A] : memref<10240x128xf32, #tpu.memory_space<vmem_shared>> -> memref<128x128xf32, #tpu.memory_space<vmem_shared>>
      %dma_wait3A_66 = arith.constant 0 : i32
      %dma_wait3A_67 = tpu.memref_slice %arg5[%add3A_22, %dma_wait3A_66] : memref<10240x128xf32, #tpu.memory_space<vmem_shared>> -> memref<128x128xf32, #tpu.memory_space<vmem_shared>>
      tpu.wait_dma2 semaphore(%run_scoped3A : memref<!tpu.dma_semaphore, #tpu.memory_space<semaphore_mem>>) src(%arg8 : memref<128x128xf32, #tpu.memory_space<vmem>>) dst(%dma_wait3A_67 : memref<128x128xf32, #tpu.memory_space<vmem_shared>>)
      tpu.yield
    }) : () -> ()
    %mul3A_23 = arith.constant 640 : i32
    %mul3A_24 = arith.muli %arg1, %mul3A_23 : i32
    %add3A_25 = arith.constant 512 : i32
    %add3A_26 = arith.addi %mul3A_24, %add3A_25 : i32
    "tpu.region"() ({
      %run_scoped3A = tpu.sem_alloc : memref<!tpu.dma_semaphore, #tpu.memory_space<semaphore_mem>>
      %dma_start3A_61 = arith.constant 0 : i32
      %dma_start3A_62 = tpu.memref_slice %arg5[%add3A_26, %dma_start3A_61] : memref<10240x128xf32, #tpu.memory_space<vmem_shared>> -> memref<128x128xf32, #tpu.memory_space<vmem_shared>>
      %dma_start3A_63 = arith.constant 0 : i32
      %dma_start3A_64 = tpu.memref_slice %arg5[%add3A_26, %dma_start3A_63] : memref<10240x128xf32, #tpu.memory_space<vmem_shared>> -> memref<128x128xf32, #tpu.memory_space<vmem_shared>>
      tpu.enqueue_dma source(%arg8 : memref<128x128xf32, #tpu.memory_space<vmem>>) target(%dma_start3A_64 : memref<128x128xf32, #tpu.memory_space<vmem_shared>>) target_semaphore(%run_scoped3A : memref<!tpu.dma_semaphore, #tpu.memory_space<semaphore_mem>>)
      %dma_wait3A = arith.constant 0 : i32
      %dma_wait3A_65 = tpu.memref_slice %arg5[%add3A_26, %dma_wait3A] : memref<10240x128xf32, #tpu.memory_space<vmem_shared>> -> memref<128x128xf32, #tpu.memory_space<vmem_shared>>
      %dma_wait3A_66 = arith.constant 0 : i32
      %dma_wait3A_67 = tpu.memref_slice %arg5[%add3A_26, %dma_wait3A_66] : memref<10240x128xf32, #tpu.memory_space<vmem_shared>> -> memref<128x128xf32, #tpu.memory_space<vmem_shared>>
      tpu.wait_dma2 semaphore(%run_scoped3A : memref<!tpu.dma_semaphore, #tpu.memory_space<semaphore_mem>>) src(%arg8 : memref<128x128xf32, #tpu.memory_space<vmem>>) dst(%dma_wait3A_67 : memref<128x128xf32, #tpu.memory_space<vmem_shared>>)
      tpu.yield
    }) : () -> ()
    %barrier3A = arith.constant 0 : index
    tpu.barrier barrier_id(%barrier3A)
    "tpu.region"() ({
      %run_scoped3A = tpu.sem_alloc : memref<!tpu.dma_semaphore, #tpu.memory_space<semaphore_mem>>
      %dma_start3A_61 = arith.constant 0 : i32
      %dma_start3A_62 = arith.constant 0 : i32
      %dma_start3A_63 = tpu.memref_slice %arg3[%add3A, %dma_start3A_61, %dma_start3A_62] : memref<2500x2x128xi32, #tpu.memory_space<hbm>> -> memref<1x2x128xi32, #tpu.memory_space<hbm>>
      %dma_start3A_64 = tpu.memref_squeeze %dma_start3A_63 : memref<1x2x128xi32, #tpu.memory_space<hbm>> -> memref<2x128xi32, #tpu.memory_space<hbm>>
      %dma_start3A_65 = arith.constant 0 : i32
      %dma_start3A_66 = arith.constant 0 : i32
      %dma_start3A_67 = tpu.memref_slice %arg3[%add3A, %dma_start3A_65, %dma_start3A_66] : memref<2500x2x128xi32, #tpu.memory_space<hbm>> -> memref<1x2x128xi32, #tpu.memory_space<hbm>>
      %dma_start3A_68 = tpu.memref_squeeze %dma_start3A_67 : memref<1x2x128xi32, #tpu.memory_space<hbm>> -> memref<2x128xi32, #tpu.memory_space<hbm>>
      tpu.enqueue_dma source(%dma_start3A_68 : memref<2x128xi32, #tpu.memory_space<hbm>>) target(%arg6 : memref<2x128xi32, #tpu.memory_space<vmem>>) target_semaphore(%run_scoped3A : memref<!tpu.dma_semaphore, #tpu.memory_space<semaphore_mem>>)
      %dma_wait3A = arith.constant 0 : i32
      %dma_wait3A_69 = arith.constant 0 : i32
      %dma_wait3A_70 = tpu.memref_slice %arg3[%add3A, %dma_wait3A, %dma_wait3A_69] : memref<2500x2x128xi32, #tpu.memory_space<hbm>> -> memref<1x2x128xi32, #tpu.memory_space<hbm>>
      %dma_wait3A_71 = tpu.memref_squeeze %dma_wait3A_70 : memref<1x2x128xi32, #tpu.memory_space<hbm>> -> memref<2x128xi32, #tpu.memory_space<hbm>>
      %dma_wait3A_72 = arith.constant 0 : i32
      %dma_wait3A_73 = arith.constant 0 : i32
      %dma_wait3A_74 = tpu.memref_slice %arg3[%add3A, %dma_wait3A_72, %dma_wait3A_73] : memref<2500x2x128xi32, #tpu.memory_space<hbm>> -> memref<1x2x128xi32, #tpu.memory_space<hbm>>
      %dma_wait3A_75 = tpu.memref_squeeze %dma_wait3A_74 : memref<1x2x128xi32, #tpu.memory_space<hbm>> -> memref<2x128xi32, #tpu.memory_space<hbm>>
      tpu.wait_dma2 semaphore(%run_scoped3A : memref<!tpu.dma_semaphore, #tpu.memory_space<semaphore_mem>>) src(%dma_wait3A_75 : memref<2x128xi32, #tpu.memory_space<hbm>>) dst(%arg6 : memref<2x128xi32, #tpu.memory_space<vmem>>)
      tpu.yield
    }) : () -> ()
    %dma_start3A = arith.constant 0 : i32
    %dma_start3A_27 = arith.constant 0 : i32
    %dma_start3A_28 = tpu.memref_slice %arg6[%dma_start3A, %dma_start3A_27] : memref<2x128xi32, #tpu.memory_space<vmem>> -> memref<1x128xi32, #tpu.memory_space<vmem>>
    %dma_start3A_29 = tpu.memref_squeeze %dma_start3A_28 : memref<1x128xi32, #tpu.memory_space<vmem>> -> memref<128xi32, #tpu.memory_space<vmem>>
    %dma_start3A_30 = arith.constant 0 : i32
    %dma_start3A_31 = arith.constant 0 : i32
    %dma_start3A_32 = tpu.memref_slice %arg2[%dma_start3A_30, %dma_start3A_31] : memref<10000x128xf32, #tpu.memory_space<hbm>> -> memref<10000x128xf32, #tpu.memory_space<hbm>>
    tpu.enqueue_indirect_dma source(%dma_start3A_32 : memref<10000x128xf32, #tpu.memory_space<hbm>>) target(%arg8 : memref<128x128xf32, #tpu.memory_space<vmem>>) offsets(%dma_start3A_29 : memref<128xi32, #tpu.memory_space<vmem>>) semaphore(%arg10 : memref<!tpu.dma_semaphore, #tpu.memory_space<semaphore_mem>>)
    %scan3A_33 = arith.constant 0 : i32
    %scan3A_34 = arith.constant 0 : i32
    %scan3A_35 = arith.constant 40 : i32
    %scan3A_36 = arith.addi %scan3A_34, %scan3A_35 : i32
    %scan3A_37 = arith.constant 1 : i32
    %scan3A_38 = scf.for %scan3A_61 = %scan3A_34 to %scan3A_36 step %scan3A_37 iter_args(%scan3A_62 = %scan3A_33) -> (i32)  : i32 {
      %mul3A_63 = arith.constant 2 : i32
      %mul3A_64 = arith.muli %mul3A_63, %scan3A_61 : i32
      %add3A_65 = arith.constant 1 : i32
      %add3A_66 = arith.addi %mul3A_64, %add3A_65 : i32
      %mul3A_67 = arith.constant 32 : i32
      %mul3A_68 = arith.muli %mul3A_67, %add3A_66 : i32
      %add3A_69 = arith.addi %add3A, %mul3A_68 : i32
      %mul3A_70 = arith.constant 32 : i32
      %mul3A_71 = arith.muli %mul3A_70, %mul3A_64 : i32
      %add3A_72 = arith.addi %add3A, %mul3A_71 : i32
      %add3A_73 = arith.constant 2 : i32
      %add3A_74 = arith.addi %mul3A_64, %add3A_73 : i32
      %mul3A_75 = arith.constant 32 : i32
      %mul3A_76 = arith.muli %mul3A_75, %add3A_74 : i32
      %add3A_77 = arith.addi %add3A, %mul3A_76 : i32
      %lt3A = arith.constant 2500 : i32
      %lt3A_78 = arith.cmpi slt, %add3A_69, %lt3A : i32
      %convert_element_type3A = arith.extui %lt3A_78 : i1 to i32
      %cond3A = arith.constant 0 : i32
      %cond3A_79 = arith.cmpi ne, %convert_element_type3A, %cond3A : i32
      scf.if %cond3A_79 {
        "tpu.region"() ({
          %run_scoped3A = tpu.sem_alloc : memref<!tpu.dma_semaphore, #tpu.memory_space<semaphore_mem>>
          %dma_start3A_103 = arith.constant 0 : i32
          %dma_start3A_104 = arith.constant 0 : i32
          %dma_start3A_105 = tpu.memref_slice %arg3[%add3A_69, %dma_start3A_103, %dma_start3A_104] : memref<2500x2x128xi32, #tpu.memory_space<hbm>> -> memref<1x2x128xi32, #tpu.memory_space<hbm>>
          %dma_start3A_106 = tpu.memref_squeeze %dma_start3A_105 : memref<1x2x128xi32, #tpu.memory_space<hbm>> -> memref<2x128xi32, #tpu.memory_space<hbm>>
          %dma_start3A_107 = arith.constant 0 : i32
          %dma_start3A_108 = arith.constant 0 : i32
          %dma_start3A_109 = tpu.memref_slice %arg3[%add3A_69, %dma_start3A_107, %dma_start3A_108] : memref<2500x2x128xi32, #tpu.memory_space<hbm>> -> memref<1x2x128xi32, #tpu.memory_space<hbm>>
          %dma_start3A_110 = tpu.memref_squeeze %dma_start3A_109 : memref<1x2x128xi32, #tpu.memory_space<hbm>> -> memref<2x128xi32, #tpu.memory_space<hbm>>
          tpu.enqueue_dma source(%dma_start3A_110 : memref<2x128xi32, #tpu.memory_space<hbm>>) target(%arg7 : memref<2x128xi32, #tpu.memory_space<vmem>>) target_semaphore(%run_scoped3A : memref<!tpu.dma_semaphore, #tpu.memory_space<semaphore_mem>>)
          %dma_wait3A = arith.constant 0 : i32
          %dma_wait3A_111 = arith.constant 0 : i32
          %dma_wait3A_112 = tpu.memref_slice %arg3[%add3A_69, %dma_wait3A, %dma_wait3A_111] : memref<2500x2x128xi32, #tpu.memory_space<hbm>> -> memref<1x2x128xi32, #tpu.memory_space<hbm>>
          %dma_wait3A_113 = tpu.memref_squeeze %dma_wait3A_112 : memref<1x2x128xi32, #tpu.memory_space<hbm>> -> memref<2x128xi32, #tpu.memory_space<hbm>>
          %dma_wait3A_114 = arith.constant 0 : i32
          %dma_wait3A_115 = arith.constant 0 : i32
          %dma_wait3A_116 = tpu.memref_slice %arg3[%add3A_69, %dma_wait3A_114, %dma_wait3A_115] : memref<2500x2x128xi32, #tpu.memory_space<hbm>> -> memref<1x2x128xi32, #tpu.memory_space<hbm>>
          %dma_wait3A_117 = tpu.memref_squeeze %dma_wait3A_116 : memref<1x2x128xi32, #tpu.memory_space<hbm>> -> memref<2x128xi32, #tpu.memory_space<hbm>>
          tpu.wait_dma2 semaphore(%run_scoped3A : memref<!tpu.dma_semaphore, #tpu.memory_space<semaphore_mem>>) src(%dma_wait3A_117 : memref<2x128xi32, #tpu.memory_space<hbm>>) dst(%arg7 : memref<2x128xi32, #tpu.memory_space<vmem>>)
          tpu.yield
        }) : () -> ()
        %dma_start3A_96 = arith.constant 0 : i32
        %dma_start3A_97 = arith.constant 0 : i32
        %dma_start3A_98 = tpu.memref_slice %arg7[%dma_start3A_96, %dma_start3A_97] : memref<2x128xi32, #tpu.memory_space<vmem>> -> memref<1x128xi32, #tpu.memory_space<vmem>>
        %dma_start3A_99 = tpu.memref_squeeze %dma_start3A_98 : memref<1x128xi32, #tpu.memory_space<vmem>> -> memref<128xi32, #tpu.memory_space<vmem>>
        %dma_start3A_100 = arith.constant 0 : i32
        %dma_start3A_101 = arith.constant 0 : i32
        %dma_start3A_102 = tpu.memref_slice %arg2[%dma_start3A_100, %dma_start3A_101] : memref<10000x128xf32, #tpu.memory_space<hbm>> -> memref<10000x128xf32, #tpu.memory_space<hbm>>
        tpu.enqueue_indirect_dma source(%dma_start3A_102 : memref<10000x128xf32, #tpu.memory_space<hbm>>) target(%arg9 : memref<128x128xf32, #tpu.memory_space<vmem>>) offsets(%dma_start3A_99 : memref<128xi32, #tpu.memory_space<vmem>>) semaphore(%arg11 : memref<!tpu.dma_semaphore, #tpu.memory_space<semaphore_mem>>)
      } else {
      }
      %lt3A_80 = arith.constant 2500 : i32
      %lt3A_81 = arith.cmpi slt, %add3A_72, %lt3A_80 : i32
      %convert_element_type3A_82 = arith.extui %lt3A_81 : i1 to i32
      %cond3A_83 = arith.constant 0 : i32
      %cond3A_84 = arith.cmpi ne, %convert_element_type3A_82, %cond3A_83 : i32
      scf.if %cond3A_84 {
        %dma_wait3A = arith.constant 0 : i32
        %dma_wait3A_96 = arith.constant 0 : i32
        %dma_wait3A_97 = tpu.memref_slice %arg6[%dma_wait3A, %dma_wait3A_96] : memref<2x128xi32, #tpu.memory_space<vmem>> -> memref<1x128xi32, #tpu.memory_space<vmem>>
        %dma_wait3A_98 = tpu.memref_squeeze %dma_wait3A_97 : memref<1x128xi32, #tpu.memory_space<vmem>> -> memref<128xi32, #tpu.memory_space<vmem>>
        %dma_wait3A_99 = arith.constant 0 : i32
        %dma_wait3A_100 = arith.constant 0 : i32
        %dma_wait3A_101 = tpu.memref_slice %arg2[%dma_wait3A_99, %dma_wait3A_100] : memref<10000x128xf32, #tpu.memory_space<hbm>> -> memref<10000x128xf32, #tpu.memory_space<hbm>>
        tpu.wait_indirect_dma semaphore(%arg10 : memref<!tpu.dma_semaphore, #tpu.memory_space<semaphore_mem>>) src(%dma_wait3A_101 : memref<10000x128xf32, #tpu.memory_space<hbm>>) dst(%arg8 : memref<128x128xf32, #tpu.memory_space<vmem>>)
        %run_scoped3A = arith.constant 1 : i32
        "tpu.region"() ({
          %run_scoped3A_102 = tpu.sem_alloc : memref<!tpu.dma_semaphore, #tpu.memory_space<semaphore_mem>>
          %dma_start3A_103 = arith.constant 0 : i32
          %dma_start3A_104 = tpu.memref_slice %arg6[%run_scoped3A, %dma_start3A_103] : memref<2x128xi32, #tpu.memory_space<vmem>> -> memref<1x128xi32, #tpu.memory_space<vmem>>
          %dma_start3A_105 = tpu.memref_squeeze %dma_start3A_104 : memref<1x128xi32, #tpu.memory_space<vmem>> -> memref<128xi32, #tpu.memory_space<vmem>>
          %dma_start3A_106 = arith.constant 0 : i32
          %dma_start3A_107 = arith.constant 0 : i32
          %dma_start3A_108 = tpu.memref_slice %arg5[%dma_start3A_106, %dma_start3A_107] : memref<10240x128xf32, #tpu.memory_space<vmem_shared>> -> memref<10240x128xf32, #tpu.memory_space<vmem_shared>>
          tpu.enqueue_indirect_dma source(%arg8 : memref<128x128xf32, #tpu.memory_space<vmem>>) target(%dma_start3A_108 : memref<10240x128xf32, #tpu.memory_space<vmem_shared>>) offsets(%dma_start3A_105 : memref<128xi32, #tpu.memory_space<vmem>>) semaphore(%run_scoped3A_102 : memref<!tpu.dma_semaphore, #tpu.memory_space<semaphore_mem>>) {add = true}
          %dma_wait3A_109 = arith.constant 0 : i32
          %dma_wait3A_110 = tpu.memref_slice %arg6[%run_scoped3A, %dma_wait3A_109] : memref<2x128xi32, #tpu.memory_space<vmem>> -> memref<1x128xi32, #tpu.memory_space<vmem>>
          %dma_wait3A_111 = tpu.memref_squeeze %dma_wait3A_110 : memref<1x128xi32, #tpu.memory_space<vmem>> -> memref<128xi32, #tpu.memory_space<vmem>>
          %dma_wait3A_112 = arith.constant 0 : i32
          %dma_wait3A_113 = arith.constant 0 : i32
          %dma_wait3A_114 = tpu.memref_slice %arg5[%dma_wait3A_112, %dma_wait3A_113] : memref<10240x128xf32, #tpu.memory_space<vmem_shared>> -> memref<10240x128xf32, #tpu.memory_space<vmem_shared>>
          tpu.wait_indirect_dma semaphore(%run_scoped3A_102 : memref<!tpu.dma_semaphore, #tpu.memory_space<semaphore_mem>>) src(%arg8 : memref<128x128xf32, #tpu.memory_space<vmem>>) dst(%dma_wait3A_114 : memref<10240x128xf32, #tpu.memory_space<vmem_shared>>)
          tpu.yield
        }) : () -> ()
      } else {
      }
      %lt3A_85 = arith.constant 2500 : i32
      %lt3A_86 = arith.cmpi slt, %add3A_77, %lt3A_85 : i32
      %convert_element_type3A_87 = arith.extui %lt3A_86 : i1 to i32
      %cond3A_88 = arith.constant 0 : i32
      %cond3A_89 = arith.cmpi ne, %convert_element_type3A_87, %cond3A_88 : i32
      scf.if %cond3A_89 {
        "tpu.region"() ({
          %run_scoped3A = tpu.sem_alloc : memref<!tpu.dma_semaphore, #tpu.memory_space<semaphore_mem>>
          %dma_start3A_103 = arith.constant 0 : i32
          %dma_start3A_104 = arith.constant 0 : i32
          %dma_start3A_105 = tpu.memref_slice %arg3[%add3A_77, %dma_start3A_103, %dma_start3A_104] : memref<2500x2x128xi32, #tpu.memory_space<hbm>> -> memref<1x2x128xi32, #tpu.memory_space<hbm>>
          %dma_start3A_106 = tpu.memref_squeeze %dma_start3A_105 : memref<1x2x128xi32, #tpu.memory_space<hbm>> -> memref<2x128xi32, #tpu.memory_space<hbm>>
          %dma_start3A_107 = arith.constant 0 : i32
          %dma_start3A_108 = arith.constant 0 : i32
          %dma_start3A_109 = tpu.memref_slice %arg3[%add3A_77, %dma_start3A_107, %dma_start3A_108] : memref<2500x2x128xi32, #tpu.memory_space<hbm>> -> memref<1x2x128xi32, #tpu.memory_space<hbm>>
          %dma_start3A_110 = tpu.memref_squeeze %dma_start3A_109 : memref<1x2x128xi32, #tpu.memory_space<hbm>> -> memref<2x128xi32, #tpu.memory_space<hbm>>
          tpu.enqueue_dma source(%dma_start3A_110 : memref<2x128xi32, #tpu.memory_space<hbm>>) target(%arg6 : memref<2x128xi32, #tpu.memory_space<vmem>>) target_semaphore(%run_scoped3A : memref<!tpu.dma_semaphore, #tpu.memory_space<semaphore_mem>>)
          %dma_wait3A = arith.constant 0 : i32
          %dma_wait3A_111 = arith.constant 0 : i32
          %dma_wait3A_112 = tpu.memref_slice %arg3[%add3A_77, %dma_wait3A, %dma_wait3A_111] : memref<2500x2x128xi32, #tpu.memory_space<hbm>> -> memref<1x2x128xi32, #tpu.memory_space<hbm>>
          %dma_wait3A_113 = tpu.memref_squeeze %dma_wait3A_112 : memref<1x2x128xi32, #tpu.memory_space<hbm>> -> memref<2x128xi32, #tpu.memory_space<hbm>>
          %dma_wait3A_114 = arith.constant 0 : i32
          %dma_wait3A_115 = arith.constant 0 : i32
          %dma_wait3A_116 = tpu.memref_slice %arg3[%add3A_77, %dma_wait3A_114, %dma_wait3A_115] : memref<2500x2x128xi32, #tpu.memory_space<hbm>> -> memref<1x2x128xi32, #tpu.memory_space<hbm>>
          %dma_wait3A_117 = tpu.memref_squeeze %dma_wait3A_116 : memref<1x2x128xi32, #tpu.memory_space<hbm>> -> memref<2x128xi32, #tpu.memory_space<hbm>>
          tpu.wait_dma2 semaphore(%run_scoped3A : memref<!tpu.dma_semaphore, #tpu.memory_space<semaphore_mem>>) src(%dma_wait3A_117 : memref<2x128xi32, #tpu.memory_space<hbm>>) dst(%arg6 : memref<2x128xi32, #tpu.memory_space<vmem>>)
          tpu.yield
        }) : () -> ()
        %dma_start3A_96 = arith.constant 0 : i32
        %dma_start3A_97 = arith.constant 0 : i32
        %dma_start3A_98 = tpu.memref_slice %arg6[%dma_start3A_96, %dma_start3A_97] : memref<2x128xi32, #tpu.memory_space<vmem>> -> memref<1x128xi32, #tpu.memory_space<vmem>>
        %dma_start3A_99 = tpu.memref_squeeze %dma_start3A_98 : memref<1x128xi32, #tpu.memory_space<vmem>> -> memref<128xi32, #tpu.memory_space<vmem>>
        %dma_start3A_100 = arith.constant 0 : i32
        %dma_start3A_101 = arith.constant 0 : i32
        %dma_start3A_102 = tpu.memref_slice %arg2[%dma_start3A_100, %dma_start3A_101] : memref<10000x128xf32, #tpu.memory_space<hbm>> -> memref<10000x128xf32, #tpu.memory_space<hbm>>
        tpu.enqueue_indirect_dma source(%dma_start3A_102 : memref<10000x128xf32, #tpu.memory_space<hbm>>) target(%arg8 : memref<128x128xf32, #tpu.memory_space<vmem>>) offsets(%dma_start3A_99 : memref<128xi32, #tpu.memory_space<vmem>>) semaphore(%arg10 : memref<!tpu.dma_semaphore, #tpu.memory_space<semaphore_mem>>)
      } else {
      }
      %lt3A_90 = arith.constant 2500 : i32
      %lt3A_91 = arith.cmpi slt, %add3A_69, %lt3A_90 : i32
      %convert_element_type3A_92 = arith.extui %lt3A_91 : i1 to i32
      %cond3A_93 = arith.constant 0 : i32
      %cond3A_94 = arith.cmpi ne, %convert_element_type3A_92, %cond3A_93 : i32
      scf.if %cond3A_94 {
        %dma_wait3A = arith.constant 0 : i32
        %dma_wait3A_96 = arith.constant 0 : i32
        %dma_wait3A_97 = tpu.memref_slice %arg7[%dma_wait3A, %dma_wait3A_96] : memref<2x128xi32, #tpu.memory_space<vmem>> -> memref<1x128xi32, #tpu.memory_space<vmem>>
        %dma_wait3A_98 = tpu.memref_squeeze %dma_wait3A_97 : memref<1x128xi32, #tpu.memory_space<vmem>> -> memref<128xi32, #tpu.memory_space<vmem>>
        %dma_wait3A_99 = arith.constant 0 : i32
        %dma_wait3A_100 = arith.constant 0 : i32
        %dma_wait3A_101 = tpu.memref_slice %arg2[%dma_wait3A_99, %dma_wait3A_100] : memref<10000x128xf32, #tpu.memory_space<hbm>> -> memref<10000x128xf32, #tpu.memory_space<hbm>>
        tpu.wait_indirect_dma semaphore(%arg11 : memref<!tpu.dma_semaphore, #tpu.memory_space<semaphore_mem>>) src(%dma_wait3A_101 : memref<10000x128xf32, #tpu.memory_space<hbm>>) dst(%arg9 : memref<128x128xf32, #tpu.memory_space<vmem>>)
        %run_scoped3A = arith.constant 1 : i32
        "tpu.region"() ({
          %run_scoped3A_102 = tpu.sem_alloc : memref<!tpu.dma_semaphore, #tpu.memory_space<semaphore_mem>>
          %dma_start3A_103 = arith.constant 0 : i32
          %dma_start3A_104 = tpu.memref_slice %arg7[%run_scoped3A, %dma_start3A_103] : memref<2x128xi32, #tpu.memory_space<vmem>> -> memref<1x128xi32, #tpu.memory_space<vmem>>
          %dma_start3A_105 = tpu.memref_squeeze %dma_start3A_104 : memref<1x128xi32, #tpu.memory_space<vmem>> -> memref<128xi32, #tpu.memory_space<vmem>>
          %dma_start3A_106 = arith.constant 0 : i32
          %dma_start3A_107 = arith.constant 0 : i32
          %dma_start3A_108 = tpu.memref_slice %arg5[%dma_start3A_106, %dma_start3A_107] : memref<10240x128xf32, #tpu.memory_space<vmem_shared>> -> memref<10240x128xf32, #tpu.memory_space<vmem_shared>>
          tpu.enqueue_indirect_dma source(%arg9 : memref<128x128xf32, #tpu.memory_space<vmem>>) target(%dma_start3A_108 : memref<10240x128xf32, #tpu.memory_space<vmem_shared>>) offsets(%dma_start3A_105 : memref<128xi32, #tpu.memory_space<vmem>>) semaphore(%run_scoped3A_102 : memref<!tpu.dma_semaphore, #tpu.memory_space<semaphore_mem>>) {add = true}
          %dma_wait3A_109 = arith.constant 0 : i32
          %dma_wait3A_110 = tpu.memref_slice %arg7[%run_scoped3A, %dma_wait3A_109] : memref<2x128xi32, #tpu.memory_space<vmem>> -> memref<1x128xi32, #tpu.memory_space<vmem>>
          %dma_wait3A_111 = tpu.memref_squeeze %dma_wait3A_110 : memref<1x128xi32, #tpu.memory_space<vmem>> -> memref<128xi32, #tpu.memory_space<vmem>>
          %dma_wait3A_112 = arith.constant 0 : i32
          %dma_wait3A_113 = arith.constant 0 : i32
          %dma_wait3A_114 = tpu.memref_slice %arg5[%dma_wait3A_112, %dma_wait3A_113] : memref<10240x128xf32, #tpu.memory_space<vmem_shared>> -> memref<10240x128xf32, #tpu.memory_space<vmem_shared>>
          tpu.wait_indirect_dma semaphore(%run_scoped3A_102 : memref<!tpu.dma_semaphore, #tpu.memory_space<semaphore_mem>>) src(%arg9 : memref<128x128xf32, #tpu.memory_space<vmem>>) dst(%dma_wait3A_114 : memref<10240x128xf32, #tpu.memory_space<vmem_shared>>)
          tpu.yield
        }) : () -> ()
      } else {
      }
      %scan3A_95 = arith.constant 0 : i32
      scf.yield %scan3A_95 : i32
    }
    %scan3A_39 = arith.constant 40 : i32
    %barrier3A_40 = arith.constant 0 : index
    tpu.barrier barrier_id(%barrier3A_40)
    %mul3A_41 = arith.constant 640 : i32
    %mul3A_42 = arith.muli %arg1, %mul3A_41 : i32
    %add3A_43 = arith.constant 0 : i32
    %add3A_44 = arith.addi %mul3A_42, %add3A_43 : i32
    "tpu.region"() ({
      %run_scoped3A = tpu.sem_alloc : memref<!tpu.dma_semaphore, #tpu.memory_space<semaphore_mem>>
      %dma_start3A_61 = arith.constant 0 : i32
      %dma_start3A_62 = tpu.memref_slice %arg5[%add3A_44, %dma_start3A_61] : memref<10240x128xf32, #tpu.memory_space<vmem_shared>> -> memref<128x128xf32, #tpu.memory_space<vmem_shared>>
      %dma_start3A_63 = arith.constant 0 : i32
      %dma_start3A_64 = tpu.memref_slice %arg5[%add3A_44, %dma_start3A_63] : memref<10240x128xf32, #tpu.memory_space<vmem_shared>> -> memref<128x128xf32, #tpu.memory_space<vmem_shared>>
      tpu.enqueue_dma source(%dma_start3A_64 : memref<128x128xf32, #tpu.memory_space<vmem_shared>>) target(%arg8 : memref<128x128xf32, #tpu.memory_space<vmem>>) target_semaphore(%run_scoped3A : memref<!tpu.dma_semaphore, #tpu.memory_space<semaphore_mem>>)
      %dma_wait3A = arith.constant 0 : i32
      %dma_wait3A_65 = tpu.memref_slice %arg5[%add3A_44, %dma_wait3A] : memref<10240x128xf32, #tpu.memory_space<vmem_shared>> -> memref<128x128xf32, #tpu.memory_space<vmem_shared>>
      %dma_wait3A_66 = arith.constant 0 : i32
      %dma_wait3A_67 = tpu.memref_slice %arg5[%add3A_44, %dma_wait3A_66] : memref<10240x128xf32, #tpu.memory_space<vmem_shared>> -> memref<128x128xf32, #tpu.memory_space<vmem_shared>>
      tpu.wait_dma2 semaphore(%run_scoped3A : memref<!tpu.dma_semaphore, #tpu.memory_space<semaphore_mem>>) src(%dma_wait3A_67 : memref<128x128xf32, #tpu.memory_space<vmem_shared>>) dst(%arg8 : memref<128x128xf32, #tpu.memory_space<vmem>>)
      tpu.yield
    }) : () -> ()
    "tpu.region"() ({
      %run_scoped3A = tpu.sem_alloc : memref<!tpu.dma_semaphore, #tpu.memory_space<semaphore_mem>>
      %dma_start3A_61 = arith.constant 0 : i32
      %dma_start3A_62 = tpu.memref_slice %arg4[%arg0, %add3A_44, %dma_start3A_61] : memref<2x10240x128xf32, #tpu.memory_space<hbm>> -> memref<1x128x128xf32, #tpu.memory_space<hbm>>
      %dma_start3A_63 = tpu.memref_squeeze %dma_start3A_62 : memref<1x128x128xf32, #tpu.memory_space<hbm>> -> memref<128x128xf32, #tpu.memory_space<hbm>>
      %dma_start3A_64 = arith.constant 0 : i32
      %dma_start3A_65 = tpu.memref_slice %arg4[%arg0, %add3A_44, %dma_start3A_64] : memref<2x10240x128xf32, #tpu.memory_space<hbm>> -> memref<1x128x128xf32, #tpu.memory_space<hbm>>
      %dma_start3A_66 = tpu.memref_squeeze %dma_start3A_65 : memref<1x128x128xf32, #tpu.memory_space<hbm>> -> memref<128x128xf32, #tpu.memory_space<hbm>>
      tpu.enqueue_dma source(%arg8 : memref<128x128xf32, #tpu.memory_space<vmem>>) target(%dma_start3A_66 : memref<128x128xf32, #tpu.memory_space<hbm>>) target_semaphore(%run_scoped3A : memref<!tpu.dma_semaphore, #tpu.memory_space<semaphore_mem>>)
      %dma_wait3A = arith.constant 0 : i32
      %dma_wait3A_67 = tpu.memref_slice %arg4[%arg0, %add3A_44, %dma_wait3A] : memref<2x10240x128xf32, #tpu.memory_space<hbm>> -> memref<1x128x128xf32, #tpu.memory_space<hbm>>
      %dma_wait3A_68 = tpu.memref_squeeze %dma_wait3A_67 : memref<1x128x128xf32, #tpu.memory_space<hbm>> -> memref<128x128xf32, #tpu.memory_space<hbm>>
      %dma_wait3A_69 = arith.constant 0 : i32
      %dma_wait3A_70 = tpu.memref_slice %arg4[%arg0, %add3A_44, %dma_wait3A_69] : memref<2x10240x128xf32, #tpu.memory_space<hbm>> -> memref<1x128x128xf32, #tpu.memory_space<hbm>>
      %dma_wait3A_71 = tpu.memref_squeeze %dma_wait3A_70 : memref<1x128x128xf32, #tpu.memory_space<hbm>> -> memref<128x128xf32, #tpu.memory_space<hbm>>
      tpu.wait_dma2 semaphore(%run_scoped3A : memref<!tpu.dma_semaphore, #tpu.memory_space<semaphore_mem>>) src(%arg8 : memref<128x128xf32, #tpu.memory_space<vmem>>) dst(%dma_wait3A_71 : memref<128x128xf32, #tpu.memory_space<hbm>>)
      tpu.yield
    }) : () -> ()
    %mul3A_45 = arith.constant 640 : i32
    %mul3A_46 = arith.muli %arg1, %mul3A_45 : i32
    %add3A_47 = arith.constant 128 : i32
    %add3A_48 = arith.addi %mul3A_46, %add3A_47 : i32
    "tpu.region"() ({
      %run_scoped3A = tpu.sem_alloc : memref<!tpu.dma_semaphore, #tpu.memory_space<semaphore_mem>>
      %dma_start3A_61 = arith.constant 0 : i32
      %dma_start3A_62 = tpu.memref_slice %arg5[%add3A_48, %dma_start3A_61] : memref<10240x128xf32, #tpu.memory_space<vmem_shared>> -> memref<128x128xf32, #tpu.memory_space<vmem_shared>>
      %dma_start3A_63 = arith.constant 0 : i32
      %dma_start3A_64 = tpu.memref_slice %arg5[%add3A_48, %dma_start3A_63] : memref<10240x128xf32, #tpu.memory_space<vmem_shared>> -> memref<128x128xf32, #tpu.memory_space<vmem_shared>>
      tpu.enqueue_dma source(%dma_start3A_64 : memref<128x128xf32, #tpu.memory_space<vmem_shared>>) target(%arg8 : memref<128x128xf32, #tpu.memory_space<vmem>>) target_semaphore(%run_scoped3A : memref<!tpu.dma_semaphore, #tpu.memory_space<semaphore_mem>>)
      %dma_wait3A = arith.constant 0 : i32
      %dma_wait3A_65 = tpu.memref_slice %arg5[%add3A_48, %dma_wait3A] : memref<10240x128xf32, #tpu.memory_space<vmem_shared>> -> memref<128x128xf32, #tpu.memory_space<vmem_shared>>
      %dma_wait3A_66 = arith.constant 0 : i32
      %dma_wait3A_67 = tpu.memref_slice %arg5[%add3A_48, %dma_wait3A_66] : memref<10240x128xf32, #tpu.memory_space<vmem_shared>> -> memref<128x128xf32, #tpu.memory_space<vmem_shared>>
      tpu.wait_dma2 semaphore(%run_scoped3A : memref<!tpu.dma_semaphore, #tpu.memory_space<semaphore_mem>>) src(%dma_wait3A_67 : memref<128x128xf32, #tpu.memory_space<vmem_shared>>) dst(%arg8 : memref<128x128xf32, #tpu.memory_space<vmem>>)
      tpu.yield
    }) : () -> ()
    "tpu.region"() ({
      %run_scoped3A = tpu.sem_alloc : memref<!tpu.dma_semaphore, #tpu.memory_space<semaphore_mem>>
      %dma_start3A_61 = arith.constant 0 : i32
      %dma_start3A_62 = tpu.memref_slice %arg4[%arg0, %add3A_48, %dma_start3A_61] : memref<2x10240x128xf32, #tpu.memory_space<hbm>> -> memref<1x128x128xf32, #tpu.memory_space<hbm>>
      %dma_start3A_63 = tpu.memref_squeeze %dma_start3A_62 : memref<1x128x128xf32, #tpu.memory_space<hbm>> -> memref<128x128xf32, #tpu.memory_space<hbm>>
      %dma_start3A_64 = arith.constant 0 : i32
      %dma_start3A_65 = tpu.memref_slice %arg4[%arg0, %add3A_48, %dma_start3A_64] : memref<2x10240x128xf32, #tpu.memory_space<hbm>> -> memref<1x128x128xf32, #tpu.memory_space<hbm>>
      %dma_start3A_66 = tpu.memref_squeeze %dma_start3A_65 : memref<1x128x128xf32, #tpu.memory_space<hbm>> -> memref<128x128xf32, #tpu.memory_space<hbm>>
      tpu.enqueue_dma source(%arg8 : memref<128x128xf32, #tpu.memory_space<vmem>>) target(%dma_start3A_66 : memref<128x128xf32, #tpu.memory_space<hbm>>) target_semaphore(%run_scoped3A : memref<!tpu.dma_semaphore, #tpu.memory_space<semaphore_mem>>)
      %dma_wait3A = arith.constant 0 : i32
      %dma_wait3A_67 = tpu.memref_slice %arg4[%arg0, %add3A_48, %dma_wait3A] : memref<2x10240x128xf32, #tpu.memory_space<hbm>> -> memref<1x128x128xf32, #tpu.memory_space<hbm>>
      %dma_wait3A_68 = tpu.memref_squeeze %dma_wait3A_67 : memref<1x128x128xf32, #tpu.memory_space<hbm>> -> memref<128x128xf32, #tpu.memory_space<hbm>>
      %dma_wait3A_69 = arith.constant 0 : i32
      %dma_wait3A_70 = tpu.memref_slice %arg4[%arg0, %add3A_48, %dma_wait3A_69] : memref<2x10240x128xf32, #tpu.memory_space<hbm>> -> memref<1x128x128xf32, #tpu.memory_space<hbm>>
      %dma_wait3A_71 = tpu.memref_squeeze %dma_wait3A_70 : memref<1x128x128xf32, #tpu.memory_space<hbm>> -> memref<128x128xf32, #tpu.memory_space<hbm>>
      tpu.wait_dma2 semaphore(%run_scoped3A : memref<!tpu.dma_semaphore, #tpu.memory_space<semaphore_mem>>) src(%arg8 : memref<128x128xf32, #tpu.memory_space<vmem>>) dst(%dma_wait3A_71 : memref<128x128xf32, #tpu.memory_space<hbm>>)
      tpu.yield
    }) : () -> ()
    %mul3A_49 = arith.constant 640 : i32
    %mul3A_50 = arith.muli %arg1, %mul3A_49 : i32
    %add3A_51 = arith.constant 256 : i32
    %add3A_52 = arith.addi %mul3A_50, %add3A_51 : i32
    "tpu.region"() ({
      %run_scoped3A = tpu.sem_alloc : memref<!tpu.dma_semaphore, #tpu.memory_space<semaphore_mem>>
      %dma_start3A_61 = arith.constant 0 : i32
      %dma_start3A_62 = tpu.memref_slice %arg5[%add3A_52, %dma_start3A_61] : memref<10240x128xf32, #tpu.memory_space<vmem_shared>> -> memref<128x128xf32, #tpu.memory_space<vmem_shared>>
      %dma_start3A_63 = arith.constant 0 : i32
      %dma_start3A_64 = tpu.memref_slice %arg5[%add3A_52, %dma_start3A_63] : memref<10240x128xf32, #tpu.memory_space<vmem_shared>> -> memref<128x128xf32, #tpu.memory_space<vmem_shared>>
      tpu.enqueue_dma source(%dma_start3A_64 : memref<128x128xf32, #tpu.memory_space<vmem_shared>>) target(%arg8 : memref<128x128xf32, #tpu.memory_space<vmem>>) target_semaphore(%run_scoped3A : memref<!tpu.dma_semaphore, #tpu.memory_space<semaphore_mem>>)
      %dma_wait3A = arith.constant 0 : i32
      %dma_wait3A_65 = tpu.memref_slice %arg5[%add3A_52, %dma_wait3A] : memref<10240x128xf32, #tpu.memory_space<vmem_shared>> -> memref<128x128xf32, #tpu.memory_space<vmem_shared>>
      %dma_wait3A_66 = arith.constant 0 : i32
      %dma_wait3A_67 = tpu.memref_slice %arg5[%add3A_52, %dma_wait3A_66] : memref<10240x128xf32, #tpu.memory_space<vmem_shared>> -> memref<128x128xf32, #tpu.memory_space<vmem_shared>>
      tpu.wait_dma2 semaphore(%run_scoped3A : memref<!tpu.dma_semaphore, #tpu.memory_space<semaphore_mem>>) src(%dma_wait3A_67 : memref<128x128xf32, #tpu.memory_space<vmem_shared>>) dst(%arg8 : memref<128x128xf32, #tpu.memory_space<vmem>>)
      tpu.yield
    }) : () -> ()
    "tpu.region"() ({
      %run_scoped3A = tpu.sem_alloc : memref<!tpu.dma_semaphore, #tpu.memory_space<semaphore_mem>>
      %dma_start3A_61 = arith.constant 0 : i32
      %dma_start3A_62 = tpu.memref_slice %arg4[%arg0, %add3A_52, %dma_start3A_61] : memref<2x10240x128xf32, #tpu.memory_space<hbm>> -> memref<1x128x128xf32, #tpu.memory_space<hbm>>
      %dma_start3A_63 = tpu.memref_squeeze %dma_start3A_62 : memref<1x128x128xf32, #tpu.memory_space<hbm>> -> memref<128x128xf32, #tpu.memory_space<hbm>>
      %dma_start3A_64 = arith.constant 0 : i32
      %dma_start3A_65 = tpu.memref_slice %arg4[%arg0, %add3A_52, %dma_start3A_64] : memref<2x10240x128xf32, #tpu.memory_space<hbm>> -> memref<1x128x128xf32, #tpu.memory_space<hbm>>
      %dma_start3A_66 = tpu.memref_squeeze %dma_start3A_65 : memref<1x128x128xf32, #tpu.memory_space<hbm>> -> memref<128x128xf32, #tpu.memory_space<hbm>>
      tpu.enqueue_dma source(%arg8 : memref<128x128xf32, #tpu.memory_space<vmem>>) target(%dma_start3A_66 : memref<128x128xf32, #tpu.memory_space<hbm>>) target_semaphore(%run_scoped3A : memref<!tpu.dma_semaphore, #tpu.memory_space<semaphore_mem>>)
      %dma_wait3A = arith.constant 0 : i32
      %dma_wait3A_67 = tpu.memref_slice %arg4[%arg0, %add3A_52, %dma_wait3A] : memref<2x10240x128xf32, #tpu.memory_space<hbm>> -> memref<1x128x128xf32, #tpu.memory_space<hbm>>
      %dma_wait3A_68 = tpu.memref_squeeze %dma_wait3A_67 : memref<1x128x128xf32, #tpu.memory_space<hbm>> -> memref<128x128xf32, #tpu.memory_space<hbm>>
      %dma_wait3A_69 = arith.constant 0 : i32
      %dma_wait3A_70 = tpu.memref_slice %arg4[%arg0, %add3A_52, %dma_wait3A_69] : memref<2x10240x128xf32, #tpu.memory_space<hbm>> -> memref<1x128x128xf32, #tpu.memory_space<hbm>>
      %dma_wait3A_71 = tpu.memref_squeeze %dma_wait3A_70 : memref<1x128x128xf32, #tpu.memory_space<hbm>> -> memref<128x128xf32, #tpu.memory_space<hbm>>
      tpu.wait_dma2 semaphore(%run_scoped3A : memref<!tpu.dma_semaphore, #tpu.memory_space<semaphore_mem>>) src(%arg8 : memref<128x128xf32, #tpu.memory_space<vmem>>) dst(%dma_wait3A_71 : memref<128x128xf32, #tpu.memory_space<hbm>>)
      tpu.yield
    }) : () -> ()
    %mul3A_53 = arith.constant 640 : i32
    %mul3A_54 = arith.muli %arg1, %mul3A_53 : i32
    %add3A_55 = arith.constant 384 : i32
    %add3A_56 = arith.addi %mul3A_54, %add3A_55 : i32
    "tpu.region"() ({
      %run_scoped3A = tpu.sem_alloc : memref<!tpu.dma_semaphore, #tpu.memory_space<semaphore_mem>>
      %dma_start3A_61 = arith.constant 0 : i32
      %dma_start3A_62 = tpu.memref_slice %arg5[%add3A_56, %dma_start3A_61] : memref<10240x128xf32, #tpu.memory_space<vmem_shared>> -> memref<128x128xf32, #tpu.memory_space<vmem_shared>>
      %dma_start3A_63 = arith.constant 0 : i32
      %dma_start3A_64 = tpu.memref_slice %arg5[%add3A_56, %dma_start3A_63] : memref<10240x128xf32, #tpu.memory_space<vmem_shared>> -> memref<128x128xf32, #tpu.memory_space<vmem_shared>>
      tpu.enqueue_dma source(%dma_start3A_64 : memref<128x128xf32, #tpu.memory_space<vmem_shared>>) target(%arg8 : memref<128x128xf32, #tpu.memory_space<vmem>>) target_semaphore(%run_scoped3A : memref<!tpu.dma_semaphore, #tpu.memory_space<semaphore_mem>>)
      %dma_wait3A = arith.constant 0 : i32
      %dma_wait3A_65 = tpu.memref_slice %arg5[%add3A_56, %dma_wait3A] : memref<10240x128xf32, #tpu.memory_space<vmem_shared>> -> memref<128x128xf32, #tpu.memory_space<vmem_shared>>
      %dma_wait3A_66 = arith.constant 0 : i32
      %dma_wait3A_67 = tpu.memref_slice %arg5[%add3A_56, %dma_wait3A_66] : memref<10240x128xf32, #tpu.memory_space<vmem_shared>> -> memref<128x128xf32, #tpu.memory_space<vmem_shared>>
      tpu.wait_dma2 semaphore(%run_scoped3A : memref<!tpu.dma_semaphore, #tpu.memory_space<semaphore_mem>>) src(%dma_wait3A_67 : memref<128x128xf32, #tpu.memory_space<vmem_shared>>) dst(%arg8 : memref<128x128xf32, #tpu.memory_space<vmem>>)
      tpu.yield
    }) : () -> ()
    "tpu.region"() ({
      %run_scoped3A = tpu.sem_alloc : memref<!tpu.dma_semaphore, #tpu.memory_space<semaphore_mem>>
      %dma_start3A_61 = arith.constant 0 : i32
      %dma_start3A_62 = tpu.memref_slice %arg4[%arg0, %add3A_56, %dma_start3A_61] : memref<2x10240x128xf32, #tpu.memory_space<hbm>> -> memref<1x128x128xf32, #tpu.memory_space<hbm>>
      %dma_start3A_63 = tpu.memref_squeeze %dma_start3A_62 : memref<1x128x128xf32, #tpu.memory_space<hbm>> -> memref<128x128xf32, #tpu.memory_space<hbm>>
      %dma_start3A_64 = arith.constant 0 : i32
      %dma_start3A_65 = tpu.memref_slice %arg4[%arg0, %add3A_56, %dma_start3A_64] : memref<2x10240x128xf32, #tpu.memory_space<hbm>> -> memref<1x128x128xf32, #tpu.memory_space<hbm>>
      %dma_start3A_66 = tpu.memref_squeeze %dma_start3A_65 : memref<1x128x128xf32, #tpu.memory_space<hbm>> -> memref<128x128xf32, #tpu.memory_space<hbm>>
      tpu.enqueue_dma source(%arg8 : memref<128x128xf32, #tpu.memory_space<vmem>>) target(%dma_start3A_66 : memref<128x128xf32, #tpu.memory_space<hbm>>) target_semaphore(%run_scoped3A : memref<!tpu.dma_semaphore, #tpu.memory_space<semaphore_mem>>)
      %dma_wait3A = arith.constant 0 : i32
      %dma_wait3A_67 = tpu.memref_slice %arg4[%arg0, %add3A_56, %dma_wait3A] : memref<2x10240x128xf32, #tpu.memory_space<hbm>> -> memref<1x128x128xf32, #tpu.memory_space<hbm>>
      %dma_wait3A_68 = tpu.memref_squeeze %dma_wait3A_67 : memref<1x128x128xf32, #tpu.memory_space<hbm>> -> memref<128x128xf32, #tpu.memory_space<hbm>>
      %dma_wait3A_69 = arith.constant 0 : i32
      %dma_wait3A_70 = tpu.memref_slice %arg4[%arg0, %add3A_56, %dma_wait3A_69] : memref<2x10240x128xf32, #tpu.memory_space<hbm>> -> memref<1x128x128xf32, #tpu.memory_space<hbm>>
      %dma_wait3A_71 = tpu.memref_squeeze %dma_wait3A_70 : memref<1x128x128xf32, #tpu.memory_space<hbm>> -> memref<128x128xf32, #tpu.memory_space<hbm>>
      tpu.wait_dma2 semaphore(%run_scoped3A : memref<!tpu.dma_semaphore, #tpu.memory_space<semaphore_mem>>) src(%arg8 : memref<128x128xf32, #tpu.memory_space<vmem>>) dst(%dma_wait3A_71 : memref<128x128xf32, #tpu.memory_space<hbm>>)
      tpu.yield
    }) : () -> ()
    %mul3A_57 = arith.constant 640 : i32
    %mul3A_58 = arith.muli %arg1, %mul3A_57 : i32
    %add3A_59 = arith.constant 512 : i32
    %add3A_60 = arith.addi %mul3A_58, %add3A_59 : i32
    "tpu.region"() ({
      %run_scoped3A = tpu.sem_alloc : memref<!tpu.dma_semaphore, #tpu.memory_space<semaphore_mem>>
      %dma_start3A_61 = arith.constant 0 : i32
      %dma_start3A_62 = tpu.memref_slice %arg5[%add3A_60, %dma_start3A_61] : memref<10240x128xf32, #tpu.memory_space<vmem_shared>> -> memref<128x128xf32, #tpu.memory_space<vmem_shared>>
      %dma_start3A_63 = arith.constant 0 : i32
      %dma_start3A_64 = tpu.memref_slice %arg5[%add3A_60, %dma_start3A_63] : memref<10240x128xf32, #tpu.memory_space<vmem_shared>> -> memref<128x128xf32, #tpu.memory_space<vmem_shared>>
      tpu.enqueue_dma source(%dma_start3A_64 : memref<128x128xf32, #tpu.memory_space<vmem_shared>>) target(%arg8 : memref<128x128xf32, #tpu.memory_space<vmem>>) target_semaphore(%run_scoped3A : memref<!tpu.dma_semaphore, #tpu.memory_space<semaphore_mem>>)
      %dma_wait3A = arith.constant 0 : i32
      %dma_wait3A_65 = tpu.memref_slice %arg5[%add3A_60, %dma_wait3A] : memref<10240x128xf32, #tpu.memory_space<vmem_shared>> -> memref<128x128xf32, #tpu.memory_space<vmem_shared>>
      %dma_wait3A_66 = arith.constant 0 : i32
      %dma_wait3A_67 = tpu.memref_slice %arg5[%add3A_60, %dma_wait3A_66] : memref<10240x128xf32, #tpu.memory_space<vmem_shared>> -> memref<128x128xf32, #tpu.memory_space<vmem_shared>>
      tpu.wait_dma2 semaphore(%run_scoped3A : memref<!tpu.dma_semaphore, #tpu.memory_space<semaphore_mem>>) src(%dma_wait3A_67 : memref<128x128xf32, #tpu.memory_space<vmem_shared>>) dst(%arg8 : memref<128x128xf32, #tpu.memory_space<vmem>>)
      tpu.yield
    }) : () -> ()
    "tpu.region"() ({
      %run_scoped3A = tpu.sem_alloc : memref<!tpu.dma_semaphore, #tpu.memory_space<semaphore_mem>>
      %dma_start3A_61 = arith.constant 0 : i32
      %dma_start3A_62 = tpu.memref_slice %arg4[%arg0, %add3A_60, %dma_start3A_61] : memref<2x10240x128xf32, #tpu.memory_space<hbm>> -> memref<1x128x128xf32, #tpu.memory_space<hbm>>
      %dma_start3A_63 = tpu.memref_squeeze %dma_start3A_62 : memref<1x128x128xf32, #tpu.memory_space<hbm>> -> memref<128x128xf32, #tpu.memory_space<hbm>>
      %dma_start3A_64 = arith.constant 0 : i32
      %dma_start3A_65 = tpu.memref_slice %arg4[%arg0, %add3A_60, %dma_start3A_64] : memref<2x10240x128xf32, #tpu.memory_space<hbm>> -> memref<1x128x128xf32, #tpu.memory_space<hbm>>
      %dma_start3A_66 = tpu.memref_squeeze %dma_start3A_65 : memref<1x128x128xf32, #tpu.memory_space<hbm>> -> memref<128x128xf32, #tpu.memory_space<hbm>>
      tpu.enqueue_dma source(%arg8 : memref<128x128xf32, #tpu.memory_space<vmem>>) target(%dma_start3A_66 : memref<128x128xf32, #tpu.memory_space<hbm>>) target_semaphore(%run_scoped3A : memref<!tpu.dma_semaphore, #tpu.memory_space<semaphore_mem>>)
      %dma_wait3A = arith.constant 0 : i32
      %dma_wait3A_67 = tpu.memref_slice %arg4[%arg0, %add3A_60, %dma_wait3A] : memref<2x10240x128xf32, #tpu.memory_space<hbm>> -> memref<1x128x128xf32, #tpu.memory_space<hbm>>
      %dma_wait3A_68 = tpu.memref_squeeze %dma_wait3A_67 : memref<1x128x128xf32, #tpu.memory_space<hbm>> -> memref<128x128xf32, #tpu.memory_space<hbm>>
      %dma_wait3A_69 = arith.constant 0 : i32
      %dma_wait3A_70 = tpu.memref_slice %arg4[%arg0, %add3A_60, %dma_wait3A_69] : memref<2x10240x128xf32, #tpu.memory_space<hbm>> -> memref<1x128x128xf32, #tpu.memory_space<hbm>>
      %dma_wait3A_71 = tpu.memref_squeeze %dma_wait3A_70 : memref<1x128x128xf32, #tpu.memory_space<hbm>> -> memref<128x128xf32, #tpu.memory_space<hbm>>
      tpu.wait_dma2 semaphore(%run_scoped3A : memref<!tpu.dma_semaphore, #tpu.memory_space<semaphore_mem>>) src(%arg8 : memref<128x128xf32, #tpu.memory_space<vmem>>) dst(%dma_wait3A_71 : memref<128x128xf32, #tpu.memory_space<hbm>>)
      tpu.yield
    }) : () -> ()
    return
  }
}

module attributes {stable_mosaic.version = 14 : i64} {
  func.func @body(%arg0: i32, %arg1: memref<1000x128xf32, #tpu.memory_space<vmem>>, %arg2: memref<1x1000x128xf32, #tpu.memory_space<vmem>>, %arg3: memref<1x1000x128xf32, #tpu.memory_space<vmem>>, %arg4: memref<1x1000x128xf32, #tpu.memory_space<vmem>>, %arg5: memref<1x1000x128xf32, #tpu.memory_space<vmem>>, %arg6: memref<1x1000x128xf32, #tpu.memory_space<vmem>>, %arg7: memref<1x1000x128xf32, #tpu.memory_space<vmem>>, %arg8: memref<1x128x128xf32, #tpu.memory_space<vmem>>, %arg9: memref<1x128x128xf32, #tpu.memory_space<vmem>>, %arg10: memref<3x128xf32, #tpu.memory_space<vmem>>, %arg11: memref<1x128x128xf32, #tpu.memory_space<vmem>>, %arg12: memref<1x128x128xf32, #tpu.memory_space<vmem>>, %arg13: memref<3x128xf32, #tpu.memory_space<vmem>>, %arg14: memref<1000x128xf32, #tpu.memory_space<vmem>>) attributes {dimension_semantics = [#tpu.dimension_semantics<arbitrary>], iteration_bounds = array<i64: 10>, scalar_prefetch = 0 : i64, scratch_operands = 0 : i64, tpu.core_type = #tpu.core_type<tc>, window_params = [{transform_indices = @transform_0, window_bounds = array<i64: 1000, 128>}, {transform_indices = @transform_1, window_bounds = array<i64: 1, 1000, 128>}, {transform_indices = @transform_2, window_bounds = array<i64: 1, 1000, 128>}, {transform_indices = @transform_3, window_bounds = array<i64: 1, 1000, 128>}, {transform_indices = @transform_4, window_bounds = array<i64: 1, 1000, 128>}, {transform_indices = @transform_5, window_bounds = array<i64: 1, 1000, 128>}, {transform_indices = @transform_6, window_bounds = array<i64: 1, 1000, 128>}, {transform_indices = @transform_7, window_bounds = array<i64: 1, 128, 128>}, {transform_indices = @transform_8, window_bounds = array<i64: 1, 128, 128>}, {pipeline_mode = #tpu.pipeline_mode<synchronous>, transform_indices = @transform_9, window_bounds = array<i64: 3, 128>}, {transform_indices = @transform_10, window_bounds = array<i64: 1, 128, 128>}, {transform_indices = @transform_11, window_bounds = array<i64: 1, 128, 128>}, {pipeline_mode = #tpu.pipeline_mode<synchronous>, transform_indices = @transform_12, window_bounds = array<i64: 3, 128>}, {transform_indices = @transform_13, window_bounds = array<i64: 1000, 128>}]} {
    %get3A = arith.constant 0 : index
    %get3A_0 = arith.constant 0 : index
    %get3A_1 = arith.constant 0 : index
    %get3A_2 = vector.load %arg2[%get3A, %get3A_0, %get3A_1] : memref<1x1000x128xf32, #tpu.memory_space<vmem>>, vector<1x1000x128xf32>
    %get3A_3 = vector.shape_cast %get3A_2 : vector<1x1000x128xf32> to vector<1000x128xf32>
    %get3A_4 = arith.constant 0 : index
    %get3A_5 = arith.constant 0 : index
    %get3A_6 = arith.constant 0 : index
    %get3A_7 = vector.load %arg3[%get3A_4, %get3A_5, %get3A_6] : memref<1x1000x128xf32, #tpu.memory_space<vmem>>, vector<1x1000x128xf32>
    %get3A_8 = vector.shape_cast %get3A_7 : vector<1x1000x128xf32> to vector<1000x128xf32>
    %add3A = arith.addf %get3A_3, %get3A_8 : vector<1000x128xf32>
    %get3A_9 = arith.constant 0 : index
    %get3A_10 = arith.constant 0 : index
    %get3A_11 = arith.constant 0 : index
    %get3A_12 = vector.load %arg4[%get3A_9, %get3A_10, %get3A_11] : memref<1x1000x128xf32, #tpu.memory_space<vmem>>, vector<1x1000x128xf32>
    %get3A_13 = vector.shape_cast %get3A_12 : vector<1x1000x128xf32> to vector<1000x128xf32>
    %get3A_14 = arith.constant 0 : index
    %get3A_15 = arith.constant 0 : index
    %get3A_16 = arith.constant 0 : index
    %get3A_17 = vector.load %arg5[%get3A_14, %get3A_15, %get3A_16] : memref<1x1000x128xf32, #tpu.memory_space<vmem>>, vector<1x1000x128xf32>
    %get3A_18 = vector.shape_cast %get3A_17 : vector<1x1000x128xf32> to vector<1000x128xf32>
    %add3A_19 = arith.addf %get3A_13, %get3A_18 : vector<1000x128xf32>
    %get3A_20 = arith.constant 0 : index
    %get3A_21 = arith.constant 0 : index
    %get3A_22 = arith.constant 0 : index
    %get3A_23 = vector.load %arg6[%get3A_20, %get3A_21, %get3A_22] : memref<1x1000x128xf32, #tpu.memory_space<vmem>>, vector<1x1000x1xf32>
    %get3A_24 = vector.shape_cast %get3A_23 : vector<1x1000x1xf32> to vector<1000x1xf32>
    %get3A_25 = arith.constant 0 : index
    %get3A_26 = arith.constant 0 : index
    %get3A_27 = arith.constant 0 : index
    %get3A_28 = vector.load %arg7[%get3A_25, %get3A_26, %get3A_27] : memref<1x1000x128xf32, #tpu.memory_space<vmem>>, vector<1x1000x1xf32>
    %get3A_29 = vector.shape_cast %get3A_28 : vector<1x1000x1xf32> to vector<1000x1xf32>
    %add3A_30 = arith.addf %get3A_24, %get3A_29 : vector<1000x1xf32>
    %max3A = arith.constant 1.000000e+00 : f32
    %max3A_31 = vector.broadcast %max3A : f32 to vector<1000x1xf32>
    %max3A_32 = arith.maximumf %add3A_30, %max3A_31 : vector<1000x1xf32>
    %div3A = arith.constant 1.000000e+00 : f32
    %div3A_33 = vector.broadcast %div3A : f32 to vector<1000x1xf32>
    %div3A_34 = arith.divf %div3A_33, %max3A_32 : vector<1000x1xf32>
    %mul3A = arith.mulf %add3A_30, %div3A_34 : vector<1000x1xf32>
    %get3A_35 = arith.constant 0 : index
    %get3A_36 = arith.constant 0 : index
    %get3A_37 = arith.constant 0 : index
    %get3A_38 = vector.load %arg8[%get3A_35, %get3A_36, %get3A_37] : memref<1x128x128xf32, #tpu.memory_space<vmem>>, vector<1x128x128xf32>
    %get3A_39 = vector.shape_cast %get3A_38 : vector<1x128x128xf32> to vector<128x128xf32>
    %dot_general3A = arith.constant dense<0.000000e+00> : vector<1000x128xf32>
    %dot_general3A_40 = tpu.matmul %add3A, %get3A_39, %dot_general3A {dimension_numbers = #tpu.dot_dimension_numbers<[1], [0], [0], [1], [0, 0, 1, 1], [], []>, transpose_lhs_hint = false} : vector<1000x128xf32>, vector<128x128xf32>, vector<1000x128xf32> -> vector<1000x128xf32>
    %get3A_41 = arith.constant 0 : index
    %get3A_42 = arith.constant 0 : index
    %get3A_43 = arith.constant 0 : index
    %get3A_44 = vector.load %arg9[%get3A_41, %get3A_42, %get3A_43] : memref<1x128x128xf32, #tpu.memory_space<vmem>>, vector<1x128x128xf32>
    %get3A_45 = vector.shape_cast %get3A_44 : vector<1x128x128xf32> to vector<128x128xf32>
    %dot_general3A_46 = arith.constant dense<0.000000e+00> : vector<1000x128xf32>
    %dot_general3A_47 = tpu.matmul %add3A_19, %get3A_45, %dot_general3A_46 {dimension_numbers = #tpu.dot_dimension_numbers<[1], [0], [0], [1], [0, 0, 1, 1], [], []>, transpose_lhs_hint = false} : vector<1000x128xf32>, vector<128x128xf32>, vector<1000x128xf32> -> vector<1000x128xf32>
    %add3A_48 = arith.addf %dot_general3A_40, %dot_general3A_47 : vector<1000x128xf32>
    %mul3A_49 = vector.broadcast %div3A_34 : vector<1000x1xf32> to vector<1000x128xf32>
    %mul3A_50 = arith.mulf %add3A_48, %mul3A_49 : vector<1000x128xf32>
    %get3A_51 = arith.constant 0 : index
    %get3A_52 = arith.constant 0 : index
    %get3A_53 = vector.load %arg10[%get3A_51, %get3A_52] : memref<3x128xf32, #tpu.memory_space<vmem>>, vector<1x128xf32>
    %get3A_54 = vector.shape_cast %get3A_53 : vector<1x128xf32> to vector<128xf32>
    %broadcast_in_dim3A = vector.shape_cast %get3A_54 : vector<128xf32> to vector<1x128xf32>
    %mul3A_55 = vector.broadcast %mul3A : vector<1000x1xf32> to vector<1000x128xf32>
    %mul3A_56 = vector.broadcast %broadcast_in_dim3A : vector<1x128xf32> to vector<1000x128xf32>
    %mul3A_57 = arith.mulf %mul3A_55, %mul3A_56 : vector<1000x128xf32>
    %add3A_58 = arith.addf %mul3A_50, %mul3A_57 : vector<1000x128xf32>
    %get3A_59 = arith.constant 0 : index
    %get3A_60 = arith.constant 0 : index
    %get3A_61 = vector.load %arg1[%get3A_59, %get3A_60] : memref<1000x128xf32, #tpu.memory_space<vmem>>, vector<1000x128xf32>
    %get3A_62 = arith.constant 0 : index
    %get3A_63 = arith.constant 0 : index
    %get3A_64 = arith.constant 0 : index
    %get3A_65 = vector.load %arg11[%get3A_62, %get3A_63, %get3A_64] : memref<1x128x128xf32, #tpu.memory_space<vmem>>, vector<1x128x128xf32>
    %get3A_66 = vector.shape_cast %get3A_65 : vector<1x128x128xf32> to vector<128x128xf32>
    %dot_general3A_67 = arith.constant dense<0.000000e+00> : vector<1000x128xf32>
    %dot_general3A_68 = tpu.matmul %get3A_61, %get3A_66, %dot_general3A_67 {dimension_numbers = #tpu.dot_dimension_numbers<[1], [0], [0], [1], [0, 0, 1, 1], [], []>, transpose_lhs_hint = false} : vector<1000x128xf32>, vector<128x128xf32>, vector<1000x128xf32> -> vector<1000x128xf32>
    %get3A_69 = arith.constant 0 : index
    %get3A_70 = arith.constant 0 : index
    %get3A_71 = arith.constant 0 : index
    %get3A_72 = vector.load %arg12[%get3A_69, %get3A_70, %get3A_71] : memref<1x128x128xf32, #tpu.memory_space<vmem>>, vector<1x128x128xf32>
    %get3A_73 = vector.shape_cast %get3A_72 : vector<1x128x128xf32> to vector<128x128xf32>
    %dot_general3A_74 = arith.constant dense<0.000000e+00> : vector<1000x128xf32>
    %dot_general3A_75 = tpu.matmul %add3A_58, %get3A_73, %dot_general3A_74 {dimension_numbers = #tpu.dot_dimension_numbers<[1], [0], [0], [1], [0, 0, 1, 1], [], []>, transpose_lhs_hint = false} : vector<1000x128xf32>, vector<128x128xf32>, vector<1000x128xf32> -> vector<1000x128xf32>
    %add3A_76 = arith.addf %dot_general3A_68, %dot_general3A_75 : vector<1000x128xf32>
    %get3A_77 = arith.constant 0 : index
    %get3A_78 = arith.constant 0 : index
    %get3A_79 = vector.load %arg13[%get3A_77, %get3A_78] : memref<3x128xf32, #tpu.memory_space<vmem>>, vector<1x128xf32>
    %get3A_80 = vector.shape_cast %get3A_79 : vector<1x128xf32> to vector<128xf32>
    %broadcast_in_dim3A_81 = vector.shape_cast %get3A_80 : vector<128xf32> to vector<1x128xf32>
    %add3A_82 = vector.broadcast %broadcast_in_dim3A_81 : vector<1x128xf32> to vector<1000x128xf32>
    %add3A_83 = arith.addf %add3A_76, %add3A_82 : vector<1000x128xf32>
    %max3A_84 = arith.constant 0.000000e+00 : f32
    %max3A_85 = vector.broadcast %max3A_84 : f32 to vector<1000x128xf32>
    %max3A_86 = arith.maximumf %add3A_83, %max3A_85 : vector<1000x128xf32>
    %swap3A = arith.constant 0 : index
    %swap3A_87 = arith.constant 0 : index
    %swap3A_88 = vector.load %arg14[%swap3A, %swap3A_87] : memref<1000x128xf32, #tpu.memory_space<vmem>>, vector<1000x128xf32>
    tpu.vector_store %arg14[%swap3A, %swap3A_87], %max3A_86 {strides = array<i32>} : memref<1000x128xf32, #tpu.memory_space<vmem>>, vector<1000x128xf32>,
    return
  }
  func.func @transform_0(%arg0: i32) -> (i32, i32) {
    %c0_i32 = arith.constant 0 : i32
    %c0_i32_0 = arith.constant 0 : i32
    return %arg0, %c0_i32 : i32, i32
  }
  func.func @transform_1(%arg0: i32) -> (i32, i32, i32) {
    %c0_i32 = arith.constant 0 : i32
    %c0_i32_0 = arith.constant 0 : i32
    %c0_i32_1 = arith.constant 0 : i32
    return %c0_i32, %arg0, %c0_i32_0 : i32, i32, i32
  }
  func.func @transform_2(%arg0: i32) -> (i32, i32, i32) {
    %c1_i32 = arith.constant 1 : i32
    %c0_i32 = arith.constant 0 : i32
    %c0_i32_0 = arith.constant 0 : i32
    return %c1_i32, %arg0, %c0_i32 : i32, i32, i32
  }
  func.func @transform_3(%arg0: i32) -> (i32, i32, i32) {
    %c0_i32 = arith.constant 0 : i32
    %c0_i32_0 = arith.constant 0 : i32
    %c0_i32_1 = arith.constant 0 : i32
    return %c0_i32, %arg0, %c0_i32_0 : i32, i32, i32
  }
  func.func @transform_4(%arg0: i32) -> (i32, i32, i32) {
    %c1_i32 = arith.constant 1 : i32
    %c0_i32 = arith.constant 0 : i32
    %c0_i32_0 = arith.constant 0 : i32
    return %c1_i32, %arg0, %c0_i32 : i32, i32, i32
  }
  func.func @transform_5(%arg0: i32) -> (i32, i32, i32) {
    %c0_i32 = arith.constant 0 : i32
    %c0_i32_0 = arith.constant 0 : i32
    %c0_i32_1 = arith.constant 0 : i32
    return %c0_i32, %arg0, %c0_i32_0 : i32, i32, i32
  }
  func.func @transform_6(%arg0: i32) -> (i32, i32, i32) {
    %c1_i32 = arith.constant 1 : i32
    %c0_i32 = arith.constant 0 : i32
    %c0_i32_0 = arith.constant 0 : i32
    return %c1_i32, %arg0, %c0_i32 : i32, i32, i32
  }
  func.func @transform_7(%arg0: i32) -> (i32, i32, i32) {
    %c0_i32 = arith.constant 0 : i32
    %c0_i32_0 = arith.constant 0 : i32
    %c0_i32_1 = arith.constant 0 : i32
    %c0_i32_2 = arith.constant 0 : i32
    return %c0_i32, %c0_i32_0, %c0_i32_1 : i32, i32, i32
  }
  func.func @transform_8(%arg0: i32) -> (i32, i32, i32) {
    %c0_i32 = arith.constant 0 : i32
    %c1_i32 = arith.constant 1 : i32
    %c0_i32_0 = arith.constant 0 : i32
    %c0_i32_1 = arith.constant 0 : i32
    return %c0_i32, %c1_i32, %c0_i32_0 : i32, i32, i32
  }
  func.func @transform_9(%arg0: i32) -> (i32, i32) {
    %c0_i32 = arith.constant 0 : i32
    %c0_i32_0 = arith.constant 0 : i32
    %c0_i32_1 = arith.constant 0 : i32
    return %c0_i32, %c0_i32_0 : i32, i32
  }
  func.func @transform_10(%arg0: i32) -> (i32, i32, i32) {
    %c0_i32 = arith.constant 0 : i32
    %c0_i32_0 = arith.constant 0 : i32
    %c0_i32_1 = arith.constant 0 : i32
    %c0_i32_2 = arith.constant 0 : i32
    return %c0_i32, %c0_i32_0, %c0_i32_1 : i32, i32, i32
  }
  func.func @transform_11(%arg0: i32) -> (i32, i32, i32) {
    %c0_i32 = arith.constant 0 : i32
    %c1_i32 = arith.constant 1 : i32
    %c0_i32_0 = arith.constant 0 : i32
    %c0_i32_1 = arith.constant 0 : i32
    return %c0_i32, %c1_i32, %c0_i32_0 : i32, i32, i32
  }
  func.func @transform_12(%arg0: i32) -> (i32, i32) {
    %c0_i32 = arith.constant 0 : i32
    %c0_i32_0 = arith.constant 0 : i32
    %c0_i32_1 = arith.constant 0 : i32
    return %c0_i32, %c0_i32_0 : i32, i32
  }
  func.func @transform_13(%arg0: i32) -> (i32, i32) {
    %c0_i32 = arith.constant 0 : i32
    %c0_i32_0 = arith.constant 0 : i32
    return %arg0, %c0_i32 : i32, i32
  }
}

module attributes {stable_mosaic.version = 14 : i64} {
  func.func @_mm_relu_body(%arg0: i32, %arg1: memref<4000x16xf32, #tpu.memory_space<vmem>>, %arg2: memref<16x128xf32, #tpu.memory_space<vmem>>, %arg3: memref<128xf32, #tpu.memory_space<vmem>>, %arg4: memref<4000x128xf32, #tpu.memory_space<vmem>>) attributes {dimension_semantics = [#tpu.dimension_semantics<arbitrary>], iteration_bounds = array<i64: 80>, scalar_prefetch = 0 : i64, scratch_operands = 0 : i64, tpu.core_type = #tpu.core_type<tc>, window_params = [{transform_indices = @transform_0, window_bounds = array<i64: 4000, 16>}, {pipeline_mode = #tpu.pipeline_mode<synchronous>, transform_indices = @transform_1, window_bounds = array<i64: 16, 128>}, {pipeline_mode = #tpu.pipeline_mode<synchronous>, transform_indices = @transform_2, window_bounds = array<i64: 128>}, {transform_indices = @transform_3, window_bounds = array<i64: 4000, 128>}]} {
    %get3A = arith.constant 0 : index
    %get3A_0 = arith.constant 0 : index
    %get3A_1 = vector.load %arg1[%get3A, %get3A_0] : memref<4000x16xf32, #tpu.memory_space<vmem>>, vector<4000x16xf32>
    %get3A_2 = arith.constant 0 : index
    %get3A_3 = arith.constant 0 : index
    %get3A_4 = vector.load %arg2[%get3A_2, %get3A_3] : memref<16x128xf32, #tpu.memory_space<vmem>>, vector<16x128xf32>
    %dot_general3A = arith.constant dense<0.000000e+00> : vector<4000x128xf32>
    %dot_general3A_5 = tpu.matmul %get3A_1, %get3A_4, %dot_general3A {dimension_numbers = #tpu.dot_dimension_numbers<[1], [0], [0], [1], [0, 0, 1, 1], [], []>, transpose_lhs_hint = false} : vector<4000x16xf32>, vector<16x128xf32>, vector<4000x128xf32> -> vector<4000x128xf32>
    %get3A_6 = arith.constant 0 : index
    %get3A_7 = vector.load %arg3[%get3A_6] : memref<128xf32, #tpu.memory_space<vmem>>, vector<128xf32>
    %broadcast_in_dim3A = vector.shape_cast %get3A_7 : vector<128xf32> to vector<1x128xf32>
    %add3A = vector.broadcast %broadcast_in_dim3A : vector<1x128xf32> to vector<4000x128xf32>
    %add3A_8 = arith.addf %dot_general3A_5, %add3A : vector<4000x128xf32>
    %max3A = arith.constant 0.000000e+00 : f32
    %max3A_9 = vector.broadcast %max3A : f32 to vector<4000x128xf32>
    %max3A_10 = arith.maximumf %add3A_8, %max3A_9 : vector<4000x128xf32>
    %swap3A = arith.constant 0 : index
    %swap3A_11 = arith.constant 0 : index
    %swap3A_12 = vector.load %arg4[%swap3A, %swap3A_11] : memref<4000x128xf32, #tpu.memory_space<vmem>>, vector<4000x128xf32>
    tpu.vector_store %arg4[%swap3A, %swap3A_11], %max3A_10 {strides = array<i32>} : memref<4000x128xf32, #tpu.memory_space<vmem>>, vector<4000x128xf32>,
    return
  }
  func.func @transform_0(%arg0: i32) -> (i32, i32) {
    %c0_i32 = arith.constant 0 : i32
    %c0_i32_0 = arith.constant 0 : i32
    return %arg0, %c0_i32 : i32, i32
  }
  func.func @transform_1(%arg0: i32) -> (i32, i32) {
    %c0_i32 = arith.constant 0 : i32
    %c0_i32_0 = arith.constant 0 : i32
    %c0_i32_1 = arith.constant 0 : i32
    return %c0_i32, %c0_i32_0 : i32, i32
  }
  func.func @transform_2(%arg0: i32) -> i32 {
    %c0_i32 = arith.constant 0 : i32
    %c0_i32_0 = arith.constant 0 : i32
    return %c0_i32 : i32
  }
  func.func @transform_3(%arg0: i32) -> (i32, i32) {
    %c0_i32 = arith.constant 0 : i32
    %c0_i32_0 = arith.constant 0 : i32
    return %arg0, %c0_i32 : i32, i32
  }
}

module attributes {stable_mosaic.version = 14 : i64} {
  func.func @_mm_relu_body(%arg0: i32, %arg1: memref<1000x128xf32, #tpu.memory_space<vmem>>, %arg2: memref<128x128xf32, #tpu.memory_space<vmem>>, %arg3: memref<128xf32, #tpu.memory_space<vmem>>, %arg4: memref<1000x128xf32, #tpu.memory_space<vmem>>) attributes {dimension_semantics = [#tpu.dimension_semantics<arbitrary>], iteration_bounds = array<i64: 10>, scalar_prefetch = 0 : i64, scratch_operands = 0 : i64, tpu.core_type = #tpu.core_type<tc>, window_params = [{transform_indices = @transform_0, window_bounds = array<i64: 1000, 128>}, {pipeline_mode = #tpu.pipeline_mode<synchronous>, transform_indices = @transform_1, window_bounds = array<i64: 128, 128>}, {pipeline_mode = #tpu.pipeline_mode<synchronous>, transform_indices = @transform_2, window_bounds = array<i64: 128>}, {transform_indices = @transform_3, window_bounds = array<i64: 1000, 128>}]} {
    %get3A = arith.constant 0 : index
    %get3A_0 = arith.constant 0 : index
    %get3A_1 = vector.load %arg1[%get3A, %get3A_0] : memref<1000x128xf32, #tpu.memory_space<vmem>>, vector<1000x128xf32>
    %get3A_2 = arith.constant 0 : index
    %get3A_3 = arith.constant 0 : index
    %get3A_4 = vector.load %arg2[%get3A_2, %get3A_3] : memref<128x128xf32, #tpu.memory_space<vmem>>, vector<128x128xf32>
    %dot_general3A = arith.constant dense<0.000000e+00> : vector<1000x128xf32>
    %dot_general3A_5 = tpu.matmul %get3A_1, %get3A_4, %dot_general3A {dimension_numbers = #tpu.dot_dimension_numbers<[1], [0], [0], [1], [0, 0, 1, 1], [], []>, transpose_lhs_hint = false} : vector<1000x128xf32>, vector<128x128xf32>, vector<1000x128xf32> -> vector<1000x128xf32>
    %get3A_6 = arith.constant 0 : index
    %get3A_7 = vector.load %arg3[%get3A_6] : memref<128xf32, #tpu.memory_space<vmem>>, vector<128xf32>
    %broadcast_in_dim3A = vector.shape_cast %get3A_7 : vector<128xf32> to vector<1x128xf32>
    %add3A = vector.broadcast %broadcast_in_dim3A : vector<1x128xf32> to vector<1000x128xf32>
    %add3A_8 = arith.addf %dot_general3A_5, %add3A : vector<1000x128xf32>
    %max3A = arith.constant 0.000000e+00 : f32
    %max3A_9 = vector.broadcast %max3A : f32 to vector<1000x128xf32>
    %max3A_10 = arith.maximumf %add3A_8, %max3A_9 : vector<1000x128xf32>
    %swap3A = arith.constant 0 : index
    %swap3A_11 = arith.constant 0 : index
    %swap3A_12 = vector.load %arg4[%swap3A, %swap3A_11] : memref<1000x128xf32, #tpu.memory_space<vmem>>, vector<1000x128xf32>
    tpu.vector_store %arg4[%swap3A, %swap3A_11], %max3A_10 {strides = array<i32>} : memref<1000x128xf32, #tpu.memory_space<vmem>>, vector<1000x128xf32>,
    return
  }
  func.func @transform_0(%arg0: i32) -> (i32, i32) {
    %c0_i32 = arith.constant 0 : i32
    %c0_i32_0 = arith.constant 0 : i32
    return %arg0, %c0_i32 : i32, i32
  }
  func.func @transform_1(%arg0: i32) -> (i32, i32) {
    %c0_i32 = arith.constant 0 : i32
    %c0_i32_0 = arith.constant 0 : i32
    %c0_i32_1 = arith.constant 0 : i32
    return %c0_i32, %c0_i32_0 : i32, i32
  }
  func.func @transform_2(%arg0: i32) -> i32 {
    %c0_i32 = arith.constant 0 : i32
    %c0_i32_0 = arith.constant 0 : i32
    return %c0_i32 : i32
  }
  func.func @transform_3(%arg0: i32) -> (i32, i32) {
    %c0_i32 = arith.constant 0 : i32
    %c0_i32_0 = arith.constant 0 : i32
    return %arg0, %c0_i32 : i32, i32
  }
}

module attributes {stable_mosaic.version = 14 : i64} {
  func.func @body(%arg0: i32, %arg1: memref<1000x128xf32, #tpu.memory_space<vmem>>, %arg2: memref<1x1000x128xf32, #tpu.memory_space<vmem>>, %arg3: memref<1x1000x128xf32, #tpu.memory_space<vmem>>, %arg4: memref<1x1000x128xf32, #tpu.memory_space<vmem>>, %arg5: memref<1x1000x128xf32, #tpu.memory_space<vmem>>, %arg6: memref<1x1000x128xf32, #tpu.memory_space<vmem>>, %arg7: memref<1x1000x128xf32, #tpu.memory_space<vmem>>, %arg8: memref<1x128x128xf32, #tpu.memory_space<vmem>>, %arg9: memref<1x128x128xf32, #tpu.memory_space<vmem>>, %arg10: memref<3x128xf32, #tpu.memory_space<vmem>>, %arg11: memref<1x128x128xf32, #tpu.memory_space<vmem>>, %arg12: memref<1x128x128xf32, #tpu.memory_space<vmem>>, %arg13: memref<3x128xf32, #tpu.memory_space<vmem>>, %arg14: memref<1000x128xf32, #tpu.memory_space<vmem>>) attributes {dimension_semantics = [#tpu.dimension_semantics<arbitrary>], iteration_bounds = array<i64: 10>, scalar_prefetch = 0 : i64, scratch_operands = 0 : i64, tpu.core_type = #tpu.core_type<tc>, window_params = [{transform_indices = @transform_0, window_bounds = array<i64: 1000, 128>}, {transform_indices = @transform_1, window_bounds = array<i64: 1, 1000, 128>}, {transform_indices = @transform_2, window_bounds = array<i64: 1, 1000, 128>}, {transform_indices = @transform_3, window_bounds = array<i64: 1, 1000, 128>}, {transform_indices = @transform_4, window_bounds = array<i64: 1, 1000, 128>}, {transform_indices = @transform_5, window_bounds = array<i64: 1, 1000, 128>}, {transform_indices = @transform_6, window_bounds = array<i64: 1, 1000, 128>}, {transform_indices = @transform_7, window_bounds = array<i64: 1, 128, 128>}, {transform_indices = @transform_8, window_bounds = array<i64: 1, 128, 128>}, {pipeline_mode = #tpu.pipeline_mode<synchronous>, transform_indices = @transform_9, window_bounds = array<i64: 3, 128>}, {transform_indices = @transform_10, window_bounds = array<i64: 1, 128, 128>}, {transform_indices = @transform_11, window_bounds = array<i64: 1, 128, 128>}, {pipeline_mode = #tpu.pipeline_mode<synchronous>, transform_indices = @transform_12, window_bounds = array<i64: 3, 128>}, {transform_indices = @transform_13, window_bounds = array<i64: 1000, 128>}]} {
    %get3A = arith.constant 0 : index
    %get3A_0 = arith.constant 0 : index
    %get3A_1 = arith.constant 0 : index
    %get3A_2 = vector.load %arg2[%get3A, %get3A_0, %get3A_1] : memref<1x1000x128xf32, #tpu.memory_space<vmem>>, vector<1x1000x128xf32>
    %get3A_3 = vector.shape_cast %get3A_2 : vector<1x1000x128xf32> to vector<1000x128xf32>
    %get3A_4 = arith.constant 0 : index
    %get3A_5 = arith.constant 0 : index
    %get3A_6 = arith.constant 0 : index
    %get3A_7 = vector.load %arg3[%get3A_4, %get3A_5, %get3A_6] : memref<1x1000x128xf32, #tpu.memory_space<vmem>>, vector<1x1000x128xf32>
    %get3A_8 = vector.shape_cast %get3A_7 : vector<1x1000x128xf32> to vector<1000x128xf32>
    %add3A = arith.addf %get3A_3, %get3A_8 : vector<1000x128xf32>
    %get3A_9 = arith.constant 0 : index
    %get3A_10 = arith.constant 0 : index
    %get3A_11 = arith.constant 0 : index
    %get3A_12 = vector.load %arg4[%get3A_9, %get3A_10, %get3A_11] : memref<1x1000x128xf32, #tpu.memory_space<vmem>>, vector<1x1000x128xf32>
    %get3A_13 = vector.shape_cast %get3A_12 : vector<1x1000x128xf32> to vector<1000x128xf32>
    %get3A_14 = arith.constant 0 : index
    %get3A_15 = arith.constant 0 : index
    %get3A_16 = arith.constant 0 : index
    %get3A_17 = vector.load %arg5[%get3A_14, %get3A_15, %get3A_16] : memref<1x1000x128xf32, #tpu.memory_space<vmem>>, vector<1x1000x128xf32>
    %get3A_18 = vector.shape_cast %get3A_17 : vector<1x1000x128xf32> to vector<1000x128xf32>
    %add3A_19 = arith.addf %get3A_13, %get3A_18 : vector<1000x128xf32>
    %get3A_20 = arith.constant 0 : index
    %get3A_21 = arith.constant 0 : index
    %get3A_22 = arith.constant 0 : index
    %get3A_23 = vector.load %arg6[%get3A_20, %get3A_21, %get3A_22] : memref<1x1000x128xf32, #tpu.memory_space<vmem>>, vector<1x1000x1xf32>
    %get3A_24 = vector.shape_cast %get3A_23 : vector<1x1000x1xf32> to vector<1000x1xf32>
    %get3A_25 = arith.constant 0 : index
    %get3A_26 = arith.constant 0 : index
    %get3A_27 = arith.constant 0 : index
    %get3A_28 = vector.load %arg7[%get3A_25, %get3A_26, %get3A_27] : memref<1x1000x128xf32, #tpu.memory_space<vmem>>, vector<1x1000x1xf32>
    %get3A_29 = vector.shape_cast %get3A_28 : vector<1x1000x1xf32> to vector<1000x1xf32>
    %add3A_30 = arith.addf %get3A_24, %get3A_29 : vector<1000x1xf32>
    %max3A = arith.constant 1.000000e+00 : f32
    %max3A_31 = vector.broadcast %max3A : f32 to vector<1000x1xf32>
    %max3A_32 = arith.maximumf %add3A_30, %max3A_31 : vector<1000x1xf32>
    %div3A = arith.constant 1.000000e+00 : f32
    %div3A_33 = vector.broadcast %div3A : f32 to vector<1000x1xf32>
    %div3A_34 = arith.divf %div3A_33, %max3A_32 : vector<1000x1xf32>
    %mul3A = arith.mulf %add3A_30, %div3A_34 : vector<1000x1xf32>
    %get3A_35 = arith.constant 0 : index
    %get3A_36 = arith.constant 0 : index
    %get3A_37 = arith.constant 0 : index
    %get3A_38 = vector.load %arg8[%get3A_35, %get3A_36, %get3A_37] : memref<1x128x128xf32, #tpu.memory_space<vmem>>, vector<1x128x128xf32>
    %get3A_39 = vector.shape_cast %get3A_38 : vector<1x128x128xf32> to vector<128x128xf32>
    %dot_general3A = arith.constant dense<0.000000e+00> : vector<1000x128xf32>
    %dot_general3A_40 = tpu.matmul %add3A, %get3A_39, %dot_general3A {dimension_numbers = #tpu.dot_dimension_numbers<[1], [0], [0], [1], [0, 0, 1, 1], [], []>, transpose_lhs_hint = false} : vector<1000x128xf32>, vector<128x128xf32>, vector<1000x128xf32> -> vector<1000x128xf32>
    %get3A_41 = arith.constant 0 : index
    %get3A_42 = arith.constant 0 : index
    %get3A_43 = arith.constant 0 : index
    %get3A_44 = vector.load %arg9[%get3A_41, %get3A_42, %get3A_43] : memref<1x128x128xf32, #tpu.memory_space<vmem>>, vector<1x128x128xf32>
    %get3A_45 = vector.shape_cast %get3A_44 : vector<1x128x128xf32> to vector<128x128xf32>
    %dot_general3A_46 = arith.constant dense<0.000000e+00> : vector<1000x128xf32>
    %dot_general3A_47 = tpu.matmul %add3A_19, %get3A_45, %dot_general3A_46 {dimension_numbers = #tpu.dot_dimension_numbers<[1], [0], [0], [1], [0, 0, 1, 1], [], []>, transpose_lhs_hint = false} : vector<1000x128xf32>, vector<128x128xf32>, vector<1000x128xf32> -> vector<1000x128xf32>
    %add3A_48 = arith.addf %dot_general3A_40, %dot_general3A_47 : vector<1000x128xf32>
    %mul3A_49 = vector.broadcast %div3A_34 : vector<1000x1xf32> to vector<1000x128xf32>
    %mul3A_50 = arith.mulf %add3A_48, %mul3A_49 : vector<1000x128xf32>
    %get3A_51 = arith.constant 1 : index
    %get3A_52 = arith.constant 0 : index
    %get3A_53 = vector.load %arg10[%get3A_51, %get3A_52] : memref<3x128xf32, #tpu.memory_space<vmem>>, vector<1x128xf32>
    %get3A_54 = vector.shape_cast %get3A_53 : vector<1x128xf32> to vector<128xf32>
    %broadcast_in_dim3A = vector.shape_cast %get3A_54 : vector<128xf32> to vector<1x128xf32>
    %mul3A_55 = vector.broadcast %mul3A : vector<1000x1xf32> to vector<1000x128xf32>
    %mul3A_56 = vector.broadcast %broadcast_in_dim3A : vector<1x128xf32> to vector<1000x128xf32>
    %mul3A_57 = arith.mulf %mul3A_55, %mul3A_56 : vector<1000x128xf32>
    %add3A_58 = arith.addf %mul3A_50, %mul3A_57 : vector<1000x128xf32>
    %get3A_59 = arith.constant 0 : index
    %get3A_60 = arith.constant 0 : index
    %get3A_61 = vector.load %arg1[%get3A_59, %get3A_60] : memref<1000x128xf32, #tpu.memory_space<vmem>>, vector<1000x128xf32>
    %get3A_62 = arith.constant 0 : index
    %get3A_63 = arith.constant 0 : index
    %get3A_64 = arith.constant 0 : index
    %get3A_65 = vector.load %arg11[%get3A_62, %get3A_63, %get3A_64] : memref<1x128x128xf32, #tpu.memory_space<vmem>>, vector<1x128x128xf32>
    %get3A_66 = vector.shape_cast %get3A_65 : vector<1x128x128xf32> to vector<128x128xf32>
    %dot_general3A_67 = arith.constant dense<0.000000e+00> : vector<1000x128xf32>
    %dot_general3A_68 = tpu.matmul %get3A_61, %get3A_66, %dot_general3A_67 {dimension_numbers = #tpu.dot_dimension_numbers<[1], [0], [0], [1], [0, 0, 1, 1], [], []>, transpose_lhs_hint = false} : vector<1000x128xf32>, vector<128x128xf32>, vector<1000x128xf32> -> vector<1000x128xf32>
    %get3A_69 = arith.constant 0 : index
    %get3A_70 = arith.constant 0 : index
    %get3A_71 = arith.constant 0 : index
    %get3A_72 = vector.load %arg12[%get3A_69, %get3A_70, %get3A_71] : memref<1x128x128xf32, #tpu.memory_space<vmem>>, vector<1x128x128xf32>
    %get3A_73 = vector.shape_cast %get3A_72 : vector<1x128x128xf32> to vector<128x128xf32>
    %dot_general3A_74 = arith.constant dense<0.000000e+00> : vector<1000x128xf32>
    %dot_general3A_75 = tpu.matmul %add3A_58, %get3A_73, %dot_general3A_74 {dimension_numbers = #tpu.dot_dimension_numbers<[1], [0], [0], [1], [0, 0, 1, 1], [], []>, transpose_lhs_hint = false} : vector<1000x128xf32>, vector<128x128xf32>, vector<1000x128xf32> -> vector<1000x128xf32>
    %add3A_76 = arith.addf %dot_general3A_68, %dot_general3A_75 : vector<1000x128xf32>
    %get3A_77 = arith.constant 1 : index
    %get3A_78 = arith.constant 0 : index
    %get3A_79 = vector.load %arg13[%get3A_77, %get3A_78] : memref<3x128xf32, #tpu.memory_space<vmem>>, vector<1x128xf32>
    %get3A_80 = vector.shape_cast %get3A_79 : vector<1x128xf32> to vector<128xf32>
    %broadcast_in_dim3A_81 = vector.shape_cast %get3A_80 : vector<128xf32> to vector<1x128xf32>
    %add3A_82 = vector.broadcast %broadcast_in_dim3A_81 : vector<1x128xf32> to vector<1000x128xf32>
    %add3A_83 = arith.addf %add3A_76, %add3A_82 : vector<1000x128xf32>
    %max3A_84 = arith.constant 0.000000e+00 : f32
    %max3A_85 = vector.broadcast %max3A_84 : f32 to vector<1000x128xf32>
    %max3A_86 = arith.maximumf %add3A_83, %max3A_85 : vector<1000x128xf32>
    %swap3A = arith.constant 0 : index
    %swap3A_87 = arith.constant 0 : index
    %swap3A_88 = vector.load %arg14[%swap3A, %swap3A_87] : memref<1000x128xf32, #tpu.memory_space<vmem>>, vector<1000x128xf32>
    tpu.vector_store %arg14[%swap3A, %swap3A_87], %max3A_86 {strides = array<i32>} : memref<1000x128xf32, #tpu.memory_space<vmem>>, vector<1000x128xf32>,
    return
  }
  func.func @transform_0(%arg0: i32) -> (i32, i32) {
    %c0_i32 = arith.constant 0 : i32
    %c0_i32_0 = arith.constant 0 : i32
    return %arg0, %c0_i32 : i32, i32
  }
  func.func @transform_1(%arg0: i32) -> (i32, i32, i32) {
    %c0_i32 = arith.constant 0 : i32
    %c0_i32_0 = arith.constant 0 : i32
    %c0_i32_1 = arith.constant 0 : i32
    return %c0_i32, %arg0, %c0_i32_0 : i32, i32, i32
  }
  func.func @transform_2(%arg0: i32) -> (i32, i32, i32) {
    %c1_i32 = arith.constant 1 : i32
    %c0_i32 = arith.constant 0 : i32
    %c0_i32_0 = arith.constant 0 : i32
    return %c1_i32, %arg0, %c0_i32 : i32, i32, i32
  }
  func.func @transform_3(%arg0: i32) -> (i32, i32, i32) {
    %c0_i32 = arith.constant 0 : i32
    %c0_i32_0 = arith.constant 0 : i32
    %c0_i32_1 = arith.constant 0 : i32
    return %c0_i32, %arg0, %c0_i32_0 : i32, i32, i32
  }
  func.func @transform_4(%arg0: i32) -> (i32, i32, i32) {
    %c1_i32 = arith.constant 1 : i32
    %c0_i32 = arith.constant 0 : i32
    %c0_i32_0 = arith.constant 0 : i32
    return %c1_i32, %arg0, %c0_i32 : i32, i32, i32
  }
  func.func @transform_5(%arg0: i32) -> (i32, i32, i32) {
    %c0_i32 = arith.constant 0 : i32
    %c0_i32_0 = arith.constant 0 : i32
    %c0_i32_1 = arith.constant 0 : i32
    return %c0_i32, %arg0, %c0_i32_0 : i32, i32, i32
  }
  func.func @transform_6(%arg0: i32) -> (i32, i32, i32) {
    %c1_i32 = arith.constant 1 : i32
    %c0_i32 = arith.constant 0 : i32
    %c0_i32_0 = arith.constant 0 : i32
    return %c1_i32, %arg0, %c0_i32 : i32, i32, i32
  }
  func.func @transform_7(%arg0: i32) -> (i32, i32, i32) {
    %c1_i32 = arith.constant 1 : i32
    %c0_i32 = arith.constant 0 : i32
    %c0_i32_0 = arith.constant 0 : i32
    %c0_i32_1 = arith.constant 0 : i32
    return %c1_i32, %c0_i32, %c0_i32_0 : i32, i32, i32
  }
  func.func @transform_8(%arg0: i32) -> (i32, i32, i32) {
    %c1_i32 = arith.constant 1 : i32
    %c1_i32_0 = arith.constant 1 : i32
    %c0_i32 = arith.constant 0 : i32
    %c0_i32_1 = arith.constant 0 : i32
    return %c1_i32, %c1_i32_0, %c0_i32 : i32, i32, i32
  }
  func.func @transform_9(%arg0: i32) -> (i32, i32) {
    %c0_i32 = arith.constant 0 : i32
    %c0_i32_0 = arith.constant 0 : i32
    %c0_i32_1 = arith.constant 0 : i32
    return %c0_i32, %c0_i32_0 : i32, i32
  }
  func.func @transform_10(%arg0: i32) -> (i32, i32, i32) {
    %c1_i32 = arith.constant 1 : i32
    %c0_i32 = arith.constant 0 : i32
    %c0_i32_0 = arith.constant 0 : i32
    %c0_i32_1 = arith.constant 0 : i32
    return %c1_i32, %c0_i32, %c0_i32_0 : i32, i32, i32
  }
  func.func @transform_11(%arg0: i32) -> (i32, i32, i32) {
    %c1_i32 = arith.constant 1 : i32
    %c1_i32_0 = arith.constant 1 : i32
    %c0_i32 = arith.constant 0 : i32
    %c0_i32_1 = arith.constant 0 : i32
    return %c1_i32, %c1_i32_0, %c0_i32 : i32, i32, i32
  }
  func.func @transform_12(%arg0: i32) -> (i32, i32) {
    %c0_i32 = arith.constant 0 : i32
    %c0_i32_0 = arith.constant 0 : i32
    %c0_i32_1 = arith.constant 0 : i32
    return %c0_i32, %c0_i32_0 : i32, i32
  }
  func.func @transform_13(%arg0: i32) -> (i32, i32) {
    %c0_i32 = arith.constant 0 : i32
    %c0_i32_0 = arith.constant 0 : i32
    return %arg0, %c0_i32 : i32, i32
  }
}

module attributes {stable_mosaic.version = 14 : i64} {
  func.func @body_dec(%arg0: i32, %arg1: memref<1000x128xf32, #tpu.memory_space<vmem>>, %arg2: memref<1x1000x128xf32, #tpu.memory_space<vmem>>, %arg3: memref<1x1000x128xf32, #tpu.memory_space<vmem>>, %arg4: memref<1x1000x128xf32, #tpu.memory_space<vmem>>, %arg5: memref<1x1000x128xf32, #tpu.memory_space<vmem>>, %arg6: memref<1x1000x128xf32, #tpu.memory_space<vmem>>, %arg7: memref<1x1000x128xf32, #tpu.memory_space<vmem>>, %arg8: memref<1x128x128xf32, #tpu.memory_space<vmem>>, %arg9: memref<1x128x128xf32, #tpu.memory_space<vmem>>, %arg10: memref<3x128xf32, #tpu.memory_space<vmem>>, %arg11: memref<1x128x128xf32, #tpu.memory_space<vmem>>, %arg12: memref<1x128x128xf32, #tpu.memory_space<vmem>>, %arg13: memref<3x128xf32, #tpu.memory_space<vmem>>, %arg14: memref<128x3xf32, #tpu.memory_space<vmem>>, %arg15: memref<3xf32, #tpu.memory_space<vmem>>, %arg16: memref<1000x3xf32, #tpu.memory_space<vmem>>) attributes {dimension_semantics = [#tpu.dimension_semantics<arbitrary>], iteration_bounds = array<i64: 10>, scalar_prefetch = 0 : i64, scratch_operands = 0 : i64, tpu.core_type = #tpu.core_type<tc>, window_params = [{transform_indices = @transform_0, window_bounds = array<i64: 1000, 128>}, {transform_indices = @transform_1, window_bounds = array<i64: 1, 1000, 128>}, {transform_indices = @transform_2, window_bounds = array<i64: 1, 1000, 128>}, {transform_indices = @transform_3, window_bounds = array<i64: 1, 1000, 128>}, {transform_indices = @transform_4, window_bounds = array<i64: 1, 1000, 128>}, {transform_indices = @transform_5, window_bounds = array<i64: 1, 1000, 128>}, {transform_indices = @transform_6, window_bounds = array<i64: 1, 1000, 128>}, {transform_indices = @transform_7, window_bounds = array<i64: 1, 128, 128>}, {transform_indices = @transform_8, window_bounds = array<i64: 1, 128, 128>}, {pipeline_mode = #tpu.pipeline_mode<synchronous>, transform_indices = @transform_9, window_bounds = array<i64: 3, 128>}, {transform_indices = @transform_10, window_bounds = array<i64: 1, 128, 128>}, {transform_indices = @transform_11, window_bounds = array<i64: 1, 128, 128>}, {pipeline_mode = #tpu.pipeline_mode<synchronous>, transform_indices = @transform_12, window_bounds = array<i64: 3, 128>}, {pipeline_mode = #tpu.pipeline_mode<synchronous>, transform_indices = @transform_13, window_bounds = array<i64: 128, 3>}, {pipeline_mode = #tpu.pipeline_mode<synchronous>, transform_indices = @transform_14, window_bounds = array<i64: 3>}, {transform_indices = @transform_15, window_bounds = array<i64: 1000, 3>}]} {
    %get3A = arith.constant 0 : index
    %get3A_0 = arith.constant 0 : index
    %get3A_1 = arith.constant 0 : index
    %get3A_2 = vector.load %arg2[%get3A, %get3A_0, %get3A_1] : memref<1x1000x128xf32, #tpu.memory_space<vmem>>, vector<1x1000x128xf32>
    %get3A_3 = vector.shape_cast %get3A_2 : vector<1x1000x128xf32> to vector<1000x128xf32>
    %get3A_4 = arith.constant 0 : index
    %get3A_5 = arith.constant 0 : index
    %get3A_6 = arith.constant 0 : index
    %get3A_7 = vector.load %arg3[%get3A_4, %get3A_5, %get3A_6] : memref<1x1000x128xf32, #tpu.memory_space<vmem>>, vector<1x1000x128xf32>
    %get3A_8 = vector.shape_cast %get3A_7 : vector<1x1000x128xf32> to vector<1000x128xf32>
    %add3A = arith.addf %get3A_3, %get3A_8 : vector<1000x128xf32>
    %get3A_9 = arith.constant 0 : index
    %get3A_10 = arith.constant 0 : index
    %get3A_11 = arith.constant 0 : index
    %get3A_12 = vector.load %arg4[%get3A_9, %get3A_10, %get3A_11] : memref<1x1000x128xf32, #tpu.memory_space<vmem>>, vector<1x1000x128xf32>
    %get3A_13 = vector.shape_cast %get3A_12 : vector<1x1000x128xf32> to vector<1000x128xf32>
    %get3A_14 = arith.constant 0 : index
    %get3A_15 = arith.constant 0 : index
    %get3A_16 = arith.constant 0 : index
    %get3A_17 = vector.load %arg5[%get3A_14, %get3A_15, %get3A_16] : memref<1x1000x128xf32, #tpu.memory_space<vmem>>, vector<1x1000x128xf32>
    %get3A_18 = vector.shape_cast %get3A_17 : vector<1x1000x128xf32> to vector<1000x128xf32>
    %add3A_19 = arith.addf %get3A_13, %get3A_18 : vector<1000x128xf32>
    %get3A_20 = arith.constant 0 : index
    %get3A_21 = arith.constant 0 : index
    %get3A_22 = arith.constant 0 : index
    %get3A_23 = vector.load %arg6[%get3A_20, %get3A_21, %get3A_22] : memref<1x1000x128xf32, #tpu.memory_space<vmem>>, vector<1x1000x1xf32>
    %get3A_24 = vector.shape_cast %get3A_23 : vector<1x1000x1xf32> to vector<1000x1xf32>
    %get3A_25 = arith.constant 0 : index
    %get3A_26 = arith.constant 0 : index
    %get3A_27 = arith.constant 0 : index
    %get3A_28 = vector.load %arg7[%get3A_25, %get3A_26, %get3A_27] : memref<1x1000x128xf32, #tpu.memory_space<vmem>>, vector<1x1000x1xf32>
    %get3A_29 = vector.shape_cast %get3A_28 : vector<1x1000x1xf32> to vector<1000x1xf32>
    %add3A_30 = arith.addf %get3A_24, %get3A_29 : vector<1000x1xf32>
    %max3A = arith.constant 1.000000e+00 : f32
    %max3A_31 = vector.broadcast %max3A : f32 to vector<1000x1xf32>
    %max3A_32 = arith.maximumf %add3A_30, %max3A_31 : vector<1000x1xf32>
    %div3A = arith.constant 1.000000e+00 : f32
    %div3A_33 = vector.broadcast %div3A : f32 to vector<1000x1xf32>
    %div3A_34 = arith.divf %div3A_33, %max3A_32 : vector<1000x1xf32>
    %mul3A = arith.mulf %add3A_30, %div3A_34 : vector<1000x1xf32>
    %get3A_35 = arith.constant 0 : index
    %get3A_36 = arith.constant 0 : index
    %get3A_37 = arith.constant 0 : index
    %get3A_38 = vector.load %arg8[%get3A_35, %get3A_36, %get3A_37] : memref<1x128x128xf32, #tpu.memory_space<vmem>>, vector<1x128x128xf32>
    %get3A_39 = vector.shape_cast %get3A_38 : vector<1x128x128xf32> to vector<128x128xf32>
    %dot_general3A = arith.constant dense<0.000000e+00> : vector<1000x128xf32>
    %dot_general3A_40 = tpu.matmul %add3A, %get3A_39, %dot_general3A {dimension_numbers = #tpu.dot_dimension_numbers<[1], [0], [0], [1], [0, 0, 1, 1], [], []>, transpose_lhs_hint = false} : vector<1000x128xf32>, vector<128x128xf32>, vector<1000x128xf32> -> vector<1000x128xf32>
    %get3A_41 = arith.constant 0 : index
    %get3A_42 = arith.constant 0 : index
    %get3A_43 = arith.constant 0 : index
    %get3A_44 = vector.load %arg9[%get3A_41, %get3A_42, %get3A_43] : memref<1x128x128xf32, #tpu.memory_space<vmem>>, vector<1x128x128xf32>
    %get3A_45 = vector.shape_cast %get3A_44 : vector<1x128x128xf32> to vector<128x128xf32>
    %dot_general3A_46 = arith.constant dense<0.000000e+00> : vector<1000x128xf32>
    %dot_general3A_47 = tpu.matmul %add3A_19, %get3A_45, %dot_general3A_46 {dimension_numbers = #tpu.dot_dimension_numbers<[1], [0], [0], [1], [0, 0, 1, 1], [], []>, transpose_lhs_hint = false} : vector<1000x128xf32>, vector<128x128xf32>, vector<1000x128xf32> -> vector<1000x128xf32>
    %add3A_48 = arith.addf %dot_general3A_40, %dot_general3A_47 : vector<1000x128xf32>
    %mul3A_49 = vector.broadcast %div3A_34 : vector<1000x1xf32> to vector<1000x128xf32>
    %mul3A_50 = arith.mulf %add3A_48, %mul3A_49 : vector<1000x128xf32>
    %get3A_51 = arith.constant 2 : index
    %get3A_52 = arith.constant 0 : index
    %get3A_53 = vector.load %arg10[%get3A_51, %get3A_52] : memref<3x128xf32, #tpu.memory_space<vmem>>, vector<1x128xf32>
    %get3A_54 = vector.shape_cast %get3A_53 : vector<1x128xf32> to vector<128xf32>
    %broadcast_in_dim3A = vector.shape_cast %get3A_54 : vector<128xf32> to vector<1x128xf32>
    %mul3A_55 = vector.broadcast %mul3A : vector<1000x1xf32> to vector<1000x128xf32>
    %mul3A_56 = vector.broadcast %broadcast_in_dim3A : vector<1x128xf32> to vector<1000x128xf32>
    %mul3A_57 = arith.mulf %mul3A_55, %mul3A_56 : vector<1000x128xf32>
    %add3A_58 = arith.addf %mul3A_50, %mul3A_57 : vector<1000x128xf32>
    %get3A_59 = arith.constant 0 : index
    %get3A_60 = arith.constant 0 : index
    %get3A_61 = vector.load %arg1[%get3A_59, %get3A_60] : memref<1000x128xf32, #tpu.memory_space<vmem>>, vector<1000x128xf32>
    %get3A_62 = arith.constant 0 : index
    %get3A_63 = arith.constant 0 : index
    %get3A_64 = arith.constant 0 : index
    %get3A_65 = vector.load %arg11[%get3A_62, %get3A_63, %get3A_64] : memref<1x128x128xf32, #tpu.memory_space<vmem>>, vector<1x128x128xf32>
    %get3A_66 = vector.shape_cast %get3A_65 : vector<1x128x128xf32> to vector<128x128xf32>
    %dot_general3A_67 = arith.constant dense<0.000000e+00> : vector<1000x128xf32>
    %dot_general3A_68 = tpu.matmul %get3A_61, %get3A_66, %dot_general3A_67 {dimension_numbers = #tpu.dot_dimension_numbers<[1], [0], [0], [1], [0, 0, 1, 1], [], []>, transpose_lhs_hint = false} : vector<1000x128xf32>, vector<128x128xf32>, vector<1000x128xf32> -> vector<1000x128xf32>
    %get3A_69 = arith.constant 0 : index
    %get3A_70 = arith.constant 0 : index
    %get3A_71 = arith.constant 0 : index
    %get3A_72 = vector.load %arg12[%get3A_69, %get3A_70, %get3A_71] : memref<1x128x128xf32, #tpu.memory_space<vmem>>, vector<1x128x128xf32>
    %get3A_73 = vector.shape_cast %get3A_72 : vector<1x128x128xf32> to vector<128x128xf32>
    %dot_general3A_74 = arith.constant dense<0.000000e+00> : vector<1000x128xf32>
    %dot_general3A_75 = tpu.matmul %add3A_58, %get3A_73, %dot_general3A_74 {dimension_numbers = #tpu.dot_dimension_numbers<[1], [0], [0], [1], [0, 0, 1, 1], [], []>, transpose_lhs_hint = false} : vector<1000x128xf32>, vector<128x128xf32>, vector<1000x128xf32> -> vector<1000x128xf32>
    %add3A_76 = arith.addf %dot_general3A_68, %dot_general3A_75 : vector<1000x128xf32>
    %get3A_77 = arith.constant 2 : index
    %get3A_78 = arith.constant 0 : index
    %get3A_79 = vector.load %arg13[%get3A_77, %get3A_78] : memref<3x128xf32, #tpu.memory_space<vmem>>, vector<1x128xf32>
    %get3A_80 = vector.shape_cast %get3A_79 : vector<1x128xf32> to vector<128xf32>
    %broadcast_in_dim3A_81 = vector.shape_cast %get3A_80 : vector<128xf32> to vector<1x128xf32>
    %add3A_82 = vector.broadcast %broadcast_in_dim3A_81 : vector<1x128xf32> to vector<1000x128xf32>
    %add3A_83 = arith.addf %add3A_76, %add3A_82 : vector<1000x128xf32>
    %max3A_84 = arith.constant 0.000000e+00 : f32
    %max3A_85 = vector.broadcast %max3A_84 : f32 to vector<1000x128xf32>
    %max3A_86 = arith.maximumf %add3A_83, %max3A_85 : vector<1000x128xf32>
    %get3A_87 = arith.constant 0 : index
    %get3A_88 = arith.constant 0 : index
    %get3A_89 = vector.load %arg14[%get3A_87, %get3A_88] : memref<128x3xf32, #tpu.memory_space<vmem>>, vector<128x3xf32>
    %dot_general3A_90 = arith.constant dense<0.000000e+00> : vector<1000x3xf32>
    %dot_general3A_91 = tpu.matmul %max3A_86, %get3A_89, %dot_general3A_90 {dimension_numbers = #tpu.dot_dimension_numbers<[1], [0], [0], [1], [0, 0, 1, 1], [], []>, transpose_lhs_hint = false} : vector<1000x128xf32>, vector<128x3xf32>, vector<1000x3xf32> -> vector<1000x3xf32>
    %get3A_92 = arith.constant 0 : index
    %get3A_93 = vector.load %arg15[%get3A_92] : memref<3xf32, #tpu.memory_space<vmem>>, vector<3xf32>
    %broadcast_in_dim3A_94 = vector.shape_cast %get3A_93 : vector<3xf32> to vector<1x3xf32>
    %add3A_95 = vector.broadcast %broadcast_in_dim3A_94 : vector<1x3xf32> to vector<1000x3xf32>
    %add3A_96 = arith.addf %dot_general3A_91, %add3A_95 : vector<1000x3xf32>
    %swap3A = arith.constant 0 : index
    %swap3A_97 = arith.constant 0 : index
    %swap3A_98 = vector.load %arg16[%swap3A, %swap3A_97] : memref<1000x3xf32, #tpu.memory_space<vmem>>, vector<1000x3xf32>
    tpu.vector_store %arg16[%swap3A, %swap3A_97], %add3A_96 {strides = array<i32>} : memref<1000x3xf32, #tpu.memory_space<vmem>>, vector<1000x3xf32>,
    return
  }
  func.func @transform_0(%arg0: i32) -> (i32, i32) {
    %c0_i32 = arith.constant 0 : i32
    %c0_i32_0 = arith.constant 0 : i32
    return %arg0, %c0_i32 : i32, i32
  }
  func.func @transform_1(%arg0: i32) -> (i32, i32, i32) {
    %c0_i32 = arith.constant 0 : i32
    %c0_i32_0 = arith.constant 0 : i32
    %c0_i32_1 = arith.constant 0 : i32
    return %c0_i32, %arg0, %c0_i32_0 : i32, i32, i32
  }
  func.func @transform_2(%arg0: i32) -> (i32, i32, i32) {
    %c1_i32 = arith.constant 1 : i32
    %c0_i32 = arith.constant 0 : i32
    %c0_i32_0 = arith.constant 0 : i32
    return %c1_i32, %arg0, %c0_i32 : i32, i32, i32
  }
  func.func @transform_3(%arg0: i32) -> (i32, i32, i32) {
    %c0_i32 = arith.constant 0 : i32
    %c0_i32_0 = arith.constant 0 : i32
    %c0_i32_1 = arith.constant 0 : i32
    return %c0_i32, %arg0, %c0_i32_0 : i32, i32, i32
  }
  func.func @transform_4(%arg0: i32) -> (i32, i32, i32) {
    %c1_i32 = arith.constant 1 : i32
    %c0_i32 = arith.constant 0 : i32
    %c0_i32_0 = arith.constant 0 : i32
    return %c1_i32, %arg0, %c0_i32 : i32, i32, i32
  }
  func.func @transform_5(%arg0: i32) -> (i32, i32, i32) {
    %c0_i32 = arith.constant 0 : i32
    %c0_i32_0 = arith.constant 0 : i32
    %c0_i32_1 = arith.constant 0 : i32
    return %c0_i32, %arg0, %c0_i32_0 : i32, i32, i32
  }
  func.func @transform_6(%arg0: i32) -> (i32, i32, i32) {
    %c1_i32 = arith.constant 1 : i32
    %c0_i32 = arith.constant 0 : i32
    %c0_i32_0 = arith.constant 0 : i32
    return %c1_i32, %arg0, %c0_i32 : i32, i32, i32
  }
  func.func @transform_7(%arg0: i32) -> (i32, i32, i32) {
    %c2_i32 = arith.constant 2 : i32
    %c0_i32 = arith.constant 0 : i32
    %c0_i32_0 = arith.constant 0 : i32
    %c0_i32_1 = arith.constant 0 : i32
    return %c2_i32, %c0_i32, %c0_i32_0 : i32, i32, i32
  }
  func.func @transform_8(%arg0: i32) -> (i32, i32, i32) {
    %c2_i32 = arith.constant 2 : i32
    %c1_i32 = arith.constant 1 : i32
    %c0_i32 = arith.constant 0 : i32
    %c0_i32_0 = arith.constant 0 : i32
    return %c2_i32, %c1_i32, %c0_i32 : i32, i32, i32
  }
  func.func @transform_9(%arg0: i32) -> (i32, i32) {
    %c0_i32 = arith.constant 0 : i32
    %c0_i32_0 = arith.constant 0 : i32
    %c0_i32_1 = arith.constant 0 : i32
    return %c0_i32, %c0_i32_0 : i32, i32
  }
  func.func @transform_10(%arg0: i32) -> (i32, i32, i32) {
    %c2_i32 = arith.constant 2 : i32
    %c0_i32 = arith.constant 0 : i32
    %c0_i32_0 = arith.constant 0 : i32
    %c0_i32_1 = arith.constant 0 : i32
    return %c2_i32, %c0_i32, %c0_i32_0 : i32, i32, i32
  }
  func.func @transform_11(%arg0: i32) -> (i32, i32, i32) {
    %c2_i32 = arith.constant 2 : i32
    %c1_i32 = arith.constant 1 : i32
    %c0_i32 = arith.constant 0 : i32
    %c0_i32_0 = arith.constant 0 : i32
    return %c2_i32, %c1_i32, %c0_i32 : i32, i32, i32
  }
  func.func @transform_12(%arg0: i32) -> (i32, i32) {
    %c0_i32 = arith.constant 0 : i32
    %c0_i32_0 = arith.constant 0 : i32
    %c0_i32_1 = arith.constant 0 : i32
    return %c0_i32, %c0_i32_0 : i32, i32
  }
  func.func @transform_13(%arg0: i32) -> (i32, i32) {
    %c0_i32 = arith.constant 0 : i32
    %c0_i32_0 = arith.constant 0 : i32
    %c0_i32_1 = arith.constant 0 : i32
    return %c0_i32, %c0_i32_0 : i32, i32
  }
  func.func @transform_14(%arg0: i32) -> i32 {
    %c0_i32 = arith.constant 0 : i32
    %c0_i32_0 = arith.constant 0 : i32
    return %c0_i32 : i32
  }
  func.func @transform_15(%arg0: i32) -> (i32, i32) {
    %c0_i32 = arith.constant 0 : i32
    %c0_i32_0 = arith.constant 0 : i32
    return %arg0, %c0_i32 : i32, i32
  }
}

</mosaic_0001>

<sc_bundles>
// kernel: kernel.11.cloned.1.call-start
scs
__scs_entry_jumppad:
0x0: {  	(pc) =	sbr.rel $0x88, $3  }
0x1: {  	(tag) =	ssettag $0x0;
	lr =	simm.s32 $0x1  }
0x2: {  	[smem:$0x3F94] =	sst lr;
	_ =	strace $0xD0000000  }
0x3: {  	_ = 	snop  }
0x4: {  	_ = 	snop  }
0x5: {  	_ = 	snop  }
0x6: {  	_ = 	snop  }
0x7: {  	_ = 	snop  }
__scs_overlays_trampoline_lowered:
0x8: {  	[smem:$0x3FA3] =	sst s0  }
0x9: {  	[smem:$0x3FA4] =	sst s1  }
0xa: {  	[smem:$0x3FA5] =	sst s2  }
0xb: {  	[smem:$0x3FA6] =	sst s3  }
0xc: {  	[smem:$0x3FA7] =	sst s4  }
0xd: {  	[smem:$0x3FA8] =	sst s5  }
0xe: {  	[smem:$0x3FA9] =	sst s6  }
0xf: {  	[smem:$0x3FAA] =	sst s7  }
0x10: {  	[smem:$0x3FAB] =	sst s8  }
0x11: {  	[smem:$0x3FAC] =	sst s9;
	s0 =	simm.s32 @!p0 $0x0  }
0x12: {  	s1 =	sld [smem:$0x3F92];
	s0 =	simm.s32 @p0 $0x1  }
0x13: {  	[smem:$0x3FAD] =	sst s0;
	s0 =	simm.s32 @!p1 $0x0  }
0x14: {  	s2 =	sld [smem:$0x3F91];
	s0 =	simm.s32 @p1 $0x1  }
0x15: {  	[smem:$0x3FAE] =	sst s0;
	s0 =	simm.s32 @!p2 $0x0  }
0x16: {  	s3 =	sld [smem:$0x3FDB];
	s0 =	simm.s32 @p2 $0x1  }
0x17: {  	s4 =	simm.s32 $0x1BF5;
	[smem:$0x3FB0] =	sst s0  }
0x18: {  	s0 =	sld [smem:$0x3F93];
	_ =	swait.ge [sflag:s4], $0x0  }
0x19: {  	s7 =	sld [smem:$0x3F94]  }
0x1a: {  	s8 =	sadd.s32 $0xFFFFE003, lr  }
0x1b: {  	s9 =	sadd.s32 $0xFFFFFEF7, lr;
	s5 =	simm.s32 $0xFFFFFFFF;
	p2 =	slt.u32 s8, $0xFFFFF086  }
0x1c: {  	p1 =	slt.u32 s9, $0xF7A;
	s5 =	simm.s32 @!p2 $0x0  }
0x1d: {  	s5 =	simm.s32 @p1 $0x1;
	p0 =	seq.s32 s7, s2  }
0x1e: {  	s7 =	smul.u32 @!p0 $0xF7A, s2;
	p2 =	seq.s32 @!p0 s5, $0x0  }
0x1f: {  	s9 =	smul.u32 $0xF7A, s1;
	s8 =	simm.s32 @!p0 $0x1BF5;
	p2 =	por !p2, p0  }
0x20: {  	[sflag:s8] =	ssyncset.s32 @!p0 $0xFFFFF086;
	s6 =	sadd.s32 @!p0 s3, s7;
	s7 =	simm.s32 @!p0 $0x108  }
0x21: {  	s3 =	sadd.s32 s3, s9;
	s6 =	sadd.s32 @!p0 $0x88, s6;
	s7 =	simm.s32 @p2 $0x1082  }
0x22: {  	[simem:s7], [sflag:s8] =	dma.local @!p0 [hbm:s6], $0xF7A  }
0x23: {  	s9 =	sor.u32 $0xD0000000, s2;
	s6 =	simm.s32 $0x108;
	_ =	swait.ge @!p0 [sflag:s8], $0x0  }
0x24: {  	s3 =	sadd.s32 $0x88, s3;
	s6 =	simm.s32 @!p1 $0x1082;
	[sflag:s4] =	ssyncset.s32 $0xFFFFF086  }
0x25: {  	[simem:s6], [sflag:s4] =	dma.local [hbm:s3], $0xF7A  }
0x26: {  	[smem:$0x3F94] =	sst s1;
	(tag) =	ssettag s2;
	_ =	strace s9  }
0x27: {  	s1 =	sld [smem:$0x3FA4]  }
0x28: {  	s2 =	sld [smem:$0x3FA5]  }
0x29: {  	s4 =	sld [smem:$0x3FA7]  }
0x2a: {  	p0 =	seq.s32 s5, $0x0;
	s5 =	sld [smem:$0x3FA8]  }
0x2b: {  	s6 =	sld [smem:$0x3FA9]  }
0x2c: {  	s7 =	sld [smem:$0x3FAA]  }
0x2d: {  	s3 =	simm.s32 $0x108;
	s8 =	sld [smem:$0x3FAB]  }
0x2e: {  	s3 =	simm.s32 @!p0 $0x1082;
	s9 =	sld [smem:$0x3FAC]  }
0x2f: {  	lr =	sadd.s32 s0, s3;
	s0 =	sld [smem:$0x3FA3]  }
0x30: {  	s3 =	sld [smem:$0x3FA6]  }
0x31: {  	[smem:$0x3FAF] =	sst s10  }
0x32: {  	s10 =	sld [smem:$0x3FAD];
	_ =	sdelay $0x3  }
0x33: {  	p0 =	seq.s32 s10, $0x1;
	s10 =	sld [smem:$0x3FAF];
	_ =	sdelay $0x3  }
0x34: {  	[smem:$0x3FAF] =	sst s10  }
0x35: {  	s10 =	sld [smem:$0x3FAE];
	_ =	sdelay $0x3  }
0x36: {  	p1 =	seq.s32 s10, $0x1;
	s10 =	sld [smem:$0x3FAF];
	_ =	sdelay $0x3  }
0x37: {  	[smem:$0x3FAF] =	sst s10  }
0x38: {  	s10 =	sld [smem:$0x3FB0]  }
0x39: {  	_ = 	snop;
	(pc) =	sbr.ind lr, $3  }
0x3a: {  	_ = 	snop  }
0x3b: {  	_ = 	snop  }
0x3c: {  	p2 =	seq.s32 s10, $0x1;
	s10 =	sld [smem:$0x3FAF]  }
0x3d: {  	_ =	shalt  }
0x3e: {  	_ =	shalt  }
0x3f: {  	_ =	shalt  }
0x40: {  	_ =	shalt  }
0x41: {  	_ =	shalt  }
0x42: {  	_ =	shalt  }
0x43: {  	_ =	shalt  }
0x44: {  	_ =	shalt  }
0x45: {  	_ =	shalt  }
0x46: {  	_ =	shalt  }
0x47: {  	_ =	shalt  }
0x48: {  	_ =	shalt  }
0x49: {  	_ =	shalt  }
0x4a: {  	_ =	shalt  }
0x4b: {  	_ =	shalt  }
0x4c: {  	_ =	shalt  }
0x4d: {  	_ =	shalt  }
0x4e: {  	_ =	shalt  }
0x4f: {  	_ =	shalt  }
0x50: {  	_ =	shalt  }
0x51: {  	_ =	shalt  }
0x52: {  	_ =	shalt  }
0x53: {  	_ =	shalt  }
0x54: {  	_ =	shalt  }
0x55: {  	_ =	shalt  }
0x56: {  	_ =	shalt  }
0x57: {  	_ =	shalt  }
0x58: {  	_ =	shalt  }
0x59: {  	_ =	shalt  }
0x5a: {  	_ =	shalt  }
0x5b: {  	_ =	shalt  }
0x5c: {  	_ =	shalt  }
0x5d: {  	_ =	shalt  }
0x5e: {  	_ =	shalt  }
0x5f: {  	_ =	shalt  }
0x60: {  	_ =	shalt  }
0x61: {  	_ =	shalt  }
0x62: {  	_ =	shalt  }
0x63: {  	_ =	shalt  }
0x64: {  	_ =	shalt  }
0x65: {  	_ =	shalt  }
0x66: {  	_ =	shalt  }
0x67: {  	_ =	shalt  }
0x68: {  	_ =	shalt  }
0x69: {  	_ =	shalt  }
0x6a: {  	_ =	shalt  }
0x6b: {  	_ =	shalt  }
0x6c: {  	_ =	shalt  }
0x6d: {  	_ =	shalt  }
0x6e: {  	_ =	shalt  }
0x6f: {  	_ =	shalt  }
0x70: {  	_ =	shalt  }
0x71: {  	_ =	shalt  }
0x72: {  	_ =	shalt  }
0x73: {  	_ =	shalt  }
0x74: {  	_ =	shalt  }
0x75: {  	_ =	shalt  }
0x76: {  	_ =	shalt  }
0x77: {  	_ =	shalt  }
0x78: {  	_ =	shalt  }
0x79: {  	_ =	shalt  }
0x7a: {  	_ =	shalt  }
0x7b: {  	_ =	shalt  }
0x7c: {  	_ =	shalt  }
0x7d: {  	_ =	shalt  }
0x7e: {  	_ =	shalt  }
0x7f: {  	_ =	shalt  }
0x80: {  	_ =	shalt  }
0x81: {  	_ =	shalt  }
0x82: {  	_ =	shalt  }
0x83: {  	_ =	shalt  }
0x84: {  	_ =	shalt  }
0x85: {  	_ =	shalt  }
0x86: {  	_ =	shalt  }
0x87: {  	_ =	shalt  }
.Lfunc_end0:
.L_simem_size_0:
called_computation_lowered:
.L_overlay_start_0:
0x88: {  	s2 =	sld [smem:$0x3FD9]  }
0x89: {  	s3 =	sld [smem:$0x3FFE];
	_ =	sdelay $0x1  }
0x8a: {  	s1 =	srdreg.scid  }
0x8b: {  	s0 =	sand.u32 $0x1, s1  }
0x8c: {  	s17 =	sshll.u32 s0, $0xA;
	s2 =	sadd.s32 s3, s2  }
0x8d: {  	s2 =	sadd.s32 s2, s17  }
0x8e: {  	[smem:$0x3FBB] =	sst s2  }
0x8f: {  	_ = 	snop  }
0x90: {  	s2 =	sld [smem:$0x3FC7];
	(tm) =	ssettm $0x1  }
0x91: {  	s18 =	sld [smem:$0x3FFB];
	_ =	sdelay $0x3  }
0x92: {  	_ =	strace s18  }
0x93: {  	s3 =	sld [smem:$0x3FFC];
	_ =	sdelay $0x3  }
0x94: {  	_ =	strace s3  }
0x95: {  	s3 =	sld [smem:$0x3FFD];
	_ =	sdelay $0x3  }
0x96: {  	_ =	strace s3  }
0x97: {  	_ =	strace $0x8FFFFFFF  }
0x98: {  	s19 =	sld [smem:$0x3FDB];
	_ =	sdelay $0x1  }
0x99: {  	s4 =	simm.s32 $_scs_section_size  }
0x9a: {  	s5 =	simm.s32 $_size__tile_overlayer_lowered;
	s6 =	simm.s32 $_tile_overlayer_lowered  }
0x9b: {  	s22 =	simm.s32 $0x1BFF;
	s21 =	sshll.u32 s6, $0x1;
	s3 =	sadd.s32 s4, s19  }
0x9c: {  	s7 =	simm.s32 $0x0;
	s20 =	sshll.u32 s5, $0x1;
	s5 =	sadd.s32 s21, s3  }
0x9d: {  	[timem:s7], [sflag:s22] =	dma.local [hbm:s5], s20  }
0x9e: {  	_ =	swait.ge [sflag:s22], s20  }
0x9f: {  	s4 =	ssub.s32 $0x0, s20;
	[sflag:s22] =	ssyncset.done $0x0  }
0xa0: {  	[sflag:s22] =	ssyncadd.s32 s4;
	_ =	sdelay $0x1  }
0xa1: {  	s23 =	simm.s32 $0x1B8B  }
0xa2: {  	_ =	swait.ge [sflag:s23], $0x1  }
0xa3: {  	[sflag:s23] =	ssyncset.done $0x0  }
0xa4: {  	s25 =	simm.s32 $0x1B8E;
	s24 =	sld [smem:$0x3FFE];
	[sflag:s23] =	ssyncadd.s32 $0xFFFFFFFF  }
0xa5: {  	s26 =	simm.s32 $execute0_lowered;
	[smem:$0x3FD2] =	sst s25  }
0xa6: {  	s5 =	sshll.u32 s26, $0x1;
	_ =	strace $0x80000046;
	[dreg:$0x1] =	wrdreg $0xFFFFFFFF  }
0xa7: {  	s28 =	simm.s32 $_size_execute0_lowered;
	s3 =	sadd.s32 s3, s5;
	[dreg:$0x0] =	wrdreg $0x0  }
0xa8: {  	s5 =	sshll.u32 s28, $0x1;
	[dreg:$0x2] =	wrdreg s3  }
0xa9: {  	[dreg:$0x3] =	wrdreg s5  }
0xaa: {  	[dreg:$0x4] =	wrdreg $0xC0  }
0xab: {  	_ =	task [dreg:s7], $0x5FFFF  }
0xac: {  	[dreg:$0x1] =	wrdreg $0xFFFFFFFF  }
0xad: {  	[dreg:$0x0] =	wrdreg $0x60  }
0xae: {  	[dreg:$0x2] =	wrdreg s24  }
0xaf: {  	[dreg:$0x3] =	wrdreg s2  }
0xb0: {  	[dreg:$0x4] =	wrdreg $0x0  }
0xb1: {  	[dreg:$0x5] =	wrdreg $0x9  }
0xb2: {  	_ =	task.clear_ibuf [dreg:s7], $0x6FFFF;
	_ =	strace $0x90000046  }
0xb3: {  	s29 =	simm.s32 $0x9;
	_ =	strace $0x80000048  }
0xb4: {  	_ =	swait.ge [sflag:s29], $0x1  }
0xb5: {  	[sflag:s29] =	ssyncadd.s32 $0xFFFFFFFF  }
0xb6: {  	_ =	strace $0x90000048  }
0xb7: {  	_ =	sfence  }
0xb8: {  	s30 =	sld [smem:$0x0];
	_ =	sdelay $0x2  }
0xb9: {  	s31 =	sshll.u32 s1, $0xD;
	s1 =	sshrl.u32 s1, $0x2  }
0xba: {  	s3 =	sand.u32 $0x4000, s31;
	s1 =	sadd.s32 s1, s30  }
0xbb: {  	s0 =	sor.u32 s3, s0;
	s1 =	sshll.u32 s1, $0x11  }
0xbc: {  	s0 =	sor.u32 s1, s0  }
0xbd: {  	s0 =	sadd.s32 $0x8F2B, s0  }
0xbe: {  	[sflag:s0] =	ssyncadd.remote.s32 $0x1  }
0xbf: {  	_ =	sfence.sel $0xFFFF  }
0xc0: {  	[dreg:$0x0] =	wrdreg $0xFFFFFFFF;
	(pc) =	sbr.abs _section_cstart, $3  }
0xc1: {  	[dreg:$0x1] =	wrdreg $0xFFFFFFFF  }
0xc2: {  	_ =	task.clear_ibuf [dreg:s7], $0x2FFFF;
	_ =	strace $0x9FFFFFFF  }
0xc3: {  	(tm) =	ssettm $0x7FFFFFFF  }
tec
execute0_lowered:
.L_overlay_start_1:
0x0: {  	(tag) =	ssettag $0x1  }
0x1: {  	s0 =	rddreg [dreg:$0x0]  }
0x2: {  	s2 =	rddreg [dreg:$0x1]  }
0x3: {  	s1 =	rddreg [dreg:$0x2]  }
0x4: {  	s4 =	srdreg.scid;
	s3 =	simm.s32 $0x0;
	s22 =	stileid.u32  }
0x5: {  	s28 =	simm.s32 $0x14200;
	s29 =	simm.s32 $0x3;
	s31 =	simm.s32 $0x14100  }
0x6: {  	s6 =	sadd.s32 $0x4E5C00, s0;
	s7 =	sand.u32 $0x1, s4;
	s8 =	sadd.s32 $0x3C00, s0  }
0x7: {  	s0 =	sadd.s32 $0x53C00, s0;
	s9 =	smul.u32 $0x14000, s22;
	s16 =	sshll.u32 s22, $0x1  }
0x8: {  	[smem:$0x7FF] =	sst s3;
	p0 =	sgt.u32 s22, $0x1;
	s4 =	ssub.s32 $0x2, s7  }
0x9: {  	s11 =	smul.u32 $0x140000, s7;
	s5 =	sshrl.u32 s4, $0x1;
	s12 =	sadd.s32 $0x4000, s9  }
0xa: {  	s13 =	sadd.s32 $0x8000, s9;
	s14 =	sadd.s32 $0xC000, s9;
	s15 =	sadd.s32 $0x10000, s9  }
0xb: {  	s10 =	ssub.s32 s4, s5;
	s4 =	sor.u32 s7, s16;
	s17 =	sadd.s32 s9, s11  }
0xc: {  	s21 =	sadd.s32 s11, s13;
	s18 =	sshll.u32 s4, $0x5;
	s16 =	sshrl.u32 s17, $0x3  }
0xd: {  	s17 =	sadd.s32 s11, s12;
	s25 =	sadd.s32 s2, s18;
	s5 =	sadd.s32 s8, s16  }
0xe: {  	s19 =	sshrl.u32 s17, $0x3;
	s18 =	sadd.s32 s11, s14;
	s17 =	sshrl.u32 s21, $0x3  }
0xf: {  	s11 =	sadd.s32 s11, s15;
	s30 =	sadd.s32 s0, s16;
	s21 =	sshll.u32 s7, $0xB  }
0x10: {  	[dreg:$0x4] =	wrdreg s5;
	s20 =	sadd.s32 s8, s19;
	s18 =	sshrl.u32 s18, $0x3  }
0x11: {  	s23 =	sadd.s32 s8, s17;
	s11 =	sshrl.u32 s11, $0x3;
	[dreg:$0x9] =	wrdreg s30  }
0x12: {  	s9 =	sadd.s32 s0, s17;
	s17 =	sshll.u32 s22, $0x6;
	[dreg:$0x5] =	wrdreg s20  }
0x13: {  	s30 =	sor.u32 $0x40, s4;
	[dreg:$0x6] =	wrdreg s23;
	s24 =	sadd.s32 s8, s18  }
0x14: {  	s26 =	sadd.s32 s8, s11;
	s8 =	sadd.s32 s0, s19;
	[dreg:$0xb] =	wrdreg s9  }
0x15: {  	s16 =	sadd.s32 s0, s18;
	s0 =	sadd.s32 s0, s11;
	[dreg:$0x7] =	wrdreg s24  }
0x16: {  	s18 =	sshll.u32 s4, $0xB;
	s2 =	sadd.s32 s17, s2;
	[dreg:$0x8] =	wrdreg s26  }
0x17: {  	s19 =	smul.u32 $0x50000, s22;
	s20 =	sshll.u32 s22, $0xC;
	[dreg:$0xa] =	wrdreg s8  }
0x18: {  	s9 =	simm.s32 $0x2;
	s11 =	simm.s32 $0x0;
	[dreg:$0xc] =	wrdreg s16  }
0x19: {  	[dreg:$0xd] =	wrdreg s0;
	s0 =	sadd.s32 s6, s18;
	s18 =	sadd.s32 s12, s1  }
0x1a: {  	s24 =	sshll.u32 s7, $0x5;
	s26 =	smax.u32 s10, $0x1;
	s16 =	simm.s32 $0x14000  }
0x1b: {  	s7 =	simm.s32 $0x80;
	s8 =	simm.s32 $0x14080;
	s10 =	simm.s32 $0x14180  }
0x1c: {  	[dreg:$0xe] =	wrdreg s0;
	s0 =	sadd.s32 s20, s6;
	s23 =	sshrl.u32 s19, $0x2  }
0x1d: {  	s19 =	sadd.s32 s13, s1;
	s20 =	sadd.s32 s14, s1;
	s6 =	simm.s32 $0x1  }
0x1e: {  	s0 =	sadd.s32 s21, s0;
	_ =	strace $0x80000047;
	s17 =	sadd.s32 s23, s1  }
0x1f: {  	s21 =	sadd.s32 s15, s1;
	[dreg:$0xf] =	wrdreg s26;
	s23 =	sadd.s32 s24, s2  }
0x20: {  	[dreg:$0x11] =	wrdreg s30;
	s2 =	simm.s32 $0x18200;
	s0 =	sadd.s32 $0x10000, s0  }
0x21: {  	v0 =	vimm.f32 $0.0e+00;
	v1 =	vimm.f32 $1.000000000e+00;
	s26 =	sadd.s32 $0x400, s23;
	[dreg:$0x10] =	wrdreg s0;
	s0 =	simm.s32 $0x4  }
.LBB2_1:
0x22: {  	s12 =	simm.s32 $0x0;
	s13 =	simm.s32 $0x200  }
.LBB2_2:
0x23: {  	p1 =	sne.s32 s13, $0xFE00;
	[tilespmem:s12+$0x14270] =	vst v0  }
0x24: {  	[tilespmem:s12+$0x14200] =	vst v0  }
0x25: {  	[tilespmem:s12+$0x14210] =	vst v0  }
.Ltmp0:
0x26: {  	[tilespmem:s12+$0x14220] =	vst v0;
	(pc) =	sbr.rel @p1 .LBB2_2-.Ltmp0, $4  }
0x27: {  	[tilespmem:s12+$0x14230] =	vst v0  }
0x28: {  	[tilespmem:s12+$0x14240] =	vst v0  }
0x29: {  	[tilespmem:s12+$0x14250] =	vst v0  }
0x2a: {  	[tilespmem:s12+$0x14260] =	vst v0;
	s12 =	sshra.s32 s13, $0x2;
	s13 =	sadd.s32 $0x200, s13  }
0x2b: {  	[tilespmem:s12+$0x14270] =	vst v0  }
0x2c: {  	[tilespmem:s12+$0x14200] =	vst v0  }
0x2d: {  	[tilespmem:s12+$0x14210] =	vst v0  }
0x2e: {  	[tilespmem:s12+$0x14220] =	vst v0  }
0x2f: {  	[tilespmem:s12+$0x14230] =	vst v0  }
0x30: {  	[tilespmem:s12+$0x14240] =	vst v0  }
0x31: {  	[tilespmem:s12+$0x14250] =	vst v0  }
0x32: {  	[tilespmem:s12+$0x14260] =	vst v0  }
0x33: {  	[spmem:s17] =	stream.linear.scatter [tilespmem:s28], [sflag:$0x3], $0x4000, $0x38;
	[tilespmem:$0x1C200] =	vst v63  }
0x34: {  	_ =	swait.ge [sflag:s29], $0x4000  }
0x35: {  	[sflag:s29] =	ssyncset.done $0x0  }
0x36: {  	[sflag:s29] =	ssyncadd.s32 $0xFFFFC000  }
0x37: {  	[spmem:s18] =	stream.linear.scatter [tilespmem:s28], [sflag:$0x3], $0x4000, $0x38;
	[tilespmem:$0x1C200] =	vst v63  }
0x38: {  	_ =	swait.ge [sflag:s29], $0x4000  }
0x39: {  	[sflag:s29] =	ssyncset.done $0x0  }
0x3a: {  	[sflag:s29] =	ssyncadd.s32 $0xFFFFC000  }
0x3b: {  	[spmem:s19] =	stream.linear.scatter [tilespmem:s28], [sflag:$0x3], $0x4000, $0x38;
	[tilespmem:$0x1C200] =	vst v63  }
0x3c: {  	_ =	swait.ge [sflag:s29], $0x4000  }
0x3d: {  	[sflag:s29] =	ssyncset.done $0x0  }
0x3e: {  	[sflag:s29] =	ssyncadd.s32 $0xFFFFC000  }
0x3f: {  	[spmem:s20] =	stream.linear.scatter [tilespmem:s28], [sflag:$0x3], $0x4000, $0x38;
	[tilespmem:$0x1C200] =	vst v63  }
0x40: {  	_ =	swait.ge [sflag:s29], $0x4000  }
0x41: {  	[sflag:s29] =	ssyncset.done $0x0  }
0x42: {  	[sflag:s29] =	ssyncadd.s32 $0xFFFFC000  }
0x43: {  	[spmem:s21] =	stream.linear.scatter [tilespmem:s28], [sflag:$0x3], $0x4000, $0x38;
	[tilespmem:$0x1C200] =	vst v63  }
0x44: {  	_ =	swait.ge [sflag:s29], $0x4000  }
0x45: {  	[sflag:s29] =	ssyncset.done $0x0  }
0x46: {  	[sflag:s29] =	ssyncadd.s32 $0xFFFFC000  }
0x47: {  	s22 =	simm.s32 $0x0;
	[bflag:$0x0] =	sbarrier.arrive $0xFFFF  }
0x48: {  	[tilespmem:s16], [sflag:$0x3] =	stream.linear.gather [hbm4b:s25+s22], $0x100, $0x38;
	[tilespmem:$0x1C200] =	vst v63  }
0x49: {  	_ =	swait.ge [sflag:s29], $0x100  }
0x4a: {  	s24 =	smov.u32 s25;
	[sflag:s29] =	ssyncset.done $0x0  }
0x4b: {  	s25 =	sadd.s32 $0x0, s23;
	s5 =	rddreg [dreg:$0xe];
	[sflag:s29] =	ssyncadd.s32 $0xFFFFFF00  }
0x4c: {  	[tilespmem:s28], [sflag:$0x1] =	stream.linear.gather [hbm4b:s5+s22], $0x4000, $0x38;
	[tilespmem:$0x1C200] =	vst v63  }
0x4d: {  	s12 =	sadd.s32 $0x400, s25  }
0x4e: {  	[tilespmem:s31], [sflag:$0x4] =	stream.linear.gather [hbm4b:s12+s3], $0x100, $0x38;
	[tilespmem:$0x1C200] =	vst v63  }
0x4f: {  	_ =	swait.ge [sflag:s0], $0x100  }
0x50: {  	[sflag:s0] =	ssyncset.done $0x0  }
0x51: {  	s5 =	rddreg [dreg:$0x10];
	[sflag:s0] =	ssyncadd.s32 $0xFFFFFF00  }
0x52: {  	[tilespmem:s2], [sflag:$0x2] =	stream.linear.gather [hbm4b:s5+s3], $0x4000, $0x38;
	[tilespmem:$0x1C200] =	vst v63  }
0x53: {  	_ =	swait.ge [sflag:s6], $0x4000  }
0x54: {  	[sflag:s6] =	ssyncset.done $0x0;
	s30 =	rddreg [dreg:$0x11]  }
0x55: {  	[sflag:s6] =	ssyncadd.s32 $0xFFFFC000;
	p1 =	sgt.u32 s30, $0x9C3  }
0x56: {  	[spmem:s1] =	stream.indirect.scatter.add.f32 [tilespmem:s28], [sflag:$0x4], $0x80, s8, s7, $0xb8;
	[tilespmem:$0x1C200] =	vst v63  }
0x57: {  	s12 =	sadd.s32 @!p1 $0x0, s23;
	_ =	swait.ge [sflag:s0], $0x4000  }
0x58: {  	s13 =	simm.s32 @!p1 $0x0;
	s14 =	simm.s32 @!p1 $0x14000;
	[sflag:s0] =	ssyncset.done $0x0  }
0x59: {  	s15 =	simm.s32 @!p1 $0x4;
	s12 =	sadd.s32 @!p1 $0x800, s12;
	[sflag:s0] =	ssyncadd.s32 $0xFFFFC000  }
0x5a: {  	[tilespmem:s14], [sflag:$0x4] =	stream.linear.gather @!p1 [hbm4b:s12+s13], $0x100, $0x38;
	[tilespmem:$0x1C200] =	vst v63  }
0x5b: {  	_ =	swait.ge @!p1 [sflag:s15], $0x100  }
0x5c: {  	[sflag:s15] =	ssyncset.done @!p1 $0x0  }
0x5d: {  	s12 =	sadd.s32 @!p1 $0x10000, s5;
	s14 =	simm.s32 @!p1 $0x14200;
	[sflag:s15] =	ssyncadd.s32 @!p1 $0xFFFFFF00  }
0x5e: {  	[tilespmem:s14], [sflag:$0x1] =	stream.linear.gather @!p1 [hbm4b:s12+s13], $0x4000, $0x38;
	[tilespmem:$0x1C200] =	vst v63  }
0x5f: {  	_ =	swait.ge [sflag:s9], $0x4000  }
0x60: {  	s16 =	sadd.s32 $0x800, s23;
	[sflag:s9] =	ssyncset.done $0x0  }
0x61: {  	s15 =	simm.s32 $0x1000;
	s14 =	simm.s32 $0x800;
	[sflag:s9] =	ssyncadd.s32 $0xFFFFC000  }
0x62: {  	[spmem:s1] =	stream.indirect.scatter.add.f32 [tilespmem:s2], [sflag:$0x3], $0x80, s10, s7, $0xb8;
	[tilespmem:$0x1C200] =	vst v63  }
0x63: {  	s13 =	sadd.s32 $0x40, s30;
	s12 =	sadd.s32 $0x20000, s5;
	_ =	swait.ge [sflag:s29], $0x4000  }
.LBB2_4:
0x64: {  	s16 =	sadd.s32 $0x400, s16  }
0x65: {  	[sflag:s29] =	ssyncset.done $0x0;
	s22 =	smov.u32 s15;
	s15 =	sadd.s32 $0x800, s15  }
0x66: {  	p1 =	sne.s32 s15, $0x13800;
	[sflag:s29] =	ssyncadd.s32 $0xFFFFC000  }
0x67: {  	[tilespmem:s31], [sflag:$0x4] =	stream.linear.gather [hbm4b:s16+s3], $0x100, $0x38;
	[tilespmem:$0x1C200] =	vst v63  }
0x68: {  	_ =	swait.ge [sflag:s0], $0x100  }
0x69: {  	[sflag:s0] =	ssyncset.done $0x0  }
0x6a: {  	[sflag:s0] =	ssyncadd.s32 $0xFFFFFF00  }
0x6b: {  	[tilespmem:s2], [sflag:$0x2] =	stream.linear.gather [hbm4b:s12+s3], $0x4000, $0x38;
	[tilespmem:$0x1C200] =	vst v63  }
0x6c: {  	_ =	swait.ge [sflag:s6], $0x4000  }
0x6d: {  	[sflag:s6] =	ssyncset.done $0x0  }
0x6e: {  	p2 =	sgt.u32 s13, $0x9C3;
	[sflag:s6] =	ssyncadd.s32 $0xFFFFC000  }
0x6f: {  	[spmem:s1] =	stream.indirect.scatter.add.f32 [tilespmem:s28], [sflag:$0x4], $0x80, s8, s7, $0xb8;
	[tilespmem:$0x1C200] =	vst v63  }
0x70: {  	s14 =	sadd.s32 @!p2 s14, s23;
	s16 =	simm.s32 @!p2 $0x0;
	_ =	swait.ge [sflag:s0], $0x4000  }
0x71: {  	s5 =	simm.s32 @!p2 $0x14000;
	s30 =	sadd.s32 @!p2 $0x800, s14;
	[sflag:s0] =	ssyncset.done $0x0  }
0x72: {  	s25 =	simm.s32 @!p2 $0x4;
	s14 =	smov.u32 s22;
	[sflag:s0] =	ssyncadd.s32 $0xFFFFC000  }
0x73: {  	[tilespmem:s5], [sflag:$0x4] =	stream.linear.gather @!p2 [hbm4b:s30+s16], $0x100, $0x38;
	[tilespmem:$0x1C200] =	vst v63  }
0x74: {  	_ =	swait.ge @!p2 [sflag:s25], $0x100  }
0x75: {  	s22 =	simm.s32 @!p2 $0x14200;
	s5 =	sadd.s32 @!p2 $0x10000, s12;
	[sflag:s25] =	ssyncset.done @!p2 $0x0  }
0x76: {  	[sflag:s25] =	ssyncadd.s32 @!p2 $0xFFFFFF00  }
0x77: {  	[tilespmem:s22], [sflag:$0x1] =	stream.linear.gather @!p2 [hbm4b:s5+s16], $0x4000, $0x38;
	[tilespmem:$0x1C200] =	vst v63  }
.Ltmp1:
0x78: {  	_ =	swait.ge [sflag:s9], $0x4000;
	(pc) =	sbr.rel @p1 .LBB2_4-.Ltmp1, $4  }
0x79: {  	[sflag:s9] =	ssyncset.done $0x0  }
0x7a: {  	s13 =	sadd.s32 $0x40, s13;
	[sflag:s9] =	ssyncadd.s32 $0xFFFFC000  }
0x7b: {  	[spmem:s1] =	stream.indirect.scatter.add.f32 [tilespmem:s2], [sflag:$0x3], $0x80, s10, s7, $0xb8;
	[tilespmem:$0x1C200] =	vst v63  }
0x7c: {  	s12 =	sadd.s32 $0x20000, s12;
	s16 =	sadd.s32 s14, s23;
	_ =	swait.ge [sflag:s29], $0x4000  }
0x7d: {  	[sflag:s29] =	ssyncset.done $0x0  }
0x7e: {  	s5 =	sadd.s32 $0x400, s16;
	[sflag:s29] =	ssyncadd.s32 $0xFFFFC000  }
0x7f: {  	[tilespmem:s31], [sflag:$0x4] =	stream.linear.gather [hbm4b:s5+s3], $0x100, $0x38;
	[tilespmem:$0x1C200] =	vst v63  }
0x80: {  	_ =	swait.ge [sflag:s0], $0x100  }
0x81: {  	[sflag:s0] =	ssyncset.done $0x0  }
0x82: {  	[sflag:s0] =	ssyncadd.s32 $0xFFFFFF00  }
0x83: {  	[tilespmem:s2], [sflag:$0x2] =	stream.linear.gather [hbm4b:s12+s3], $0x4000, $0x38;
	[tilespmem:$0x1C200] =	vst v63  }
0x84: {  	_ =	swait.ge [sflag:s6], $0x4000  }
0x85: {  	[sflag:s6] =	ssyncset.done $0x0  }
0x86: {  	[sflag:s6] =	ssyncadd.s32 $0xFFFFC000  }
0x87: {  	[spmem:s1] =	stream.indirect.scatter.add.f32 [tilespmem:s28], [sflag:$0x4], $0x80, s8, s7, $0xb8;
	[tilespmem:$0x1C200] =	vst v63  }
0x88: {  	p1 =	sgt.u32 s13, $0x9C3;
	_ =	swait.ge [sflag:s0], $0x4000  }
0x89: {  	s13 =	simm.s32 @!p1 $0x0;
	s5 =	sadd.s32 @!p1 s14, s23;
	[sflag:s0] =	ssyncset.done $0x0  }
0x8a: {  	s14 =	simm.s32 @!p1 $0x14000;
	s5 =	sadd.s32 @!p1 $0x800, s5;
	[sflag:s0] =	ssyncadd.s32 $0xFFFFC000  }
0x8b: {  	[tilespmem:s14], [sflag:$0x4] =	stream.linear.gather @!p1 [hbm4b:s5+s13], $0x100, $0x38;
	[tilespmem:$0x1C200] =	vst v63  }
0x8c: {  	s5 =	simm.s32 @!p1 $0x4  }
0x8d: {  	_ =	swait.ge @!p1 [sflag:s5], $0x100  }
0x8e: {  	[sflag:s5] =	ssyncset.done @!p1 $0x0  }
0x8f: {  	s12 =	sadd.s32 @!p1 $0x10000, s12;
	[sflag:s5] =	ssyncadd.s32 @!p1 $0xFFFFFF00;
	s5 =	simm.s32 @!p1 $0x14200  }
0x90: {  	[tilespmem:s5], [sflag:$0x1] =	stream.linear.gather @!p1 [hbm4b:s12+s13], $0x4000, $0x38;
	[tilespmem:$0x1C200] =	vst v63  }
0x91: {  	_ =	swait.ge [sflag:s9], $0x4000  }
0x92: {  	[sflag:s9] =	ssyncset.done $0x0  }
0x93: {  	[sflag:s9] =	ssyncadd.s32 $0xFFFFC000  }
0x94: {  	[spmem:s1] =	stream.indirect.scatter.add.f32 [tilespmem:s2], [sflag:$0x3], $0x80, s10, s7, $0xb8;
	[tilespmem:$0x1C200] =	vst v63  }
0x95: {  	_ =	swait.ge [sflag:s29], $0x4000  }
0x96: {  	[sflag:s29] =	ssyncset.done $0x0  }
0x97: {  	s5 =	simm.s32 @!p0 $0x1;
	[sflag:s29] =	ssyncadd.s32 $0xFFFFC000  }
0x98: {  	_ =	swait.ge @!p0 [sflag:s5], $0x4000  }
0x99: {  	s12 =	simm.s32 @!p0 $0x14080;
	[sflag:s5] =	ssyncset.done @!p0 $0x0  }
0x9a: {  	s13 =	simm.s32 @!p0 $0x14200;
	[sflag:s5] =	ssyncadd.s32 @!p0 $0xFFFFC000;
	s5 =	simm.s32 @!p0 $0x80  }
0x9b: {  	[spmem:s1] =	stream.indirect.scatter.add.f32 @!p0 [tilespmem:s13], [sflag:$0x4], $0x80, s12, s5, $0xb8;
	[tilespmem:$0x1C200] =	vst v63  }
0x9c: {  	s5 =	simm.s32 @!p0 $0x4  }
0x9d: {  	_ =	swait.ge @!p0 [sflag:s5], $0x4000  }
0x9e: {  	[sflag:s5] =	ssyncset.done @!p0 $0x0  }
0x9f: {  	[sflag:s5] =	ssyncadd.s32 @!p0 $0xFFFFC000  }
0xa0: {  	[bflag:$0x0] =	sbarrier.arrive $0xFFFF  }
0xa1: {  	[tilespmem:s28], [sflag:$0x3] =	stream.linear.gather [spmem:s17], $0x4000, $0x38;
	[tilespmem:$0x1C200] =	vst v63  }
0xa2: {  	_ =	swait.ge [sflag:s29], $0x4000  }
0xa3: {  	[sflag:s29] =	ssyncset.done $0x0  }
0xa4: {  	s14 =	simm.s32 $0x0;
	s15 =	rddreg [dreg:$0x4];
	[sflag:s29] =	ssyncadd.s32 $0xFFFFC000  }
0xa5: {  	[hbm4b:s15+s14] =	stream.linear.scatter [tilespmem:s28], [sflag:$0x3], $0x4000, $0x38;
	[tilespmem:$0x1C200] =	vst v63  }
0xa6: {  	_ =	swait.ge [sflag:s29], $0x4000  }
0xa7: {  	[sflag:s29] =	ssyncset.done $0x0  }
0xa8: {  	[sflag:s29] =	ssyncadd.s32 $0xFFFFC000  }
0xa9: {  	[tilespmem:s28], [sflag:$0x3] =	stream.linear.gather [spmem:s18], $0x4000, $0x38;
	[tilespmem:$0x1C200] =	vst v63  }
0xaa: {  	_ =	swait.ge [sflag:s29], $0x4000  }
0xab: {  	[sflag:s29] =	ssyncset.done $0x0  }
0xac: {  	s16 =	rddreg [dreg:$0x5];
	[sflag:s29] =	ssyncadd.s32 $0xFFFFC000  }
0xad: {  	[hbm4b:s16+s14] =	stream.linear.scatter [tilespmem:s28], [sflag:$0x3], $0x4000, $0x38;
	[tilespmem:$0x1C200] =	vst v63  }
0xae: {  	_ =	swait.ge [sflag:s29], $0x4000  }
0xaf: {  	[sflag:s29] =	ssyncset.done $0x0  }
0xb0: {  	[sflag:s29] =	ssyncadd.s32 $0xFFFFC000  }
0xb1: {  	[tilespmem:s28], [sflag:$0x3] =	stream.linear.gather [spmem:s19], $0x4000, $0x38;
	[tilespmem:$0x1C200] =	vst v63  }
0xb2: {  	_ =	swait.ge [sflag:s29], $0x4000  }
0xb3: {  	[sflag:s29] =	ssyncset.done $0x0  }
0xb4: {  	s22 =	rddreg [dreg:$0x6];
	[sflag:s29] =	ssyncadd.s32 $0xFFFFC000  }
0xb5: {  	[hbm4b:s22+s14] =	stream.linear.scatter [tilespmem:s28], [sflag:$0x3], $0x4000, $0x38;
	[tilespmem:$0x1C200] =	vst v63  }
0xb6: {  	_ =	swait.ge [sflag:s29], $0x4000  }
0xb7: {  	[sflag:s29] =	ssyncset.done $0x0  }
0xb8: {  	[sflag:s29] =	ssyncadd.s32 $0xFFFFC000  }
0xb9: {  	[tilespmem:s28], [sflag:$0x3] =	stream.linear.gather [spmem:s20], $0x4000, $0x38;
	[tilespmem:$0x1C200] =	vst v63  }
0xba: {  	_ =	swait.ge [sflag:s29], $0x4000  }
0xbb: {  	[sflag:s29] =	ssyncset.done $0x0  }
0xbc: {  	s25 =	rddreg [dreg:$0x7];
	[sflag:s29] =	ssyncadd.s32 $0xFFFFC000  }
0xbd: {  	[hbm4b:s25+s14] =	stream.linear.scatter [tilespmem:s28], [sflag:$0x3], $0x4000, $0x38;
	[tilespmem:$0x1C200] =	vst v63  }
0xbe: {  	_ =	swait.ge [sflag:s29], $0x4000  }
0xbf: {  	[sflag:s29] =	ssyncset.done $0x0  }
0xc0: {  	[sflag:s29] =	ssyncadd.s32 $0xFFFFC000  }
0xc1: {  	[tilespmem:s28], [sflag:$0x3] =	stream.linear.gather [spmem:s21], $0x4000, $0x38;
	[tilespmem:$0x1C200] =	vst v63  }
0xc2: {  	_ =	swait.ge [sflag:s29], $0x4000  }
0xc3: {  	[sflag:s29] =	ssyncset.done $0x0  }
0xc4: {  	s30 =	rddreg [dreg:$0x8];
	[sflag:s29] =	ssyncadd.s32 $0xFFFFC000  }
0xc5: {  	[hbm4b:s30+s14] =	stream.linear.scatter [tilespmem:s28], [sflag:$0x3], $0x4000, $0x38;
	[tilespmem:$0x1C200] =	vst v63  }
0xc6: {  	_ =	swait.ge [sflag:s29], $0x4000  }
0xc7: {  	[sflag:s29] =	ssyncset.done $0x0  }
0xc8: {  	[sflag:s29] =	ssyncadd.s32 $0xFFFFC000  }
0xc9: {  	s12 =	simm.s32 $0x0;
	s13 =	simm.s32 $0x200;
	[bflag:$0x0] =	sbarrier.arrive $0xFFFF  }
.LBB2_6:
0xca: {  	p1 =	sne.s32 s13, $0xFE00;
	[tilespmem:s12+$0x18270] =	vst v0  }
0xcb: {  	[tilespmem:s12+$0x18200] =	vst v0  }
0xcc: {  	[tilespmem:s12+$0x18210] =	vst v0  }
.Ltmp2:
0xcd: {  	[tilespmem:s12+$0x18220] =	vst v0;
	(pc) =	sbr.rel @p1 .LBB2_6-.Ltmp2, $4  }
0xce: {  	[tilespmem:s12+$0x18230] =	vst v0  }
0xcf: {  	[tilespmem:s12+$0x18240] =	vst v0  }
0xd0: {  	[tilespmem:s12+$0x18250] =	vst v0  }
0xd1: {  	[tilespmem:s12+$0x18260] =	vst v0;
	s12 =	sshra.s32 s13, $0x2;
	s13 =	sadd.s32 $0x200, s13  }
0xd2: {  	[tilespmem:s12+$0x18270] =	vst v0  }
0xd3: {  	[tilespmem:s12+$0x18200] =	vst v0  }
0xd4: {  	[tilespmem:s12+$0x18210] =	vst v0  }
0xd5: {  	[tilespmem:s12+$0x18220] =	vst v0  }
0xd6: {  	[tilespmem:s12+$0x18230] =	vst v0  }
0xd7: {  	[tilespmem:s12+$0x18240] =	vst v0  }
0xd8: {  	[tilespmem:s12+$0x18250] =	vst v0  }
0xd9: {  	[tilespmem:s12+$0x18260] =	vst v0  }
0xda: {  	[spmem:s17] =	stream.linear.scatter [tilespmem:s2], [sflag:$0x3], $0x4000, $0x38;
	[tilespmem:$0x1C200] =	vst v63  }
0xdb: {  	_ =	swait.ge [sflag:s29], $0x4000  }
0xdc: {  	[sflag:s29] =	ssyncset.done $0x0  }
0xdd: {  	[sflag:s29] =	ssyncadd.s32 $0xFFFFC000  }
0xde: {  	[spmem:s18] =	stream.linear.scatter [tilespmem:s2], [sflag:$0x3], $0x4000, $0x38;
	[tilespmem:$0x1C200] =	vst v63  }
0xdf: {  	_ =	swait.ge [sflag:s29], $0x4000  }
0xe0: {  	[sflag:s29] =	ssyncset.done $0x0  }
0xe1: {  	[sflag:s29] =	ssyncadd.s32 $0xFFFFC000  }
0xe2: {  	[spmem:s19] =	stream.linear.scatter [tilespmem:s2], [sflag:$0x3], $0x4000, $0x38;
	[tilespmem:$0x1C200] =	vst v63  }
0xe3: {  	_ =	swait.ge [sflag:s29], $0x4000  }
0xe4: {  	[sflag:s29] =	ssyncset.done $0x0  }
0xe5: {  	[sflag:s29] =	ssyncadd.s32 $0xFFFFC000  }
0xe6: {  	[spmem:s20] =	stream.linear.scatter [tilespmem:s2], [sflag:$0x3], $0x4000, $0x38;
	[tilespmem:$0x1C200] =	vst v63  }
0xe7: {  	_ =	swait.ge [sflag:s29], $0x4000  }
0xe8: {  	[sflag:s29] =	ssyncset.done $0x0  }
0xe9: {  	[sflag:s29] =	ssyncadd.s32 $0xFFFFC000  }
0xea: {  	[spmem:s21] =	stream.linear.scatter [tilespmem:s2], [sflag:$0x3], $0x4000, $0x38;
	[tilespmem:$0x1C200] =	vst v63  }
0xeb: {  	_ =	swait.ge [sflag:s29], $0x4000  }
0xec: {  	[sflag:s29] =	ssyncset.done $0x0  }
0xed: {  	s12 =	simm.s32 $0x0;
	s13 =	simm.s32 $0x200;
	[sflag:s29] =	ssyncadd.s32 $0xFFFFC000  }
0xee: {  	s25 =	smov.u32 s24;
	s16 =	simm.s32 $0x14000;
	[bflag:$0x0] =	sbarrier.arrive $0xFFFF  }
.LBB2_8:
0xef: {  	p1 =	sne.s32 s13, $0xFE00;
	[tilespmem:s12+$0x14270] =	vst v1  }
0xf0: {  	[tilespmem:s12+$0x14200] =	vst v1  }
0xf1: {  	[tilespmem:s12+$0x14210] =	vst v1  }
.Ltmp3:
0xf2: {  	[tilespmem:s12+$0x14220] =	vst v1;
	(pc) =	sbr.rel @p1 .LBB2_8-.Ltmp3, $4  }
0xf3: {  	[tilespmem:s12+$0x14230] =	vst v1  }
0xf4: {  	[tilespmem:s12+$0x14240] =	vst v1  }
0xf5: {  	[tilespmem:s12+$0x14250] =	vst v1  }
0xf6: {  	[tilespmem:s12+$0x14260] =	vst v1;
	s12 =	sshra.s32 s13, $0x2;
	s13 =	sadd.s32 $0x200, s13  }
0xf7: {  	[tilespmem:s12+$0x14270] =	vst v1  }
0xf8: {  	[tilespmem:s12+$0x14200] =	vst v1  }
0xf9: {  	[tilespmem:s12+$0x14210] =	vst v1  }
0xfa: {  	[tilespmem:s12+$0x14220] =	vst v1  }
0xfb: {  	[tilespmem:s12+$0x14230] =	vst v1  }
0xfc: {  	[tilespmem:s12+$0x14240] =	vst v1  }
0xfd: {  	[tilespmem:s12+$0x14250] =	vst v1  }
0xfe: {  	[tilespmem:s12+$0x14260] =	vst v1  }
0xff: {  	[tilespmem:s16], [sflag:$0x1] =	stream.linear.gather [hbm4b:s25+s3], $0x100, $0x38;
	[tilespmem:$0x1C200] =	vst v63  }
0x100: {  	_ = 	snop  }
0x101: {  	[tilespmem:s31], [sflag:$0x2] =	stream.linear.gather [hbm4b:s26+s3], $0x100, $0x38;
	[tilespmem:$0x1C200] =	vst v63  }
0x102: {  	_ =	swait.ge [sflag:s6], $0x100  }
0x103: {  	[sflag:s6] =	ssyncset.done $0x0  }
0x104: {  	s5 =	sadd.s32 $0x40, s4;
	[sflag:s6] =	ssyncadd.s32 $0xFFFFFF00  }
0x105: {  	[spmem:s1] =	stream.indirect.scatter.add.f32 [tilespmem:s28], [sflag:$0x4], $0x80, s8, s7, $0xb8;
	[tilespmem:$0x1C200] =	vst v63  }
0x106: {  	p1 =	sgt.u32 s5, $0x9C3;
	_ =	swait.ge [sflag:s0], $0x4000  }
0x107: {  	s5 =	sadd.s32 @!p1 $0x400, s26;
	[sflag:s0] =	ssyncset.done $0x0  }
0x108: {  	s12 =	simm.s32 @!p1 $0x0;
	s13 =	simm.s32 @!p1 $0x14000;
	[sflag:s0] =	ssyncadd.s32 $0xFFFFC000  }
0x109: {  	[tilespmem:s13], [sflag:$0x1] =	stream.linear.gather @!p1 [hbm4b:s5+s12], $0x100, $0x38;
	[tilespmem:$0x1C200] =	vst v63  }
0x10a: {  	_ =	swait.ge [sflag:s9], $0x100  }
0x10b: {  	[sflag:s9] =	ssyncset.done $0x0  }
0x10c: {  	[sflag:s9] =	ssyncadd.s32 $0xFFFFFF00  }
0x10d: {  	[spmem:s1] =	stream.indirect.scatter.add.f32 [tilespmem:s28], [sflag:$0x3], $0x80, s10, s7, $0xb8;
	[tilespmem:$0x1C200] =	vst v63  }
0x10e: {  	s12 =	simm.s32 $0x80;
	s13 =	smov.u32 s26;
	_ =	swait.ge [sflag:s29], $0x4000  }
.LBB2_10:
0x10f: {  	[sflag:s29] =	ssyncset.done $0x0  }
0x110: {  	s13 =	sadd.s32 $0x800, s13;
	s5 =	smov.u32 s12;
	s12 =	sadd.s32 $0x40, s12  }
0x111: {  	p1 =	sne.s32 s12, $0xA00;
	[sflag:s29] =	ssyncadd.s32 $0xFFFFC000  }
0x112: {  	[tilespmem:s31], [sflag:$0x2] =	stream.linear.gather [hbm4b:s13+s3], $0x100, $0x38;
	[tilespmem:$0x1C200] =	vst v63  }
0x113: {  	_ =	swait.ge [sflag:s6], $0x100  }
0x114: {  	[sflag:s6] =	ssyncset.done $0x0  }
0x115: {  	s5 =	sadd.s32 s5, s4;
	[sflag:s6] =	ssyncadd.s32 $0xFFFFFF00  }
0x116: {  	[spmem:s1] =	stream.indirect.scatter.add.f32 [tilespmem:s28], [sflag:$0x4], $0x80, s8, s7, $0xb8;
	[tilespmem:$0x1C200] =	vst v63  }
0x117: {  	p2 =	sgt.u32 s5, $0x9C3;
	_ =	swait.ge [sflag:s0], $0x4000  }
0x118: {  	s5 =	sadd.s32 @!p2 $0x400, s13;
	s14 =	simm.s32 @!p2 $0x0;
	[sflag:s0] =	ssyncset.done $0x0  }
0x119: {  	s15 =	simm.s32 @!p2 $0x14000;
	[sflag:s0] =	ssyncadd.s32 $0xFFFFC000  }
0x11a: {  	[tilespmem:s15], [sflag:$0x1] =	stream.linear.gather @!p2 [hbm4b:s5+s14], $0x100, $0x38;
	[tilespmem:$0x1C200] =	vst v63  }
.Ltmp4:
0x11b: {  	_ =	swait.ge [sflag:s9], $0x100;
	(pc) =	sbr.rel @p1 .LBB2_10-.Ltmp4, $4  }
0x11c: {  	[sflag:s9] =	ssyncset.done $0x0  }
0x11d: {  	[sflag:s9] =	ssyncadd.s32 $0xFFFFFF00  }
0x11e: {  	[spmem:s1] =	stream.indirect.scatter.add.f32 [tilespmem:s28], [sflag:$0x3], $0x80, s10, s7, $0xb8;
	[tilespmem:$0x1C200] =	vst v63  }
0x11f: {  	_ =	swait.ge [sflag:s29], $0x4000  }
0x120: {  	[sflag:s29] =	ssyncset.done $0x0  }
0x121: {  	s5 =	simm.s32 @!p0 $0x1;
	[sflag:s29] =	ssyncadd.s32 $0xFFFFC000  }
0x122: {  	_ =	swait.ge @!p0 [sflag:s5], $0x100  }
0x123: {  	s12 =	simm.s32 @!p0 $0x14080;
	[sflag:s5] =	ssyncset.done @!p0 $0x0  }
0x124: {  	s13 =	simm.s32 @!p0 $0x14200;
	[sflag:s5] =	ssyncadd.s32 @!p0 $0xFFFFFF00;
	s5 =	simm.s32 @!p0 $0x80  }
0x125: {  	[spmem:s1] =	stream.indirect.scatter.add.f32 @!p0 [tilespmem:s13], [sflag:$0x4], $0x80, s12, s5, $0xb8;
	[tilespmem:$0x1C200] =	vst v63  }
0x126: {  	s5 =	simm.s32 @!p0 $0x4  }
0x127: {  	_ =	swait.ge @!p0 [sflag:s5], $0x4000  }
0x128: {  	[sflag:s5] =	ssyncset.done @!p0 $0x0  }
0x129: {  	[sflag:s5] =	ssyncadd.s32 @!p0 $0xFFFFC000  }
0x12a: {  	[bflag:$0x0] =	sbarrier.arrive $0xFFFF  }
0x12b: {  	[tilespmem:s2], [sflag:$0x3] =	stream.linear.gather [spmem:s17], $0x4000, $0x38;
	[tilespmem:$0x1C200] =	vst v63  }
0x12c: {  	_ =	swait.ge [sflag:s29], $0x4000  }
0x12d: {  	[sflag:s29] =	ssyncset.done $0x0  }
0x12e: {  	s13 =	rddreg [dreg:$0x9];
	[sflag:s29] =	ssyncadd.s32 $0xFFFFC000  }
0x12f: {  	[hbm4b:s13+s3] =	stream.linear.scatter [tilespmem:s2], [sflag:$0x3], $0x4000, $0x38;
	[tilespmem:$0x1C200] =	vst v63  }
0x130: {  	_ =	swait.ge [sflag:s29], $0x4000  }
0x131: {  	[sflag:s29] =	ssyncset.done $0x0  }
0x132: {  	[sflag:s29] =	ssyncadd.s32 $0xFFFFC000  }
0x133: {  	[tilespmem:s2], [sflag:$0x3] =	stream.linear.gather [spmem:s18], $0x4000, $0x38;
	[tilespmem:$0x1C200] =	vst v63  }
0x134: {  	_ =	swait.ge [sflag:s29], $0x4000  }
0x135: {  	[sflag:s29] =	ssyncset.done $0x0  }
0x136: {  	s14 =	rddreg [dreg:$0xa];
	[sflag:s29] =	ssyncadd.s32 $0xFFFFC000  }
0x137: {  	[hbm4b:s14+s3] =	stream.linear.scatter [tilespmem:s2], [sflag:$0x3], $0x4000, $0x38;
	[tilespmem:$0x1C200] =	vst v63  }
0x138: {  	_ =	swait.ge [sflag:s29], $0x4000  }
0x139: {  	[sflag:s29] =	ssyncset.done $0x0  }
0x13a: {  	[sflag:s29] =	ssyncadd.s32 $0xFFFFC000  }
0x13b: {  	[tilespmem:s2], [sflag:$0x3] =	stream.linear.gather [spmem:s19], $0x4000, $0x38;
	[tilespmem:$0x1C200] =	vst v63  }
0x13c: {  	_ =	swait.ge [sflag:s29], $0x4000  }
0x13d: {  	[sflag:s29] =	ssyncset.done $0x0  }
0x13e: {  	s15 =	rddreg [dreg:$0xb];
	[sflag:s29] =	ssyncadd.s32 $0xFFFFC000  }
0x13f: {  	[hbm4b:s15+s3] =	stream.linear.scatter [tilespmem:s2], [sflag:$0x3], $0x4000, $0x38;
	[tilespmem:$0x1C200] =	vst v63  }
0x140: {  	_ =	swait.ge [sflag:s29], $0x4000  }
0x141: {  	[sflag:s29] =	ssyncset.done $0x0  }
0x142: {  	[sflag:s29] =	ssyncadd.s32 $0xFFFFC000  }
0x143: {  	[tilespmem:s2], [sflag:$0x3] =	stream.linear.gather [spmem:s20], $0x4000, $0x38;
	[tilespmem:$0x1C200] =	vst v63  }
0x144: {  	_ =	swait.ge [sflag:s29], $0x4000  }
0x145: {  	[sflag:s29] =	ssyncset.done $0x0  }
0x146: {  	s22 =	rddreg [dreg:$0xc];
	[sflag:s29] =	ssyncadd.s32 $0xFFFFC000  }
0x147: {  	[hbm4b:s22+s3] =	stream.linear.scatter [tilespmem:s2], [sflag:$0x3], $0x4000, $0x38;
	[tilespmem:$0x1C200] =	vst v63  }
0x148: {  	_ =	swait.ge [sflag:s29], $0x4000  }
0x149: {  	[sflag:s29] =	ssyncset.done $0x0  }
0x14a: {  	[sflag:s29] =	ssyncadd.s32 $0xFFFFC000  }
0x14b: {  	[tilespmem:s2], [sflag:$0x3] =	stream.linear.gather [spmem:s21], $0x4000, $0x38;
	[tilespmem:$0x1C200] =	vst v63  }
0x14c: {  	_ =	swait.ge [sflag:s29], $0x4000  }
0x14d: {  	[sflag:s29] =	ssyncset.done $0x0  }
0x14e: {  	s24 =	rddreg [dreg:$0xd];
	[sflag:s29] =	ssyncadd.s32 $0xFFFFC000  }
0x14f: {  	[hbm4b:s24+s3] =	stream.linear.scatter [tilespmem:s2], [sflag:$0x3], $0x4000, $0x38;
	[tilespmem:$0x1C200] =	vst v63  }
0x150: {  	_ =	swait.ge [sflag:s29], $0x4000  }
0x151: {  	s11 =	sadd.s32 $0x1, s11;
	s30 =	rddreg [dreg:$0xf]  }
0x152: {  	p1 =	sne.s32 s11, s30  }
.Ltmp5:
0x153: {  	_ = 	snop;
	(pc) =	sbr.rel @p1 .LBB2_1-.Ltmp5, $3  }
0x154: {  	_ =	sdelay $0x1  }
0x155: {  	[sflag:s29] =	ssyncset.done $0x0  }
0x156: {  	[sflag:s29] =	ssyncadd.s32 $0xFFFFC000  }
0x157: {  	_ =	sfence.sel $0x180000  }
0x158: {  	[bflag:$0x0] =	sbarrier.arrive $0xFFFF  }
0x159: {  	_ =	strace $0x90000047  }
0x15a: {  	s0 =	stileid.u32;
	[bflag:$0x2] =	sbarrier.arrive $0xFFFF  }
0x15b: {  	p0 =	sne.s32 s0, $0x0;
	s0 =	rddreg [dreg:$0x3]  }
0x15c: {  	s0 =	sadd.s32 @!p0 $0x100000, s0  }
0x15d: {  	[sflag:s0] =	ssyncadd.tile.s32 @!p0 $0x1;
	_ =	shalt  }
.Lfunc_end2:
_tile_overlayer_lowered:
.L_overlay_start_2:
0x15e: {  	(tag) =	ssettag $0x2  }
0x15f: {  	s0 =	rddreg [dreg:$0x0];
	s2 =	stileid.u32  }
0x160: {  	s1 =	rddreg [dreg:$0x1];
	p0 =	sne.s32 s2, $0x0  }
0x161: {  	s3 =	rddreg [dreg:$0x2];
	[bflag:$0x3] =	sbarrier.arrive $0xFFFF;
	s2 =	simm.s32 @!p0 $0x1C03  }
0x162: {  	[timem:s3], [sflag:s2] =	dma.local @!p0 [hbm:s0], s1  }
0x163: {  	s0 =	simm.s32 @!p0 $0x3  }
0x164: {  	_ =	swait.ge @!p0 [sflag:s0], s1  }
0x165: {  	s1 =	ssub.s32 @!p0 $0x0, s1;
	[sflag:s0] =	ssyncset.done @!p0 $0x0  }
0x166: {  	[sflag:s0] =	ssyncadd.s32 @!p0 s1  }
0x167: {  	[bflag:$0x3] =	sbarrier.arrive $0xFFFF  }
0x168: {  	_ =	shalt  }

// kernel: kernel.14.cloned.1.call-start
scs
__scs_entry_jumppad:
0x0: {  	(pc) =	sbr.rel $0x88, $3  }
0x1: {  	(tag) =	ssettag $0x0;
	lr =	simm.s32 $0x1  }
0x2: {  	[smem:$0x3F94] =	sst lr;
	_ =	strace $0xD0000000  }
0x3: {  	_ = 	snop  }
0x4: {  	_ = 	snop  }
0x5: {  	_ = 	snop  }
0x6: {  	_ = 	snop  }
0x7: {  	_ = 	snop  }
__scs_overlays_trampoline_lowered:
0x8: {  	[smem:$0x3FA3] =	sst s0  }
0x9: {  	[smem:$0x3FA4] =	sst s1  }
0xa: {  	[smem:$0x3FA5] =	sst s2  }
0xb: {  	[smem:$0x3FA6] =	sst s3  }
0xc: {  	[smem:$0x3FA7] =	sst s4  }
0xd: {  	[smem:$0x3FA8] =	sst s5  }
0xe: {  	[smem:$0x3FA9] =	sst s6  }
0xf: {  	[smem:$0x3FAA] =	sst s7  }
0x10: {  	[smem:$0x3FAB] =	sst s8  }
0x11: {  	[smem:$0x3FAC] =	sst s9;
	s0 =	simm.s32 @!p0 $0x0  }
0x12: {  	s1 =	sld [smem:$0x3F92];
	s0 =	simm.s32 @p0 $0x1  }
0x13: {  	[smem:$0x3FAD] =	sst s0;
	s0 =	simm.s32 @!p1 $0x0  }
0x14: {  	s2 =	sld [smem:$0x3F91];
	s0 =	simm.s32 @p1 $0x1  }
0x15: {  	[smem:$0x3FAE] =	sst s0;
	s0 =	simm.s32 @!p2 $0x0  }
0x16: {  	s3 =	sld [smem:$0x3FDB];
	s0 =	simm.s32 @p2 $0x1  }
0x17: {  	s4 =	simm.s32 $0x1BF5;
	[smem:$0x3FB0] =	sst s0  }
0x18: {  	s0 =	sld [smem:$0x3F93];
	_ =	swait.ge [sflag:s4], $0x0  }
0x19: {  	s7 =	sld [smem:$0x3F94]  }
0x1a: {  	s8 =	sadd.s32 $0xFFFFE003, lr  }
0x1b: {  	s9 =	sadd.s32 $0xFFFFFEF7, lr;
	s5 =	simm.s32 $0xFFFFFFFF;
	p2 =	slt.u32 s8, $0xFFFFF086  }
0x1c: {  	p1 =	slt.u32 s9, $0xF7A;
	s5 =	simm.s32 @!p2 $0x0  }
0x1d: {  	s5 =	simm.s32 @p1 $0x1;
	p0 =	seq.s32 s7, s2  }
0x1e: {  	s7 =	smul.u32 @!p0 $0xF7A, s2;
	p2 =	seq.s32 @!p0 s5, $0x0  }
0x1f: {  	s9 =	smul.u32 $0xF7A, s1;
	s8 =	simm.s32 @!p0 $0x1BF5;
	p2 =	por !p2, p0  }
0x20: {  	[sflag:s8] =	ssyncset.s32 @!p0 $0xFFFFF086;
	s6 =	sadd.s32 @!p0 s3, s7;
	s7 =	simm.s32 @!p0 $0x108  }
0x21: {  	s3 =	sadd.s32 s3, s9;
	s6 =	sadd.s32 @!p0 $0x88, s6;
	s7 =	simm.s32 @p2 $0x1082  }
0x22: {  	[simem:s7], [sflag:s8] =	dma.local @!p0 [hbm:s6], $0xF7A  }
0x23: {  	s9 =	sor.u32 $0xD0000000, s2;
	s6 =	simm.s32 $0x108;
	_ =	swait.ge @!p0 [sflag:s8], $0x0  }
0x24: {  	s3 =	sadd.s32 $0x88, s3;
	s6 =	simm.s32 @!p1 $0x1082;
	[sflag:s4] =	ssyncset.s32 $0xFFFFF086  }
0x25: {  	[simem:s6], [sflag:s4] =	dma.local [hbm:s3], $0xF7A  }
0x26: {  	[smem:$0x3F94] =	sst s1;
	(tag) =	ssettag s2;
	_ =	strace s9  }
0x27: {  	s1 =	sld [smem:$0x3FA4]  }
0x28: {  	s2 =	sld [smem:$0x3FA5]  }
0x29: {  	s4 =	sld [smem:$0x3FA7]  }
0x2a: {  	p0 =	seq.s32 s5, $0x0;
	s5 =	sld [smem:$0x3FA8]  }
0x2b: {  	s6 =	sld [smem:$0x3FA9]  }
0x2c: {  	s7 =	sld [smem:$0x3FAA]  }
0x2d: {  	s3 =	simm.s32 $0x108;
	s8 =	sld [smem:$0x3FAB]  }
0x2e: {  	s3 =	simm.s32 @!p0 $0x1082;
	s9 =	sld [smem:$0x3FAC]  }
0x2f: {  	lr =	sadd.s32 s0, s3;
	s0 =	sld [smem:$0x3FA3]  }
0x30: {  	s3 =	sld [smem:$0x3FA6]  }
0x31: {  	[smem:$0x3FAF] =	sst s10  }
0x32: {  	s10 =	sld [smem:$0x3FAD];
	_ =	sdelay $0x3  }
0x33: {  	p0 =	seq.s32 s10, $0x1;
	s10 =	sld [smem:$0x3FAF];
	_ =	sdelay $0x3  }
0x34: {  	[smem:$0x3FAF] =	sst s10  }
0x35: {  	s10 =	sld [smem:$0x3FAE];
	_ =	sdelay $0x3  }
0x36: {  	p1 =	seq.s32 s10, $0x1;
	s10 =	sld [smem:$0x3FAF];
	_ =	sdelay $0x3  }
0x37: {  	[smem:$0x3FAF] =	sst s10  }
0x38: {  	s10 =	sld [smem:$0x3FB0]  }
0x39: {  	_ = 	snop;
	(pc) =	sbr.ind lr, $3  }
0x3a: {  	_ = 	snop  }
0x3b: {  	_ = 	snop  }
0x3c: {  	p2 =	seq.s32 s10, $0x1;
	s10 =	sld [smem:$0x3FAF]  }
0x3d: {  	_ =	shalt  }
0x3e: {  	_ =	shalt  }
0x3f: {  	_ =	shalt  }
0x40: {  	_ =	shalt  }
0x41: {  	_ =	shalt  }
0x42: {  	_ =	shalt  }
0x43: {  	_ =	shalt  }
0x44: {  	_ =	shalt  }
0x45: {  	_ =	shalt  }
0x46: {  	_ =	shalt  }
0x47: {  	_ =	shalt  }
0x48: {  	_ =	shalt  }
0x49: {  	_ =	shalt  }
0x4a: {  	_ =	shalt  }
0x4b: {  	_ =	shalt  }
0x4c: {  	_ =	shalt  }
0x4d: {  	_ =	shalt  }
0x4e: {  	_ =	shalt  }
0x4f: {  	_ =	shalt  }
0x50: {  	_ =	shalt  }
0x51: {  	_ =	shalt  }
0x52: {  	_ =	shalt  }
0x53: {  	_ =	shalt  }
0x54: {  	_ =	shalt  }
0x55: {  	_ =	shalt  }
0x56: {  	_ =	shalt  }
0x57: {  	_ =	shalt  }
0x58: {  	_ =	shalt  }
0x59: {  	_ =	shalt  }
0x5a: {  	_ =	shalt  }
0x5b: {  	_ =	shalt  }
0x5c: {  	_ =	shalt  }
0x5d: {  	_ =	shalt  }
0x5e: {  	_ =	shalt  }
0x5f: {  	_ =	shalt  }
0x60: {  	_ =	shalt  }
0x61: {  	_ =	shalt  }
0x62: {  	_ =	shalt  }
0x63: {  	_ =	shalt  }
0x64: {  	_ =	shalt  }
0x65: {  	_ =	shalt  }
0x66: {  	_ =	shalt  }
0x67: {  	_ =	shalt  }
0x68: {  	_ =	shalt  }
0x69: {  	_ =	shalt  }
0x6a: {  	_ =	shalt  }
0x6b: {  	_ =	shalt  }
0x6c: {  	_ =	shalt  }
0x6d: {  	_ =	shalt  }
0x6e: {  	_ =	shalt  }
0x6f: {  	_ =	shalt  }
0x70: {  	_ =	shalt  }
0x71: {  	_ =	shalt  }
0x72: {  	_ =	shalt  }
0x73: {  	_ =	shalt  }
0x74: {  	_ =	shalt  }
0x75: {  	_ =	shalt  }
0x76: {  	_ =	shalt  }
0x77: {  	_ =	shalt  }
0x78: {  	_ =	shalt  }
0x79: {  	_ =	shalt  }
0x7a: {  	_ =	shalt  }
0x7b: {  	_ =	shalt  }
0x7c: {  	_ =	shalt  }
0x7d: {  	_ =	shalt  }
0x7e: {  	_ =	shalt  }
0x7f: {  	_ =	shalt  }
0x80: {  	_ =	shalt  }
0x81: {  	_ =	shalt  }
0x82: {  	_ =	shalt  }
0x83: {  	_ =	shalt  }
0x84: {  	_ =	shalt  }
0x85: {  	_ =	shalt  }
0x86: {  	_ =	shalt  }
0x87: {  	_ =	shalt  }
.Lfunc_end0:
.L_simem_size_0:
called_computation.1_lowered:
.L_overlay_start_0:
0x88: {  	s2 =	sld [smem:$0x3FD9]  }
0x89: {  	s3 =	sld [smem:$0x3FFE];
	_ =	sdelay $0x1  }
0x8a: {  	s1 =	srdreg.scid  }
0x8b: {  	s0 =	sand.u32 $0x1, s1  }
0x8c: {  	s17 =	sshll.u32 s0, $0xA;
	s2 =	sadd.s32 s3, s2  }
0x8d: {  	s2 =	sadd.s32 s2, s17  }
0x8e: {  	[smem:$0x3FBB] =	sst s2  }
0x8f: {  	_ = 	snop  }
0x90: {  	s18 =	sld [smem:$0x3FC7];
	(tm) =	ssettm $0x1  }
0x91: {  	s19 =	sld [smem:$0x3FFB];
	_ =	sdelay $0x3  }
0x92: {  	_ =	strace s19  }
0x93: {  	s2 =	sld [smem:$0x3FFC];
	_ =	sdelay $0x3  }
0x94: {  	_ =	strace s2  }
0x95: {  	s2 =	sld [smem:$0x3FFD];
	_ =	sdelay $0x3  }
0x96: {  	_ =	strace s2  }
0x97: {  	_ =	strace $0x8FFFFFFF  }
0x98: {  	s20 =	sld [smem:$0x3FDB];
	_ =	sdelay $0x1  }
0x99: {  	s4 =	simm.s32 $_scs_section_size  }
0x9a: {  	s5 =	simm.s32 $_size__tile_overlayer_lowered;
	s6 =	simm.s32 $_tile_overlayer_lowered  }
0x9b: {  	s7 =	simm.s32 $0x1BFF;
	s21 =	sshll.u32 s6, $0x1;
	s4 =	sadd.s32 s4, s20  }
0x9c: {  	s22 =	simm.s32 $0x0;
	s5 =	sshll.u32 s5, $0x1;
	s6 =	sadd.s32 s21, s4  }
0x9d: {  	[timem:s22], [sflag:s7] =	dma.local [hbm:s6], s5  }
0x9e: {  	_ =	swait.ge [sflag:s7], s5  }
0x9f: {  	s5 =	ssub.s32 $0x0, s5;
	[sflag:s7] =	ssyncset.done $0x0  }
0xa0: {  	[sflag:s7] =	ssyncadd.s32 s5;
	_ =	sdelay $0x1  }
0xa1: {  	s23 =	simm.s32 $0x1B8B  }
0xa2: {  	_ =	swait.ge [sflag:s23], $0x1  }
0xa3: {  	[sflag:s23] =	ssyncset.done $0x0  }
0xa4: {  	[sflag:s23] =	ssyncadd.s32 $0xFFFFFFFF  }
0xa5: {  	s5 =	sld [smem:$0x0]  }
0xa6: {  	s6 =	sand.u32 $0xFFFFFFFE, s1  }
0xa7: {  	p0 =	sne.s32 s1, s6  }
0xa8: {  	s6 =	sshll.u32 @p0 s6, $0xE  }
0xa9: {  	s6 =	sadd.s32 @p0 $0x11B8D, s6;
	s7 =	sshll.u32 @p0 s5, $0x11  }
0xaa: {  	s6 =	sor.u32 @p0 s7, s6  }
0xab: {  	[sflag:s6] =	ssyncadd.remote.s32 @p0 $0x1;
	_ =	sdelay $0x1  }
0xac: {  	s6 =	simm.s32 @p0 $0x1B8D  }
0xad: {  	_ =	swait.eq @p0 [sflag:s6], $0x1  }
0xae: {  	[sflag:s6] =	ssyncadd.s32 @p0 $0xFFFFFFFF  }
0xaf: {  	s7 =	sshll.u32 @!p0 s1, $0xE  }
0xb0: {  	s7 =	sor.u32 @!p0 $0x4000, s7;
	s6 =	simm.s32 @!p0 $0x1B8D  }
0xb1: {  	s5 =	sshll.u32 @!p0 s5, $0x11;
	s7 =	sadd.s32 @!p0 $0x11B8D, s7;
	_ =	swait.eq @!p0 [sflag:s6], $0x1  }
0xb2: {  	s5 =	sor.u32 @!p0 s5, s7;
	[sflag:s6] =	ssyncadd.s32 @!p0 $0xFFFFFFFF  }
0xb3: {  	s25 =	simm.s32 $0x1B8E;
	s24 =	sld [smem:$0x3FFE];
	[sflag:s5] =	ssyncadd.remote.s32 @!p0 $0x1  }
0xb4: {  	s26 =	simm.s32 $execute0_lowered;
	[smem:$0x3FD2] =	sst s25  }
0xb5: {  	s6 =	sshll.u32 s26, $0x1;
	_ =	strace $0x80000049;
	[dreg:$0x1] =	wrdreg $0xFFFFFFFF  }
0xb6: {  	s28 =	simm.s32 $_size_execute0_lowered;
	s4 =	sadd.s32 s4, s6;
	[dreg:$0x0] =	wrdreg $0x0  }
0xb7: {  	s6 =	sshll.u32 s28, $0x1;
	[dreg:$0x2] =	wrdreg s4  }
0xb8: {  	[dreg:$0x3] =	wrdreg s6  }
0xb9: {  	[dreg:$0x4] =	wrdreg $0xC0  }
0xba: {  	_ =	task [dreg:s22], $0x5FFFF  }
0xbb: {  	[dreg:$0x1] =	wrdreg $0xFFFFFFFF  }
0xbc: {  	[dreg:$0x0] =	wrdreg $0x60  }
0xbd: {  	[dreg:$0x2] =	wrdreg s24  }
0xbe: {  	[dreg:$0x3] =	wrdreg s18  }
0xbf: {  	[dreg:$0x4] =	wrdreg $0x0  }
0xc0: {  	[dreg:$0x5] =	wrdreg $0xA  }
0xc1: {  	_ =	task.clear_ibuf [dreg:s22], $0x6FFFF;
	_ =	strace $0x90000049  }
0xc2: {  	s29 =	simm.s32 $0xA;
	_ =	strace $0x8000004B  }
0xc3: {  	_ =	swait.ge [sflag:s29], $0x1  }
0xc4: {  	[sflag:s29] =	ssyncadd.s32 $0xFFFFFFFF  }
0xc5: {  	_ =	strace $0x9000004B  }
0xc6: {  	_ =	sfence  }
0xc7: {  	s30 =	sld [smem:$0x0];
	_ =	sdelay $0x2  }
0xc8: {  	s31 =	sshll.u32 s1, $0xD;
	s1 =	sshrl.u32 s1, $0x2  }
0xc9: {  	s4 =	sand.u32 $0x4000, s31;
	s1 =	sadd.s32 s1, s30  }
0xca: {  	s0 =	sor.u32 s4, s0;
	s1 =	sshll.u32 s1, $0x11  }
0xcb: {  	s0 =	sor.u32 s1, s0  }
0xcc: {  	s0 =	sadd.s32 $0x8F2B, s0  }
0xcd: {  	[sflag:s0] =	ssyncadd.remote.s32 $0x1  }
0xce: {  	_ =	sfence.sel $0xFFFF  }
0xcf: {  	[dreg:$0x0] =	wrdreg $0xFFFFFFFF;
	(pc) =	sbr.abs _section_cstart, $3  }
0xd0: {  	[dreg:$0x1] =	wrdreg $0xFFFFFFFF  }
0xd1: {  	_ =	task.clear_ibuf [dreg:s22], $0x2FFFF;
	_ =	strace $0x9FFFFFFF  }
0xd2: {  	(tm) =	ssettm $0x7FFFFFFF  }
0xd3: {  	_ =	shalt  }
tec
execute0_lowered:
.L_overlay_start_1:
0x0: {  	(tag) =	ssettag $0x1  }
0x1: {  	s0 =	rddreg [dreg:$0x0]  }
0x2: {  	s2 =	rddreg [dreg:$0x1]  }
0x3: {  	s1 =	rddreg [dreg:$0x2]  }
0x4: {  	s3 =	simm.s32 $0x0;
	s4 =	srdreg.scid;
	s26 =	stileid.u32  }
0x5: {  	s28 =	simm.s32 $0x14080;
	s29 =	simm.s32 $0x2;
	s30 =	simm.s32 $0x14180  }
0x6: {  	s31 =	simm.s32 $0x0;
	[smem:$0x7FF] =	sst s3;
	s6 =	smul.u32 $0x50000, s26  }
0x7: {  	s15 =	sand.u32 $0x1, s4;
	s4 =	sadd.s32 $0xA3C00, s0;
	s12 =	smul.u32 $0x14000, s26  }
0x8: {  	s0 =	sadd.s32 $0xCAE00, s0;
	s19 =	sshll.u32 s26, $0x1;
	s23 =	sshll.u32 s26, $0x6  }
0x9: {  	p0 =	sgt.u32 s26, $0x1;
	s26 =	simm.s32 $0x1;
	_ =	strace $0x8000004A  }
0xa: {  	s5 =	ssub.s32 $0x2, s15;
	s18 =	smul.u32 $0x140000, s15;
	s24 =	sshll.u32 s15, $0x5  }
0xb: {  	s7 =	sshrl.u32 s5, $0x1;
	s6 =	sshrl.u32 s6, $0x2;
	s13 =	sadd.s32 $0x4000, s12  }
0xc: {  	s14 =	sadd.s32 $0x8000, s12;
	s16 =	sadd.s32 $0xC000, s12;
	s17 =	ssub.s32 s5, s7  }
0xd: {  	s5 =	sor.u32 s15, s19;
	s6 =	sadd.s32 s6, s1;
	s7 =	sadd.s32 s13, s1  }
0xe: {  	s8 =	sadd.s32 s14, s1;
	s9 =	sadd.s32 s16, s1;
	s19 =	sadd.s32 $0x10000, s12  }
0xf: {  	s12 =	sadd.s32 s12, s18;
	s13 =	sadd.s32 s18, s13;
	s14 =	sadd.s32 s18, s14  }
0x10: {  	s16 =	sadd.s32 s18, s16;
	s11 =	sshll.u32 s5, $0x5;
	s10 =	sadd.s32 s19, s1  }
0x11: {  	s12 =	sshrl.u32 s12, $0x3;
	s13 =	sshrl.u32 s13, $0x3;
	s14 =	sshrl.u32 s14, $0x3  }
0x12: {  	s16 =	sshrl.u32 s16, $0x3;
	s18 =	sadd.s32 s18, s19;
	s17 =	smax.u32 s17, $0x1  }
0x13: {  	s19 =	simm.s32 $0x14200;
	s11 =	sadd.s32 s2, s11;
	s20 =	sadd.s32 s0, s12  }
0x14: {  	s21 =	sadd.s32 s0, s13;
	s22 =	sadd.s32 s0, s14;
	[dreg:$0x4] =	wrdreg s11  }
0x15: {  	s18 =	sshrl.u32 s18, $0x3;
	s2 =	sadd.s32 s23, s2;
	[dreg:$0x5] =	wrdreg s20  }
0x16: {  	s15 =	sadd.s32 s0, s16;
	s23 =	simm.s32 $0x14100;
	[dreg:$0x6] =	wrdreg s21  }
0x17: {  	[dreg:$0x7] =	wrdreg s22;
	s16 =	sadd.s32 s0, s18;
	s25 =	sadd.s32 s24, s2  }
0x18: {  	s20 =	simm.s32 $0x3;
	s21 =	simm.s32 $0x14000;
	s22 =	simm.s32 $0x80  }
0x19: {  	v0 =	vimm.f32 $0.0e+00;
	s24 =	simm.s32 $0x4;
	s2 =	sadd.s32 $0x400, s25;
	s25 =	simm.s32 $0x18200  }
.LBB2_1:
0x1a: {  	s0 =	simm.s32 $0x0;
	s18 =	simm.s32 $0x200  }
.LBB2_2:
0x1b: {  	p1 =	sne.s32 s18, $0xFE00;
	[tilespmem:s0+$0x14270] =	vst v0  }
0x1c: {  	[tilespmem:s0+$0x14200] =	vst v0  }
0x1d: {  	[tilespmem:s0+$0x14210] =	vst v0  }
.Ltmp0:
0x1e: {  	[tilespmem:s0+$0x14220] =	vst v0;
	(pc) =	sbr.rel @p1 .LBB2_2-.Ltmp0, $4  }
0x1f: {  	[tilespmem:s0+$0x14230] =	vst v0  }
0x20: {  	[tilespmem:s0+$0x14240] =	vst v0  }
0x21: {  	[tilespmem:s0+$0x14250] =	vst v0  }
0x22: {  	[tilespmem:s0+$0x14260] =	vst v0;
	s0 =	sshra.s32 s18, $0x2;
	s18 =	sadd.s32 $0x200, s18  }
0x23: {  	[tilespmem:s0+$0x14270] =	vst v0  }
0x24: {  	[tilespmem:s0+$0x14200] =	vst v0  }
0x25: {  	[tilespmem:s0+$0x14210] =	vst v0  }
0x26: {  	[tilespmem:s0+$0x14220] =	vst v0  }
0x27: {  	[tilespmem:s0+$0x14230] =	vst v0  }
0x28: {  	[tilespmem:s0+$0x14240] =	vst v0  }
0x29: {  	[tilespmem:s0+$0x14250] =	vst v0  }
0x2a: {  	[tilespmem:s0+$0x14260] =	vst v0  }
0x2b: {  	[spmem:s6] =	stream.linear.scatter [tilespmem:s19], [sflag:$0x3], $0x4000, $0x38;
	[tilespmem:$0x1C200] =	vst v63  }
0x2c: {  	_ =	swait.ge [sflag:s20], $0x4000  }
0x2d: {  	[sflag:s20] =	ssyncset.done $0x0  }
0x2e: {  	[sflag:s20] =	ssyncadd.s32 $0xFFFFC000  }
0x2f: {  	[spmem:s7] =	stream.linear.scatter [tilespmem:s19], [sflag:$0x3], $0x4000, $0x38;
	[tilespmem:$0x1C200] =	vst v63  }
0x30: {  	_ =	swait.ge [sflag:s20], $0x4000  }
0x31: {  	[sflag:s20] =	ssyncset.done $0x0  }
0x32: {  	[sflag:s20] =	ssyncadd.s32 $0xFFFFC000  }
0x33: {  	[spmem:s8] =	stream.linear.scatter [tilespmem:s19], [sflag:$0x3], $0x4000, $0x38;
	[tilespmem:$0x1C200] =	vst v63  }
0x34: {  	_ =	swait.ge [sflag:s20], $0x4000  }
0x35: {  	[sflag:s20] =	ssyncset.done $0x0  }
0x36: {  	[sflag:s20] =	ssyncadd.s32 $0xFFFFC000  }
0x37: {  	[spmem:s9] =	stream.linear.scatter [tilespmem:s19], [sflag:$0x3], $0x4000, $0x38;
	[tilespmem:$0x1C200] =	vst v63  }
0x38: {  	_ =	swait.ge [sflag:s20], $0x4000  }
0x39: {  	[sflag:s20] =	ssyncset.done $0x0  }
0x3a: {  	[sflag:s20] =	ssyncadd.s32 $0xFFFFC000  }
0x3b: {  	[spmem:s10] =	stream.linear.scatter [tilespmem:s19], [sflag:$0x3], $0x4000, $0x38;
	[tilespmem:$0x1C200] =	vst v63  }
0x3c: {  	_ =	swait.ge [sflag:s20], $0x4000  }
0x3d: {  	[sflag:s20] =	ssyncset.done $0x0  }
0x3e: {  	[sflag:s20] =	ssyncadd.s32 $0xFFFFC000  }
0x3f: {  	[bflag:$0x0] =	sbarrier.arrive $0xFFFF  }
0x40: {  	s14 =	rddreg [dreg:$0x4]  }
0x41: {  	[tilespmem:s21], [sflag:$0x3] =	stream.linear.gather [hbm4b:s14+s3], $0x100, $0x38;
	[tilespmem:$0x1C200] =	vst v63  }
0x42: {  	_ =	swait.ge [sflag:s20], $0x100  }
0x43: {  	[sflag:s20] =	ssyncset.done $0x0  }
0x44: {  	[sflag:s20] =	ssyncadd.s32 $0xFFFFFF00  }
0x45: {  	[tilespmem:s19], [sflag:$0x1] =	stream.indirect.gather [hbm4b:s4+s22], $0x80, s21, s22, $0xb8;
	[tilespmem:$0x1C200] =	vst v63  }
0x46: {  	_ = 	snop  }
0x47: {  	[tilespmem:s23], [sflag:$0x4] =	stream.linear.gather [hbm4b:s2+s3], $0x100, $0x38;
	[tilespmem:$0x1C200] =	vst v63  }
0x48: {  	_ =	swait.ge [sflag:s24], $0x100  }
0x49: {  	[sflag:s24] =	ssyncset.done $0x0  }
0x4a: {  	[sflag:s24] =	ssyncadd.s32 $0xFFFFFF00  }
0x4b: {  	[tilespmem:s25], [sflag:$0x2] =	stream.indirect.gather [hbm4b:s4+s22], $0x80, s23, s22, $0xb8;
	[tilespmem:$0x1C200] =	vst v63  }
0x4c: {  	_ =	swait.ge [sflag:s26], $0x4000  }
0x4d: {  	[sflag:s26] =	ssyncset.done $0x0  }
0x4e: {  	s18 =	sadd.s32 $0x40, s5;
	[sflag:s26] =	ssyncadd.s32 $0xFFFFC000  }
0x4f: {  	[spmem:s1] =	stream.indirect.scatter.add.f32 [tilespmem:s19], [sflag:$0x4], $0x80, s28, s22, $0xb8;
	[tilespmem:$0x1C200] =	vst v63  }
0x50: {  	p1 =	sgt.u32 s18, $0x9C3;
	_ =	swait.ge [sflag:s24], $0x4000  }
0x51: {  	s0 =	sadd.s32 @!p1 $0x400, s2;
	[sflag:s24] =	ssyncset.done $0x0  }
0x52: {  	s18 =	simm.s32 @!p1 $0x0;
	s11 =	simm.s32 @!p1 $0x14000;
	[sflag:s24] =	ssyncadd.s32 $0xFFFFC000  }
0x53: {  	[tilespmem:s11], [sflag:$0x4] =	stream.linear.gather @!p1 [hbm4b:s0+s18], $0x100, $0x38;
	[tilespmem:$0x1C200] =	vst v63  }
0x54: {  	s0 =	simm.s32 @!p1 $0x4  }
0x55: {  	_ =	swait.ge @!p1 [sflag:s0], $0x100  }
0x56: {  	[sflag:s0] =	ssyncset.done @!p1 $0x0  }
0x57: {  	s18 =	simm.s32 @!p1 $0x80;
	[sflag:s0] =	ssyncadd.s32 @!p1 $0xFFFFFF00;
	s0 =	simm.s32 @!p1 $0x14200  }
0x58: {  	[tilespmem:s0], [sflag:$0x1] =	stream.indirect.gather @!p1 [hbm4b:s4+s18], $0x80, s11, s18, $0xb8;
	[tilespmem:$0x1C200] =	vst v63  }
0x59: {  	_ =	swait.ge [sflag:s29], $0x4000  }
0x5a: {  	[sflag:s29] =	ssyncset.done $0x0  }
0x5b: {  	[sflag:s29] =	ssyncadd.s32 $0xFFFFC000  }
0x5c: {  	[spmem:s1] =	stream.indirect.scatter.add.f32 [tilespmem:s25], [sflag:$0x3], $0x80, s30, s22, $0xb8;
	[tilespmem:$0x1C200] =	vst v63  }
0x5d: {  	s0 =	simm.s32 $0x80;
	s18 =	smov.u32 s2;
	_ =	swait.ge [sflag:s20], $0x4000  }
.LBB2_4:
0x5e: {  	[sflag:s20] =	ssyncset.done $0x0  }
0x5f: {  	s18 =	sadd.s32 $0x800, s18;
	s11 =	smov.u32 s0;
	s0 =	sadd.s32 $0x40, s0  }
0x60: {  	p1 =	sne.s32 s0, $0xA00;
	[sflag:s20] =	ssyncadd.s32 $0xFFFFC000  }
0x61: {  	[tilespmem:s23], [sflag:$0x4] =	stream.linear.gather [hbm4b:s18+s3], $0x100, $0x38;
	[tilespmem:$0x1C200] =	vst v63  }
0x62: {  	_ =	swait.ge [sflag:s24], $0x100  }
0x63: {  	[sflag:s24] =	ssyncset.done $0x0  }
0x64: {  	[sflag:s24] =	ssyncadd.s32 $0xFFFFFF00  }
0x65: {  	[tilespmem:s25], [sflag:$0x2] =	stream.indirect.gather [hbm4b:s4+s22], $0x80, s23, s22, $0xb8;
	[tilespmem:$0x1C200] =	vst v63  }
0x66: {  	_ =	swait.ge [sflag:s26], $0x4000  }
0x67: {  	[sflag:s26] =	ssyncset.done $0x0  }
0x68: {  	s11 =	sadd.s32 s11, s5;
	[sflag:s26] =	ssyncadd.s32 $0xFFFFC000  }
0x69: {  	[spmem:s1] =	stream.indirect.scatter.add.f32 [tilespmem:s19], [sflag:$0x4], $0x80, s28, s22, $0xb8;
	[tilespmem:$0x1C200] =	vst v63  }
0x6a: {  	p2 =	sgt.u32 s11, $0x9C3;
	_ =	swait.ge [sflag:s24], $0x4000  }
0x6b: {  	s11 =	sadd.s32 @!p2 $0x400, s18;
	s12 =	simm.s32 @!p2 $0x0;
	[sflag:s24] =	ssyncset.done $0x0  }
0x6c: {  	s13 =	simm.s32 @!p2 $0x14000;
	s14 =	simm.s32 @!p2 $0x4;
	[sflag:s24] =	ssyncadd.s32 $0xFFFFC000  }
0x6d: {  	[tilespmem:s13], [sflag:$0x4] =	stream.linear.gather @!p2 [hbm4b:s11+s12], $0x100, $0x38;
	[tilespmem:$0x1C200] =	vst v63  }
0x6e: {  	_ =	swait.ge @!p2 [sflag:s14], $0x100  }
0x6f: {  	s11 =	simm.s32 @!p2 $0x80;
	s12 =	simm.s32 @!p2 $0x14200;
	[sflag:s14] =	ssyncset.done @!p2 $0x0  }
0x70: {  	[sflag:s14] =	ssyncadd.s32 @!p2 $0xFFFFFF00  }
0x71: {  	[tilespmem:s12], [sflag:$0x1] =	stream.indirect.gather @!p2 [hbm4b:s4+s11], $0x80, s13, s11, $0xb8;
	[tilespmem:$0x1C200] =	vst v63  }
.Ltmp1:
0x72: {  	_ =	swait.ge [sflag:s29], $0x4000;
	(pc) =	sbr.rel @p1 .LBB2_4-.Ltmp1, $4  }
0x73: {  	[sflag:s29] =	ssyncset.done $0x0  }
0x74: {  	[sflag:s29] =	ssyncadd.s32 $0xFFFFC000  }
0x75: {  	[spmem:s1] =	stream.indirect.scatter.add.f32 [tilespmem:s25], [sflag:$0x3], $0x80, s30, s22, $0xb8;
	[tilespmem:$0x1C200] =	vst v63  }
0x76: {  	_ =	swait.ge [sflag:s20], $0x4000  }
0x77: {  	[sflag:s20] =	ssyncset.done $0x0  }
0x78: {  	s0 =	simm.s32 @!p0 $0x1;
	[sflag:s20] =	ssyncadd.s32 $0xFFFFC000  }
0x79: {  	_ =	swait.ge @!p0 [sflag:s0], $0x4000  }
0x7a: {  	s11 =	simm.s32 @!p0 $0x14080;
	[sflag:s0] =	ssyncset.done @!p0 $0x0  }
0x7b: {  	s12 =	simm.s32 @!p0 $0x14200;
	[sflag:s0] =	ssyncadd.s32 @!p0 $0xFFFFC000;
	s0 =	simm.s32 @!p0 $0x80  }
0x7c: {  	[spmem:s1] =	stream.indirect.scatter.add.f32 @!p0 [tilespmem:s12], [sflag:$0x4], $0x80, s11, s0, $0xb8;
	[tilespmem:$0x1C200] =	vst v63  }
0x7d: {  	s0 =	simm.s32 @!p0 $0x4  }
0x7e: {  	_ =	swait.ge @!p0 [sflag:s0], $0x4000  }
0x7f: {  	[sflag:s0] =	ssyncset.done @!p0 $0x0  }
0x80: {  	[sflag:s0] =	ssyncadd.s32 @!p0 $0xFFFFC000  }
0x81: {  	[bflag:$0x0] =	sbarrier.arrive $0xFFFF  }
0x82: {  	[tilespmem:s19], [sflag:$0x3] =	stream.linear.gather [spmem:s6], $0x4000, $0x38;
	[tilespmem:$0x1C200] =	vst v63  }
0x83: {  	_ =	swait.ge [sflag:s20], $0x4000  }
0x84: {  	[sflag:s20] =	ssyncset.done $0x0  }
0x85: {  	s13 =	rddreg [dreg:$0x5];
	[sflag:s20] =	ssyncadd.s32 $0xFFFFC000  }
0x86: {  	[hbm4b:s13+s3] =	stream.linear.scatter [tilespmem:s19], [sflag:$0x3], $0x4000, $0x38;
	[tilespmem:$0x1C200] =	vst v63  }
0x87: {  	_ =	swait.ge [sflag:s20], $0x4000  }
0x88: {  	[sflag:s20] =	ssyncset.done $0x0  }
0x89: {  	[sflag:s20] =	ssyncadd.s32 $0xFFFFC000  }
0x8a: {  	[tilespmem:s19], [sflag:$0x3] =	stream.linear.gather [spmem:s7], $0x4000, $0x38;
	[tilespmem:$0x1C200] =	vst v63  }
0x8b: {  	_ =	swait.ge [sflag:s20], $0x4000  }
0x8c: {  	[sflag:s20] =	ssyncset.done $0x0  }
0x8d: {  	s14 =	rddreg [dreg:$0x6];
	[sflag:s20] =	ssyncadd.s32 $0xFFFFC000  }
0x8e: {  	[hbm4b:s14+s3] =	stream.linear.scatter [tilespmem:s19], [sflag:$0x3], $0x4000, $0x38;
	[tilespmem:$0x1C200] =	vst v63  }
0x8f: {  	_ =	swait.ge [sflag:s20], $0x4000  }
0x90: {  	[sflag:s20] =	ssyncset.done $0x0  }
0x91: {  	[sflag:s20] =	ssyncadd.s32 $0xFFFFC000  }
0x92: {  	[tilespmem:s19], [sflag:$0x3] =	stream.linear.gather [spmem:s8], $0x4000, $0x38;
	[tilespmem:$0x1C200] =	vst v63  }
0x93: {  	_ =	swait.ge [sflag:s20], $0x4000  }
0x94: {  	[sflag:s20] =	ssyncset.done $0x0  }
0x95: {  	s18 =	rddreg [dreg:$0x7];
	[sflag:s20] =	ssyncadd.s32 $0xFFFFC000  }
0x96: {  	[hbm4b:s18+s3] =	stream.linear.scatter [tilespmem:s19], [sflag:$0x3], $0x4000, $0x38;
	[tilespmem:$0x1C200] =	vst v63  }
0x97: {  	_ =	swait.ge [sflag:s20], $0x4000  }
0x98: {  	[sflag:s20] =	ssyncset.done $0x0  }
0x99: {  	[sflag:s20] =	ssyncadd.s32 $0xFFFFC000  }
0x9a: {  	[tilespmem:s19], [sflag:$0x3] =	stream.linear.gather [spmem:s9], $0x4000, $0x38;
	[tilespmem:$0x1C200] =	vst v63  }
0x9b: {  	_ =	swait.ge [sflag:s20], $0x4000  }
0x9c: {  	[sflag:s20] =	ssyncset.done $0x0  }
0x9d: {  	[sflag:s20] =	ssyncadd.s32 $0xFFFFC000  }
0x9e: {  	[hbm4b:s15+s3] =	stream.linear.scatter [tilespmem:s19], [sflag:$0x3], $0x4000, $0x38;
	[tilespmem:$0x1C200] =	vst v63  }
0x9f: {  	_ =	swait.ge [sflag:s20], $0x4000  }
0xa0: {  	[sflag:s20] =	ssyncset.done $0x0  }
0xa1: {  	[sflag:s20] =	ssyncadd.s32 $0xFFFFC000  }
0xa2: {  	[tilespmem:s19], [sflag:$0x3] =	stream.linear.gather [spmem:s10], $0x4000, $0x38;
	[tilespmem:$0x1C200] =	vst v63  }
0xa3: {  	s31 =	sadd.s32 $0x1, s31;
	_ =	swait.ge [sflag:s20], $0x4000  }
0xa4: {  	p1 =	sne.s32 s31, s17;
	[sflag:s20] =	ssyncset.done $0x0  }
.Ltmp2:
0xa5: {  	[sflag:s20] =	ssyncadd.s32 $0xFFFFC000;
	(pc) =	sbr.rel @p1 .LBB2_1-.Ltmp2, $4  }
0xa6: {  	[hbm4b:s16+s3] =	stream.linear.scatter [tilespmem:s19], [sflag:$0x3], $0x4000, $0x38;
	[tilespmem:$0x1C200] =	vst v63  }
0xa7: {  	_ =	swait.ge [sflag:s20], $0x4000  }
0xa8: {  	[sflag:s20] =	ssyncset.done $0x0  }
0xa9: {  	[sflag:s20] =	ssyncadd.s32 $0xFFFFC000  }
0xaa: {  	_ =	sfence.sel $0x180000  }
0xab: {  	[bflag:$0x0] =	sbarrier.arrive $0xFFFF  }
0xac: {  	_ =	strace $0x9000004A  }
0xad: {  	s0 =	stileid.u32;
	[bflag:$0x2] =	sbarrier.arrive $0xFFFF  }
0xae: {  	p0 =	sne.s32 s0, $0x0;
	s0 =	rddreg [dreg:$0x3]  }
0xaf: {  	s0 =	sadd.s32 @!p0 $0x100000, s0  }
0xb0: {  	[sflag:s0] =	ssyncadd.tile.s32 @!p0 $0x1;
	_ =	shalt  }
.Lfunc_end2:
_tile_overlayer_lowered:
.L_overlay_start_2:
0xb1: {  	(tag) =	ssettag $0x2  }
0xb2: {  	s0 =	rddreg [dreg:$0x0];
	s2 =	stileid.u32  }
0xb3: {  	s1 =	rddreg [dreg:$0x1];
	p0 =	sne.s32 s2, $0x0  }
0xb4: {  	s3 =	rddreg [dreg:$0x2];
	[bflag:$0x3] =	sbarrier.arrive $0xFFFF;
	s2 =	simm.s32 @!p0 $0x1C03  }
0xb5: {  	[timem:s3], [sflag:s2] =	dma.local @!p0 [hbm:s0], s1  }
0xb6: {  	s0 =	simm.s32 @!p0 $0x3  }
0xb7: {  	_ =	swait.ge @!p0 [sflag:s0], s1  }
0xb8: {  	s1 =	ssub.s32 @!p0 $0x0, s1;
	[sflag:s0] =	ssyncset.done @!p0 $0x0  }
0xb9: {  	[sflag:s0] =	ssyncadd.s32 @!p0 s1  }
0xba: {  	[bflag:$0x3] =	sbarrier.arrive $0xFFFF  }
0xbb: {  	_ =	shalt  }

// kernel: kernel.17.cloned.1.call-start
scs
__scs_entry_jumppad:
0x0: {  	(pc) =	sbr.rel $0x88, $3  }
0x1: {  	(tag) =	ssettag $0x0;
	lr =	simm.s32 $0x1  }
0x2: {  	[smem:$0x3F94] =	sst lr;
	_ =	strace $0xD0000000  }
0x3: {  	_ = 	snop  }
0x4: {  	_ = 	snop  }
0x5: {  	_ = 	snop  }
0x6: {  	_ = 	snop  }
0x7: {  	_ = 	snop  }
__scs_overlays_trampoline_lowered:
0x8: {  	[smem:$0x3FA3] =	sst s0  }
0x9: {  	[smem:$0x3FA4] =	sst s1  }
0xa: {  	[smem:$0x3FA5] =	sst s2  }
0xb: {  	[smem:$0x3FA6] =	sst s3  }
0xc: {  	[smem:$0x3FA7] =	sst s4  }
0xd: {  	[smem:$0x3FA8] =	sst s5  }
0xe: {  	[smem:$0x3FA9] =	sst s6  }
0xf: {  	[smem:$0x3FAA] =	sst s7  }
0x10: {  	[smem:$0x3FAB] =	sst s8  }
0x11: {  	[smem:$0x3FAC] =	sst s9;
	s0 =	simm.s32 @!p0 $0x0  }
0x12: {  	s1 =	sld [smem:$0x3F92];
	s0 =	simm.s32 @p0 $0x1  }
0x13: {  	[smem:$0x3FAD] =	sst s0;
	s0 =	simm.s32 @!p1 $0x0  }
0x14: {  	s2 =	sld [smem:$0x3F91];
	s0 =	simm.s32 @p1 $0x1  }
0x15: {  	[smem:$0x3FAE] =	sst s0;
	s0 =	simm.s32 @!p2 $0x0  }
0x16: {  	s3 =	sld [smem:$0x3FDB];
	s0 =	simm.s32 @p2 $0x1  }
0x17: {  	s4 =	simm.s32 $0x1BF5;
	[smem:$0x3FB0] =	sst s0  }
0x18: {  	s0 =	sld [smem:$0x3F93];
	_ =	swait.ge [sflag:s4], $0x0  }
0x19: {  	s7 =	sld [smem:$0x3F94]  }
0x1a: {  	s8 =	sadd.s32 $0xFFFFE003, lr  }
0x1b: {  	s9 =	sadd.s32 $0xFFFFFEF7, lr;
	s5 =	simm.s32 $0xFFFFFFFF;
	p2 =	slt.u32 s8, $0xFFFFF086  }
0x1c: {  	p1 =	slt.u32 s9, $0xF7A;
	s5 =	simm.s32 @!p2 $0x0  }
0x1d: {  	s5 =	simm.s32 @p1 $0x1;
	p0 =	seq.s32 s7, s2  }
0x1e: {  	s7 =	smul.u32 @!p0 $0xF7A, s2;
	p2 =	seq.s32 @!p0 s5, $0x0  }
0x1f: {  	s9 =	smul.u32 $0xF7A, s1;
	s8 =	simm.s32 @!p0 $0x1BF5;
	p2 =	por !p2, p0  }
0x20: {  	[sflag:s8] =	ssyncset.s32 @!p0 $0xFFFFF086;
	s6 =	sadd.s32 @!p0 s3, s7;
	s7 =	simm.s32 @!p0 $0x108  }
0x21: {  	s3 =	sadd.s32 s3, s9;
	s6 =	sadd.s32 @!p0 $0x88, s6;
	s7 =	simm.s32 @p2 $0x1082  }
0x22: {  	[simem:s7], [sflag:s8] =	dma.local @!p0 [hbm:s6], $0xF7A  }
0x23: {  	s9 =	sor.u32 $0xD0000000, s2;
	s6 =	simm.s32 $0x108;
	_ =	swait.ge @!p0 [sflag:s8], $0x0  }
0x24: {  	s3 =	sadd.s32 $0x88, s3;
	s6 =	simm.s32 @!p1 $0x1082;
	[sflag:s4] =	ssyncset.s32 $0xFFFFF086  }
0x25: {  	[simem:s6], [sflag:s4] =	dma.local [hbm:s3], $0xF7A  }
0x26: {  	[smem:$0x3F94] =	sst s1;
	(tag) =	ssettag s2;
	_ =	strace s9  }
0x27: {  	s1 =	sld [smem:$0x3FA4]  }
0x28: {  	s2 =	sld [smem:$0x3FA5]  }
0x29: {  	s4 =	sld [smem:$0x3FA7]  }
0x2a: {  	p0 =	seq.s32 s5, $0x0;
	s5 =	sld [smem:$0x3FA8]  }
0x2b: {  	s6 =	sld [smem:$0x3FA9]  }
0x2c: {  	s7 =	sld [smem:$0x3FAA]  }
0x2d: {  	s3 =	simm.s32 $0x108;
	s8 =	sld [smem:$0x3FAB]  }
0x2e: {  	s3 =	simm.s32 @!p0 $0x1082;
	s9 =	sld [smem:$0x3FAC]  }
0x2f: {  	lr =	sadd.s32 s0, s3;
	s0 =	sld [smem:$0x3FA3]  }
0x30: {  	s3 =	sld [smem:$0x3FA6]  }
0x31: {  	[smem:$0x3FAF] =	sst s10  }
0x32: {  	s10 =	sld [smem:$0x3FAD];
	_ =	sdelay $0x3  }
0x33: {  	p0 =	seq.s32 s10, $0x1;
	s10 =	sld [smem:$0x3FAF];
	_ =	sdelay $0x3  }
0x34: {  	[smem:$0x3FAF] =	sst s10  }
0x35: {  	s10 =	sld [smem:$0x3FAE];
	_ =	sdelay $0x3  }
0x36: {  	p1 =	seq.s32 s10, $0x1;
	s10 =	sld [smem:$0x3FAF];
	_ =	sdelay $0x3  }
0x37: {  	[smem:$0x3FAF] =	sst s10  }
0x38: {  	s10 =	sld [smem:$0x3FB0]  }
0x39: {  	_ = 	snop;
	(pc) =	sbr.ind lr, $3  }
0x3a: {  	_ = 	snop  }
0x3b: {  	_ = 	snop  }
0x3c: {  	p2 =	seq.s32 s10, $0x1;
	s10 =	sld [smem:$0x3FAF]  }
0x3d: {  	_ =	shalt  }
0x3e: {  	_ =	shalt  }
0x3f: {  	_ =	shalt  }
0x40: {  	_ =	shalt  }
0x41: {  	_ =	shalt  }
0x42: {  	_ =	shalt  }
0x43: {  	_ =	shalt  }
0x44: {  	_ =	shalt  }
0x45: {  	_ =	shalt  }
0x46: {  	_ =	shalt  }
0x47: {  	_ =	shalt  }
0x48: {  	_ =	shalt  }
0x49: {  	_ =	shalt  }
0x4a: {  	_ =	shalt  }
0x4b: {  	_ =	shalt  }
0x4c: {  	_ =	shalt  }
0x4d: {  	_ =	shalt  }
0x4e: {  	_ =	shalt  }
0x4f: {  	_ =	shalt  }
0x50: {  	_ =	shalt  }
0x51: {  	_ =	shalt  }
0x52: {  	_ =	shalt  }
0x53: {  	_ =	shalt  }
0x54: {  	_ =	shalt  }
0x55: {  	_ =	shalt  }
0x56: {  	_ =	shalt  }
0x57: {  	_ =	shalt  }
0x58: {  	_ =	shalt  }
0x59: {  	_ =	shalt  }
0x5a: {  	_ =	shalt  }
0x5b: {  	_ =	shalt  }
0x5c: {  	_ =	shalt  }
0x5d: {  	_ =	shalt  }
0x5e: {  	_ =	shalt  }
0x5f: {  	_ =	shalt  }
0x60: {  	_ =	shalt  }
0x61: {  	_ =	shalt  }
0x62: {  	_ =	shalt  }
0x63: {  	_ =	shalt  }
0x64: {  	_ =	shalt  }
0x65: {  	_ =	shalt  }
0x66: {  	_ =	shalt  }
0x67: {  	_ =	shalt  }
0x68: {  	_ =	shalt  }
0x69: {  	_ =	shalt  }
0x6a: {  	_ =	shalt  }
0x6b: {  	_ =	shalt  }
0x6c: {  	_ =	shalt  }
0x6d: {  	_ =	shalt  }
0x6e: {  	_ =	shalt  }
0x6f: {  	_ =	shalt  }
0x70: {  	_ =	shalt  }
0x71: {  	_ =	shalt  }
0x72: {  	_ =	shalt  }
0x73: {  	_ =	shalt  }
0x74: {  	_ =	shalt  }
0x75: {  	_ =	shalt  }
0x76: {  	_ =	shalt  }
0x77: {  	_ =	shalt  }
0x78: {  	_ =	shalt  }
0x79: {  	_ =	shalt  }
0x7a: {  	_ =	shalt  }
0x7b: {  	_ =	shalt  }
0x7c: {  	_ =	shalt  }
0x7d: {  	_ =	shalt  }
0x7e: {  	_ =	shalt  }
0x7f: {  	_ =	shalt  }
0x80: {  	_ =	shalt  }
0x81: {  	_ =	shalt  }
0x82: {  	_ =	shalt  }
0x83: {  	_ =	shalt  }
0x84: {  	_ =	shalt  }
0x85: {  	_ =	shalt  }
0x86: {  	_ =	shalt  }
0x87: {  	_ =	shalt  }
.Lfunc_end0:
.L_simem_size_0:
called_computation.2_lowered:
.L_overlay_start_0:
0x88: {  	s2 =	sld [smem:$0x3FD9]  }
0x89: {  	s3 =	sld [smem:$0x3FFE];
	_ =	sdelay $0x1  }
0x8a: {  	s1 =	srdreg.scid  }
0x8b: {  	s0 =	sand.u32 $0x1, s1  }
0x8c: {  	s17 =	sshll.u32 s0, $0xA;
	s2 =	sadd.s32 s3, s2  }
0x8d: {  	s2 =	sadd.s32 s2, s17  }
0x8e: {  	[smem:$0x3FBB] =	sst s2  }
0x8f: {  	_ = 	snop  }
0x90: {  	s2 =	sld [smem:$0x3FC7];
	(tm) =	ssettm $0x1  }
0x91: {  	s18 =	sld [smem:$0x3FFB];
	_ =	sdelay $0x3  }
0x92: {  	_ =	strace s18  }
0x93: {  	s3 =	sld [smem:$0x3FFC];
	_ =	sdelay $0x3  }
0x94: {  	_ =	strace s3  }
0x95: {  	s3 =	sld [smem:$0x3FFD];
	_ =	sdelay $0x3  }
0x96: {  	_ =	strace s3  }
0x97: {  	_ =	strace $0x8FFFFFFF  }
0x98: {  	s19 =	sld [smem:$0x3FDB];
	_ =	sdelay $0x1  }
0x99: {  	s4 =	simm.s32 $_scs_section_size  }
0x9a: {  	s5 =	simm.s32 $_size__tile_overlayer_lowered;
	s6 =	simm.s32 $_tile_overlayer_lowered  }
0x9b: {  	s22 =	simm.s32 $0x1BFF;
	s21 =	sshll.u32 s6, $0x1;
	s3 =	sadd.s32 s4, s19  }
0x9c: {  	s7 =	simm.s32 $0x0;
	s20 =	sshll.u32 s5, $0x1;
	s5 =	sadd.s32 s21, s3  }
0x9d: {  	[timem:s7], [sflag:s22] =	dma.local [hbm:s5], s20  }
0x9e: {  	_ =	swait.ge [sflag:s22], s20  }
0x9f: {  	s4 =	ssub.s32 $0x0, s20;
	[sflag:s22] =	ssyncset.done $0x0  }
0xa0: {  	[sflag:s22] =	ssyncadd.s32 s4;
	_ =	sdelay $0x1  }
0xa1: {  	s23 =	simm.s32 $0x1B8B  }
0xa2: {  	_ =	swait.ge [sflag:s23], $0x1  }
0xa3: {  	[sflag:s23] =	ssyncset.done $0x0  }
0xa4: {  	s25 =	simm.s32 $0x1B8E;
	s24 =	sld [smem:$0x3FFE];
	[sflag:s23] =	ssyncadd.s32 $0xFFFFFFFF  }
0xa5: {  	s26 =	simm.s32 $execute0_lowered;
	[smem:$0x3FD2] =	sst s25  }
0xa6: {  	s5 =	sshll.u32 s26, $0x1;
	_ =	strace $0x8000004C;
	[dreg:$0x1] =	wrdreg $0xFFFFFFFF  }
0xa7: {  	s28 =	simm.s32 $_size_execute0_lowered;
	s3 =	sadd.s32 s3, s5;
	[dreg:$0x0] =	wrdreg $0x0  }
0xa8: {  	s5 =	sshll.u32 s28, $0x1;
	[dreg:$0x2] =	wrdreg s3  }
0xa9: {  	[dreg:$0x3] =	wrdreg s5  }
0xaa: {  	[dreg:$0x4] =	wrdreg $0xC0  }
0xab: {  	_ =	task [dreg:s7], $0x5FFFF  }
0xac: {  	[dreg:$0x1] =	wrdreg $0xFFFFFFFF  }
0xad: {  	[dreg:$0x0] =	wrdreg $0x60  }
0xae: {  	[dreg:$0x2] =	wrdreg s24  }
0xaf: {  	[dreg:$0x3] =	wrdreg s2  }
0xb0: {  	[dreg:$0x4] =	wrdreg $0x0  }
0xb1: {  	[dreg:$0x5] =	wrdreg $0x9  }
0xb2: {  	_ =	task.clear_ibuf [dreg:s7], $0x6FFFF;
	_ =	strace $0x9000004C  }
0xb3: {  	s29 =	simm.s32 $0x9;
	_ =	strace $0x8000004E  }
0xb4: {  	_ =	swait.ge [sflag:s29], $0x1  }
0xb5: {  	[sflag:s29] =	ssyncadd.s32 $0xFFFFFFFF  }
0xb6: {  	_ =	strace $0x9000004E  }
0xb7: {  	_ =	sfence  }
0xb8: {  	s30 =	sld [smem:$0x0];
	_ =	sdelay $0x2  }
0xb9: {  	s31 =	sshll.u32 s1, $0xD;
	s1 =	sshrl.u32 s1, $0x2  }
0xba: {  	s3 =	sand.u32 $0x4000, s31;
	s1 =	sadd.s32 s1, s30  }
0xbb: {  	s0 =	sor.u32 s3, s0;
	s1 =	sshll.u32 s1, $0x11  }
0xbc: {  	s0 =	sor.u32 s1, s0  }
0xbd: {  	s0 =	sadd.s32 $0x8F2B, s0  }
0xbe: {  	[sflag:s0] =	ssyncadd.remote.s32 $0x1  }
0xbf: {  	_ =	sfence.sel $0xFFFF  }
0xc0: {  	[dreg:$0x0] =	wrdreg $0xFFFFFFFF;
	(pc) =	sbr.abs _section_cstart, $3  }
0xc1: {  	[dreg:$0x1] =	wrdreg $0xFFFFFFFF  }
0xc2: {  	_ =	task.clear_ibuf [dreg:s7], $0x2FFFF;
	_ =	strace $0x9FFFFFFF  }
0xc3: {  	(tm) =	ssettm $0x7FFFFFFF  }
tec
execute0_lowered:
.L_overlay_start_1:
0x0: {  	(tag) =	ssettag $0x1  }
0x1: {  	s0 =	rddreg [dreg:$0x0]  }
0x2: {  	s2 =	rddreg [dreg:$0x1]  }
0x3: {  	s1 =	rddreg [dreg:$0x2]  }
0x4: {  	s3 =	simm.s32 $0x0;
	s4 =	srdreg.scid;
	s26 =	stileid.u32  }
0x5: {  	s28 =	simm.s32 $0x14080;
	s29 =	simm.s32 $0x2;
	s30 =	simm.s32 $0x14180  }
0x6: {  	s31 =	simm.s32 $0x0;
	[smem:$0x7FF] =	sst s3;
	s6 =	smul.u32 $0x50000, s26  }
0x7: {  	s15 =	sand.u32 $0x1, s4;
	s4 =	sadd.s32 $0xA3C00, s0;
	s12 =	smul.u32 $0x14000, s26  }
0x8: {  	s0 =	sadd.s32 $0xCAE00, s0;
	s19 =	sshll.u32 s26, $0x1;
	s23 =	sshll.u32 s26, $0x6  }
0x9: {  	p0 =	sgt.u32 s26, $0x1;
	s26 =	simm.s32 $0x1;
	_ =	strace $0x8000004D  }
0xa: {  	s5 =	ssub.s32 $0x2, s15;
	s18 =	smul.u32 $0x140000, s15;
	s24 =	sshll.u32 s15, $0x5  }
0xb: {  	s7 =	sshrl.u32 s5, $0x1;
	s6 =	sshrl.u32 s6, $0x2;
	s13 =	sadd.s32 $0x4000, s12  }
0xc: {  	s14 =	sadd.s32 $0x8000, s12;
	s16 =	sadd.s32 $0xC000, s12;
	s17 =	ssub.s32 s5, s7  }
0xd: {  	s5 =	sor.u32 s15, s19;
	s6 =	sadd.s32 s6, s1;
	s7 =	sadd.s32 s13, s1  }
0xe: {  	s8 =	sadd.s32 s14, s1;
	s9 =	sadd.s32 s16, s1;
	s19 =	sadd.s32 $0x10000, s12  }
0xf: {  	s12 =	sadd.s32 s12, s18;
	s13 =	sadd.s32 s18, s13;
	s14 =	sadd.s32 s18, s14  }
0x10: {  	s16 =	sadd.s32 s18, s16;
	s11 =	sshll.u32 s5, $0x5;
	s10 =	sadd.s32 s19, s1  }
0x11: {  	s12 =	sshrl.u32 s12, $0x3;
	s13 =	sshrl.u32 s13, $0x3;
	s14 =	sshrl.u32 s14, $0x3  }
0x12: {  	s16 =	sshrl.u32 s16, $0x3;
	s18 =	sadd.s32 s18, s19;
	s17 =	smax.u32 s17, $0x1  }
0x13: {  	s19 =	simm.s32 $0x14200;
	s11 =	sadd.s32 s2, s11;
	s20 =	sadd.s32 s0, s12  }
0x14: {  	s21 =	sadd.s32 s0, s13;
	s22 =	sadd.s32 s0, s14;
	[dreg:$0x4] =	wrdreg s11  }
0x15: {  	s18 =	sshrl.u32 s18, $0x3;
	s2 =	sadd.s32 s23, s2;
	[dreg:$0x5] =	wrdreg s20  }
0x16: {  	s15 =	sadd.s32 s0, s16;
	s23 =	simm.s32 $0x14100;
	[dreg:$0x6] =	wrdreg s21  }
0x17: {  	[dreg:$0x7] =	wrdreg s22;
	s16 =	sadd.s32 s0, s18;
	s25 =	sadd.s32 s24, s2  }
0x18: {  	s20 =	simm.s32 $0x3;
	s21 =	simm.s32 $0x14000;
	s22 =	simm.s32 $0x80  }
0x19: {  	v0 =	vimm.f32 $0.0e+00;
	s24 =	simm.s32 $0x4;
	s2 =	sadd.s32 $0x400, s25;
	s25 =	simm.s32 $0x18200  }
.LBB2_1:
0x1a: {  	s0 =	simm.s32 $0x0;
	s18 =	simm.s32 $0x200  }
.LBB2_2:
0x1b: {  	p1 =	sne.s32 s18, $0xFE00;
	[tilespmem:s0+$0x14270] =	vst v0  }
0x1c: {  	[tilespmem:s0+$0x14200] =	vst v0  }
0x1d: {  	[tilespmem:s0+$0x14210] =	vst v0  }
.Ltmp0:
0x1e: {  	[tilespmem:s0+$0x14220] =	vst v0;
	(pc) =	sbr.rel @p1 .LBB2_2-.Ltmp0, $4  }
0x1f: {  	[tilespmem:s0+$0x14230] =	vst v0  }
0x20: {  	[tilespmem:s0+$0x14240] =	vst v0  }
0x21: {  	[tilespmem:s0+$0x14250] =	vst v0  }
0x22: {  	[tilespmem:s0+$0x14260] =	vst v0;
	s0 =	sshra.s32 s18, $0x2;
	s18 =	sadd.s32 $0x200, s18  }
0x23: {  	[tilespmem:s0+$0x14270] =	vst v0  }
0x24: {  	[tilespmem:s0+$0x14200] =	vst v0  }
0x25: {  	[tilespmem:s0+$0x14210] =	vst v0  }
0x26: {  	[tilespmem:s0+$0x14220] =	vst v0  }
0x27: {  	[tilespmem:s0+$0x14230] =	vst v0  }
0x28: {  	[tilespmem:s0+$0x14240] =	vst v0  }
0x29: {  	[tilespmem:s0+$0x14250] =	vst v0  }
0x2a: {  	[tilespmem:s0+$0x14260] =	vst v0  }
0x2b: {  	[spmem:s6] =	stream.linear.scatter [tilespmem:s19], [sflag:$0x3], $0x4000, $0x38;
	[tilespmem:$0x1C200] =	vst v63  }
0x2c: {  	_ =	swait.ge [sflag:s20], $0x4000  }
0x2d: {  	[sflag:s20] =	ssyncset.done $0x0  }
0x2e: {  	[sflag:s20] =	ssyncadd.s32 $0xFFFFC000  }
0x2f: {  	[spmem:s7] =	stream.linear.scatter [tilespmem:s19], [sflag:$0x3], $0x4000, $0x38;
	[tilespmem:$0x1C200] =	vst v63  }
0x30: {  	_ =	swait.ge [sflag:s20], $0x4000  }
0x31: {  	[sflag:s20] =	ssyncset.done $0x0  }
0x32: {  	[sflag:s20] =	ssyncadd.s32 $0xFFFFC000  }
0x33: {  	[spmem:s8] =	stream.linear.scatter [tilespmem:s19], [sflag:$0x3], $0x4000, $0x38;
	[tilespmem:$0x1C200] =	vst v63  }
0x34: {  	_ =	swait.ge [sflag:s20], $0x4000  }
0x35: {  	[sflag:s20] =	ssyncset.done $0x0  }
0x36: {  	[sflag:s20] =	ssyncadd.s32 $0xFFFFC000  }
0x37: {  	[spmem:s9] =	stream.linear.scatter [tilespmem:s19], [sflag:$0x3], $0x4000, $0x38;
	[tilespmem:$0x1C200] =	vst v63  }
0x38: {  	_ =	swait.ge [sflag:s20], $0x4000  }
0x39: {  	[sflag:s20] =	ssyncset.done $0x0  }
0x3a: {  	[sflag:s20] =	ssyncadd.s32 $0xFFFFC000  }
0x3b: {  	[spmem:s10] =	stream.linear.scatter [tilespmem:s19], [sflag:$0x3], $0x4000, $0x38;
	[tilespmem:$0x1C200] =	vst v63  }
0x3c: {  	_ =	swait.ge [sflag:s20], $0x4000  }
0x3d: {  	[sflag:s20] =	ssyncset.done $0x0  }
0x3e: {  	[sflag:s20] =	ssyncadd.s32 $0xFFFFC000  }
0x3f: {  	[bflag:$0x0] =	sbarrier.arrive $0xFFFF  }
0x40: {  	s14 =	rddreg [dreg:$0x4]  }
0x41: {  	[tilespmem:s21], [sflag:$0x3] =	stream.linear.gather [hbm4b:s14+s3], $0x100, $0x38;
	[tilespmem:$0x1C200] =	vst v63  }
0x42: {  	_ =	swait.ge [sflag:s20], $0x100  }
0x43: {  	[sflag:s20] =	ssyncset.done $0x0  }
0x44: {  	[sflag:s20] =	ssyncadd.s32 $0xFFFFFF00  }
0x45: {  	[tilespmem:s19], [sflag:$0x1] =	stream.indirect.gather [hbm4b:s4+s22], $0x80, s21, s22, $0xb8;
	[tilespmem:$0x1C200] =	vst v63  }
0x46: {  	_ = 	snop  }
0x47: {  	[tilespmem:s23], [sflag:$0x4] =	stream.linear.gather [hbm4b:s2+s3], $0x100, $0x38;
	[tilespmem:$0x1C200] =	vst v63  }
0x48: {  	_ =	swait.ge [sflag:s24], $0x100  }
0x49: {  	[sflag:s24] =	ssyncset.done $0x0  }
0x4a: {  	[sflag:s24] =	ssyncadd.s32 $0xFFFFFF00  }
0x4b: {  	[tilespmem:s25], [sflag:$0x2] =	stream.indirect.gather [hbm4b:s4+s22], $0x80, s23, s22, $0xb8;
	[tilespmem:$0x1C200] =	vst v63  }
0x4c: {  	_ =	swait.ge [sflag:s26], $0x4000  }
0x4d: {  	[sflag:s26] =	ssyncset.done $0x0  }
0x4e: {  	s18 =	sadd.s32 $0x40, s5;
	[sflag:s26] =	ssyncadd.s32 $0xFFFFC000  }
0x4f: {  	[spmem:s1] =	stream.indirect.scatter.add.f32 [tilespmem:s19], [sflag:$0x4], $0x80, s28, s22, $0xb8;
	[tilespmem:$0x1C200] =	vst v63  }
0x50: {  	p1 =	sgt.u32 s18, $0x9C3;
	_ =	swait.ge [sflag:s24], $0x4000  }
0x51: {  	s0 =	sadd.s32 @!p1 $0x400, s2;
	[sflag:s24] =	ssyncset.done $0x0  }
0x52: {  	s18 =	simm.s32 @!p1 $0x0;
	s11 =	simm.s32 @!p1 $0x14000;
	[sflag:s24] =	ssyncadd.s32 $0xFFFFC000  }
0x53: {  	[tilespmem:s11], [sflag:$0x4] =	stream.linear.gather @!p1 [hbm4b:s0+s18], $0x100, $0x38;
	[tilespmem:$0x1C200] =	vst v63  }
0x54: {  	s0 =	simm.s32 @!p1 $0x4  }
0x55: {  	_ =	swait.ge @!p1 [sflag:s0], $0x100  }
0x56: {  	[sflag:s0] =	ssyncset.done @!p1 $0x0  }
0x57: {  	s18 =	simm.s32 @!p1 $0x80;
	[sflag:s0] =	ssyncadd.s32 @!p1 $0xFFFFFF00;
	s0 =	simm.s32 @!p1 $0x14200  }
0x58: {  	[tilespmem:s0], [sflag:$0x1] =	stream.indirect.gather @!p1 [hbm4b:s4+s18], $0x80, s11, s18, $0xb8;
	[tilespmem:$0x1C200] =	vst v63  }
0x59: {  	_ =	swait.ge [sflag:s29], $0x4000  }
0x5a: {  	[sflag:s29] =	ssyncset.done $0x0  }
0x5b: {  	[sflag:s29] =	ssyncadd.s32 $0xFFFFC000  }
0x5c: {  	[spmem:s1] =	stream.indirect.scatter.add.f32 [tilespmem:s25], [sflag:$0x3], $0x80, s30, s22, $0xb8;
	[tilespmem:$0x1C200] =	vst v63  }
0x5d: {  	s0 =	simm.s32 $0x80;
	s18 =	smov.u32 s2;
	_ =	swait.ge [sflag:s20], $0x4000  }
.LBB2_4:
0x5e: {  	[sflag:s20] =	ssyncset.done $0x0  }
0x5f: {  	s18 =	sadd.s32 $0x800, s18;
	s11 =	smov.u32 s0;
	s0 =	sadd.s32 $0x40, s0  }
0x60: {  	p1 =	sne.s32 s0, $0xA00;
	[sflag:s20] =	ssyncadd.s32 $0xFFFFC000  }
0x61: {  	[tilespmem:s23], [sflag:$0x4] =	stream.linear.gather [hbm4b:s18+s3], $0x100, $0x38;
	[tilespmem:$0x1C200] =	vst v63  }
0x62: {  	_ =	swait.ge [sflag:s24], $0x100  }
0x63: {  	[sflag:s24] =	ssyncset.done $0x0  }
0x64: {  	[sflag:s24] =	ssyncadd.s32 $0xFFFFFF00  }
0x65: {  	[tilespmem:s25], [sflag:$0x2] =	stream.indirect.gather [hbm4b:s4+s22], $0x80, s23, s22, $0xb8;
	[tilespmem:$0x1C200] =	vst v63  }
0x66: {  	_ =	swait.ge [sflag:s26], $0x4000  }
0x67: {  	[sflag:s26] =	ssyncset.done $0x0  }
0x68: {  	s11 =	sadd.s32 s11, s5;
	[sflag:s26] =	ssyncadd.s32 $0xFFFFC000  }
0x69: {  	[spmem:s1] =	stream.indirect.scatter.add.f32 [tilespmem:s19], [sflag:$0x4], $0x80, s28, s22, $0xb8;
	[tilespmem:$0x1C200] =	vst v63  }
0x6a: {  	p2 =	sgt.u32 s11, $0x9C3;
	_ =	swait.ge [sflag:s24], $0x4000  }
0x6b: {  	s11 =	sadd.s32 @!p2 $0x400, s18;
	s12 =	simm.s32 @!p2 $0x0;
	[sflag:s24] =	ssyncset.done $0x0  }
0x6c: {  	s13 =	simm.s32 @!p2 $0x14000;
	s14 =	simm.s32 @!p2 $0x4;
	[sflag:s24] =	ssyncadd.s32 $0xFFFFC000  }
0x6d: {  	[tilespmem:s13], [sflag:$0x4] =	stream.linear.gather @!p2 [hbm4b:s11+s12], $0x100, $0x38;
	[tilespmem:$0x1C200] =	vst v63  }
0x6e: {  	_ =	swait.ge @!p2 [sflag:s14], $0x100  }
0x6f: {  	s11 =	simm.s32 @!p2 $0x80;
	s12 =	simm.s32 @!p2 $0x14200;
	[sflag:s14] =	ssyncset.done @!p2 $0x0  }
0x70: {  	[sflag:s14] =	ssyncadd.s32 @!p2 $0xFFFFFF00  }
0x71: {  	[tilespmem:s12], [sflag:$0x1] =	stream.indirect.gather @!p2 [hbm4b:s4+s11], $0x80, s13, s11, $0xb8;
	[tilespmem:$0x1C200] =	vst v63  }
.Ltmp1:
0x72: {  	_ =	swait.ge [sflag:s29], $0x4000;
	(pc) =	sbr.rel @p1 .LBB2_4-.Ltmp1, $4  }
0x73: {  	[sflag:s29] =	ssyncset.done $0x0  }
0x74: {  	[sflag:s29] =	ssyncadd.s32 $0xFFFFC000  }
0x75: {  	[spmem:s1] =	stream.indirect.scatter.add.f32 [tilespmem:s25], [sflag:$0x3], $0x80, s30, s22, $0xb8;
	[tilespmem:$0x1C200] =	vst v63  }
0x76: {  	_ =	swait.ge [sflag:s20], $0x4000  }
0x77: {  	[sflag:s20] =	ssyncset.done $0x0  }
0x78: {  	s0 =	simm.s32 @!p0 $0x1;
	[sflag:s20] =	ssyncadd.s32 $0xFFFFC000  }
0x79: {  	_ =	swait.ge @!p0 [sflag:s0], $0x4000  }
0x7a: {  	s11 =	simm.s32 @!p0 $0x14080;
	[sflag:s0] =	ssyncset.done @!p0 $0x0  }
0x7b: {  	s12 =	simm.s32 @!p0 $0x14200;
	[sflag:s0] =	ssyncadd.s32 @!p0 $0xFFFFC000;
	s0 =	simm.s32 @!p0 $0x80  }
0x7c: {  	[spmem:s1] =	stream.indirect.scatter.add.f32 @!p0 [tilespmem:s12], [sflag:$0x4], $0x80, s11, s0, $0xb8;
	[tilespmem:$0x1C200] =	vst v63  }
0x7d: {  	s0 =	simm.s32 @!p0 $0x4  }
0x7e: {  	_ =	swait.ge @!p0 [sflag:s0], $0x4000  }
0x7f: {  	[sflag:s0] =	ssyncset.done @!p0 $0x0  }
0x80: {  	[sflag:s0] =	ssyncadd.s32 @!p0 $0xFFFFC000  }
0x81: {  	[bflag:$0x0] =	sbarrier.arrive $0xFFFF  }
0x82: {  	[tilespmem:s19], [sflag:$0x3] =	stream.linear.gather [spmem:s6], $0x4000, $0x38;
	[tilespmem:$0x1C200] =	vst v63  }
0x83: {  	_ =	swait.ge [sflag:s20], $0x4000  }
0x84: {  	[sflag:s20] =	ssyncset.done $0x0  }
0x85: {  	s13 =	rddreg [dreg:$0x5];
	[sflag:s20] =	ssyncadd.s32 $0xFFFFC000  }
0x86: {  	[hbm4b:s13+s3] =	stream.linear.scatter [tilespmem:s19], [sflag:$0x3], $0x4000, $0x38;
	[tilespmem:$0x1C200] =	vst v63  }
0x87: {  	_ =	swait.ge [sflag:s20], $0x4000  }
0x88: {  	[sflag:s20] =	ssyncset.done $0x0  }
0x89: {  	[sflag:s20] =	ssyncadd.s32 $0xFFFFC000  }
0x8a: {  	[tilespmem:s19], [sflag:$0x3] =	stream.linear.gather [spmem:s7], $0x4000, $0x38;
	[tilespmem:$0x1C200] =	vst v63  }
0x8b: {  	_ =	swait.ge [sflag:s20], $0x4000  }
0x8c: {  	[sflag:s20] =	ssyncset.done $0x0  }
0x8d: {  	s14 =	rddreg [dreg:$0x6];
	[sflag:s20] =	ssyncadd.s32 $0xFFFFC000  }
0x8e: {  	[hbm4b:s14+s3] =	stream.linear.scatter [tilespmem:s19], [sflag:$0x3], $0x4000, $0x38;
	[tilespmem:$0x1C200] =	vst v63  }
0x8f: {  	_ =	swait.ge [sflag:s20], $0x4000  }
0x90: {  	[sflag:s20] =	ssyncset.done $0x0  }
0x91: {  	[sflag:s20] =	ssyncadd.s32 $0xFFFFC000  }
0x92: {  	[tilespmem:s19], [sflag:$0x3] =	stream.linear.gather [spmem:s8], $0x4000, $0x38;
	[tilespmem:$0x1C200] =	vst v63  }
0x93: {  	_ =	swait.ge [sflag:s20], $0x4000  }
0x94: {  	[sflag:s20] =	ssyncset.done $0x0  }
0x95: {  	s18 =	rddreg [dreg:$0x7];
	[sflag:s20] =	ssyncadd.s32 $0xFFFFC000  }
0x96: {  	[hbm4b:s18+s3] =	stream.linear.scatter [tilespmem:s19], [sflag:$0x3], $0x4000, $0x38;
	[tilespmem:$0x1C200] =	vst v63  }
0x97: {  	_ =	swait.ge [sflag:s20], $0x4000  }
0x98: {  	[sflag:s20] =	ssyncset.done $0x0  }
0x99: {  	[sflag:s20] =	ssyncadd.s32 $0xFFFFC000  }
0x9a: {  	[tilespmem:s19], [sflag:$0x3] =	stream.linear.gather [spmem:s9], $0x4000, $0x38;
	[tilespmem:$0x1C200] =	vst v63  }
0x9b: {  	_ =	swait.ge [sflag:s20], $0x4000  }
0x9c: {  	[sflag:s20] =	ssyncset.done $0x0  }
0x9d: {  	[sflag:s20] =	ssyncadd.s32 $0xFFFFC000  }
0x9e: {  	[hbm4b:s15+s3] =	stream.linear.scatter [tilespmem:s19], [sflag:$0x3], $0x4000, $0x38;
	[tilespmem:$0x1C200] =	vst v63  }
0x9f: {  	_ =	swait.ge [sflag:s20], $0x4000  }
0xa0: {  	[sflag:s20] =	ssyncset.done $0x0  }
0xa1: {  	[sflag:s20] =	ssyncadd.s32 $0xFFFFC000  }
0xa2: {  	[tilespmem:s19], [sflag:$0x3] =	stream.linear.gather [spmem:s10], $0x4000, $0x38;
	[tilespmem:$0x1C200] =	vst v63  }
0xa3: {  	s31 =	sadd.s32 $0x1, s31;
	_ =	swait.ge [sflag:s20], $0x4000  }
0xa4: {  	p1 =	sne.s32 s31, s17;
	[sflag:s20] =	ssyncset.done $0x0  }
.Ltmp2:
0xa5: {  	[sflag:s20] =	ssyncadd.s32 $0xFFFFC000;
	(pc) =	sbr.rel @p1 .LBB2_1-.Ltmp2, $4  }
0xa6: {  	[hbm4b:s16+s3] =	stream.linear.scatter [tilespmem:s19], [sflag:$0x3], $0x4000, $0x38;
	[tilespmem:$0x1C200] =	vst v63  }
0xa7: {  	_ =	swait.ge [sflag:s20], $0x4000  }
0xa8: {  	[sflag:s20] =	ssyncset.done $0x0  }
0xa9: {  	[sflag:s20] =	ssyncadd.s32 $0xFFFFC000  }
0xaa: {  	_ =	sfence.sel $0x180000  }
0xab: {  	[bflag:$0x0] =	sbarrier.arrive $0xFFFF  }
0xac: {  	_ =	strace $0x9000004D  }
0xad: {  	s0 =	stileid.u32;
	[bflag:$0x2] =	sbarrier.arrive $0xFFFF  }
0xae: {  	p0 =	sne.s32 s0, $0x0;
	s0 =	rddreg [dreg:$0x3]  }
0xaf: {  	s0 =	sadd.s32 @!p0 $0x100000, s0  }
0xb0: {  	[sflag:s0] =	ssyncadd.tile.s32 @!p0 $0x1;
	_ =	shalt  }
.Lfunc_end2:
_tile_overlayer_lowered:
.L_overlay_start_2:
0xb1: {  	(tag) =	ssettag $0x2  }
0xb2: {  	s0 =	rddreg [dreg:$0x0];
	s2 =	stileid.u32  }
0xb3: {  	s1 =	rddreg [dreg:$0x1];
	p0 =	sne.s32 s2, $0x0  }
0xb4: {  	s3 =	rddreg [dreg:$0x2];
	[bflag:$0x3] =	sbarrier.arrive $0xFFFF;
	s2 =	simm.s32 @!p0 $0x1C03  }
0xb5: {  	[timem:s3], [sflag:s2] =	dma.local @!p0 [hbm:s0], s1  }
0xb6: {  	s0 =	simm.s32 @!p0 $0x3  }
0xb7: {  	_ =	swait.ge @!p0 [sflag:s0], s1  }
0xb8: {  	s1 =	ssub.s32 @!p0 $0x0, s1;
	[sflag:s0] =	ssyncset.done @!p0 $0x0  }
0xb9: {  	[sflag:s0] =	ssyncadd.s32 @!p0 s1  }
0xba: {  	[bflag:$0x3] =	sbarrier.arrive $0xFFFF  }
0xbb: {  	_ =	shalt  }

// kernel: kernel.20.cloned.1.call-start
scs
__scs_entry_jumppad:
0x0: {  	(pc) =	sbr.rel $0x88, $3  }
0x1: {  	(tag) =	ssettag $0x0;
	lr =	simm.s32 $0x1  }
0x2: {  	[smem:$0x3F94] =	sst lr;
	_ =	strace $0xD0000000  }
0x3: {  	_ = 	snop  }
0x4: {  	_ = 	snop  }
0x5: {  	_ = 	snop  }
0x6: {  	_ = 	snop  }
0x7: {  	_ = 	snop  }
__scs_overlays_trampoline_lowered:
0x8: {  	[smem:$0x3FA3] =	sst s0  }
0x9: {  	[smem:$0x3FA4] =	sst s1  }
0xa: {  	[smem:$0x3FA5] =	sst s2  }
0xb: {  	[smem:$0x3FA6] =	sst s3  }
0xc: {  	[smem:$0x3FA7] =	sst s4  }
0xd: {  	[smem:$0x3FA8] =	sst s5  }
0xe: {  	[smem:$0x3FA9] =	sst s6  }
0xf: {  	[smem:$0x3FAA] =	sst s7  }
0x10: {  	[smem:$0x3FAB] =	sst s8  }
0x11: {  	[smem:$0x3FAC] =	sst s9;
	s0 =	simm.s32 @!p0 $0x0  }
0x12: {  	s1 =	sld [smem:$0x3F92];
	s0 =	simm.s32 @p0 $0x1  }
0x13: {  	[smem:$0x3FAD] =	sst s0;
	s0 =	simm.s32 @!p1 $0x0  }
0x14: {  	s2 =	sld [smem:$0x3F91];
	s0 =	simm.s32 @p1 $0x1  }
0x15: {  	[smem:$0x3FAE] =	sst s0;
	s0 =	simm.s32 @!p2 $0x0  }
0x16: {  	s3 =	sld [smem:$0x3FDB];
	s0 =	simm.s32 @p2 $0x1  }
0x17: {  	s4 =	simm.s32 $0x1BF5;
	[smem:$0x3FB0] =	sst s0  }
0x18: {  	s0 =	sld [smem:$0x3F93];
	_ =	swait.ge [sflag:s4], $0x0  }
0x19: {  	s7 =	sld [smem:$0x3F94]  }
0x1a: {  	s8 =	sadd.s32 $0xFFFFE003, lr  }
0x1b: {  	s9 =	sadd.s32 $0xFFFFFEF7, lr;
	s5 =	simm.s32 $0xFFFFFFFF;
	p2 =	slt.u32 s8, $0xFFFFF086  }
0x1c: {  	p1 =	slt.u32 s9, $0xF7A;
	s5 =	simm.s32 @!p2 $0x0  }
0x1d: {  	s5 =	simm.s32 @p1 $0x1;
	p0 =	seq.s32 s7, s2  }
0x1e: {  	s7 =	smul.u32 @!p0 $0xF7A, s2;
	p2 =	seq.s32 @!p0 s5, $0x0  }
0x1f: {  	s9 =	smul.u32 $0xF7A, s1;
	s8 =	simm.s32 @!p0 $0x1BF5;
	p2 =	por !p2, p0  }
0x20: {  	[sflag:s8] =	ssyncset.s32 @!p0 $0xFFFFF086;
	s6 =	sadd.s32 @!p0 s3, s7;
	s7 =	simm.s32 @!p0 $0x108  }
0x21: {  	s3 =	sadd.s32 s3, s9;
	s6 =	sadd.s32 @!p0 $0x88, s6;
	s7 =	simm.s32 @p2 $0x1082  }
0x22: {  	[simem:s7], [sflag:s8] =	dma.local @!p0 [hbm:s6], $0xF7A  }
0x23: {  	s9 =	sor.u32 $0xD0000000, s2;
	s6 =	simm.s32 $0x108;
	_ =	swait.ge @!p0 [sflag:s8], $0x0  }
0x24: {  	s3 =	sadd.s32 $0x88, s3;
	s6 =	simm.s32 @!p1 $0x1082;
	[sflag:s4] =	ssyncset.s32 $0xFFFFF086  }
0x25: {  	[simem:s6], [sflag:s4] =	dma.local [hbm:s3], $0xF7A  }
0x26: {  	[smem:$0x3F94] =	sst s1;
	(tag) =	ssettag s2;
	_ =	strace s9  }
0x27: {  	s1 =	sld [smem:$0x3FA4]  }
0x28: {  	s2 =	sld [smem:$0x3FA5]  }
0x29: {  	s4 =	sld [smem:$0x3FA7]  }
0x2a: {  	p0 =	seq.s32 s5, $0x0;
	s5 =	sld [smem:$0x3FA8]  }
0x2b: {  	s6 =	sld [smem:$0x3FA9]  }
0x2c: {  	s7 =	sld [smem:$0x3FAA]  }
0x2d: {  	s3 =	simm.s32 $0x108;
	s8 =	sld [smem:$0x3FAB]  }
0x2e: {  	s3 =	simm.s32 @!p0 $0x1082;
	s9 =	sld [smem:$0x3FAC]  }
0x2f: {  	lr =	sadd.s32 s0, s3;
	s0 =	sld [smem:$0x3FA3]  }
0x30: {  	s3 =	sld [smem:$0x3FA6]  }
0x31: {  	[smem:$0x3FAF] =	sst s10  }
0x32: {  	s10 =	sld [smem:$0x3FAD];
	_ =	sdelay $0x3  }
0x33: {  	p0 =	seq.s32 s10, $0x1;
	s10 =	sld [smem:$0x3FAF];
	_ =	sdelay $0x3  }
0x34: {  	[smem:$0x3FAF] =	sst s10  }
0x35: {  	s10 =	sld [smem:$0x3FAE];
	_ =	sdelay $0x3  }
0x36: {  	p1 =	seq.s32 s10, $0x1;
	s10 =	sld [smem:$0x3FAF];
	_ =	sdelay $0x3  }
0x37: {  	[smem:$0x3FAF] =	sst s10  }
0x38: {  	s10 =	sld [smem:$0x3FB0]  }
0x39: {  	_ = 	snop;
	(pc) =	sbr.ind lr, $3  }
0x3a: {  	_ = 	snop  }
0x3b: {  	_ = 	snop  }
0x3c: {  	p2 =	seq.s32 s10, $0x1;
	s10 =	sld [smem:$0x3FAF]  }
0x3d: {  	_ =	shalt  }
0x3e: {  	_ =	shalt  }
0x3f: {  	_ =	shalt  }
0x40: {  	_ =	shalt  }
0x41: {  	_ =	shalt  }
0x42: {  	_ =	shalt  }
0x43: {  	_ =	shalt  }
0x44: {  	_ =	shalt  }
0x45: {  	_ =	shalt  }
0x46: {  	_ =	shalt  }
0x47: {  	_ =	shalt  }
0x48: {  	_ =	shalt  }
0x49: {  	_ =	shalt  }
0x4a: {  	_ =	shalt  }
0x4b: {  	_ =	shalt  }
0x4c: {  	_ =	shalt  }
0x4d: {  	_ =	shalt  }
0x4e: {  	_ =	shalt  }
0x4f: {  	_ =	shalt  }
0x50: {  	_ =	shalt  }
0x51: {  	_ =	shalt  }
0x52: {  	_ =	shalt  }
0x53: {  	_ =	shalt  }
0x54: {  	_ =	shalt  }
0x55: {  	_ =	shalt  }
0x56: {  	_ =	shalt  }
0x57: {  	_ =	shalt  }
0x58: {  	_ =	shalt  }
0x59: {  	_ =	shalt  }
0x5a: {  	_ =	shalt  }
0x5b: {  	_ =	shalt  }
0x5c: {  	_ =	shalt  }
0x5d: {  	_ =	shalt  }
0x5e: {  	_ =	shalt  }
0x5f: {  	_ =	shalt  }
0x60: {  	_ =	shalt  }
0x61: {  	_ =	shalt  }
0x62: {  	_ =	shalt  }
0x63: {  	_ =	shalt  }
0x64: {  	_ =	shalt  }
0x65: {  	_ =	shalt  }
0x66: {  	_ =	shalt  }
0x67: {  	_ =	shalt  }
0x68: {  	_ =	shalt  }
0x69: {  	_ =	shalt  }
0x6a: {  	_ =	shalt  }
0x6b: {  	_ =	shalt  }
0x6c: {  	_ =	shalt  }
0x6d: {  	_ =	shalt  }
0x6e: {  	_ =	shalt  }
0x6f: {  	_ =	shalt  }
0x70: {  	_ =	shalt  }
0x71: {  	_ =	shalt  }
0x72: {  	_ =	shalt  }
0x73: {  	_ =	shalt  }
0x74: {  	_ =	shalt  }
0x75: {  	_ =	shalt  }
0x76: {  	_ =	shalt  }
0x77: {  	_ =	shalt  }
0x78: {  	_ =	shalt  }
0x79: {  	_ =	shalt  }
0x7a: {  	_ =	shalt  }
0x7b: {  	_ =	shalt  }
0x7c: {  	_ =	shalt  }
0x7d: {  	_ =	shalt  }
0x7e: {  	_ =	shalt  }
0x7f: {  	_ =	shalt  }
0x80: {  	_ =	shalt  }
0x81: {  	_ =	shalt  }
0x82: {  	_ =	shalt  }
0x83: {  	_ =	shalt  }
0x84: {  	_ =	shalt  }
0x85: {  	_ =	shalt  }
0x86: {  	_ =	shalt  }
0x87: {  	_ =	shalt  }
.Lfunc_end0:
.L_simem_size_0:
called_computation.3_lowered:
.L_overlay_start_0:
0x88: {  	s2 =	sld [smem:$0x3FD9]  }
0x89: {  	s3 =	sld [smem:$0x3FFE];
	_ =	sdelay $0x1  }
0x8a: {  	s1 =	srdreg.scid  }
0x8b: {  	s0 =	sand.u32 $0x1, s1  }
0x8c: {  	s17 =	sshll.u32 s0, $0xA;
	s2 =	sadd.s32 s3, s2  }
0x8d: {  	s2 =	sadd.s32 s2, s17  }
0x8e: {  	[smem:$0x3FBB] =	sst s2  }
0x8f: {  	_ = 	snop  }
0x90: {  	s2 =	sld [smem:$0x3FC7];
	(tm) =	ssettm $0x1  }
0x91: {  	s18 =	sld [smem:$0x3FFB];
	_ =	sdelay $0x3  }
0x92: {  	_ =	strace s18  }
0x93: {  	s3 =	sld [smem:$0x3FFC];
	_ =	sdelay $0x3  }
0x94: {  	_ =	strace s3  }
0x95: {  	s3 =	sld [smem:$0x3FFD];
	_ =	sdelay $0x3  }
0x96: {  	_ =	strace s3  }
0x97: {  	_ =	strace $0x8FFFFFFF  }
0x98: {  	s19 =	sld [smem:$0x3FDB];
	_ =	sdelay $0x1  }
0x99: {  	s4 =	simm.s32 $_scs_section_size  }
0x9a: {  	s5 =	simm.s32 $_size__tile_overlayer_lowered;
	s6 =	simm.s32 $_tile_overlayer_lowered  }
0x9b: {  	s22 =	simm.s32 $0x1BFF;
	s21 =	sshll.u32 s6, $0x1;
	s3 =	sadd.s32 s4, s19  }
0x9c: {  	s7 =	simm.s32 $0x0;
	s20 =	sshll.u32 s5, $0x1;
	s5 =	sadd.s32 s21, s3  }
0x9d: {  	[timem:s7], [sflag:s22] =	dma.local [hbm:s5], s20  }
0x9e: {  	_ =	swait.ge [sflag:s22], s20  }
0x9f: {  	s4 =	ssub.s32 $0x0, s20;
	[sflag:s22] =	ssyncset.done $0x0  }
0xa0: {  	[sflag:s22] =	ssyncadd.s32 s4;
	_ =	sdelay $0x1  }
0xa1: {  	s23 =	simm.s32 $0x1B8B  }
0xa2: {  	_ =	swait.ge [sflag:s23], $0x1  }
0xa3: {  	[sflag:s23] =	ssyncset.done $0x0  }
0xa4: {  	s25 =	simm.s32 $0x1B8E;
	s24 =	sld [smem:$0x3FFE];
	[sflag:s23] =	ssyncadd.s32 $0xFFFFFFFF  }
0xa5: {  	s26 =	simm.s32 $execute0_lowered;
	[smem:$0x3FD2] =	sst s25  }
0xa6: {  	s5 =	sshll.u32 s26, $0x1;
	_ =	strace $0x8000004F;
	[dreg:$0x1] =	wrdreg $0xFFFFFFFF  }
0xa7: {  	s28 =	simm.s32 $_size_execute0_lowered;
	s3 =	sadd.s32 s3, s5;
	[dreg:$0x0] =	wrdreg $0x0  }
0xa8: {  	s5 =	sshll.u32 s28, $0x1;
	[dreg:$0x2] =	wrdreg s3  }
0xa9: {  	[dreg:$0x3] =	wrdreg s5  }
0xaa: {  	[dreg:$0x4] =	wrdreg $0xC0  }
0xab: {  	_ =	task [dreg:s7], $0x5FFFF  }
0xac: {  	[dreg:$0x1] =	wrdreg $0xFFFFFFFF  }
0xad: {  	[dreg:$0x0] =	wrdreg $0x60  }
0xae: {  	[dreg:$0x2] =	wrdreg s24  }
0xaf: {  	[dreg:$0x3] =	wrdreg s2  }
0xb0: {  	[dreg:$0x4] =	wrdreg $0x0  }
0xb1: {  	[dreg:$0x5] =	wrdreg $0x9  }
0xb2: {  	_ =	task.clear_ibuf [dreg:s7], $0x6FFFF;
	_ =	strace $0x9000004F  }
0xb3: {  	s29 =	simm.s32 $0x9;
	_ =	strace $0x80000051  }
0xb4: {  	_ =	swait.ge [sflag:s29], $0x1  }
0xb5: {  	[sflag:s29] =	ssyncadd.s32 $0xFFFFFFFF  }
0xb6: {  	_ =	strace $0x90000051  }
0xb7: {  	_ =	sfence  }
0xb8: {  	s30 =	sld [smem:$0x0];
	_ =	sdelay $0x2  }
0xb9: {  	s31 =	sshll.u32 s1, $0xD;
	s1 =	sshrl.u32 s1, $0x2  }
0xba: {  	s3 =	sand.u32 $0x4000, s31;
	s1 =	sadd.s32 s1, s30  }
0xbb: {  	s0 =	sor.u32 s3, s0;
	s1 =	sshll.u32 s1, $0x11  }
0xbc: {  	s0 =	sor.u32 s1, s0  }
0xbd: {  	s0 =	sadd.s32 $0x8F2B, s0  }
0xbe: {  	[sflag:s0] =	ssyncadd.remote.s32 $0x1  }
0xbf: {  	_ =	sfence.sel $0xFFFF  }
0xc0: {  	[dreg:$0x0] =	wrdreg $0xFFFFFFFF;
	(pc) =	sbr.abs _section_cstart, $3  }
0xc1: {  	[dreg:$0x1] =	wrdreg $0xFFFFFFFF  }
0xc2: {  	_ =	task.clear_ibuf [dreg:s7], $0x2FFFF;
	_ =	strace $0x9FFFFFFF  }
0xc3: {  	(tm) =	ssettm $0x7FFFFFFF  }
tec
execute0_lowered:
.L_overlay_start_1:
0x0: {  	(tag) =	ssettag $0x1  }
0x1: {  	s0 =	rddreg [dreg:$0x0]  }
0x2: {  	s2 =	rddreg [dreg:$0x1]  }
0x3: {  	s1 =	rddreg [dreg:$0x2]  }
0x4: {  	s3 =	simm.s32 $0x0;
	s4 =	srdreg.scid;
	s26 =	stileid.u32  }
0x5: {  	s28 =	simm.s32 $0x14080;
	s29 =	simm.s32 $0x2;
	s30 =	simm.s32 $0x14180  }
0x6: {  	s31 =	simm.s32 $0x0;
	[smem:$0x7FF] =	sst s3;
	s6 =	smul.u32 $0x50000, s26  }
0x7: {  	s15 =	sand.u32 $0x1, s4;
	s4 =	sadd.s32 $0xA3C00, s0;
	s12 =	smul.u32 $0x14000, s26  }
0x8: {  	s0 =	sadd.s32 $0xCAE00, s0;
	s19 =	sshll.u32 s26, $0x1;
	s23 =	sshll.u32 s26, $0x6  }
0x9: {  	p0 =	sgt.u32 s26, $0x1;
	s26 =	simm.s32 $0x1;
	_ =	strace $0x80000050  }
0xa: {  	s5 =	ssub.s32 $0x2, s15;
	s18 =	smul.u32 $0x140000, s15;
	s24 =	sshll.u32 s15, $0x5  }
0xb: {  	s7 =	sshrl.u32 s5, $0x1;
	s6 =	sshrl.u32 s6, $0x2;
	s13 =	sadd.s32 $0x4000, s12  }
0xc: {  	s14 =	sadd.s32 $0x8000, s12;
	s16 =	sadd.s32 $0xC000, s12;
	s17 =	ssub.s32 s5, s7  }
0xd: {  	s5 =	sor.u32 s15, s19;
	s6 =	sadd.s32 s6, s1;
	s7 =	sadd.s32 s13, s1  }
0xe: {  	s8 =	sadd.s32 s14, s1;
	s9 =	sadd.s32 s16, s1;
	s19 =	sadd.s32 $0x10000, s12  }
0xf: {  	s12 =	sadd.s32 s12, s18;
	s13 =	sadd.s32 s18, s13;
	s14 =	sadd.s32 s18, s14  }
0x10: {  	s16 =	sadd.s32 s18, s16;
	s11 =	sshll.u32 s5, $0x5;
	s10 =	sadd.s32 s19, s1  }
0x11: {  	s12 =	sshrl.u32 s12, $0x3;
	s13 =	sshrl.u32 s13, $0x3;
	s14 =	sshrl.u32 s14, $0x3  }
0x12: {  	s16 =	sshrl.u32 s16, $0x3;
	s18 =	sadd.s32 s18, s19;
	s17 =	smax.u32 s17, $0x1  }
0x13: {  	s19 =	simm.s32 $0x14200;
	s11 =	sadd.s32 s2, s11;
	s20 =	sadd.s32 s0, s12  }
0x14: {  	s21 =	sadd.s32 s0, s13;
	s22 =	sadd.s32 s0, s14;
	[dreg:$0x4] =	wrdreg s11  }
0x15: {  	s18 =	sshrl.u32 s18, $0x3;
	s2 =	sadd.s32 s23, s2;
	[dreg:$0x5] =	wrdreg s20  }
0x16: {  	s15 =	sadd.s32 s0, s16;
	s23 =	simm.s32 $0x14100;
	[dreg:$0x6] =	wrdreg s21  }
0x17: {  	[dreg:$0x7] =	wrdreg s22;
	s16 =	sadd.s32 s0, s18;
	s25 =	sadd.s32 s24, s2  }
0x18: {  	s20 =	simm.s32 $0x3;
	s21 =	simm.s32 $0x14000;
	s22 =	simm.s32 $0x80  }
0x19: {  	v0 =	vimm.f32 $0.0e+00;
	s24 =	simm.s32 $0x4;
	s2 =	sadd.s32 $0x400, s25;
	s25 =	simm.s32 $0x18200  }
.LBB2_1:
0x1a: {  	s0 =	simm.s32 $0x0;
	s18 =	simm.s32 $0x200  }
.LBB2_2:
0x1b: {  	p1 =	sne.s32 s18, $0xFE00;
	[tilespmem:s0+$0x14270] =	vst v0  }
0x1c: {  	[tilespmem:s0+$0x14200] =	vst v0  }
0x1d: {  	[tilespmem:s0+$0x14210] =	vst v0  }
.Ltmp0:
0x1e: {  	[tilespmem:s0+$0x14220] =	vst v0;
	(pc) =	sbr.rel @p1 .LBB2_2-.Ltmp0, $4  }
0x1f: {  	[tilespmem:s0+$0x14230] =	vst v0  }
0x20: {  	[tilespmem:s0+$0x14240] =	vst v0  }
0x21: {  	[tilespmem:s0+$0x14250] =	vst v0  }
0x22: {  	[tilespmem:s0+$0x14260] =	vst v0;
	s0 =	sshra.s32 s18, $0x2;
	s18 =	sadd.s32 $0x200, s18  }
0x23: {  	[tilespmem:s0+$0x14270] =	vst v0  }
0x24: {  	[tilespmem:s0+$0x14200] =	vst v0  }
0x25: {  	[tilespmem:s0+$0x14210] =	vst v0  }
0x26: {  	[tilespmem:s0+$0x14220] =	vst v0  }
0x27: {  	[tilespmem:s0+$0x14230] =	vst v0  }
0x28: {  	[tilespmem:s0+$0x14240] =	vst v0  }
0x29: {  	[tilespmem:s0+$0x14250] =	vst v0  }
0x2a: {  	[tilespmem:s0+$0x14260] =	vst v0  }
0x2b: {  	[spmem:s6] =	stream.linear.scatter [tilespmem:s19], [sflag:$0x3], $0x4000, $0x38;
	[tilespmem:$0x1C200] =	vst v63  }
0x2c: {  	_ =	swait.ge [sflag:s20], $0x4000  }
0x2d: {  	[sflag:s20] =	ssyncset.done $0x0  }
0x2e: {  	[sflag:s20] =	ssyncadd.s32 $0xFFFFC000  }
0x2f: {  	[spmem:s7] =	stream.linear.scatter [tilespmem:s19], [sflag:$0x3], $0x4000, $0x38;
	[tilespmem:$0x1C200] =	vst v63  }
0x30: {  	_ =	swait.ge [sflag:s20], $0x4000  }
0x31: {  	[sflag:s20] =	ssyncset.done $0x0  }
0x32: {  	[sflag:s20] =	ssyncadd.s32 $0xFFFFC000  }
0x33: {  	[spmem:s8] =	stream.linear.scatter [tilespmem:s19], [sflag:$0x3], $0x4000, $0x38;
	[tilespmem:$0x1C200] =	vst v63  }
0x34: {  	_ =	swait.ge [sflag:s20], $0x4000  }
0x35: {  	[sflag:s20] =	ssyncset.done $0x0  }
0x36: {  	[sflag:s20] =	ssyncadd.s32 $0xFFFFC000  }
0x37: {  	[spmem:s9] =	stream.linear.scatter [tilespmem:s19], [sflag:$0x3], $0x4000, $0x38;
	[tilespmem:$0x1C200] =	vst v63  }
0x38: {  	_ =	swait.ge [sflag:s20], $0x4000  }
0x39: {  	[sflag:s20] =	ssyncset.done $0x0  }
0x3a: {  	[sflag:s20] =	ssyncadd.s32 $0xFFFFC000  }
0x3b: {  	[spmem:s10] =	stream.linear.scatter [tilespmem:s19], [sflag:$0x3], $0x4000, $0x38;
	[tilespmem:$0x1C200] =	vst v63  }
0x3c: {  	_ =	swait.ge [sflag:s20], $0x4000  }
0x3d: {  	[sflag:s20] =	ssyncset.done $0x0  }
0x3e: {  	[sflag:s20] =	ssyncadd.s32 $0xFFFFC000  }
0x3f: {  	[bflag:$0x0] =	sbarrier.arrive $0xFFFF  }
0x40: {  	s14 =	rddreg [dreg:$0x4]  }
0x41: {  	[tilespmem:s21], [sflag:$0x3] =	stream.linear.gather [hbm4b:s14+s3], $0x100, $0x38;
	[tilespmem:$0x1C200] =	vst v63  }
0x42: {  	_ =	swait.ge [sflag:s20], $0x100  }
0x43: {  	[sflag:s20] =	ssyncset.done $0x0  }
0x44: {  	[sflag:s20] =	ssyncadd.s32 $0xFFFFFF00  }
0x45: {  	[tilespmem:s19], [sflag:$0x1] =	stream.indirect.gather [hbm4b:s4+s22], $0x80, s21, s22, $0xb8;
	[tilespmem:$0x1C200] =	vst v63  }
0x46: {  	_ = 	snop  }
0x47: {  	[tilespmem:s23], [sflag:$0x4] =	stream.linear.gather [hbm4b:s2+s3], $0x100, $0x38;
	[tilespmem:$0x1C200] =	vst v63  }
0x48: {  	_ =	swait.ge [sflag:s24], $0x100  }
0x49: {  	[sflag:s24] =	ssyncset.done $0x0  }
0x4a: {  	[sflag:s24] =	ssyncadd.s32 $0xFFFFFF00  }
0x4b: {  	[tilespmem:s25], [sflag:$0x2] =	stream.indirect.gather [hbm4b:s4+s22], $0x80, s23, s22, $0xb8;
	[tilespmem:$0x1C200] =	vst v63  }
0x4c: {  	_ =	swait.ge [sflag:s26], $0x4000  }
0x4d: {  	[sflag:s26] =	ssyncset.done $0x0  }
0x4e: {  	s18 =	sadd.s32 $0x40, s5;
	[sflag:s26] =	ssyncadd.s32 $0xFFFFC000  }
0x4f: {  	[spmem:s1] =	stream.indirect.scatter.add.f32 [tilespmem:s19], [sflag:$0x4], $0x80, s28, s22, $0xb8;
	[tilespmem:$0x1C200] =	vst v63  }
0x50: {  	p1 =	sgt.u32 s18, $0x9C3;
	_ =	swait.ge [sflag:s24], $0x4000  }
0x51: {  	s0 =	sadd.s32 @!p1 $0x400, s2;
	[sflag:s24] =	ssyncset.done $0x0  }
0x52: {  	s18 =	simm.s32 @!p1 $0x0;
	s11 =	simm.s32 @!p1 $0x14000;
	[sflag:s24] =	ssyncadd.s32 $0xFFFFC000  }
0x53: {  	[tilespmem:s11], [sflag:$0x4] =	stream.linear.gather @!p1 [hbm4b:s0+s18], $0x100, $0x38;
	[tilespmem:$0x1C200] =	vst v63  }
0x54: {  	s0 =	simm.s32 @!p1 $0x4  }
0x55: {  	_ =	swait.ge @!p1 [sflag:s0], $0x100  }
0x56: {  	[sflag:s0] =	ssyncset.done @!p1 $0x0  }
0x57: {  	s18 =	simm.s32 @!p1 $0x80;
	[sflag:s0] =	ssyncadd.s32 @!p1 $0xFFFFFF00;
	s0 =	simm.s32 @!p1 $0x14200  }
0x58: {  	[tilespmem:s0], [sflag:$0x1] =	stream.indirect.gather @!p1 [hbm4b:s4+s18], $0x80, s11, s18, $0xb8;
	[tilespmem:$0x1C200] =	vst v63  }
0x59: {  	_ =	swait.ge [sflag:s29], $0x4000  }
0x5a: {  	[sflag:s29] =	ssyncset.done $0x0  }
0x5b: {  	[sflag:s29] =	ssyncadd.s32 $0xFFFFC000  }
0x5c: {  	[spmem:s1] =	stream.indirect.scatter.add.f32 [tilespmem:s25], [sflag:$0x3], $0x80, s30, s22, $0xb8;
	[tilespmem:$0x1C200] =	vst v63  }
0x5d: {  	s0 =	simm.s32 $0x80;
	s18 =	smov.u32 s2;
	_ =	swait.ge [sflag:s20], $0x4000  }
.LBB2_4:
0x5e: {  	[sflag:s20] =	ssyncset.done $0x0  }
0x5f: {  	s18 =	sadd.s32 $0x800, s18;
	s11 =	smov.u32 s0;
	s0 =	sadd.s32 $0x40, s0  }
0x60: {  	p1 =	sne.s32 s0, $0xA00;
	[sflag:s20] =	ssyncadd.s32 $0xFFFFC000  }
0x61: {  	[tilespmem:s23], [sflag:$0x4] =	stream.linear.gather [hbm4b:s18+s3], $0x100, $0x38;
	[tilespmem:$0x1C200] =	vst v63  }
0x62: {  	_ =	swait.ge [sflag:s24], $0x100  }
0x63: {  	[sflag:s24] =	ssyncset.done $0x0  }
0x64: {  	[sflag:s24] =	ssyncadd.s32 $0xFFFFFF00  }
0x65: {  	[tilespmem:s25], [sflag:$0x2] =	stream.indirect.gather [hbm4b:s4+s22], $0x80, s23, s22, $0xb8;
	[tilespmem:$0x1C200] =	vst v63  }
0x66: {  	_ =	swait.ge [sflag:s26], $0x4000  }
0x67: {  	[sflag:s26] =	ssyncset.done $0x0  }
0x68: {  	s11 =	sadd.s32 s11, s5;
	[sflag:s26] =	ssyncadd.s32 $0xFFFFC000  }
0x69: {  	[spmem:s1] =	stream.indirect.scatter.add.f32 [tilespmem:s19], [sflag:$0x4], $0x80, s28, s22, $0xb8;
	[tilespmem:$0x1C200] =	vst v63  }
0x6a: {  	p2 =	sgt.u32 s11, $0x9C3;
	_ =	swait.ge [sflag:s24], $0x4000  }
0x6b: {  	s11 =	sadd.s32 @!p2 $0x400, s18;
	s12 =	simm.s32 @!p2 $0x0;
	[sflag:s24] =	ssyncset.done $0x0  }
0x6c: {  	s13 =	simm.s32 @!p2 $0x14000;
	s14 =	simm.s32 @!p2 $0x4;
	[sflag:s24] =	ssyncadd.s32 $0xFFFFC000  }
0x6d: {  	[tilespmem:s13], [sflag:$0x4] =	stream.linear.gather @!p2 [hbm4b:s11+s12], $0x100, $0x38;
	[tilespmem:$0x1C200] =	vst v63  }
0x6e: {  	_ =	swait.ge @!p2 [sflag:s14], $0x100  }
0x6f: {  	s11 =	simm.s32 @!p2 $0x80;
	s12 =	simm.s32 @!p2 $0x14200;
	[sflag:s14] =	ssyncset.done @!p2 $0x0  }
0x70: {  	[sflag:s14] =	ssyncadd.s32 @!p2 $0xFFFFFF00  }
0x71: {  	[tilespmem:s12], [sflag:$0x1] =	stream.indirect.gather @!p2 [hbm4b:s4+s11], $0x80, s13, s11, $0xb8;
	[tilespmem:$0x1C200] =	vst v63  }
.Ltmp1:
0x72: {  	_ =	swait.ge [sflag:s29], $0x4000;
	(pc) =	sbr.rel @p1 .LBB2_4-.Ltmp1, $4  }
0x73: {  	[sflag:s29] =	ssyncset.done $0x0  }
0x74: {  	[sflag:s29] =	ssyncadd.s32 $0xFFFFC000  }
0x75: {  	[spmem:s1] =	stream.indirect.scatter.add.f32 [tilespmem:s25], [sflag:$0x3], $0x80, s30, s22, $0xb8;
	[tilespmem:$0x1C200] =	vst v63  }
0x76: {  	_ =	swait.ge [sflag:s20], $0x4000  }
0x77: {  	[sflag:s20] =	ssyncset.done $0x0  }
0x78: {  	s0 =	simm.s32 @!p0 $0x1;
	[sflag:s20] =	ssyncadd.s32 $0xFFFFC000  }
0x79: {  	_ =	swait.ge @!p0 [sflag:s0], $0x4000  }
0x7a: {  	s11 =	simm.s32 @!p0 $0x14080;
	[sflag:s0] =	ssyncset.done @!p0 $0x0  }
0x7b: {  	s12 =	simm.s32 @!p0 $0x14200;
	[sflag:s0] =	ssyncadd.s32 @!p0 $0xFFFFC000;
	s0 =	simm.s32 @!p0 $0x80  }
0x7c: {  	[spmem:s1] =	stream.indirect.scatter.add.f32 @!p0 [tilespmem:s12], [sflag:$0x4], $0x80, s11, s0, $0xb8;
	[tilespmem:$0x1C200] =	vst v63  }
0x7d: {  	s0 =	simm.s32 @!p0 $0x4  }
0x7e: {  	_ =	swait.ge @!p0 [sflag:s0], $0x4000  }
0x7f: {  	[sflag:s0] =	ssyncset.done @!p0 $0x0  }
0x80: {  	[sflag:s0] =	ssyncadd.s32 @!p0 $0xFFFFC000  }
0x81: {  	[bflag:$0x0] =	sbarrier.arrive $0xFFFF  }
0x82: {  	[tilespmem:s19], [sflag:$0x3] =	stream.linear.gather [spmem:s6], $0x4000, $0x38;
	[tilespmem:$0x1C200] =	vst v63  }
0x83: {  	_ =	swait.ge [sflag:s20], $0x4000  }
0x84: {  	[sflag:s20] =	ssyncset.done $0x0  }
0x85: {  	s13 =	rddreg [dreg:$0x5];
	[sflag:s20] =	ssyncadd.s32 $0xFFFFC000  }
0x86: {  	[hbm4b:s13+s3] =	stream.linear.scatter [tilespmem:s19], [sflag:$0x3], $0x4000, $0x38;
	[tilespmem:$0x1C200] =	vst v63  }
0x87: {  	_ =	swait.ge [sflag:s20], $0x4000  }
0x88: {  	[sflag:s20] =	ssyncset.done $0x0  }
0x89: {  	[sflag:s20] =	ssyncadd.s32 $0xFFFFC000  }
0x8a: {  	[tilespmem:s19], [sflag:$0x3] =	stream.linear.gather [spmem:s7], $0x4000, $0x38;
	[tilespmem:$0x1C200] =	vst v63  }
0x8b: {  	_ =	swait.ge [sflag:s20], $0x4000  }
0x8c: {  	[sflag:s20] =	ssyncset.done $0x0  }
0x8d: {  	s14 =	rddreg [dreg:$0x6];
	[sflag:s20] =	ssyncadd.s32 $0xFFFFC000  }
0x8e: {  	[hbm4b:s14+s3] =	stream.linear.scatter [tilespmem:s19], [sflag:$0x3], $0x4000, $0x38;
	[tilespmem:$0x1C200] =	vst v63  }
0x8f: {  	_ =	swait.ge [sflag:s20], $0x4000  }
0x90: {  	[sflag:s20] =	ssyncset.done $0x0  }
0x91: {  	[sflag:s20] =	ssyncadd.s32 $0xFFFFC000  }
0x92: {  	[tilespmem:s19], [sflag:$0x3] =	stream.linear.gather [spmem:s8], $0x4000, $0x38;
	[tilespmem:$0x1C200] =	vst v63  }
0x93: {  	_ =	swait.ge [sflag:s20], $0x4000  }
0x94: {  	[sflag:s20] =	ssyncset.done $0x0  }
0x95: {  	s18 =	rddreg [dreg:$0x7];
	[sflag:s20] =	ssyncadd.s32 $0xFFFFC000  }
0x96: {  	[hbm4b:s18+s3] =	stream.linear.scatter [tilespmem:s19], [sflag:$0x3], $0x4000, $0x38;
	[tilespmem:$0x1C200] =	vst v63  }
0x97: {  	_ =	swait.ge [sflag:s20], $0x4000  }
0x98: {  	[sflag:s20] =	ssyncset.done $0x0  }
0x99: {  	[sflag:s20] =	ssyncadd.s32 $0xFFFFC000  }
0x9a: {  	[tilespmem:s19], [sflag:$0x3] =	stream.linear.gather [spmem:s9], $0x4000, $0x38;
	[tilespmem:$0x1C200] =	vst v63  }
0x9b: {  	_ =	swait.ge [sflag:s20], $0x4000  }
0x9c: {  	[sflag:s20] =	ssyncset.done $0x0  }
0x9d: {  	[sflag:s20] =	ssyncadd.s32 $0xFFFFC000  }
0x9e: {  	[hbm4b:s15+s3] =	stream.linear.scatter [tilespmem:s19], [sflag:$0x3], $0x4000, $0x38;
	[tilespmem:$0x1C200] =	vst v63  }
0x9f: {  	_ =	swait.ge [sflag:s20], $0x4000  }
0xa0: {  	[sflag:s20] =	ssyncset.done $0x0  }
0xa1: {  	[sflag:s20] =	ssyncadd.s32 $0xFFFFC000  }
0xa2: {  	[tilespmem:s19], [sflag:$0x3] =	stream.linear.gather [spmem:s10], $0x4000, $0x38;
	[tilespmem:$0x1C200] =	vst v63  }
0xa3: {  	s31 =	sadd.s32 $0x1, s31;
	_ =	swait.ge [sflag:s20], $0x4000  }
0xa4: {  	p1 =	sne.s32 s31, s17;
	[sflag:s20] =	ssyncset.done $0x0  }
.Ltmp2:
0xa5: {  	[sflag:s20] =	ssyncadd.s32 $0xFFFFC000;
	(pc) =	sbr.rel @p1 .LBB2_1-.Ltmp2, $4  }
0xa6: {  	[hbm4b:s16+s3] =	stream.linear.scatter [tilespmem:s19], [sflag:$0x3], $0x4000, $0x38;
	[tilespmem:$0x1C200] =	vst v63  }
0xa7: {  	_ =	swait.ge [sflag:s20], $0x4000  }
0xa8: {  	[sflag:s20] =	ssyncset.done $0x0  }
0xa9: {  	[sflag:s20] =	ssyncadd.s32 $0xFFFFC000  }
0xaa: {  	_ =	sfence.sel $0x180000  }
0xab: {  	[bflag:$0x0] =	sbarrier.arrive $0xFFFF  }
0xac: {  	_ =	strace $0x90000050  }
0xad: {  	s0 =	stileid.u32;
	[bflag:$0x2] =	sbarrier.arrive $0xFFFF  }
0xae: {  	p0 =	sne.s32 s0, $0x0;
	s0 =	rddreg [dreg:$0x3]  }
0xaf: {  	s0 =	sadd.s32 @!p0 $0x100000, s0  }
0xb0: {  	[sflag:s0] =	ssyncadd.tile.s32 @!p0 $0x1;
	_ =	shalt  }
.Lfunc_end2:
_tile_overlayer_lowered:
.L_overlay_start_2:
0xb1: {  	(tag) =	ssettag $0x2  }
0xb2: {  	s0 =	rddreg [dreg:$0x0];
	s2 =	stileid.u32  }
0xb3: {  	s1 =	rddreg [dreg:$0x1];
	p0 =	sne.s32 s2, $0x0  }
0xb4: {  	s3 =	rddreg [dreg:$0x2];
	[bflag:$0x3] =	sbarrier.arrive $0xFFFF;
	s2 =	simm.s32 @!p0 $0x1C03  }
0xb5: {  	[timem:s3], [sflag:s2] =	dma.local @!p0 [hbm:s0], s1  }
0xb6: {  	s0 =	simm.s32 @!p0 $0x3  }
0xb7: {  	_ =	swait.ge @!p0 [sflag:s0], s1  }
0xb8: {  	s1 =	ssub.s32 @!p0 $0x0, s1;
	[sflag:s0] =	ssyncset.done @!p0 $0x0  }
0xb9: {  	[sflag:s0] =	ssyncadd.s32 @!p0 s1  }
0xba: {  	[bflag:$0x3] =	sbarrier.arrive $0xFFFF  }
0xbb: {  	_ =	shalt  }

</sc_bundles>
